<compile_context>
chip_gen: v7x
topology: tpu7x:2x2x1
jax: 0.10.2.dev20260603
libtpu: 0.0.44.dev20260713+nightly
codegen_flags: <defaults>
</compile_context>

<pallas_src>
import functools
import math

import jax
import jax.numpy as jnp
import numpy as np
from jax import lax
from jax.experimental import pallas as pl
from jax.experimental.pallas import tpu as pltpu
from jax.experimental.pallas import tpu_sc as plsc

_N = 10000
_E = 320000
_D = 128
_H = 16
_HD = 8
_EF = 16
_RF = 16
_HID = 128

_NC = 2
_NS = 16
_NW = _NC * _NS
_CHUNK = 128
_CH = 80
_NHALF = 5120
_NOUT = 2 * _NHALF
_TROWS = 8
_ACCROWS = _NHALF + _NS * _TROWS
_CROWS = _NHALF // _NS
_SROWS = 64
_LCAP = 12288
_BCH = 64
_IBLK = 1024
_EPAD = _NW * _CH * _CHUNK
_CHT = (_EPAD // _CHUNK) // _NS

_NBLK = 1000
_EBLK = 512

_PREC = jax.lax.Precision.HIGHEST


def _mm(a, b):
    return jax.lax.dot_general(
        a, b, (((1,), (0,)), ((), ())),
        preferred_element_type=jnp.float32, precision=_PREC)


def _ln_relu(h1, g, bg):
    mu = jnp.mean(h1, -1, keepdims=True)
    var = jnp.mean((h1 - mu) * (h1 - mu), -1, keepdims=True)
    hn = (h1 - mu) / jnp.sqrt(var + 1e-5) * g + bg
    return jnp.maximum(hn, 0.0)


def _q_body(h_ref, w1, b1, g, bg, w2, b2, t1_ref):
    hb = h_ref[...]
    a = _ln_relu(_mm(hb, w1[...]) + b1[...], g[...], bg[...])
    q = _mm(a, w2[...]) + b2[...]
    t1_ref[:, :_D] = hb
    t1_ref[:, _D:] = q


def _run_q(h, p):
    full = lambda i: (0, 0)
    return pl.pallas_call(
        _q_body,
        grid=(_N // _NBLK,),
        in_specs=[
            pl.BlockSpec((_NBLK, _D), lambda i: (i, 0)),
            pl.BlockSpec((_D, _HID), full),
            pl.BlockSpec((1, _HID), full),
            pl.BlockSpec((1, _HID), full),
            pl.BlockSpec((1, _HID), full),
            pl.BlockSpec((_HID, _D), full),
            pl.BlockSpec((1, _D), full),
        ],
        out_specs=pl.BlockSpec((_NBLK, 2 * _D), lambda i: (i, 0)),
        out_shape=jax.ShapeDtypeStruct((_N, 2 * _D), jnp.float32),
    )(h, p['W1'], p['b1'].reshape(1, -1), p['g'].reshape(1, -1),
      p['bg'].reshape(1, -1), p['W2'], p['b2'].reshape(1, -1))


def _gather_body(t1, t2, dstp, srcp, g1, g2, dst_v, src_v, rows1, rows2,
                 sem, sem2):
    wid = lax.axis_index("s") * _NC + lax.axis_index("c")

    def body(j, c):
        blk = (wid * (_CH // 8) + j) * _IBLK
        pltpu.sync_copy(dstp.at[pl.ds(blk, _IBLK)], dst_v)
        pltpu.sync_copy(srcp.at[pl.ds(blk, _IBLK)], src_v)
        for k in range(_IBLK // _CHUNK):
            base = blk + k * _CHUNK
            d1 = pltpu.async_copy(t1.at[dst_v.at[pl.ds(k * _CHUNK, _CHUNK)]],
                                  rows1, sem)
            d2 = pltpu.async_copy(t2.at[src_v.at[pl.ds(k * _CHUNK, _CHUNK)]],
                                  rows2, sem2)
            d1.wait()
            pltpu.sync_copy(rows1, g1.at[pl.ds(base, _CHUNK)])
            d2.wait()
            pltpu.sync_copy(rows2, g2.at[pl.ds(base, _CHUNK)])
        return c

    lax.fori_loop(0, _CH // 8, body, 0)


def _gather_call():
  return functools.partial(
    pl.kernel,
    mesh=plsc.VectorSubcoreMesh(core_axis_name="c", subcore_axis_name="s", num_cores=_NC, num_subcores=_NS),
    out_type=[
        jax.ShapeDtypeStruct((_EPAD, 2 * _D), jnp.float32),
        jax.ShapeDtypeStruct((_EPAD, _D), jnp.float32),
    ],
    scratch_types=[
        pltpu.VMEM((_IBLK,), jnp.int32),
        pltpu.VMEM((_IBLK,), jnp.int32),
        pltpu.VMEM((_CHUNK, 2 * _D), jnp.float32),
        pltpu.VMEM((_CHUNK, _D), jnp.float32),
        pltpu.SemaphoreType.DMA,
        pltpu.SemaphoreType.DMA,
    ],
  )


def _edge_body(ef, rf, ew, g1, g2,
               k_ef, k_rf, k_hi, k_hj, k_b1, k_g, k_bg, k_w2, k_b2,
               v_ef, v_rf, v_hi, v_hj, v_b1, v_g, v_bg, v_w2, v_b2,
               p16, p16t, m_ref, x_ref):
    hi = g1[:, :_D]
    qd = g1[:, _D:]
    hj = g2[...]
    efb = ef[...]
    rfb = rf[...]

    pre_k = (_mm(efb, k_ef[...]) + _mm(rfb, k_rf[...]) +
             _mm(hi, k_hi[...]) + _mm(hj, k_hj[...]) + k_b1[...])
    k = _mm(_ln_relu(pre_k, k_g[...], k_bg[...]), k_w2[...]) + k_b2[...]

    pre_v = (_mm(efb, v_ef[...]) + _mm(rfb, v_rf[...]) +
             _mm(hi, v_hi[...]) + _mm(hj, v_hj[...]) + v_b1[...])
    v = (_mm(_ln_relu(pre_v, v_g[...], v_bg[...]), v_w2[...]) + v_b2[...]) * ew[...]

    s = _mm(qd * k, p16[...]) * (1.0 / math.sqrt(_HD))
    pos = pl.program_id(0) * _EBLK + lax.broadcasted_iota(jnp.int32, (_EBLK, _H), 0)
    ex = jnp.where(pos < _E, jnp.exp(s), 0.0)
    m_ref[...] = _mm(ex, p16t[...]) * v
    x_ref[:, :_H] = ex
    x_ref[:, _H:] = jnp.zeros((_EBLK, _D - _H), jnp.float32)


def _run_edge(efp, rfp, ewp, g1, g2, pk, pv, p16, p16t):
    full = lambda i: (0, 0)
    eb = lambda i: (i, 0)

    def wspecs():
        return [
            pl.BlockSpec((_EF, _HID), full), pl.BlockSpec((_RF, _HID), full),
            pl.BlockSpec((_D, _HID), full), pl.BlockSpec((_D, _HID), full),
            pl.BlockSpec((1, _HID), full), pl.BlockSpec((1, _HID), full),
            pl.BlockSpec((1, _HID), full), pl.BlockSpec((_HID, _D), full),
            pl.BlockSpec((1, _D), full),
        ]

    def wargs(p):
        return [p['W1'][:_EF], p['W1'][_EF:_EF + _RF],
                p['W1'][_EF + _RF:_EF + _RF + _D], p['W1'][_EF + _RF + _D:],
                p['b1'].reshape(1, -1), p['g'].reshape(1, -1),
                p['bg'].reshape(1, -1), p['W2'], p['b2'].reshape(1, -1)]

    return pl.pallas_call(
        _edge_body,
        grid=(_EPAD // _EBLK,),
        in_specs=[
            pl.BlockSpec((_EBLK, _EF), eb),
            pl.BlockSpec((_EBLK, _RF), eb),
            pl.BlockSpec((_EBLK, 1), eb),
            pl.BlockSpec((_EBLK, 2 * _D), eb),
            pl.BlockSpec((_EBLK, _D), eb),
        ] + wspecs() + wspecs() + [
            pl.BlockSpec((_D, _H), full),
            pl.BlockSpec((_H, _D), full),
        ],
        out_specs=[pl.BlockSpec((_EBLK, _D), eb),
                   pl.BlockSpec((_EBLK, _D), eb)],
        out_shape=[jax.ShapeDtypeStruct((_EPAD, _D), jnp.float32),
                   jax.ShapeDtypeStruct((_EPAD, _D), jnp.float32)],
    )(efp, rfp, ewp, g1, g2, *wargs(pk), *wargs(pv), p16, p16t)



def _rank_body(d_ref, lstrict, offs_ref, base_ref):
    @pl.when(pl.program_id(0) == 0)
    def _():
        base_ref[...] = jnp.zeros((1, _NW), jnp.float32)

    d = d_ref[...]
    tile = d // _CROWS
    tcols = lax.broadcasted_iota(jnp.int32, (_EBLK, _NW), 1)
    onehot = (tile == tcols).astype(jnp.float32)
    prefix = _mm(lstrict[...], onehot)
    base = base_ref[...]
    slotf = jnp.sum(onehot * (prefix + base), -1, keepdims=True)
    slot = jnp.minimum(slotf.astype(jnp.int32), _LCAP - 1)
    offs_ref[...] = tile * _LCAP + slot
    base_ref[...] = base + jnp.sum(onehot, 0, keepdims=True)


def _run_rank(dstp2, lstrict):
    return pl.pallas_call(
        _rank_body,
        grid=(_EPAD // _EBLK,),
        in_specs=[
            pl.BlockSpec((_EBLK, 1), lambda i: (i, 0)),
            pl.BlockSpec((_EBLK, _EBLK), lambda i: (0, 0)),
        ],
        out_specs=pl.BlockSpec((_EBLK, 1), lambda i: (i, 0)),
        out_shape=jax.ShapeDtypeStruct((_EPAD, 1), jnp.int32),
        scratch_shapes=[pltpu.VMEM((1, _NW), jnp.float32)],
    )(dstp2, lstrict)


def _scatter_body(m_hbm, x_hbm, dstp, offs_hbm, fillpos, fillloc, zm, zx,
                  outm, outx, idx_v, off_v, poslist, loclist, mrows, xrows,
                  accm, accx, sem, sem2):
    cid = lax.axis_index("c")
    sid = lax.axis_index("s")
    wid = cid * _NS + sid
    lo = wid * _CROWS
    lane = lax.iota(jnp.int32, 16)

    pltpu.sync_copy(fillpos, poslist)
    pltpu.sync_copy(fillloc, loclist)
    pltpu.sync_copy(zm, accm)
    pltpu.sync_copy(zx, accx)

    def scan(j, dummy):
        base = j * _IBLK
        pltpu.sync_copy(dstp.at[pl.ds(base, _IBLK)], idx_v)
        pltpu.sync_copy(offs_hbm.at[pl.ds(base, _IBLK)], off_v)
        for k in range(_IBLK // 16):
            ix = idx_v[pl.ds(k * 16, 16)]
            lof = off_v[pl.ds(k * 16, 16)] - wid * _LCAP
            ok = jnp.logical_and(lof >= 0, lof < _LCAP)
            lof2 = jnp.where(ok, lof, _LCAP + 16)
            pos16 = base + k * 16 + lane
            plsc.store_scatter(poslist, [lof2], pos16)
            plsc.store_scatter(loclist, [lof2], ix - lo)
        return dummy

    lax.fori_loop(0, _EPAD // _IBLK, scan, 0)

    def batch(b, c):
        bb = b * _BCH
        d1 = pltpu.async_copy(m_hbm.at[poslist.at[pl.ds(bb, _BCH)]], mrows, sem)
        d2 = pltpu.async_copy(x_hbm.at[poslist.at[pl.ds(bb, _BCH)]], xrows,
                              sem2)
        d1.wait()
        d2.wait()

        def acc_grp(gi, c2):
            e0 = gi * 16
            ev = e0 + lane
            loc16 = loclist[pl.ds(bb + e0, 16)]
            for g in range(_D):
                gv = jnp.full((16,), g, jnp.int32)
                vals = plsc.load_gather(mrows, [ev, gv])
                plsc.addupdate_scatter(accm, [loc16, gv], vals)
            for g in range(_H):
                gv = jnp.full((16,), g, jnp.int32)
                vals = plsc.load_gather(xrows, [ev, gv])
                plsc.addupdate_scatter(accx, [loc16, gv], vals)
            return c2

        lax.fori_loop(0, _BCH // 16, acc_grp, 0)
        return c

    lax.fori_loop(0, _LCAP // _BCH, batch, 0)

    pltpu.sync_copy(accm.at[pl.ds(0, _CROWS)], outm.at[pl.ds(lo, _CROWS)])
    pltpu.sync_copy(accx.at[pl.ds(0, _CROWS)], outx.at[pl.ds(lo, _CROWS)])


def _scatter_call():
  return functools.partial(
    pl.kernel,
    mesh=plsc.VectorSubcoreMesh(core_axis_name="c", subcore_axis_name="s", num_cores=_NC, num_subcores=_NS),
    compiler_params=pltpu.CompilerParams(needs_layout_passes=False),
    out_type=[jax.ShapeDtypeStruct((_NOUT, _D), jnp.float32),
              jax.ShapeDtypeStruct((_NOUT, _H), jnp.float32)],
    scratch_types=[
        pltpu.VMEM((_IBLK,), jnp.int32),
        pltpu.VMEM((_IBLK,), jnp.int32),
        pltpu.VMEM((_LCAP + 32,), jnp.int32),
        pltpu.VMEM((_LCAP + 32,), jnp.int32),
        pltpu.VMEM((_BCH, _D), jnp.float32),
        pltpu.VMEM((_BCH, _D), jnp.float32),
        pltpu.VMEM((_CROWS + 8, _D), jnp.float32),
        pltpu.VMEM((_CROWS + 8, _H), jnp.float32),
        pltpu.SemaphoreType.DMA,
        pltpu.SemaphoreType.DMA,
    ],
  )


def _topo_body(m0, x0, h_ref, w1o, w1h, b1, g, bg, w2, b2, p16t, out_ref):
    den = x0[:, :_H] + 1e-16
    r128 = _mm(1.0 / den, p16t[...])
    o = m0[...] * r128
    hb = h_ref[...]
    pre = _mm(o, w1o[...]) + _mm(hb, w1h[...]) + b1[...]
    out_ref[...] = _mm(_ln_relu(pre, g[...], bg[...]), w2[...]) + b2[...]


def _run_topo(pm, px, h, p, p16t):
    full = lambda i: (0, 0)
    nb = lambda i: (i, 0)
    return pl.pallas_call(
        _topo_body,
        grid=(_N // _NBLK,),
        in_specs=[
            pl.BlockSpec((_NBLK, _D), nb),
            pl.BlockSpec((_NBLK, _D), nb),
            pl.BlockSpec((_NBLK, _D), nb),
            pl.BlockSpec((_D, _HID), full), pl.BlockSpec((_D, _HID), full),
            pl.BlockSpec((1, _HID), full), pl.BlockSpec((1, _HID), full),
            pl.BlockSpec((1, _HID), full), pl.BlockSpec((_HID, _HID), full),
            pl.BlockSpec((1, _HID), full), pl.BlockSpec((_H, _D), full),
        ],
        out_specs=pl.BlockSpec((_NBLK, _HID), nb),
        out_shape=jax.ShapeDtypeStruct((_N, _HID), jnp.float32),
    )(pm, px, h,
      p['W1'][:_D], p['W1'][_D:], p['b1'].reshape(1, -1),
      p['g'].reshape(1, -1), p['bg'].reshape(1, -1), p['W2'],
      p['b2'].reshape(1, -1), p16t)


def kernel(h, r_feat, edge_feat, e_w, params, edge_index):
    src = edge_index[0]
    dst = edge_index[1]
    pad = _EPAD - _E
    dstp = jnp.pad(dst, (0, pad))
    srcp = jnp.pad(src, (0, pad))
    efp = jnp.pad(edge_feat, ((0, pad), (0, 0)))
    rfp = jnp.pad(r_feat, ((0, pad), (0, 0)))
    ewp = jnp.pad(e_w, (0, pad)).reshape(_EPAD, 1)

    p16 = jnp.asarray(np.repeat(np.eye(_H, dtype=np.float32), _HD, axis=0))
    p16t = jnp.asarray(p16.T)

    t1 = _run_q(h, params['xq'])
    g1, g2 = _gather_call()(_gather_body)(t1, h, dstp, srcp)
    m, x = _run_edge(efp, rfp, ewp, g1, g2, params['xk'], params['xv'],
                     p16, p16t)
    fillpos = jnp.full((_LCAP + 32,), _E, jnp.int32)
    fillloc = jnp.full((_LCAP + 32,), _CROWS, jnp.int32)
    zm = jnp.zeros((_CROWS + 8, _D), jnp.float32)
    zx = jnp.zeros((_CROWS + 8, _H), jnp.float32)
    dsts = jnp.pad(dst, (0, pad), constant_values=_N + 16)
    lstrict = jnp.asarray(np.tril(np.ones((_EBLK, _EBLK), np.float32), -1))
    offs = _run_rank(dsts.reshape(_EPAD, 1), lstrict).reshape(_EPAD)
    pm, px = _scatter_call()(_scatter_body)(m, x, dsts, offs, fillpos, fillloc,
                                            zm, zx)
    return _run_topo(pm, px, h, params['topo'], p16t)

# --- scband reference (transcript-rebuilt; emitter-appended) ---
"""Pipeline reference for scband-base-topo-layer-66391604461753 (READ-ONLY COPY).

The authoritative reference and input builder live on the scoring server;
editing this copy changes nothing except your own understanding.
"""

import jax, jax.numpy as jnp
import numpy as np

N = 10000
E = 320000
D = 128
H = 16
HD = D // H
EF = 16
RF = 16
KV = 2 * D + EF + RF
HID = 128


def _mlp_params(key, din, dh, dout):
    k1, k2 = jax.random.split(key)
    return {
        'W1': jax.random.normal(k1, (din, dh), jnp.float32) * (1.0 / np.sqrt(din)),
        'b1': jnp.zeros((dh,), jnp.float32),
        'g': jnp.ones((dh,), jnp.float32),
        'bg': jnp.zeros((dh,), jnp.float32),
        'W2': jax.random.normal(k2, (dh, dout), jnp.float32) * (1.0 / np.sqrt(dh)),
        'b2': jnp.zeros((dout,), jnp.float32),
    }


def _mlp(p, x):
    h = x @ p['W1'] + p['b1']
    mu = jnp.mean(h, -1, keepdims=True)
    var = jnp.var(h, -1, keepdims=True)
    h = (h - mu) / jnp.sqrt(var + 1e-5) * p['g'] + p['bg']
    h = jax.nn.relu(h)
    return h @ p['W2'] + p['b2']


def setup_inputs(seed: int = 0) -> dict:
    key = jax.random.key(seed)
    ks = jax.random.split(key, 10)
    h = jax.random.normal(ks[0], (N, D), jnp.float32)
    r_feat = jax.random.normal(ks[1], (E, RF), jnp.float32)
    edge_feat = jax.random.normal(ks[2], (E, EF), jnp.float32)
    edge_index = jax.random.randint(ks[3], (2, E), 0, N, jnp.int32)
    e_w = jax.random.uniform(ks[4], (E,), jnp.float32)
    params = {
        'xk': _mlp_params(ks[5], KV, HID, D),
        'xv': _mlp_params(ks[6], KV, HID, D),
        'xq': _mlp_params(ks[7], D, HID, D),
        'topo': _mlp_params(ks[8], 2 * HID, HID, HID),
    }
    return {'h': h, 'r_feat': r_feat, 'edge_feat': edge_feat, 'e_w': e_w, 'params': params, 'edge_index': edge_index}


def _forward(h, r_feat, edge_feat, e_w, params, edge_index):
    src = edge_index[0]
    dst = edge_index[1]
    hi = h[dst]
    hj = h[src]
    kv = jnp.concatenate([edge_feat, r_feat, hi, hj], axis=-1)
    k = _mlp(params['xk'], kv).reshape(-1, H, HD)
    v = _mlp(params['xv'], kv) * e_w[:, None]
    v = v.reshape(-1, H, HD)
    q = _mlp(params['xq'], h).reshape(-1, H, HD)
    scores = (q[dst] * k).sum(-1) / np.sqrt(HD)
    smax = jax.ops.segment_max(scores, dst, num_segments=N)
    smax = jnp.where(jnp.isfinite(smax), smax, 0.0)
    ex = jnp.exp(scores - smax[dst])
    den = jax.ops.segment_sum(ex, dst, num_segments=N)
    alpha = ex / (den[dst] + 1e-16)
    m = alpha[..., None] * v
    out = jax.ops.segment_sum(m, dst, num_segments=N).reshape(N, -1)
    out = jnp.concatenate([out, h], axis=-1)
    return _mlp(params['topo'], out)


def reference(h, r_feat, edge_feat, e_w, params, edge_index):
    return _forward(h, r_feat, edge_feat, e_w, params, edge_index)

if __name__ == "__main__":
    import jax
    _d = setup_inputs()
    print(jax.jit(kernel)(*tuple(_d.values())))

</pallas_src>

<mosaic_0001>
#map = affine_map<(d0, d1) -> (0, 0)>
#map1 = affine_map<(d0, d1) -> (0)>
module attributes {stable_mosaic.version = 14 : i64} {
  func.func @_scatter_body(%arg0: i32, %arg1: i32, %arg2: memref<327680x128xf32, #tpu.memory_space<hbm>>, %arg3: memref<327680x128xf32, #tpu.memory_space<hbm>>, %arg4: memref<327680xi32, #tpu.memory_space<hbm>>, %arg5: memref<327680xi32, #tpu.memory_space<hbm>>, %arg6: memref<12320xi32, #tpu.memory_space<hbm>>, %arg7: memref<12320xi32, #tpu.memory_space<hbm>>, %arg8: memref<328x128xf32, #tpu.memory_space<hbm>>, %arg9: memref<328x16xf32, #tpu.memory_space<hbm>>, %arg10: memref<10240x128xf32, #tpu.memory_space<hbm>>, %arg11: memref<10240x16xf32, #tpu.memory_space<hbm>>, %arg12: memref<1024xi32, #tpu.memory_space<vmem>>, %arg13: memref<1024xi32, #tpu.memory_space<vmem>>, %arg14: memref<12320xi32, #tpu.memory_space<vmem>>, %arg15: memref<12320xi32, #tpu.memory_space<vmem>>, %arg16: memref<64x128xf32, #tpu.memory_space<vmem>>, %arg17: memref<64x128xf32, #tpu.memory_space<vmem>>, %arg18: memref<328x128xf32, #tpu.memory_space<vmem>>, %arg19: memref<328x16xf32, #tpu.memory_space<vmem>>, %arg20: memref<!tpu.dma_semaphore, #tpu.memory_space<semaphore_mem>>, %arg21: memref<!tpu.dma_semaphore, #tpu.memory_space<semaphore_mem>>) attributes {dimension_semantics = [#tpu.dimension_semantics<core_parallel>, #tpu.dimension_semantics<subcore_parallel>], iteration_bounds = array<i64: 2, 16>, scalar_prefetch = 0 : i64, scratch_operands = 10 : i64, tpu.core_type = #tpu.core_type<sc_vector_subcore>, window_params = [{transform_indices = #map}, {transform_indices = #map}, {transform_indices = #map1}, {transform_indices = #map1}, {transform_indices = #map1}, {transform_indices = #map1}, {transform_indices = #map}, {transform_indices = #map}, {transform_indices = #map}, {transform_indices = #map}]} {
    %mul3A = arith.constant 16 : i32
    %mul3A_0 = arith.muli %arg0, %mul3A : i32
    %add3A = arith.addi %mul3A_0, %arg1 : i32
    %mul3A_1 = arith.constant 320 : i32
    %mul3A_2 = arith.muli %add3A, %mul3A_1 : i32
    %iota3A = tpu.iota {dimensions = array<i32: 0>} : vector<16xi32>
    "tpu.region"() ({
      %run_scoped3A = tpu.sem_alloc : memref<!tpu.dma_semaphore, #tpu.memory_space<semaphore_mem>>
      tpu.enqueue_dma source(%arg6 : memref<12320xi32, #tpu.memory_space<hbm>>) target(%arg14 : memref<12320xi32, #tpu.memory_space<vmem>>) target_semaphore(%run_scoped3A : memref<!tpu.dma_semaphore, #tpu.memory_space<semaphore_mem>>)
      tpu.wait_dma2 semaphore(%run_scoped3A : memref<!tpu.dma_semaphore, #tpu.memory_space<semaphore_mem>>) src(%arg6 : memref<12320xi32, #tpu.memory_space<hbm>>) dst(%arg14 : memref<12320xi32, #tpu.memory_space<vmem>>)
      tpu.yield
    }) : () -> ()
    "tpu.region"() ({
      %run_scoped3A = tpu.sem_alloc : memref<!tpu.dma_semaphore, #tpu.memory_space<semaphore_mem>>
      tpu.enqueue_dma source(%arg7 : memref<12320xi32, #tpu.memory_space<hbm>>) target(%arg15 : memref<12320xi32, #tpu.memory_space<vmem>>) target_semaphore(%run_scoped3A : memref<!tpu.dma_semaphore, #tpu.memory_space<semaphore_mem>>)
      tpu.wait_dma2 semaphore(%run_scoped3A : memref<!tpu.dma_semaphore, #tpu.memory_space<semaphore_mem>>) src(%arg7 : memref<12320xi32, #tpu.memory_space<hbm>>) dst(%arg15 : memref<12320xi32, #tpu.memory_space<vmem>>)
      tpu.yield
    }) : () -> ()
    "tpu.region"() ({
      %run_scoped3A = tpu.sem_alloc : memref<!tpu.dma_semaphore, #tpu.memory_space<semaphore_mem>>
      tpu.enqueue_dma source(%arg8 : memref<328x128xf32, #tpu.memory_space<hbm>>) target(%arg18 : memref<328x128xf32, #tpu.memory_space<vmem>>) target_semaphore(%run_scoped3A : memref<!tpu.dma_semaphore, #tpu.memory_space<semaphore_mem>>)
      tpu.wait_dma2 semaphore(%run_scoped3A : memref<!tpu.dma_semaphore, #tpu.memory_space<semaphore_mem>>) src(%arg8 : memref<328x128xf32, #tpu.memory_space<hbm>>) dst(%arg18 : memref<328x128xf32, #tpu.memory_space<vmem>>)
      tpu.yield
    }) : () -> ()
    "tpu.region"() ({
      %run_scoped3A = tpu.sem_alloc : memref<!tpu.dma_semaphore, #tpu.memory_space<semaphore_mem>>
      tpu.enqueue_dma source(%arg9 : memref<328x16xf32, #tpu.memory_space<hbm>>) target(%arg19 : memref<328x16xf32, #tpu.memory_space<vmem>>) target_semaphore(%run_scoped3A : memref<!tpu.dma_semaphore, #tpu.memory_space<semaphore_mem>>)
      tpu.wait_dma2 semaphore(%run_scoped3A : memref<!tpu.dma_semaphore, #tpu.memory_space<semaphore_mem>>) src(%arg9 : memref<328x16xf32, #tpu.memory_space<hbm>>) dst(%arg19 : memref<328x16xf32, #tpu.memory_space<vmem>>)
      tpu.yield
    }) : () -> ()
    %scan3A = arith.constant 0 : i32
    %scan3A_3 = arith.constant 0 : i32
    %scan3A_4 = arith.constant 320 : i32
    %scan3A_5 = arith.addi %scan3A_3, %scan3A_4 : i32
    %scan3A_6 = arith.constant 1 : i32
    scf.for %scan3A_14 = %scan3A_3 to %scan3A_5 step %scan3A_6  : i32 {
      %mul3A_15 = arith.constant 1024 : i32
      %mul3A_16 = arith.muli %scan3A_14, %mul3A_15 : i32
      "tpu.region"() ({
        %run_scoped3A = tpu.sem_alloc : memref<!tpu.dma_semaphore, #tpu.memory_space<semaphore_mem>>
        %dma_start3A = tpu.memref_slice %arg4[%mul3A_16] : memref<327680xi32, #tpu.memory_space<hbm>> -> memref<1024xi32, #tpu.memory_space<hbm>>
        %dma_start3A_1545 = tpu.memref_slice %arg4[%mul3A_16] : memref<327680xi32, #tpu.memory_space<hbm>> -> memref<1024xi32, #tpu.memory_space<hbm>>
        tpu.enqueue_dma source(%dma_start3A_1545 : memref<1024xi32, #tpu.memory_space<hbm>>) target(%arg12 : memref<1024xi32, #tpu.memory_space<vmem>>) target_semaphore(%run_scoped3A : memref<!tpu.dma_semaphore, #tpu.memory_space<semaphore_mem>>)
        %dma_wait3A = tpu.memref_slice %arg4[%mul3A_16] : memref<327680xi32, #tpu.memory_space<hbm>> -> memref<1024xi32, #tpu.memory_space<hbm>>
        %dma_wait3A_1546 = tpu.memref_slice %arg4[%mul3A_16] : memref<327680xi32, #tpu.memory_space<hbm>> -> memref<1024xi32, #tpu.memory_space<hbm>>
        tpu.wait_dma2 semaphore(%run_scoped3A : memref<!tpu.dma_semaphore, #tpu.memory_space<semaphore_mem>>) src(%dma_wait3A_1546 : memref<1024xi32, #tpu.memory_space<hbm>>) dst(%arg12 : memref<1024xi32, #tpu.memory_space<vmem>>)
        tpu.yield
      }) : () -> ()
      "tpu.region"() ({
        %run_scoped3A = tpu.sem_alloc : memref<!tpu.dma_semaphore, #tpu.memory_space<semaphore_mem>>
        %dma_start3A = tpu.memref_slice %arg5[%mul3A_16] : memref<327680xi32, #tpu.memory_space<hbm>> -> memref<1024xi32, #tpu.memory_space<hbm>>
        %dma_start3A_1545 = tpu.memref_slice %arg5[%mul3A_16] : memref<327680xi32, #tpu.memory_space<hbm>> -> memref<1024xi32, #tpu.memory_space<hbm>>
        tpu.enqueue_dma source(%dma_start3A_1545 : memref<1024xi32, #tpu.memory_space<hbm>>) target(%arg13 : memref<1024xi32, #tpu.memory_space<vmem>>) target_semaphore(%run_scoped3A : memref<!tpu.dma_semaphore, #tpu.memory_space<semaphore_mem>>)
        %dma_wait3A = tpu.memref_slice %arg5[%mul3A_16] : memref<327680xi32, #tpu.memory_space<hbm>> -> memref<1024xi32, #tpu.memory_space<hbm>>
        %dma_wait3A_1546 = tpu.memref_slice %arg5[%mul3A_16] : memref<327680xi32, #tpu.memory_space<hbm>> -> memref<1024xi32, #tpu.memory_space<hbm>>
        tpu.wait_dma2 semaphore(%run_scoped3A : memref<!tpu.dma_semaphore, #tpu.memory_space<semaphore_mem>>) src(%dma_wait3A_1546 : memref<1024xi32, #tpu.memory_space<hbm>>) dst(%arg13 : memref<1024xi32, #tpu.memory_space<vmem>>)
        tpu.yield
      }) : () -> ()
      %get3A = arith.constant 0 : index
      %get3A_17 = tpu.vector_load %arg12[%get3A] {strides = array<i32>} : memref<1024xi32, #tpu.memory_space<vmem>>, vector<16xi32>,
      %get3A_18 = arith.constant 0 : index
      %get3A_19 = tpu.vector_load %arg13[%get3A_18] {strides = array<i32>} : memref<1024xi32, #tpu.memory_space<vmem>>, vector<16xi32>,
      %mul3A_20 = arith.constant 12288 : i32
      %mul3A_21 = arith.muli %add3A, %mul3A_20 : i32
      %sub3A = vector.broadcast %mul3A_21 : i32 to vector<16xi32>
      %sub3A_22 = arith.subi %get3A_19, %sub3A : vector<16xi32>
      %ge3A = arith.constant 0 : i32
      %ge3A_23 = vector.broadcast %ge3A : i32 to vector<16xi32>
      %ge3A_24 = arith.cmpi sge, %sub3A_22, %ge3A_23 : vector<16xi32>
      %lt3A = arith.constant 12288 : i32
      %lt3A_25 = vector.broadcast %lt3A : i32 to vector<16xi32>
      %lt3A_26 = arith.cmpi slt, %sub3A_22, %lt3A_25 : vector<16xi32>
      %and3A = arith.andi %ge3A_24, %lt3A_26 : vector<16xi1>
      %jit3A = arith.constant 12304 : i32
      %broadcast_in_dim3A = vector.broadcast %jit3A : i32 to vector<16xi32>
      %select_n3A = arith.select %and3A, %sub3A_22, %broadcast_in_dim3A : vector<16xi1>, vector<16xi32>
      %add3A_27 = arith.constant 0 : i32
      %add3A_28 = arith.addi %mul3A_16, %add3A_27 : i32
      %add3A_29 = vector.broadcast %add3A_28 : i32 to vector<16xi32>
      %add3A_30 = arith.addi %add3A_29, %iota3A : vector<16xi32>
      tpu.vector_store_idx %arg14[%select_n3A], %add3A_30 : memref<12320xi32, #tpu.memory_space<vmem>>[vector<16xi32>], vector<16xi32>,
      %sub3A_31 = vector.broadcast %mul3A_2 : i32 to vector<16xi32>
      %sub3A_32 = arith.subi %get3A_17, %sub3A_31 : vector<16xi32>
      tpu.vector_store_idx %arg15[%select_n3A], %sub3A_32 : memref<12320xi32, #tpu.memory_space<vmem>>[vector<16xi32>], vector<16xi32>,
      %get3A_33 = arith.constant 16 : index
      %get3A_34 = tpu.vector_load %arg12[%get3A_33] {strides = array<i32>} : memref<1024xi32, #tpu.memory_space<vmem>>, vector<16xi32>,
      %get3A_35 = arith.constant 16 : index
      %get3A_36 = tpu.vector_load %arg13[%get3A_35] {strides = array<i32>} : memref<1024xi32, #tpu.memory_space<vmem>>, vector<16xi32>,
      %mul3A_37 = arith.constant 12288 : i32
      %mul3A_38 = arith.muli %add3A, %mul3A_37 : i32
      %sub3A_39 = vector.broadcast %mul3A_38 : i32 to vector<16xi32>
      %sub3A_40 = arith.subi %get3A_36, %sub3A_39 : vector<16xi32>
      %ge3A_41 = arith.constant 0 : i32
      %ge3A_42 = vector.broadcast %ge3A_41 : i32 to vector<16xi32>
      %ge3A_43 = arith.cmpi sge, %sub3A_40, %ge3A_42 : vector<16xi32>
      %lt3A_44 = arith.constant 12288 : i32
      %lt3A_45 = vector.broadcast %lt3A_44 : i32 to vector<16xi32>
      %lt3A_46 = arith.cmpi slt, %sub3A_40, %lt3A_45 : vector<16xi32>
      %and3A_47 = arith.andi %ge3A_43, %lt3A_46 : vector<16xi1>
      %jit3A_48 = arith.constant 12304 : i32
      %broadcast_in_dim3A_49 = vector.broadcast %jit3A_48 : i32 to vector<16xi32>
      %select_n3A_50 = arith.select %and3A_47, %sub3A_40, %broadcast_in_dim3A_49 : vector<16xi1>, vector<16xi32>
      %add3A_51 = arith.constant 16 : i32
      %add3A_52 = arith.addi %mul3A_16, %add3A_51 : i32
      %add3A_53 = vector.broadcast %add3A_52 : i32 to vector<16xi32>
      %add3A_54 = arith.addi %add3A_53, %iota3A : vector<16xi32>
      tpu.vector_store_idx %arg14[%select_n3A_50], %add3A_54 : memref<12320xi32, #tpu.memory_space<vmem>>[vector<16xi32>], vector<16xi32>,
      %sub3A_55 = vector.broadcast %mul3A_2 : i32 to vector<16xi32>
      %sub3A_56 = arith.subi %get3A_34, %sub3A_55 : vector<16xi32>
      tpu.vector_store_idx %arg15[%select_n3A_50], %sub3A_56 : memref<12320xi32, #tpu.memory_space<vmem>>[vector<16xi32>], vector<16xi32>,
      %get3A_57 = arith.constant 32 : index
      %get3A_58 = tpu.vector_load %arg12[%get3A_57] {strides = array<i32>} : memref<1024xi32, #tpu.memory_space<vmem>>, vector<16xi32>,
      %get3A_59 = arith.constant 32 : index
      %get3A_60 = tpu.vector_load %arg13[%get3A_59] {strides = array<i32>} : memref<1024xi32, #tpu.memory_space<vmem>>, vector<16xi32>,
      %mul3A_61 = arith.constant 12288 : i32
      %mul3A_62 = arith.muli %add3A, %mul3A_61 : i32
      %sub3A_63 = vector.broadcast %mul3A_62 : i32 to vector<16xi32>
      %sub3A_64 = arith.subi %get3A_60, %sub3A_63 : vector<16xi32>
      %ge3A_65 = arith.constant 0 : i32
      %ge3A_66 = vector.broadcast %ge3A_65 : i32 to vector<16xi32>
      %ge3A_67 = arith.cmpi sge, %sub3A_64, %ge3A_66 : vector<16xi32>
      %lt3A_68 = arith.constant 12288 : i32
      %lt3A_69 = vector.broadcast %lt3A_68 : i32 to vector<16xi32>
      %lt3A_70 = arith.cmpi slt, %sub3A_64, %lt3A_69 : vector<16xi32>
      %and3A_71 = arith.andi %ge3A_67, %lt3A_70 : vector<16xi1>
      %jit3A_72 = arith.constant 12304 : i32
      %broadcast_in_dim3A_73 = vector.broadcast %jit3A_72 : i32 to vector<16xi32>
      %select_n3A_74 = arith.select %and3A_71, %sub3A_64, %broadcast_in_dim3A_73 : vector<16xi1>, vector<16xi32>
      %add3A_75 = arith.constant 32 : i32
      %add3A_76 = arith.addi %mul3A_16, %add3A_75 : i32
      %add3A_77 = vector.broadcast %add3A_76 : i32 to vector<16xi32>
      %add3A_78 = arith.addi %add3A_77, %iota3A : vector<16xi32>
      tpu.vector_store_idx %arg14[%select_n3A_74], %add3A_78 : memref<12320xi32, #tpu.memory_space<vmem>>[vector<16xi32>], vector<16xi32>,
      %sub3A_79 = vector.broadcast %mul3A_2 : i32 to vector<16xi32>
      %sub3A_80 = arith.subi %get3A_58, %sub3A_79 : vector<16xi32>
      tpu.vector_store_idx %arg15[%select_n3A_74], %sub3A_80 : memref<12320xi32, #tpu.memory_space<vmem>>[vector<16xi32>], vector<16xi32>,
      %get3A_81 = arith.constant 48 : index
      %get3A_82 = tpu.vector_load %arg12[%get3A_81] {strides = array<i32>} : memref<1024xi32, #tpu.memory_space<vmem>>, vector<16xi32>,
      %get3A_83 = arith.constant 48 : index
      %get3A_84 = tpu.vector_load %arg13[%get3A_83] {strides = array<i32>} : memref<1024xi32, #tpu.memory_space<vmem>>, vector<16xi32>,
      %mul3A_85 = arith.constant 12288 : i32
      %mul3A_86 = arith.muli %add3A, %mul3A_85 : i32
      %sub3A_87 = vector.broadcast %mul3A_86 : i32 to vector<16xi32>
      %sub3A_88 = arith.subi %get3A_84, %sub3A_87 : vector<16xi32>
      %ge3A_89 = arith.constant 0 : i32
      %ge3A_90 = vector.broadcast %ge3A_89 : i32 to vector<16xi32>
      %ge3A_91 = arith.cmpi sge, %sub3A_88, %ge3A_90 : vector<16xi32>
      %lt3A_92 = arith.constant 12288 : i32
      %lt3A_93 = vector.broadcast %lt3A_92 : i32 to vector<16xi32>
      %lt3A_94 = arith.cmpi slt, %sub3A_88, %lt3A_93 : vector<16xi32>
      %and3A_95 = arith.andi %ge3A_91, %lt3A_94 : vector<16xi1>
      %jit3A_96 = arith.constant 12304 : i32
      %broadcast_in_dim3A_97 = vector.broadcast %jit3A_96 : i32 to vector<16xi32>
      %select_n3A_98 = arith.select %and3A_95, %sub3A_88, %broadcast_in_dim3A_97 : vector<16xi1>, vector<16xi32>
      %add3A_99 = arith.constant 48 : i32
      %add3A_100 = arith.addi %mul3A_16, %add3A_99 : i32
      %add3A_101 = vector.broadcast %add3A_100 : i32 to vector<16xi32>
      %add3A_102 = arith.addi %add3A_101, %iota3A : vector<16xi32>
      tpu.vector_store_idx %arg14[%select_n3A_98], %add3A_102 : memref<12320xi32, #tpu.memory_space<vmem>>[vector<16xi32>], vector<16xi32>,
      %sub3A_103 = vector.broadcast %mul3A_2 : i32 to vector<16xi32>
      %sub3A_104 = arith.subi %get3A_82, %sub3A_103 : vector<16xi32>
      tpu.vector_store_idx %arg15[%select_n3A_98], %sub3A_104 : memref<12320xi32, #tpu.memory_space<vmem>>[vector<16xi32>], vector<16xi32>,
      %get3A_105 = arith.constant 64 : index
      %get3A_106 = tpu.vector_load %arg12[%get3A_105] {strides = array<i32>} : memref<1024xi32, #tpu.memory_space<vmem>>, vector<16xi32>,
      %get3A_107 = arith.constant 64 : index
      %get3A_108 = tpu.vector_load %arg13[%get3A_107] {strides = array<i32>} : memref<1024xi32, #tpu.memory_space<vmem>>, vector<16xi32>,
      %mul3A_109 = arith.constant 12288 : i32
      %mul3A_110 = arith.muli %add3A, %mul3A_109 : i32
      %sub3A_111 = vector.broadcast %mul3A_110 : i32 to vector<16xi32>
      %sub3A_112 = arith.subi %get3A_108, %sub3A_111 : vector<16xi32>
      %ge3A_113 = arith.constant 0 : i32
      %ge3A_114 = vector.broadcast %ge3A_113 : i32 to vector<16xi32>
      %ge3A_115 = arith.cmpi sge, %sub3A_112, %ge3A_114 : vector<16xi32>
      %lt3A_116 = arith.constant 12288 : i32
      %lt3A_117 = vector.broadcast %lt3A_116 : i32 to vector<16xi32>
      %lt3A_118 = arith.cmpi slt, %sub3A_112, %lt3A_117 : vector<16xi32>
      %and3A_119 = arith.andi %ge3A_115, %lt3A_118 : vector<16xi1>
      %jit3A_120 = arith.constant 12304 : i32
      %broadcast_in_dim3A_121 = vector.broadcast %jit3A_120 : i32 to vector<16xi32>
      %select_n3A_122 = arith.select %and3A_119, %sub3A_112, %broadcast_in_dim3A_121 : vector<16xi1>, vector<16xi32>
      %add3A_123 = arith.constant 64 : i32
      %add3A_124 = arith.addi %mul3A_16, %add3A_123 : i32
      %add3A_125 = vector.broadcast %add3A_124 : i32 to vector<16xi32>
      %add3A_126 = arith.addi %add3A_125, %iota3A : vector<16xi32>
      tpu.vector_store_idx %arg14[%select_n3A_122], %add3A_126 : memref<12320xi32, #tpu.memory_space<vmem>>[vector<16xi32>], vector<16xi32>,
      %sub3A_127 = vector.broadcast %mul3A_2 : i32 to vector<16xi32>
      %sub3A_128 = arith.subi %get3A_106, %sub3A_127 : vector<16xi32>
      tpu.vector_store_idx %arg15[%select_n3A_122], %sub3A_128 : memref<12320xi32, #tpu.memory_space<vmem>>[vector<16xi32>], vector<16xi32>,
      %get3A_129 = arith.constant 80 : index
      %get3A_130 = tpu.vector_load %arg12[%get3A_129] {strides = array<i32>} : memref<1024xi32, #tpu.memory_space<vmem>>, vector<16xi32>,
      %get3A_131 = arith.constant 80 : index
      %get3A_132 = tpu.vector_load %arg13[%get3A_131] {strides = array<i32>} : memref<1024xi32, #tpu.memory_space<vmem>>, vector<16xi32>,
      %mul3A_133 = arith.constant 12288 : i32
      %mul3A_134 = arith.muli %add3A, %mul3A_133 : i32
      %sub3A_135 = vector.broadcast %mul3A_134 : i32 to vector<16xi32>
      %sub3A_136 = arith.subi %get3A_132, %sub3A_135 : vector<16xi32>
      %ge3A_137 = arith.constant 0 : i32
      %ge3A_138 = vector.broadcast %ge3A_137 : i32 to vector<16xi32>
      %ge3A_139 = arith.cmpi sge, %sub3A_136, %ge3A_138 : vector<16xi32>
      %lt3A_140 = arith.constant 12288 : i32
      %lt3A_141 = vector.broadcast %lt3A_140 : i32 to vector<16xi32>
      %lt3A_142 = arith.cmpi slt, %sub3A_136, %lt3A_141 : vector<16xi32>
      %and3A_143 = arith.andi %ge3A_139, %lt3A_142 : vector<16xi1>
      %jit3A_144 = arith.constant 12304 : i32
      %broadcast_in_dim3A_145 = vector.broadcast %jit3A_144 : i32 to vector<16xi32>
      %select_n3A_146 = arith.select %and3A_143, %sub3A_136, %broadcast_in_dim3A_145 : vector<16xi1>, vector<16xi32>
      %add3A_147 = arith.constant 80 : i32
      %add3A_148 = arith.addi %mul3A_16, %add3A_147 : i32
      %add3A_149 = vector.broadcast %add3A_148 : i32 to vector<16xi32>
      %add3A_150 = arith.addi %add3A_149, %iota3A : vector<16xi32>
      tpu.vector_store_idx %arg14[%select_n3A_146], %add3A_150 : memref<12320xi32, #tpu.memory_space<vmem>>[vector<16xi32>], vector<16xi32>,
      %sub3A_151 = vector.broadcast %mul3A_2 : i32 to vector<16xi32>
      %sub3A_152 = arith.subi %get3A_130, %sub3A_151 : vector<16xi32>
      tpu.vector_store_idx %arg15[%select_n3A_146], %sub3A_152 : memref<12320xi32, #tpu.memory_space<vmem>>[vector<16xi32>], vector<16xi32>,
      %get3A_153 = arith.constant 96 : index
      %get3A_154 = tpu.vector_load %arg12[%get3A_153] {strides = array<i32>} : memref<1024xi32, #tpu.memory_space<vmem>>, vector<16xi32>,
      %get3A_155 = arith.constant 96 : index
      %get3A_156 = tpu.vector_load %arg13[%get3A_155] {strides = array<i32>} : memref<1024xi32, #tpu.memory_space<vmem>>, vector<16xi32>,
      %mul3A_157 = arith.constant 12288 : i32
      %mul3A_158 = arith.muli %add3A, %mul3A_157 : i32
      %sub3A_159 = vector.broadcast %mul3A_158 : i32 to vector<16xi32>
      %sub3A_160 = arith.subi %get3A_156, %sub3A_159 : vector<16xi32>
      %ge3A_161 = arith.constant 0 : i32
      %ge3A_162 = vector.broadcast %ge3A_161 : i32 to vector<16xi32>
      %ge3A_163 = arith.cmpi sge, %sub3A_160, %ge3A_162 : vector<16xi32>
      %lt3A_164 = arith.constant 12288 : i32
      %lt3A_165 = vector.broadcast %lt3A_164 : i32 to vector<16xi32>
      %lt3A_166 = arith.cmpi slt, %sub3A_160, %lt3A_165 : vector<16xi32>
      %and3A_167 = arith.andi %ge3A_163, %lt3A_166 : vector<16xi1>
      %jit3A_168 = arith.constant 12304 : i32
      %broadcast_in_dim3A_169 = vector.broadcast %jit3A_168 : i32 to vector<16xi32>
      %select_n3A_170 = arith.select %and3A_167, %sub3A_160, %broadcast_in_dim3A_169 : vector<16xi1>, vector<16xi32>
      %add3A_171 = arith.constant 96 : i32
      %add3A_172 = arith.addi %mul3A_16, %add3A_171 : i32
      %add3A_173 = vector.broadcast %add3A_172 : i32 to vector<16xi32>
      %add3A_174 = arith.addi %add3A_173, %iota3A : vector<16xi32>
      tpu.vector_store_idx %arg14[%select_n3A_170], %add3A_174 : memref<12320xi32, #tpu.memory_space<vmem>>[vector<16xi32>], vector<16xi32>,
      %sub3A_175 = vector.broadcast %mul3A_2 : i32 to vector<16xi32>
      %sub3A_176 = arith.subi %get3A_154, %sub3A_175 : vector<16xi32>
      tpu.vector_store_idx %arg15[%select_n3A_170], %sub3A_176 : memref<12320xi32, #tpu.memory_space<vmem>>[vector<16xi32>], vector<16xi32>,
      %get3A_177 = arith.constant 112 : index
      %get3A_178 = tpu.vector_load %arg12[%get3A_177] {strides = array<i32>} : memref<1024xi32, #tpu.memory_space<vmem>>, vector<16xi32>,
      %get3A_179 = arith.constant 112 : index
      %get3A_180 = tpu.vector_load %arg13[%get3A_179] {strides = array<i32>} : memref<1024xi32, #tpu.memory_space<vmem>>, vector<16xi32>,
      %mul3A_181 = arith.constant 12288 : i32
      %mul3A_182 = arith.muli %add3A, %mul3A_181 : i32
      %sub3A_183 = vector.broadcast %mul3A_182 : i32 to vector<16xi32>
      %sub3A_184 = arith.subi %get3A_180, %sub3A_183 : vector<16xi32>
      %ge3A_185 = arith.constant 0 : i32
      %ge3A_186 = vector.broadcast %ge3A_185 : i32 to vector<16xi32>
      %ge3A_187 = arith.cmpi sge, %sub3A_184, %ge3A_186 : vector<16xi32>
      %lt3A_188 = arith.constant 12288 : i32
      %lt3A_189 = vector.broadcast %lt3A_188 : i32 to vector<16xi32>
      %lt3A_190 = arith.cmpi slt, %sub3A_184, %lt3A_189 : vector<16xi32>
      %and3A_191 = arith.andi %ge3A_187, %lt3A_190 : vector<16xi1>
      %jit3A_192 = arith.constant 12304 : i32
      %broadcast_in_dim3A_193 = vector.broadcast %jit3A_192 : i32 to vector<16xi32>
      %select_n3A_194 = arith.select %and3A_191, %sub3A_184, %broadcast_in_dim3A_193 : vector<16xi1>, vector<16xi32>
      %add3A_195 = arith.constant 112 : i32
      %add3A_196 = arith.addi %mul3A_16, %add3A_195 : i32
      %add3A_197 = vector.broadcast %add3A_196 : i32 to vector<16xi32>
      %add3A_198 = arith.addi %add3A_197, %iota3A : vector<16xi32>
      tpu.vector_store_idx %arg14[%select_n3A_194], %add3A_198 : memref<12320xi32, #tpu.memory_space<vmem>>[vector<16xi32>], vector<16xi32>,
      %sub3A_199 = vector.broadcast %mul3A_2 : i32 to vector<16xi32>
      %sub3A_200 = arith.subi %get3A_178, %sub3A_199 : vector<16xi32>
      tpu.vector_store_idx %arg15[%select_n3A_194], %sub3A_200 : memref<12320xi32, #tpu.memory_space<vmem>>[vector<16xi32>], vector<16xi32>,
      %get3A_201 = arith.constant 128 : index
      %get3A_202 = tpu.vector_load %arg12[%get3A_201] {strides = array<i32>} : memref<1024xi32, #tpu.memory_space<vmem>>, vector<16xi32>,
      %get3A_203 = arith.constant 128 : index
      %get3A_204 = tpu.vector_load %arg13[%get3A_203] {strides = array<i32>} : memref<1024xi32, #tpu.memory_space<vmem>>, vector<16xi32>,
      %mul3A_205 = arith.constant 12288 : i32
      %mul3A_206 = arith.muli %add3A, %mul3A_205 : i32
      %sub3A_207 = vector.broadcast %mul3A_206 : i32 to vector<16xi32>
      %sub3A_208 = arith.subi %get3A_204, %sub3A_207 : vector<16xi32>
      %ge3A_209 = arith.constant 0 : i32
      %ge3A_210 = vector.broadcast %ge3A_209 : i32 to vector<16xi32>
      %ge3A_211 = arith.cmpi sge, %sub3A_208, %ge3A_210 : vector<16xi32>
      %lt3A_212 = arith.constant 12288 : i32
      %lt3A_213 = vector.broadcast %lt3A_212 : i32 to vector<16xi32>
      %lt3A_214 = arith.cmpi slt, %sub3A_208, %lt3A_213 : vector<16xi32>
      %and3A_215 = arith.andi %ge3A_211, %lt3A_214 : vector<16xi1>
      %jit3A_216 = arith.constant 12304 : i32
      %broadcast_in_dim3A_217 = vector.broadcast %jit3A_216 : i32 to vector<16xi32>
      %select_n3A_218 = arith.select %and3A_215, %sub3A_208, %broadcast_in_dim3A_217 : vector<16xi1>, vector<16xi32>
      %add3A_219 = arith.constant 128 : i32
      %add3A_220 = arith.addi %mul3A_16, %add3A_219 : i32
      %add3A_221 = vector.broadcast %add3A_220 : i32 to vector<16xi32>
      %add3A_222 = arith.addi %add3A_221, %iota3A : vector<16xi32>
      tpu.vector_store_idx %arg14[%select_n3A_218], %add3A_222 : memref<12320xi32, #tpu.memory_space<vmem>>[vector<16xi32>], vector<16xi32>,
      %sub3A_223 = vector.broadcast %mul3A_2 : i32 to vector<16xi32>
      %sub3A_224 = arith.subi %get3A_202, %sub3A_223 : vector<16xi32>
      tpu.vector_store_idx %arg15[%select_n3A_218], %sub3A_224 : memref<12320xi32, #tpu.memory_space<vmem>>[vector<16xi32>], vector<16xi32>,
      %get3A_225 = arith.constant 144 : index
      %get3A_226 = tpu.vector_load %arg12[%get3A_225] {strides = array<i32>} : memref<1024xi32, #tpu.memory_space<vmem>>, vector<16xi32>,
      %get3A_227 = arith.constant 144 : index
      %get3A_228 = tpu.vector_load %arg13[%get3A_227] {strides = array<i32>} : memref<1024xi32, #tpu.memory_space<vmem>>, vector<16xi32>,
      %mul3A_229 = arith.constant 12288 : i32
      %mul3A_230 = arith.muli %add3A, %mul3A_229 : i32
      %sub3A_231 = vector.broadcast %mul3A_230 : i32 to vector<16xi32>
      %sub3A_232 = arith.subi %get3A_228, %sub3A_231 : vector<16xi32>
      %ge3A_233 = arith.constant 0 : i32
      %ge3A_234 = vector.broadcast %ge3A_233 : i32 to vector<16xi32>
      %ge3A_235 = arith.cmpi sge, %sub3A_232, %ge3A_234 : vector<16xi32>
      %lt3A_236 = arith.constant 12288 : i32
      %lt3A_237 = vector.broadcast %lt3A_236 : i32 to vector<16xi32>
      %lt3A_238 = arith.cmpi slt, %sub3A_232, %lt3A_237 : vector<16xi32>
      %and3A_239 = arith.andi %ge3A_235, %lt3A_238 : vector<16xi1>
      %jit3A_240 = arith.constant 12304 : i32
      %broadcast_in_dim3A_241 = vector.broadcast %jit3A_240 : i32 to vector<16xi32>
      %select_n3A_242 = arith.select %and3A_239, %sub3A_232, %broadcast_in_dim3A_241 : vector<16xi1>, vector<16xi32>
      %add3A_243 = arith.constant 144 : i32
      %add3A_244 = arith.addi %mul3A_16, %add3A_243 : i32
      %add3A_245 = vector.broadcast %add3A_244 : i32 to vector<16xi32>
      %add3A_246 = arith.addi %add3A_245, %iota3A : vector<16xi32>
      tpu.vector_store_idx %arg14[%select_n3A_242], %add3A_246 : memref<12320xi32, #tpu.memory_space<vmem>>[vector<16xi32>], vector<16xi32>,
      %sub3A_247 = vector.broadcast %mul3A_2 : i32 to vector<16xi32>
      %sub3A_248 = arith.subi %get3A_226, %sub3A_247 : vector<16xi32>
      tpu.vector_store_idx %arg15[%select_n3A_242], %sub3A_248 : memref<12320xi32, #tpu.memory_space<vmem>>[vector<16xi32>], vector<16xi32>,
      %get3A_249 = arith.constant 160 : index
      %get3A_250 = tpu.vector_load %arg12[%get3A_249] {strides = array<i32>} : memref<1024xi32, #tpu.memory_space<vmem>>, vector<16xi32>,
      %get3A_251 = arith.constant 160 : index
      %get3A_252 = tpu.vector_load %arg13[%get3A_251] {strides = array<i32>} : memref<1024xi32, #tpu.memory_space<vmem>>, vector<16xi32>,
      %mul3A_253 = arith.constant 12288 : i32
      %mul3A_254 = arith.muli %add3A, %mul3A_253 : i32
      %sub3A_255 = vector.broadcast %mul3A_254 : i32 to vector<16xi32>
      %sub3A_256 = arith.subi %get3A_252, %sub3A_255 : vector<16xi32>
      %ge3A_257 = arith.constant 0 : i32
      %ge3A_258 = vector.broadcast %ge3A_257 : i32 to vector<16xi32>
      %ge3A_259 = arith.cmpi sge, %sub3A_256, %ge3A_258 : vector<16xi32>
      %lt3A_260 = arith.constant 12288 : i32
      %lt3A_261 = vector.broadcast %lt3A_260 : i32 to vector<16xi32>
      %lt3A_262 = arith.cmpi slt, %sub3A_256, %lt3A_261 : vector<16xi32>
      %and3A_263 = arith.andi %ge3A_259, %lt3A_262 : vector<16xi1>
      %jit3A_264 = arith.constant 12304 : i32
      %broadcast_in_dim3A_265 = vector.broadcast %jit3A_264 : i32 to vector<16xi32>
      %select_n3A_266 = arith.select %and3A_263, %sub3A_256, %broadcast_in_dim3A_265 : vector<16xi1>, vector<16xi32>
      %add3A_267 = arith.constant 160 : i32
      %add3A_268 = arith.addi %mul3A_16, %add3A_267 : i32
      %add3A_269 = vector.broadcast %add3A_268 : i32 to vector<16xi32>
      %add3A_270 = arith.addi %add3A_269, %iota3A : vector<16xi32>
      tpu.vector_store_idx %arg14[%select_n3A_266], %add3A_270 : memref<12320xi32, #tpu.memory_space<vmem>>[vector<16xi32>], vector<16xi32>,
      %sub3A_271 = vector.broadcast %mul3A_2 : i32 to vector<16xi32>
      %sub3A_272 = arith.subi %get3A_250, %sub3A_271 : vector<16xi32>
      tpu.vector_store_idx %arg15[%select_n3A_266], %sub3A_272 : memref<12320xi32, #tpu.memory_space<vmem>>[vector<16xi32>], vector<16xi32>,
      %get3A_273 = arith.constant 176 : index
      %get3A_274 = tpu.vector_load %arg12[%get3A_273] {strides = array<i32>} : memref<1024xi32, #tpu.memory_space<vmem>>, vector<16xi32>,
      %get3A_275 = arith.constant 176 : index
      %get3A_276 = tpu.vector_load %arg13[%get3A_275] {strides = array<i32>} : memref<1024xi32, #tpu.memory_space<vmem>>, vector<16xi32>,
      %mul3A_277 = arith.constant 12288 : i32
      %mul3A_278 = arith.muli %add3A, %mul3A_277 : i32
      %sub3A_279 = vector.broadcast %mul3A_278 : i32 to vector<16xi32>
      %sub3A_280 = arith.subi %get3A_276, %sub3A_279 : vector<16xi32>
      %ge3A_281 = arith.constant 0 : i32
      %ge3A_282 = vector.broadcast %ge3A_281 : i32 to vector<16xi32>
      %ge3A_283 = arith.cmpi sge, %sub3A_280, %ge3A_282 : vector<16xi32>
      %lt3A_284 = arith.constant 12288 : i32
      %lt3A_285 = vector.broadcast %lt3A_284 : i32 to vector<16xi32>
      %lt3A_286 = arith.cmpi slt, %sub3A_280, %lt3A_285 : vector<16xi32>
      %and3A_287 = arith.andi %ge3A_283, %lt3A_286 : vector<16xi1>
      %jit3A_288 = arith.constant 12304 : i32
      %broadcast_in_dim3A_289 = vector.broadcast %jit3A_288 : i32 to vector<16xi32>
      %select_n3A_290 = arith.select %and3A_287, %sub3A_280, %broadcast_in_dim3A_289 : vector<16xi1>, vector<16xi32>
      %add3A_291 = arith.constant 176 : i32
      %add3A_292 = arith.addi %mul3A_16, %add3A_291 : i32
      %add3A_293 = vector.broadcast %add3A_292 : i32 to vector<16xi32>
      %add3A_294 = arith.addi %add3A_293, %iota3A : vector<16xi32>
      tpu.vector_store_idx %arg14[%select_n3A_290], %add3A_294 : memref<12320xi32, #tpu.memory_space<vmem>>[vector<16xi32>], vector<16xi32>,
      %sub3A_295 = vector.broadcast %mul3A_2 : i32 to vector<16xi32>
      %sub3A_296 = arith.subi %get3A_274, %sub3A_295 : vector<16xi32>
      tpu.vector_store_idx %arg15[%select_n3A_290], %sub3A_296 : memref<12320xi32, #tpu.memory_space<vmem>>[vector<16xi32>], vector<16xi32>,
      %get3A_297 = arith.constant 192 : index
      %get3A_298 = tpu.vector_load %arg12[%get3A_297] {strides = array<i32>} : memref<1024xi32, #tpu.memory_space<vmem>>, vector<16xi32>,
      %get3A_299 = arith.constant 192 : index
      %get3A_300 = tpu.vector_load %arg13[%get3A_299] {strides = array<i32>} : memref<1024xi32, #tpu.memory_space<vmem>>, vector<16xi32>,
      %mul3A_301 = arith.constant 12288 : i32
      %mul3A_302 = arith.muli %add3A, %mul3A_301 : i32
      %sub3A_303 = vector.broadcast %mul3A_302 : i32 to vector<16xi32>
      %sub3A_304 = arith.subi %get3A_300, %sub3A_303 : vector<16xi32>
      %ge3A_305 = arith.constant 0 : i32
      %ge3A_306 = vector.broadcast %ge3A_305 : i32 to vector<16xi32>
      %ge3A_307 = arith.cmpi sge, %sub3A_304, %ge3A_306 : vector<16xi32>
      %lt3A_308 = arith.constant 12288 : i32
      %lt3A_309 = vector.broadcast %lt3A_308 : i32 to vector<16xi32>
      %lt3A_310 = arith.cmpi slt, %sub3A_304, %lt3A_309 : vector<16xi32>
      %and3A_311 = arith.andi %ge3A_307, %lt3A_310 : vector<16xi1>
      %jit3A_312 = arith.constant 12304 : i32
      %broadcast_in_dim3A_313 = vector.broadcast %jit3A_312 : i32 to vector<16xi32>
      %select_n3A_314 = arith.select %and3A_311, %sub3A_304, %broadcast_in_dim3A_313 : vector<16xi1>, vector<16xi32>
      %add3A_315 = arith.constant 192 : i32
      %add3A_316 = arith.addi %mul3A_16, %add3A_315 : i32
      %add3A_317 = vector.broadcast %add3A_316 : i32 to vector<16xi32>
      %add3A_318 = arith.addi %add3A_317, %iota3A : vector<16xi32>
      tpu.vector_store_idx %arg14[%select_n3A_314], %add3A_318 : memref<12320xi32, #tpu.memory_space<vmem>>[vector<16xi32>], vector<16xi32>,
      %sub3A_319 = vector.broadcast %mul3A_2 : i32 to vector<16xi32>
      %sub3A_320 = arith.subi %get3A_298, %sub3A_319 : vector<16xi32>
      tpu.vector_store_idx %arg15[%select_n3A_314], %sub3A_320 : memref<12320xi32, #tpu.memory_space<vmem>>[vector<16xi32>], vector<16xi32>,
      %get3A_321 = arith.constant 208 : index
      %get3A_322 = tpu.vector_load %arg12[%get3A_321] {strides = array<i32>} : memref<1024xi32, #tpu.memory_space<vmem>>, vector<16xi32>,
      %get3A_323 = arith.constant 208 : index
      %get3A_324 = tpu.vector_load %arg13[%get3A_323] {strides = array<i32>} : memref<1024xi32, #tpu.memory_space<vmem>>, vector<16xi32>,
      %mul3A_325 = arith.constant 12288 : i32
      %mul3A_326 = arith.muli %add3A, %mul3A_325 : i32
      %sub3A_327 = vector.broadcast %mul3A_326 : i32 to vector<16xi32>
      %sub3A_328 = arith.subi %get3A_324, %sub3A_327 : vector<16xi32>
      %ge3A_329 = arith.constant 0 : i32
      %ge3A_330 = vector.broadcast %ge3A_329 : i32 to vector<16xi32>
      %ge3A_331 = arith.cmpi sge, %sub3A_328, %ge3A_330 : vector<16xi32>
      %lt3A_332 = arith.constant 12288 : i32
      %lt3A_333 = vector.broadcast %lt3A_332 : i32 to vector<16xi32>
      %lt3A_334 = arith.cmpi slt, %sub3A_328, %lt3A_333 : vector<16xi32>
      %and3A_335 = arith.andi %ge3A_331, %lt3A_334 : vector<16xi1>
      %jit3A_336 = arith.constant 12304 : i32
      %broadcast_in_dim3A_337 = vector.broadcast %jit3A_336 : i32 to vector<16xi32>
      %select_n3A_338 = arith.select %and3A_335, %sub3A_328, %broadcast_in_dim3A_337 : vector<16xi1>, vector<16xi32>
      %add3A_339 = arith.constant 208 : i32
      %add3A_340 = arith.addi %mul3A_16, %add3A_339 : i32
      %add3A_341 = vector.broadcast %add3A_340 : i32 to vector<16xi32>
      %add3A_342 = arith.addi %add3A_341, %iota3A : vector<16xi32>
      tpu.vector_store_idx %arg14[%select_n3A_338], %add3A_342 : memref<12320xi32, #tpu.memory_space<vmem>>[vector<16xi32>], vector<16xi32>,
      %sub3A_343 = vector.broadcast %mul3A_2 : i32 to vector<16xi32>
      %sub3A_344 = arith.subi %get3A_322, %sub3A_343 : vector<16xi32>
      tpu.vector_store_idx %arg15[%select_n3A_338], %sub3A_344 : memref<12320xi32, #tpu.memory_space<vmem>>[vector<16xi32>], vector<16xi32>,
      %get3A_345 = arith.constant 224 : index
      %get3A_346 = tpu.vector_load %arg12[%get3A_345] {strides = array<i32>} : memref<1024xi32, #tpu.memory_space<vmem>>, vector<16xi32>,
      %get3A_347 = arith.constant 224 : index
      %get3A_348 = tpu.vector_load %arg13[%get3A_347] {strides = array<i32>} : memref<1024xi32, #tpu.memory_space<vmem>>, vector<16xi32>,
      %mul3A_349 = arith.constant 12288 : i32
      %mul3A_350 = arith.muli %add3A, %mul3A_349 : i32
      %sub3A_351 = vector.broadcast %mul3A_350 : i32 to vector<16xi32>
      %sub3A_352 = arith.subi %get3A_348, %sub3A_351 : vector<16xi32>
      %ge3A_353 = arith.constant 0 : i32
      %ge3A_354 = vector.broadcast %ge3A_353 : i32 to vector<16xi32>
      %ge3A_355 = arith.cmpi sge, %sub3A_352, %ge3A_354 : vector<16xi32>
      %lt3A_356 = arith.constant 12288 : i32
      %lt3A_357 = vector.broadcast %lt3A_356 : i32 to vector<16xi32>
      %lt3A_358 = arith.cmpi slt, %sub3A_352, %lt3A_357 : vector<16xi32>
      %and3A_359 = arith.andi %ge3A_355, %lt3A_358 : vector<16xi1>
      %jit3A_360 = arith.constant 12304 : i32
      %broadcast_in_dim3A_361 = vector.broadcast %jit3A_360 : i32 to vector<16xi32>
      %select_n3A_362 = arith.select %and3A_359, %sub3A_352, %broadcast_in_dim3A_361 : vector<16xi1>, vector<16xi32>
      %add3A_363 = arith.constant 224 : i32
      %add3A_364 = arith.addi %mul3A_16, %add3A_363 : i32
      %add3A_365 = vector.broadcast %add3A_364 : i32 to vector<16xi32>
      %add3A_366 = arith.addi %add3A_365, %iota3A : vector<16xi32>
      tpu.vector_store_idx %arg14[%select_n3A_362], %add3A_366 : memref<12320xi32, #tpu.memory_space<vmem>>[vector<16xi32>], vector<16xi32>,
      %sub3A_367 = vector.broadcast %mul3A_2 : i32 to vector<16xi32>
      %sub3A_368 = arith.subi %get3A_346, %sub3A_367 : vector<16xi32>
      tpu.vector_store_idx %arg15[%select_n3A_362], %sub3A_368 : memref<12320xi32, #tpu.memory_space<vmem>>[vector<16xi32>], vector<16xi32>,
      %get3A_369 = arith.constant 240 : index
      %get3A_370 = tpu.vector_load %arg12[%get3A_369] {strides = array<i32>} : memref<1024xi32, #tpu.memory_space<vmem>>, vector<16xi32>,
      %get3A_371 = arith.constant 240 : index
      %get3A_372 = tpu.vector_load %arg13[%get3A_371] {strides = array<i32>} : memref<1024xi32, #tpu.memory_space<vmem>>, vector<16xi32>,
      %mul3A_373 = arith.constant 12288 : i32
      %mul3A_374 = arith.muli %add3A, %mul3A_373 : i32
      %sub3A_375 = vector.broadcast %mul3A_374 : i32 to vector<16xi32>
      %sub3A_376 = arith.subi %get3A_372, %sub3A_375 : vector<16xi32>
      %ge3A_377 = arith.constant 0 : i32
      %ge3A_378 = vector.broadcast %ge3A_377 : i32 to vector<16xi32>
      %ge3A_379 = arith.cmpi sge, %sub3A_376, %ge3A_378 : vector<16xi32>
      %lt3A_380 = arith.constant 12288 : i32
      %lt3A_381 = vector.broadcast %lt3A_380 : i32 to vector<16xi32>
      %lt3A_382 = arith.cmpi slt, %sub3A_376, %lt3A_381 : vector<16xi32>
      %and3A_383 = arith.andi %ge3A_379, %lt3A_382 : vector<16xi1>
      %jit3A_384 = arith.constant 12304 : i32
      %broadcast_in_dim3A_385 = vector.broadcast %jit3A_384 : i32 to vector<16xi32>
      %select_n3A_386 = arith.select %and3A_383, %sub3A_376, %broadcast_in_dim3A_385 : vector<16xi1>, vector<16xi32>
      %add3A_387 = arith.constant 240 : i32
      %add3A_388 = arith.addi %mul3A_16, %add3A_387 : i32
      %add3A_389 = vector.broadcast %add3A_388 : i32 to vector<16xi32>
      %add3A_390 = arith.addi %add3A_389, %iota3A : vector<16xi32>
      tpu.vector_store_idx %arg14[%select_n3A_386], %add3A_390 : memref<12320xi32, #tpu.memory_space<vmem>>[vector<16xi32>], vector<16xi32>,
      %sub3A_391 = vector.broadcast %mul3A_2 : i32 to vector<16xi32>
      %sub3A_392 = arith.subi %get3A_370, %sub3A_391 : vector<16xi32>
      tpu.vector_store_idx %arg15[%select_n3A_386], %sub3A_392 : memref<12320xi32, #tpu.memory_space<vmem>>[vector<16xi32>], vector<16xi32>,
      %get3A_393 = arith.constant 256 : index
      %get3A_394 = tpu.vector_load %arg12[%get3A_393] {strides = array<i32>} : memref<1024xi32, #tpu.memory_space<vmem>>, vector<16xi32>,
      %get3A_395 = arith.constant 256 : index
      %get3A_396 = tpu.vector_load %arg13[%get3A_395] {strides = array<i32>} : memref<1024xi32, #tpu.memory_space<vmem>>, vector<16xi32>,
      %mul3A_397 = arith.constant 12288 : i32
      %mul3A_398 = arith.muli %add3A, %mul3A_397 : i32
      %sub3A_399 = vector.broadcast %mul3A_398 : i32 to vector<16xi32>
      %sub3A_400 = arith.subi %get3A_396, %sub3A_399 : vector<16xi32>
      %ge3A_401 = arith.constant 0 : i32
      %ge3A_402 = vector.broadcast %ge3A_401 : i32 to vector<16xi32>
      %ge3A_403 = arith.cmpi sge, %sub3A_400, %ge3A_402 : vector<16xi32>
      %lt3A_404 = arith.constant 12288 : i32
      %lt3A_405 = vector.broadcast %lt3A_404 : i32 to vector<16xi32>
      %lt3A_406 = arith.cmpi slt, %sub3A_400, %lt3A_405 : vector<16xi32>
      %and3A_407 = arith.andi %ge3A_403, %lt3A_406 : vector<16xi1>
      %jit3A_408 = arith.constant 12304 : i32
      %broadcast_in_dim3A_409 = vector.broadcast %jit3A_408 : i32 to vector<16xi32>
      %select_n3A_410 = arith.select %and3A_407, %sub3A_400, %broadcast_in_dim3A_409 : vector<16xi1>, vector<16xi32>
      %add3A_411 = arith.constant 256 : i32
      %add3A_412 = arith.addi %mul3A_16, %add3A_411 : i32
      %add3A_413 = vector.broadcast %add3A_412 : i32 to vector<16xi32>
      %add3A_414 = arith.addi %add3A_413, %iota3A : vector<16xi32>
      tpu.vector_store_idx %arg14[%select_n3A_410], %add3A_414 : memref<12320xi32, #tpu.memory_space<vmem>>[vector<16xi32>], vector<16xi32>,
      %sub3A_415 = vector.broadcast %mul3A_2 : i32 to vector<16xi32>
      %sub3A_416 = arith.subi %get3A_394, %sub3A_415 : vector<16xi32>
      tpu.vector_store_idx %arg15[%select_n3A_410], %sub3A_416 : memref<12320xi32, #tpu.memory_space<vmem>>[vector<16xi32>], vector<16xi32>,
      %get3A_417 = arith.constant 272 : index
      %get3A_418 = tpu.vector_load %arg12[%get3A_417] {strides = array<i32>} : memref<1024xi32, #tpu.memory_space<vmem>>, vector<16xi32>,
      %get3A_419 = arith.constant 272 : index
      %get3A_420 = tpu.vector_load %arg13[%get3A_419] {strides = array<i32>} : memref<1024xi32, #tpu.memory_space<vmem>>, vector<16xi32>,
      %mul3A_421 = arith.constant 12288 : i32
      %mul3A_422 = arith.muli %add3A, %mul3A_421 : i32
      %sub3A_423 = vector.broadcast %mul3A_422 : i32 to vector<16xi32>
      %sub3A_424 = arith.subi %get3A_420, %sub3A_423 : vector<16xi32>
      %ge3A_425 = arith.constant 0 : i32
      %ge3A_426 = vector.broadcast %ge3A_425 : i32 to vector<16xi32>
      %ge3A_427 = arith.cmpi sge, %sub3A_424, %ge3A_426 : vector<16xi32>
      %lt3A_428 = arith.constant 12288 : i32
      %lt3A_429 = vector.broadcast %lt3A_428 : i32 to vector<16xi32>
      %lt3A_430 = arith.cmpi slt, %sub3A_424, %lt3A_429 : vector<16xi32>
      %and3A_431 = arith.andi %ge3A_427, %lt3A_430 : vector<16xi1>
      %jit3A_432 = arith.constant 12304 : i32
      %broadcast_in_dim3A_433 = vector.broadcast %jit3A_432 : i32 to vector<16xi32>
      %select_n3A_434 = arith.select %and3A_431, %sub3A_424, %broadcast_in_dim3A_433 : vector<16xi1>, vector<16xi32>
      %add3A_435 = arith.constant 272 : i32
      %add3A_436 = arith.addi %mul3A_16, %add3A_435 : i32
      %add3A_437 = vector.broadcast %add3A_436 : i32 to vector<16xi32>
      %add3A_438 = arith.addi %add3A_437, %iota3A : vector<16xi32>
      tpu.vector_store_idx %arg14[%select_n3A_434], %add3A_438 : memref<12320xi32, #tpu.memory_space<vmem>>[vector<16xi32>], vector<16xi32>,
      %sub3A_439 = vector.broadcast %mul3A_2 : i32 to vector<16xi32>
      %sub3A_440 = arith.subi %get3A_418, %sub3A_439 : vector<16xi32>
      tpu.vector_store_idx %arg15[%select_n3A_434], %sub3A_440 : memref<12320xi32, #tpu.memory_space<vmem>>[vector<16xi32>], vector<16xi32>,
      %get3A_441 = arith.constant 288 : index
      %get3A_442 = tpu.vector_load %arg12[%get3A_441] {strides = array<i32>} : memref<1024xi32, #tpu.memory_space<vmem>>, vector<16xi32>,
      %get3A_443 = arith.constant 288 : index
      %get3A_444 = tpu.vector_load %arg13[%get3A_443] {strides = array<i32>} : memref<1024xi32, #tpu.memory_space<vmem>>, vector<16xi32>,
      %mul3A_445 = arith.constant 12288 : i32
      %mul3A_446 = arith.muli %add3A, %mul3A_445 : i32
      %sub3A_447 = vector.broadcast %mul3A_446 : i32 to vector<16xi32>
      %sub3A_448 = arith.subi %get3A_444, %sub3A_447 : vector<16xi32>
      %ge3A_449 = arith.constant 0 : i32
      %ge3A_450 = vector.broadcast %ge3A_449 : i32 to vector<16xi32>
      %ge3A_451 = arith.cmpi sge, %sub3A_448, %ge3A_450 : vector<16xi32>
      %lt3A_452 = arith.constant 12288 : i32
      %lt3A_453 = vector.broadcast %lt3A_452 : i32 to vector<16xi32>
      %lt3A_454 = arith.cmpi slt, %sub3A_448, %lt3A_453 : vector<16xi32>
      %and3A_455 = arith.andi %ge3A_451, %lt3A_454 : vector<16xi1>
      %jit3A_456 = arith.constant 12304 : i32
      %broadcast_in_dim3A_457 = vector.broadcast %jit3A_456 : i32 to vector<16xi32>
      %select_n3A_458 = arith.select %and3A_455, %sub3A_448, %broadcast_in_dim3A_457 : vector<16xi1>, vector<16xi32>
      %add3A_459 = arith.constant 288 : i32
      %add3A_460 = arith.addi %mul3A_16, %add3A_459 : i32
      %add3A_461 = vector.broadcast %add3A_460 : i32 to vector<16xi32>
      %add3A_462 = arith.addi %add3A_461, %iota3A : vector<16xi32>
      tpu.vector_store_idx %arg14[%select_n3A_458], %add3A_462 : memref<12320xi32, #tpu.memory_space<vmem>>[vector<16xi32>], vector<16xi32>,
      %sub3A_463 = vector.broadcast %mul3A_2 : i32 to vector<16xi32>
      %sub3A_464 = arith.subi %get3A_442, %sub3A_463 : vector<16xi32>
      tpu.vector_store_idx %arg15[%select_n3A_458], %sub3A_464 : memref<12320xi32, #tpu.memory_space<vmem>>[vector<16xi32>], vector<16xi32>,
      %get3A_465 = arith.constant 304 : index
      %get3A_466 = tpu.vector_load %arg12[%get3A_465] {strides = array<i32>} : memref<1024xi32, #tpu.memory_space<vmem>>, vector<16xi32>,
      %get3A_467 = arith.constant 304 : index
      %get3A_468 = tpu.vector_load %arg13[%get3A_467] {strides = array<i32>} : memref<1024xi32, #tpu.memory_space<vmem>>, vector<16xi32>,
      %mul3A_469 = arith.constant 12288 : i32
      %mul3A_470 = arith.muli %add3A, %mul3A_469 : i32
      %sub3A_471 = vector.broadcast %mul3A_470 : i32 to vector<16xi32>
      %sub3A_472 = arith.subi %get3A_468, %sub3A_471 : vector<16xi32>
      %ge3A_473 = arith.constant 0 : i32
      %ge3A_474 = vector.broadcast %ge3A_473 : i32 to vector<16xi32>
      %ge3A_475 = arith.cmpi sge, %sub3A_472, %ge3A_474 : vector<16xi32>
      %lt3A_476 = arith.constant 12288 : i32
      %lt3A_477 = vector.broadcast %lt3A_476 : i32 to vector<16xi32>
      %lt3A_478 = arith.cmpi slt, %sub3A_472, %lt3A_477 : vector<16xi32>
      %and3A_479 = arith.andi %ge3A_475, %lt3A_478 : vector<16xi1>
      %jit3A_480 = arith.constant 12304 : i32
      %broadcast_in_dim3A_481 = vector.broadcast %jit3A_480 : i32 to vector<16xi32>
      %select_n3A_482 = arith.select %and3A_479, %sub3A_472, %broadcast_in_dim3A_481 : vector<16xi1>, vector<16xi32>
      %add3A_483 = arith.constant 304 : i32
      %add3A_484 = arith.addi %mul3A_16, %add3A_483 : i32
      %add3A_485 = vector.broadcast %add3A_484 : i32 to vector<16xi32>
      %add3A_486 = arith.addi %add3A_485, %iota3A : vector<16xi32>
      tpu.vector_store_idx %arg14[%select_n3A_482], %add3A_486 : memref<12320xi32, #tpu.memory_space<vmem>>[vector<16xi32>], vector<16xi32>,
      %sub3A_487 = vector.broadcast %mul3A_2 : i32 to vector<16xi32>
      %sub3A_488 = arith.subi %get3A_466, %sub3A_487 : vector<16xi32>
      tpu.vector_store_idx %arg15[%select_n3A_482], %sub3A_488 : memref<12320xi32, #tpu.memory_space<vmem>>[vector<16xi32>], vector<16xi32>,
      %get3A_489 = arith.constant 320 : index
      %get3A_490 = tpu.vector_load %arg12[%get3A_489] {strides = array<i32>} : memref<1024xi32, #tpu.memory_space<vmem>>, vector<16xi32>,
      %get3A_491 = arith.constant 320 : index
      %get3A_492 = tpu.vector_load %arg13[%get3A_491] {strides = array<i32>} : memref<1024xi32, #tpu.memory_space<vmem>>, vector<16xi32>,
      %mul3A_493 = arith.constant 12288 : i32
      %mul3A_494 = arith.muli %add3A, %mul3A_493 : i32
      %sub3A_495 = vector.broadcast %mul3A_494 : i32 to vector<16xi32>
      %sub3A_496 = arith.subi %get3A_492, %sub3A_495 : vector<16xi32>
      %ge3A_497 = arith.constant 0 : i32
      %ge3A_498 = vector.broadcast %ge3A_497 : i32 to vector<16xi32>
      %ge3A_499 = arith.cmpi sge, %sub3A_496, %ge3A_498 : vector<16xi32>
      %lt3A_500 = arith.constant 12288 : i32
      %lt3A_501 = vector.broadcast %lt3A_500 : i32 to vector<16xi32>
      %lt3A_502 = arith.cmpi slt, %sub3A_496, %lt3A_501 : vector<16xi32>
      %and3A_503 = arith.andi %ge3A_499, %lt3A_502 : vector<16xi1>
      %jit3A_504 = arith.constant 12304 : i32
      %broadcast_in_dim3A_505 = vector.broadcast %jit3A_504 : i32 to vector<16xi32>
      %select_n3A_506 = arith.select %and3A_503, %sub3A_496, %broadcast_in_dim3A_505 : vector<16xi1>, vector<16xi32>
      %add3A_507 = arith.constant 320 : i32
      %add3A_508 = arith.addi %mul3A_16, %add3A_507 : i32
      %add3A_509 = vector.broadcast %add3A_508 : i32 to vector<16xi32>
      %add3A_510 = arith.addi %add3A_509, %iota3A : vector<16xi32>
      tpu.vector_store_idx %arg14[%select_n3A_506], %add3A_510 : memref<12320xi32, #tpu.memory_space<vmem>>[vector<16xi32>], vector<16xi32>,
      %sub3A_511 = vector.broadcast %mul3A_2 : i32 to vector<16xi32>
      %sub3A_512 = arith.subi %get3A_490, %sub3A_511 : vector<16xi32>
      tpu.vector_store_idx %arg15[%select_n3A_506], %sub3A_512 : memref<12320xi32, #tpu.memory_space<vmem>>[vector<16xi32>], vector<16xi32>,
      %get3A_513 = arith.constant 336 : index
      %get3A_514 = tpu.vector_load %arg12[%get3A_513] {strides = array<i32>} : memref<1024xi32, #tpu.memory_space<vmem>>, vector<16xi32>,
      %get3A_515 = arith.constant 336 : index
      %get3A_516 = tpu.vector_load %arg13[%get3A_515] {strides = array<i32>} : memref<1024xi32, #tpu.memory_space<vmem>>, vector<16xi32>,
      %mul3A_517 = arith.constant 12288 : i32
      %mul3A_518 = arith.muli %add3A, %mul3A_517 : i32
      %sub3A_519 = vector.broadcast %mul3A_518 : i32 to vector<16xi32>
      %sub3A_520 = arith.subi %get3A_516, %sub3A_519 : vector<16xi32>
      %ge3A_521 = arith.constant 0 : i32
      %ge3A_522 = vector.broadcast %ge3A_521 : i32 to vector<16xi32>
      %ge3A_523 = arith.cmpi sge, %sub3A_520, %ge3A_522 : vector<16xi32>
      %lt3A_524 = arith.constant 12288 : i32
      %lt3A_525 = vector.broadcast %lt3A_524 : i32 to vector<16xi32>
      %lt3A_526 = arith.cmpi slt, %sub3A_520, %lt3A_525 : vector<16xi32>
      %and3A_527 = arith.andi %ge3A_523, %lt3A_526 : vector<16xi1>
      %jit3A_528 = arith.constant 12304 : i32
      %broadcast_in_dim3A_529 = vector.broadcast %jit3A_528 : i32 to vector<16xi32>
      %select_n3A_530 = arith.select %and3A_527, %sub3A_520, %broadcast_in_dim3A_529 : vector<16xi1>, vector<16xi32>
      %add3A_531 = arith.constant 336 : i32
      %add3A_532 = arith.addi %mul3A_16, %add3A_531 : i32
      %add3A_533 = vector.broadcast %add3A_532 : i32 to vector<16xi32>
      %add3A_534 = arith.addi %add3A_533, %iota3A : vector<16xi32>
      tpu.vector_store_idx %arg14[%select_n3A_530], %add3A_534 : memref<12320xi32, #tpu.memory_space<vmem>>[vector<16xi32>], vector<16xi32>,
      %sub3A_535 = vector.broadcast %mul3A_2 : i32 to vector<16xi32>
      %sub3A_536 = arith.subi %get3A_514, %sub3A_535 : vector<16xi32>
      tpu.vector_store_idx %arg15[%select_n3A_530], %sub3A_536 : memref<12320xi32, #tpu.memory_space<vmem>>[vector<16xi32>], vector<16xi32>,
      %get3A_537 = arith.constant 352 : index
      %get3A_538 = tpu.vector_load %arg12[%get3A_537] {strides = array<i32>} : memref<1024xi32, #tpu.memory_space<vmem>>, vector<16xi32>,
      %get3A_539 = arith.constant 352 : index
      %get3A_540 = tpu.vector_load %arg13[%get3A_539] {strides = array<i32>} : memref<1024xi32, #tpu.memory_space<vmem>>, vector<16xi32>,
      %mul3A_541 = arith.constant 12288 : i32
      %mul3A_542 = arith.muli %add3A, %mul3A_541 : i32
      %sub3A_543 = vector.broadcast %mul3A_542 : i32 to vector<16xi32>
      %sub3A_544 = arith.subi %get3A_540, %sub3A_543 : vector<16xi32>
      %ge3A_545 = arith.constant 0 : i32
      %ge3A_546 = vector.broadcast %ge3A_545 : i32 to vector<16xi32>
      %ge3A_547 = arith.cmpi sge, %sub3A_544, %ge3A_546 : vector<16xi32>
      %lt3A_548 = arith.constant 12288 : i32
      %lt3A_549 = vector.broadcast %lt3A_548 : i32 to vector<16xi32>
      %lt3A_550 = arith.cmpi slt, %sub3A_544, %lt3A_549 : vector<16xi32>
      %and3A_551 = arith.andi %ge3A_547, %lt3A_550 : vector<16xi1>
      %jit3A_552 = arith.constant 12304 : i32
      %broadcast_in_dim3A_553 = vector.broadcast %jit3A_552 : i32 to vector<16xi32>
      %select_n3A_554 = arith.select %and3A_551, %sub3A_544, %broadcast_in_dim3A_553 : vector<16xi1>, vector<16xi32>
      %add3A_555 = arith.constant 352 : i32
      %add3A_556 = arith.addi %mul3A_16, %add3A_555 : i32
      %add3A_557 = vector.broadcast %add3A_556 : i32 to vector<16xi32>
      %add3A_558 = arith.addi %add3A_557, %iota3A : vector<16xi32>
      tpu.vector_store_idx %arg14[%select_n3A_554], %add3A_558 : memref<12320xi32, #tpu.memory_space<vmem>>[vector<16xi32>], vector<16xi32>,
      %sub3A_559 = vector.broadcast %mul3A_2 : i32 to vector<16xi32>
      %sub3A_560 = arith.subi %get3A_538, %sub3A_559 : vector<16xi32>
      tpu.vector_store_idx %arg15[%select_n3A_554], %sub3A_560 : memref<12320xi32, #tpu.memory_space<vmem>>[vector<16xi32>], vector<16xi32>,
      %get3A_561 = arith.constant 368 : index
      %get3A_562 = tpu.vector_load %arg12[%get3A_561] {strides = array<i32>} : memref<1024xi32, #tpu.memory_space<vmem>>, vector<16xi32>,
      %get3A_563 = arith.constant 368 : index
      %get3A_564 = tpu.vector_load %arg13[%get3A_563] {strides = array<i32>} : memref<1024xi32, #tpu.memory_space<vmem>>, vector<16xi32>,
      %mul3A_565 = arith.constant 12288 : i32
      %mul3A_566 = arith.muli %add3A, %mul3A_565 : i32
      %sub3A_567 = vector.broadcast %mul3A_566 : i32 to vector<16xi32>
      %sub3A_568 = arith.subi %get3A_564, %sub3A_567 : vector<16xi32>
      %ge3A_569 = arith.constant 0 : i32
      %ge3A_570 = vector.broadcast %ge3A_569 : i32 to vector<16xi32>
      %ge3A_571 = arith.cmpi sge, %sub3A_568, %ge3A_570 : vector<16xi32>
      %lt3A_572 = arith.constant 12288 : i32
      %lt3A_573 = vector.broadcast %lt3A_572 : i32 to vector<16xi32>
      %lt3A_574 = arith.cmpi slt, %sub3A_568, %lt3A_573 : vector<16xi32>
      %and3A_575 = arith.andi %ge3A_571, %lt3A_574 : vector<16xi1>
      %jit3A_576 = arith.constant 12304 : i32
      %broadcast_in_dim3A_577 = vector.broadcast %jit3A_576 : i32 to vector<16xi32>
      %select_n3A_578 = arith.select %and3A_575, %sub3A_568, %broadcast_in_dim3A_577 : vector<16xi1>, vector<16xi32>
      %add3A_579 = arith.constant 368 : i32
      %add3A_580 = arith.addi %mul3A_16, %add3A_579 : i32
      %add3A_581 = vector.broadcast %add3A_580 : i32 to vector<16xi32>
      %add3A_582 = arith.addi %add3A_581, %iota3A : vector<16xi32>
      tpu.vector_store_idx %arg14[%select_n3A_578], %add3A_582 : memref<12320xi32, #tpu.memory_space<vmem>>[vector<16xi32>], vector<16xi32>,
      %sub3A_583 = vector.broadcast %mul3A_2 : i32 to vector<16xi32>
      %sub3A_584 = arith.subi %get3A_562, %sub3A_583 : vector<16xi32>
      tpu.vector_store_idx %arg15[%select_n3A_578], %sub3A_584 : memref<12320xi32, #tpu.memory_space<vmem>>[vector<16xi32>], vector<16xi32>,
      %get3A_585 = arith.constant 384 : index
      %get3A_586 = tpu.vector_load %arg12[%get3A_585] {strides = array<i32>} : memref<1024xi32, #tpu.memory_space<vmem>>, vector<16xi32>,
      %get3A_587 = arith.constant 384 : index
      %get3A_588 = tpu.vector_load %arg13[%get3A_587] {strides = array<i32>} : memref<1024xi32, #tpu.memory_space<vmem>>, vector<16xi32>,
      %mul3A_589 = arith.constant 12288 : i32
      %mul3A_590 = arith.muli %add3A, %mul3A_589 : i32
      %sub3A_591 = vector.broadcast %mul3A_590 : i32 to vector<16xi32>
      %sub3A_592 = arith.subi %get3A_588, %sub3A_591 : vector<16xi32>
      %ge3A_593 = arith.constant 0 : i32
      %ge3A_594 = vector.broadcast %ge3A_593 : i32 to vector<16xi32>
      %ge3A_595 = arith.cmpi sge, %sub3A_592, %ge3A_594 : vector<16xi32>
      %lt3A_596 = arith.constant 12288 : i32
      %lt3A_597 = vector.broadcast %lt3A_596 : i32 to vector<16xi32>
      %lt3A_598 = arith.cmpi slt, %sub3A_592, %lt3A_597 : vector<16xi32>
      %and3A_599 = arith.andi %ge3A_595, %lt3A_598 : vector<16xi1>
      %jit3A_600 = arith.constant 12304 : i32
      %broadcast_in_dim3A_601 = vector.broadcast %jit3A_600 : i32 to vector<16xi32>
      %select_n3A_602 = arith.select %and3A_599, %sub3A_592, %broadcast_in_dim3A_601 : vector<16xi1>, vector<16xi32>
      %add3A_603 = arith.constant 384 : i32
      %add3A_604 = arith.addi %mul3A_16, %add3A_603 : i32
      %add3A_605 = vector.broadcast %add3A_604 : i32 to vector<16xi32>
      %add3A_606 = arith.addi %add3A_605, %iota3A : vector<16xi32>
      tpu.vector_store_idx %arg14[%select_n3A_602], %add3A_606 : memref<12320xi32, #tpu.memory_space<vmem>>[vector<16xi32>], vector<16xi32>,
      %sub3A_607 = vector.broadcast %mul3A_2 : i32 to vector<16xi32>
      %sub3A_608 = arith.subi %get3A_586, %sub3A_607 : vector<16xi32>
      tpu.vector_store_idx %arg15[%select_n3A_602], %sub3A_608 : memref<12320xi32, #tpu.memory_space<vmem>>[vector<16xi32>], vector<16xi32>,
      %get3A_609 = arith.constant 400 : index
      %get3A_610 = tpu.vector_load %arg12[%get3A_609] {strides = array<i32>} : memref<1024xi32, #tpu.memory_space<vmem>>, vector<16xi32>,
      %get3A_611 = arith.constant 400 : index
      %get3A_612 = tpu.vector_load %arg13[%get3A_611] {strides = array<i32>} : memref<1024xi32, #tpu.memory_space<vmem>>, vector<16xi32>,
      %mul3A_613 = arith.constant 12288 : i32
      %mul3A_614 = arith.muli %add3A, %mul3A_613 : i32
      %sub3A_615 = vector.broadcast %mul3A_614 : i32 to vector<16xi32>
      %sub3A_616 = arith.subi %get3A_612, %sub3A_615 : vector<16xi32>
      %ge3A_617 = arith.constant 0 : i32
      %ge3A_618 = vector.broadcast %ge3A_617 : i32 to vector<16xi32>
      %ge3A_619 = arith.cmpi sge, %sub3A_616, %ge3A_618 : vector<16xi32>
      %lt3A_620 = arith.constant 12288 : i32
      %lt3A_621 = vector.broadcast %lt3A_620 : i32 to vector<16xi32>
      %lt3A_622 = arith.cmpi slt, %sub3A_616, %lt3A_621 : vector<16xi32>
      %and3A_623 = arith.andi %ge3A_619, %lt3A_622 : vector<16xi1>
      %jit3A_624 = arith.constant 12304 : i32
      %broadcast_in_dim3A_625 = vector.broadcast %jit3A_624 : i32 to vector<16xi32>
      %select_n3A_626 = arith.select %and3A_623, %sub3A_616, %broadcast_in_dim3A_625 : vector<16xi1>, vector<16xi32>
      %add3A_627 = arith.constant 400 : i32
      %add3A_628 = arith.addi %mul3A_16, %add3A_627 : i32
      %add3A_629 = vector.broadcast %add3A_628 : i32 to vector<16xi32>
      %add3A_630 = arith.addi %add3A_629, %iota3A : vector<16xi32>
      tpu.vector_store_idx %arg14[%select_n3A_626], %add3A_630 : memref<12320xi32, #tpu.memory_space<vmem>>[vector<16xi32>], vector<16xi32>,
      %sub3A_631 = vector.broadcast %mul3A_2 : i32 to vector<16xi32>
      %sub3A_632 = arith.subi %get3A_610, %sub3A_631 : vector<16xi32>
      tpu.vector_store_idx %arg15[%select_n3A_626], %sub3A_632 : memref<12320xi32, #tpu.memory_space<vmem>>[vector<16xi32>], vector<16xi32>,
      %get3A_633 = arith.constant 416 : index
      %get3A_634 = tpu.vector_load %arg12[%get3A_633] {strides = array<i32>} : memref<1024xi32, #tpu.memory_space<vmem>>, vector<16xi32>,
      %get3A_635 = arith.constant 416 : index
      %get3A_636 = tpu.vector_load %arg13[%get3A_635] {strides = array<i32>} : memref<1024xi32, #tpu.memory_space<vmem>>, vector<16xi32>,
      %mul3A_637 = arith.constant 12288 : i32
      %mul3A_638 = arith.muli %add3A, %mul3A_637 : i32
      %sub3A_639 = vector.broadcast %mul3A_638 : i32 to vector<16xi32>
      %sub3A_640 = arith.subi %get3A_636, %sub3A_639 : vector<16xi32>
      %ge3A_641 = arith.constant 0 : i32
      %ge3A_642 = vector.broadcast %ge3A_641 : i32 to vector<16xi32>
      %ge3A_643 = arith.cmpi sge, %sub3A_640, %ge3A_642 : vector<16xi32>
      %lt3A_644 = arith.constant 12288 : i32
      %lt3A_645 = vector.broadcast %lt3A_644 : i32 to vector<16xi32>
      %lt3A_646 = arith.cmpi slt, %sub3A_640, %lt3A_645 : vector<16xi32>
      %and3A_647 = arith.andi %ge3A_643, %lt3A_646 : vector<16xi1>
      %jit3A_648 = arith.constant 12304 : i32
      %broadcast_in_dim3A_649 = vector.broadcast %jit3A_648 : i32 to vector<16xi32>
      %select_n3A_650 = arith.select %and3A_647, %sub3A_640, %broadcast_in_dim3A_649 : vector<16xi1>, vector<16xi32>
      %add3A_651 = arith.constant 416 : i32
      %add3A_652 = arith.addi %mul3A_16, %add3A_651 : i32
      %add3A_653 = vector.broadcast %add3A_652 : i32 to vector<16xi32>
      %add3A_654 = arith.addi %add3A_653, %iota3A : vector<16xi32>
      tpu.vector_store_idx %arg14[%select_n3A_650], %add3A_654 : memref<12320xi32, #tpu.memory_space<vmem>>[vector<16xi32>], vector<16xi32>,
      %sub3A_655 = vector.broadcast %mul3A_2 : i32 to vector<16xi32>
      %sub3A_656 = arith.subi %get3A_634, %sub3A_655 : vector<16xi32>
      tpu.vector_store_idx %arg15[%select_n3A_650], %sub3A_656 : memref<12320xi32, #tpu.memory_space<vmem>>[vector<16xi32>], vector<16xi32>,
      %get3A_657 = arith.constant 432 : index
      %get3A_658 = tpu.vector_load %arg12[%get3A_657] {strides = array<i32>} : memref<1024xi32, #tpu.memory_space<vmem>>, vector<16xi32>,
      %get3A_659 = arith.constant 432 : index
      %get3A_660 = tpu.vector_load %arg13[%get3A_659] {strides = array<i32>} : memref<1024xi32, #tpu.memory_space<vmem>>, vector<16xi32>,
      %mul3A_661 = arith.constant 12288 : i32
      %mul3A_662 = arith.muli %add3A, %mul3A_661 : i32
      %sub3A_663 = vector.broadcast %mul3A_662 : i32 to vector<16xi32>
      %sub3A_664 = arith.subi %get3A_660, %sub3A_663 : vector<16xi32>
      %ge3A_665 = arith.constant 0 : i32
      %ge3A_666 = vector.broadcast %ge3A_665 : i32 to vector<16xi32>
      %ge3A_667 = arith.cmpi sge, %sub3A_664, %ge3A_666 : vector<16xi32>
      %lt3A_668 = arith.constant 12288 : i32
      %lt3A_669 = vector.broadcast %lt3A_668 : i32 to vector<16xi32>
      %lt3A_670 = arith.cmpi slt, %sub3A_664, %lt3A_669 : vector<16xi32>
      %and3A_671 = arith.andi %ge3A_667, %lt3A_670 : vector<16xi1>
      %jit3A_672 = arith.constant 12304 : i32
      %broadcast_in_dim3A_673 = vector.broadcast %jit3A_672 : i32 to vector<16xi32>
      %select_n3A_674 = arith.select %and3A_671, %sub3A_664, %broadcast_in_dim3A_673 : vector<16xi1>, vector<16xi32>
      %add3A_675 = arith.constant 432 : i32
      %add3A_676 = arith.addi %mul3A_16, %add3A_675 : i32
      %add3A_677 = vector.broadcast %add3A_676 : i32 to vector<16xi32>
      %add3A_678 = arith.addi %add3A_677, %iota3A : vector<16xi32>
      tpu.vector_store_idx %arg14[%select_n3A_674], %add3A_678 : memref<12320xi32, #tpu.memory_space<vmem>>[vector<16xi32>], vector<16xi32>,
      %sub3A_679 = vector.broadcast %mul3A_2 : i32 to vector<16xi32>
      %sub3A_680 = arith.subi %get3A_658, %sub3A_679 : vector<16xi32>
      tpu.vector_store_idx %arg15[%select_n3A_674], %sub3A_680 : memref<12320xi32, #tpu.memory_space<vmem>>[vector<16xi32>], vector<16xi32>,
      %get3A_681 = arith.constant 448 : index
      %get3A_682 = tpu.vector_load %arg12[%get3A_681] {strides = array<i32>} : memref<1024xi32, #tpu.memory_space<vmem>>, vector<16xi32>,
      %get3A_683 = arith.constant 448 : index
      %get3A_684 = tpu.vector_load %arg13[%get3A_683] {strides = array<i32>} : memref<1024xi32, #tpu.memory_space<vmem>>, vector<16xi32>,
      %mul3A_685 = arith.constant 12288 : i32
      %mul3A_686 = arith.muli %add3A, %mul3A_685 : i32
      %sub3A_687 = vector.broadcast %mul3A_686 : i32 to vector<16xi32>
      %sub3A_688 = arith.subi %get3A_684, %sub3A_687 : vector<16xi32>
      %ge3A_689 = arith.constant 0 : i32
      %ge3A_690 = vector.broadcast %ge3A_689 : i32 to vector<16xi32>
      %ge3A_691 = arith.cmpi sge, %sub3A_688, %ge3A_690 : vector<16xi32>
      %lt3A_692 = arith.constant 12288 : i32
      %lt3A_693 = vector.broadcast %lt3A_692 : i32 to vector<16xi32>
      %lt3A_694 = arith.cmpi slt, %sub3A_688, %lt3A_693 : vector<16xi32>
      %and3A_695 = arith.andi %ge3A_691, %lt3A_694 : vector<16xi1>
      %jit3A_696 = arith.constant 12304 : i32
      %broadcast_in_dim3A_697 = vector.broadcast %jit3A_696 : i32 to vector<16xi32>
      %select_n3A_698 = arith.select %and3A_695, %sub3A_688, %broadcast_in_dim3A_697 : vector<16xi1>, vector<16xi32>
      %add3A_699 = arith.constant 448 : i32
      %add3A_700 = arith.addi %mul3A_16, %add3A_699 : i32
      %add3A_701 = vector.broadcast %add3A_700 : i32 to vector<16xi32>
      %add3A_702 = arith.addi %add3A_701, %iota3A : vector<16xi32>
      tpu.vector_store_idx %arg14[%select_n3A_698], %add3A_702 : memref<12320xi32, #tpu.memory_space<vmem>>[vector<16xi32>], vector<16xi32>,
      %sub3A_703 = vector.broadcast %mul3A_2 : i32 to vector<16xi32>
      %sub3A_704 = arith.subi %get3A_682, %sub3A_703 : vector<16xi32>
      tpu.vector_store_idx %arg15[%select_n3A_698], %sub3A_704 : memref<12320xi32, #tpu.memory_space<vmem>>[vector<16xi32>], vector<16xi32>,
      %get3A_705 = arith.constant 464 : index
      %get3A_706 = tpu.vector_load %arg12[%get3A_705] {strides = array<i32>} : memref<1024xi32, #tpu.memory_space<vmem>>, vector<16xi32>,
      %get3A_707 = arith.constant 464 : index
      %get3A_708 = tpu.vector_load %arg13[%get3A_707] {strides = array<i32>} : memref<1024xi32, #tpu.memory_space<vmem>>, vector<16xi32>,
      %mul3A_709 = arith.constant 12288 : i32
      %mul3A_710 = arith.muli %add3A, %mul3A_709 : i32
      %sub3A_711 = vector.broadcast %mul3A_710 : i32 to vector<16xi32>
      %sub3A_712 = arith.subi %get3A_708, %sub3A_711 : vector<16xi32>
      %ge3A_713 = arith.constant 0 : i32
      %ge3A_714 = vector.broadcast %ge3A_713 : i32 to vector<16xi32>
      %ge3A_715 = arith.cmpi sge, %sub3A_712, %ge3A_714 : vector<16xi32>
      %lt3A_716 = arith.constant 12288 : i32
      %lt3A_717 = vector.broadcast %lt3A_716 : i32 to vector<16xi32>
      %lt3A_718 = arith.cmpi slt, %sub3A_712, %lt3A_717 : vector<16xi32>
      %and3A_719 = arith.andi %ge3A_715, %lt3A_718 : vector<16xi1>
      %jit3A_720 = arith.constant 12304 : i32
      %broadcast_in_dim3A_721 = vector.broadcast %jit3A_720 : i32 to vector<16xi32>
      %select_n3A_722 = arith.select %and3A_719, %sub3A_712, %broadcast_in_dim3A_721 : vector<16xi1>, vector<16xi32>
      %add3A_723 = arith.constant 464 : i32
      %add3A_724 = arith.addi %mul3A_16, %add3A_723 : i32
      %add3A_725 = vector.broadcast %add3A_724 : i32 to vector<16xi32>
      %add3A_726 = arith.addi %add3A_725, %iota3A : vector<16xi32>
      tpu.vector_store_idx %arg14[%select_n3A_722], %add3A_726 : memref<12320xi32, #tpu.memory_space<vmem>>[vector<16xi32>], vector<16xi32>,
      %sub3A_727 = vector.broadcast %mul3A_2 : i32 to vector<16xi32>
      %sub3A_728 = arith.subi %get3A_706, %sub3A_727 : vector<16xi32>
      tpu.vector_store_idx %arg15[%select_n3A_722], %sub3A_728 : memref<12320xi32, #tpu.memory_space<vmem>>[vector<16xi32>], vector<16xi32>,
      %get3A_729 = arith.constant 480 : index
      %get3A_730 = tpu.vector_load %arg12[%get3A_729] {strides = array<i32>} : memref<1024xi32, #tpu.memory_space<vmem>>, vector<16xi32>,
      %get3A_731 = arith.constant 480 : index
      %get3A_732 = tpu.vector_load %arg13[%get3A_731] {strides = array<i32>} : memref<1024xi32, #tpu.memory_space<vmem>>, vector<16xi32>,
      %mul3A_733 = arith.constant 12288 : i32
      %mul3A_734 = arith.muli %add3A, %mul3A_733 : i32
      %sub3A_735 = vector.broadcast %mul3A_734 : i32 to vector<16xi32>
      %sub3A_736 = arith.subi %get3A_732, %sub3A_735 : vector<16xi32>
      %ge3A_737 = arith.constant 0 : i32
      %ge3A_738 = vector.broadcast %ge3A_737 : i32 to vector<16xi32>
      %ge3A_739 = arith.cmpi sge, %sub3A_736, %ge3A_738 : vector<16xi32>
      %lt3A_740 = arith.constant 12288 : i32
      %lt3A_741 = vector.broadcast %lt3A_740 : i32 to vector<16xi32>
      %lt3A_742 = arith.cmpi slt, %sub3A_736, %lt3A_741 : vector<16xi32>
      %and3A_743 = arith.andi %ge3A_739, %lt3A_742 : vector<16xi1>
      %jit3A_744 = arith.constant 12304 : i32
      %broadcast_in_dim3A_745 = vector.broadcast %jit3A_744 : i32 to vector<16xi32>
      %select_n3A_746 = arith.select %and3A_743, %sub3A_736, %broadcast_in_dim3A_745 : vector<16xi1>, vector<16xi32>
      %add3A_747 = arith.constant 480 : i32
      %add3A_748 = arith.addi %mul3A_16, %add3A_747 : i32
      %add3A_749 = vector.broadcast %add3A_748 : i32 to vector<16xi32>
      %add3A_750 = arith.addi %add3A_749, %iota3A : vector<16xi32>
      tpu.vector_store_idx %arg14[%select_n3A_746], %add3A_750 : memref<12320xi32, #tpu.memory_space<vmem>>[vector<16xi32>], vector<16xi32>,
      %sub3A_751 = vector.broadcast %mul3A_2 : i32 to vector<16xi32>
      %sub3A_752 = arith.subi %get3A_730, %sub3A_751 : vector<16xi32>
      tpu.vector_store_idx %arg15[%select_n3A_746], %sub3A_752 : memref<12320xi32, #tpu.memory_space<vmem>>[vector<16xi32>], vector<16xi32>,
      %get3A_753 = arith.constant 496 : index
      %get3A_754 = tpu.vector_load %arg12[%get3A_753] {strides = array<i32>} : memref<1024xi32, #tpu.memory_space<vmem>>, vector<16xi32>,
      %get3A_755 = arith.constant 496 : index
      %get3A_756 = tpu.vector_load %arg13[%get3A_755] {strides = array<i32>} : memref<1024xi32, #tpu.memory_space<vmem>>, vector<16xi32>,
      %mul3A_757 = arith.constant 12288 : i32
      %mul3A_758 = arith.muli %add3A, %mul3A_757 : i32
      %sub3A_759 = vector.broadcast %mul3A_758 : i32 to vector<16xi32>
      %sub3A_760 = arith.subi %get3A_756, %sub3A_759 : vector<16xi32>
      %ge3A_761 = arith.constant 0 : i32
      %ge3A_762 = vector.broadcast %ge3A_761 : i32 to vector<16xi32>
      %ge3A_763 = arith.cmpi sge, %sub3A_760, %ge3A_762 : vector<16xi32>
      %lt3A_764 = arith.constant 12288 : i32
      %lt3A_765 = vector.broadcast %lt3A_764 : i32 to vector<16xi32>
      %lt3A_766 = arith.cmpi slt, %sub3A_760, %lt3A_765 : vector<16xi32>
      %and3A_767 = arith.andi %ge3A_763, %lt3A_766 : vector<16xi1>
      %jit3A_768 = arith.constant 12304 : i32
      %broadcast_in_dim3A_769 = vector.broadcast %jit3A_768 : i32 to vector<16xi32>
      %select_n3A_770 = arith.select %and3A_767, %sub3A_760, %broadcast_in_dim3A_769 : vector<16xi1>, vector<16xi32>
      %add3A_771 = arith.constant 496 : i32
      %add3A_772 = arith.addi %mul3A_16, %add3A_771 : i32
      %add3A_773 = vector.broadcast %add3A_772 : i32 to vector<16xi32>
      %add3A_774 = arith.addi %add3A_773, %iota3A : vector<16xi32>
      tpu.vector_store_idx %arg14[%select_n3A_770], %add3A_774 : memref<12320xi32, #tpu.memory_space<vmem>>[vector<16xi32>], vector<16xi32>,
      %sub3A_775 = vector.broadcast %mul3A_2 : i32 to vector<16xi32>
      %sub3A_776 = arith.subi %get3A_754, %sub3A_775 : vector<16xi32>
      tpu.vector_store_idx %arg15[%select_n3A_770], %sub3A_776 : memref<12320xi32, #tpu.memory_space<vmem>>[vector<16xi32>], vector<16xi32>,
      %get3A_777 = arith.constant 512 : index
      %get3A_778 = tpu.vector_load %arg12[%get3A_777] {strides = array<i32>} : memref<1024xi32, #tpu.memory_space<vmem>>, vector<16xi32>,
      %get3A_779 = arith.constant 512 : index
      %get3A_780 = tpu.vector_load %arg13[%get3A_779] {strides = array<i32>} : memref<1024xi32, #tpu.memory_space<vmem>>, vector<16xi32>,
      %mul3A_781 = arith.constant 12288 : i32
      %mul3A_782 = arith.muli %add3A, %mul3A_781 : i32
      %sub3A_783 = vector.broadcast %mul3A_782 : i32 to vector<16xi32>
      %sub3A_784 = arith.subi %get3A_780, %sub3A_783 : vector<16xi32>
      %ge3A_785 = arith.constant 0 : i32
      %ge3A_786 = vector.broadcast %ge3A_785 : i32 to vector<16xi32>
      %ge3A_787 = arith.cmpi sge, %sub3A_784, %ge3A_786 : vector<16xi32>
      %lt3A_788 = arith.constant 12288 : i32
      %lt3A_789 = vector.broadcast %lt3A_788 : i32 to vector<16xi32>
      %lt3A_790 = arith.cmpi slt, %sub3A_784, %lt3A_789 : vector<16xi32>
      %and3A_791 = arith.andi %ge3A_787, %lt3A_790 : vector<16xi1>
      %jit3A_792 = arith.constant 12304 : i32
      %broadcast_in_dim3A_793 = vector.broadcast %jit3A_792 : i32 to vector<16xi32>
      %select_n3A_794 = arith.select %and3A_791, %sub3A_784, %broadcast_in_dim3A_793 : vector<16xi1>, vector<16xi32>
      %add3A_795 = arith.constant 512 : i32
      %add3A_796 = arith.addi %mul3A_16, %add3A_795 : i32
      %add3A_797 = vector.broadcast %add3A_796 : i32 to vector<16xi32>
      %add3A_798 = arith.addi %add3A_797, %iota3A : vector<16xi32>
      tpu.vector_store_idx %arg14[%select_n3A_794], %add3A_798 : memref<12320xi32, #tpu.memory_space<vmem>>[vector<16xi32>], vector<16xi32>,
      %sub3A_799 = vector.broadcast %mul3A_2 : i32 to vector<16xi32>
      %sub3A_800 = arith.subi %get3A_778, %sub3A_799 : vector<16xi32>
      tpu.vector_store_idx %arg15[%select_n3A_794], %sub3A_800 : memref<12320xi32, #tpu.memory_space<vmem>>[vector<16xi32>], vector<16xi32>,
      %get3A_801 = arith.constant 528 : index
      %get3A_802 = tpu.vector_load %arg12[%get3A_801] {strides = array<i32>} : memref<1024xi32, #tpu.memory_space<vmem>>, vector<16xi32>,
      %get3A_803 = arith.constant 528 : index
      %get3A_804 = tpu.vector_load %arg13[%get3A_803] {strides = array<i32>} : memref<1024xi32, #tpu.memory_space<vmem>>, vector<16xi32>,
      %mul3A_805 = arith.constant 12288 : i32
      %mul3A_806 = arith.muli %add3A, %mul3A_805 : i32
      %sub3A_807 = vector.broadcast %mul3A_806 : i32 to vector<16xi32>
      %sub3A_808 = arith.subi %get3A_804, %sub3A_807 : vector<16xi32>
      %ge3A_809 = arith.constant 0 : i32
      %ge3A_810 = vector.broadcast %ge3A_809 : i32 to vector<16xi32>
      %ge3A_811 = arith.cmpi sge, %sub3A_808, %ge3A_810 : vector<16xi32>
      %lt3A_812 = arith.constant 12288 : i32
      %lt3A_813 = vector.broadcast %lt3A_812 : i32 to vector<16xi32>
      %lt3A_814 = arith.cmpi slt, %sub3A_808, %lt3A_813 : vector<16xi32>
      %and3A_815 = arith.andi %ge3A_811, %lt3A_814 : vector<16xi1>
      %jit3A_816 = arith.constant 12304 : i32
      %broadcast_in_dim3A_817 = vector.broadcast %jit3A_816 : i32 to vector<16xi32>
      %select_n3A_818 = arith.select %and3A_815, %sub3A_808, %broadcast_in_dim3A_817 : vector<16xi1>, vector<16xi32>
      %add3A_819 = arith.constant 528 : i32
      %add3A_820 = arith.addi %mul3A_16, %add3A_819 : i32
      %add3A_821 = vector.broadcast %add3A_820 : i32 to vector<16xi32>
      %add3A_822 = arith.addi %add3A_821, %iota3A : vector<16xi32>
      tpu.vector_store_idx %arg14[%select_n3A_818], %add3A_822 : memref<12320xi32, #tpu.memory_space<vmem>>[vector<16xi32>], vector<16xi32>,
      %sub3A_823 = vector.broadcast %mul3A_2 : i32 to vector<16xi32>
      %sub3A_824 = arith.subi %get3A_802, %sub3A_823 : vector<16xi32>
      tpu.vector_store_idx %arg15[%select_n3A_818], %sub3A_824 : memref<12320xi32, #tpu.memory_space<vmem>>[vector<16xi32>], vector<16xi32>,
      %get3A_825 = arith.constant 544 : index
      %get3A_826 = tpu.vector_load %arg12[%get3A_825] {strides = array<i32>} : memref<1024xi32, #tpu.memory_space<vmem>>, vector<16xi32>,
      %get3A_827 = arith.constant 544 : index
      %get3A_828 = tpu.vector_load %arg13[%get3A_827] {strides = array<i32>} : memref<1024xi32, #tpu.memory_space<vmem>>, vector<16xi32>,
      %mul3A_829 = arith.constant 12288 : i32
      %mul3A_830 = arith.muli %add3A, %mul3A_829 : i32
      %sub3A_831 = vector.broadcast %mul3A_830 : i32 to vector<16xi32>
      %sub3A_832 = arith.subi %get3A_828, %sub3A_831 : vector<16xi32>
      %ge3A_833 = arith.constant 0 : i32
      %ge3A_834 = vector.broadcast %ge3A_833 : i32 to vector<16xi32>
      %ge3A_835 = arith.cmpi sge, %sub3A_832, %ge3A_834 : vector<16xi32>
      %lt3A_836 = arith.constant 12288 : i32
      %lt3A_837 = vector.broadcast %lt3A_836 : i32 to vector<16xi32>
      %lt3A_838 = arith.cmpi slt, %sub3A_832, %lt3A_837 : vector<16xi32>
      %and3A_839 = arith.andi %ge3A_835, %lt3A_838 : vector<16xi1>
      %jit3A_840 = arith.constant 12304 : i32
      %broadcast_in_dim3A_841 = vector.broadcast %jit3A_840 : i32 to vector<16xi32>
      %select_n3A_842 = arith.select %and3A_839, %sub3A_832, %broadcast_in_dim3A_841 : vector<16xi1>, vector<16xi32>
      %add3A_843 = arith.constant 544 : i32
      %add3A_844 = arith.addi %mul3A_16, %add3A_843 : i32
      %add3A_845 = vector.broadcast %add3A_844 : i32 to vector<16xi32>
      %add3A_846 = arith.addi %add3A_845, %iota3A : vector<16xi32>
      tpu.vector_store_idx %arg14[%select_n3A_842], %add3A_846 : memref<12320xi32, #tpu.memory_space<vmem>>[vector<16xi32>], vector<16xi32>,
      %sub3A_847 = vector.broadcast %mul3A_2 : i32 to vector<16xi32>
      %sub3A_848 = arith.subi %get3A_826, %sub3A_847 : vector<16xi32>
      tpu.vector_store_idx %arg15[%select_n3A_842], %sub3A_848 : memref<12320xi32, #tpu.memory_space<vmem>>[vector<16xi32>], vector<16xi32>,
      %get3A_849 = arith.constant 560 : index
      %get3A_850 = tpu.vector_load %arg12[%get3A_849] {strides = array<i32>} : memref<1024xi32, #tpu.memory_space<vmem>>, vector<16xi32>,
      %get3A_851 = arith.constant 560 : index
      %get3A_852 = tpu.vector_load %arg13[%get3A_851] {strides = array<i32>} : memref<1024xi32, #tpu.memory_space<vmem>>, vector<16xi32>,
      %mul3A_853 = arith.constant 12288 : i32
      %mul3A_854 = arith.muli %add3A, %mul3A_853 : i32
      %sub3A_855 = vector.broadcast %mul3A_854 : i32 to vector<16xi32>
      %sub3A_856 = arith.subi %get3A_852, %sub3A_855 : vector<16xi32>
      %ge3A_857 = arith.constant 0 : i32
      %ge3A_858 = vector.broadcast %ge3A_857 : i32 to vector<16xi32>
      %ge3A_859 = arith.cmpi sge, %sub3A_856, %ge3A_858 : vector<16xi32>
      %lt3A_860 = arith.constant 12288 : i32
      %lt3A_861 = vector.broadcast %lt3A_860 : i32 to vector<16xi32>
      %lt3A_862 = arith.cmpi slt, %sub3A_856, %lt3A_861 : vector<16xi32>
      %and3A_863 = arith.andi %ge3A_859, %lt3A_862 : vector<16xi1>
      %jit3A_864 = arith.constant 12304 : i32
      %broadcast_in_dim3A_865 = vector.broadcast %jit3A_864 : i32 to vector<16xi32>
      %select_n3A_866 = arith.select %and3A_863, %sub3A_856, %broadcast_in_dim3A_865 : vector<16xi1>, vector<16xi32>
      %add3A_867 = arith.constant 560 : i32
      %add3A_868 = arith.addi %mul3A_16, %add3A_867 : i32
      %add3A_869 = vector.broadcast %add3A_868 : i32 to vector<16xi32>
      %add3A_870 = arith.addi %add3A_869, %iota3A : vector<16xi32>
      tpu.vector_store_idx %arg14[%select_n3A_866], %add3A_870 : memref<12320xi32, #tpu.memory_space<vmem>>[vector<16xi32>], vector<16xi32>,
      %sub3A_871 = vector.broadcast %mul3A_2 : i32 to vector<16xi32>
      %sub3A_872 = arith.subi %get3A_850, %sub3A_871 : vector<16xi32>
      tpu.vector_store_idx %arg15[%select_n3A_866], %sub3A_872 : memref<12320xi32, #tpu.memory_space<vmem>>[vector<16xi32>], vector<16xi32>,
      %get3A_873 = arith.constant 576 : index
      %get3A_874 = tpu.vector_load %arg12[%get3A_873] {strides = array<i32>} : memref<1024xi32, #tpu.memory_space<vmem>>, vector<16xi32>,
      %get3A_875 = arith.constant 576 : index
      %get3A_876 = tpu.vector_load %arg13[%get3A_875] {strides = array<i32>} : memref<1024xi32, #tpu.memory_space<vmem>>, vector<16xi32>,
      %mul3A_877 = arith.constant 12288 : i32
      %mul3A_878 = arith.muli %add3A, %mul3A_877 : i32
      %sub3A_879 = vector.broadcast %mul3A_878 : i32 to vector<16xi32>
      %sub3A_880 = arith.subi %get3A_876, %sub3A_879 : vector<16xi32>
      %ge3A_881 = arith.constant 0 : i32
      %ge3A_882 = vector.broadcast %ge3A_881 : i32 to vector<16xi32>
      %ge3A_883 = arith.cmpi sge, %sub3A_880, %ge3A_882 : vector<16xi32>
      %lt3A_884 = arith.constant 12288 : i32
      %lt3A_885 = vector.broadcast %lt3A_884 : i32 to vector<16xi32>
      %lt3A_886 = arith.cmpi slt, %sub3A_880, %lt3A_885 : vector<16xi32>
      %and3A_887 = arith.andi %ge3A_883, %lt3A_886 : vector<16xi1>
      %jit3A_888 = arith.constant 12304 : i32
      %broadcast_in_dim3A_889 = vector.broadcast %jit3A_888 : i32 to vector<16xi32>
      %select_n3A_890 = arith.select %and3A_887, %sub3A_880, %broadcast_in_dim3A_889 : vector<16xi1>, vector<16xi32>
      %add3A_891 = arith.constant 576 : i32
      %add3A_892 = arith.addi %mul3A_16, %add3A_891 : i32
      %add3A_893 = vector.broadcast %add3A_892 : i32 to vector<16xi32>
      %add3A_894 = arith.addi %add3A_893, %iota3A : vector<16xi32>
      tpu.vector_store_idx %arg14[%select_n3A_890], %add3A_894 : memref<12320xi32, #tpu.memory_space<vmem>>[vector<16xi32>], vector<16xi32>,
      %sub3A_895 = vector.broadcast %mul3A_2 : i32 to vector<16xi32>
      %sub3A_896 = arith.subi %get3A_874, %sub3A_895 : vector<16xi32>
      tpu.vector_store_idx %arg15[%select_n3A_890], %sub3A_896 : memref<12320xi32, #tpu.memory_space<vmem>>[vector<16xi32>], vector<16xi32>,
      %get3A_897 = arith.constant 592 : index
      %get3A_898 = tpu.vector_load %arg12[%get3A_897] {strides = array<i32>} : memref<1024xi32, #tpu.memory_space<vmem>>, vector<16xi32>,
      %get3A_899 = arith.constant 592 : index
      %get3A_900 = tpu.vector_load %arg13[%get3A_899] {strides = array<i32>} : memref<1024xi32, #tpu.memory_space<vmem>>, vector<16xi32>,
      %mul3A_901 = arith.constant 12288 : i32
      %mul3A_902 = arith.muli %add3A, %mul3A_901 : i32
      %sub3A_903 = vector.broadcast %mul3A_902 : i32 to vector<16xi32>
      %sub3A_904 = arith.subi %get3A_900, %sub3A_903 : vector<16xi32>
      %ge3A_905 = arith.constant 0 : i32
      %ge3A_906 = vector.broadcast %ge3A_905 : i32 to vector<16xi32>
      %ge3A_907 = arith.cmpi sge, %sub3A_904, %ge3A_906 : vector<16xi32>
      %lt3A_908 = arith.constant 12288 : i32
      %lt3A_909 = vector.broadcast %lt3A_908 : i32 to vector<16xi32>
      %lt3A_910 = arith.cmpi slt, %sub3A_904, %lt3A_909 : vector<16xi32>
      %and3A_911 = arith.andi %ge3A_907, %lt3A_910 : vector<16xi1>
      %jit3A_912 = arith.constant 12304 : i32
      %broadcast_in_dim3A_913 = vector.broadcast %jit3A_912 : i32 to vector<16xi32>
      %select_n3A_914 = arith.select %and3A_911, %sub3A_904, %broadcast_in_dim3A_913 : vector<16xi1>, vector<16xi32>
      %add3A_915 = arith.constant 592 : i32
      %add3A_916 = arith.addi %mul3A_16, %add3A_915 : i32
      %add3A_917 = vector.broadcast %add3A_916 : i32 to vector<16xi32>
      %add3A_918 = arith.addi %add3A_917, %iota3A : vector<16xi32>
      tpu.vector_store_idx %arg14[%select_n3A_914], %add3A_918 : memref<12320xi32, #tpu.memory_space<vmem>>[vector<16xi32>], vector<16xi32>,
      %sub3A_919 = vector.broadcast %mul3A_2 : i32 to vector<16xi32>
      %sub3A_920 = arith.subi %get3A_898, %sub3A_919 : vector<16xi32>
      tpu.vector_store_idx %arg15[%select_n3A_914], %sub3A_920 : memref<12320xi32, #tpu.memory_space<vmem>>[vector<16xi32>], vector<16xi32>,
      %get3A_921 = arith.constant 608 : index
      %get3A_922 = tpu.vector_load %arg12[%get3A_921] {strides = array<i32>} : memref<1024xi32, #tpu.memory_space<vmem>>, vector<16xi32>,
      %get3A_923 = arith.constant 608 : index
      %get3A_924 = tpu.vector_load %arg13[%get3A_923] {strides = array<i32>} : memref<1024xi32, #tpu.memory_space<vmem>>, vector<16xi32>,
      %mul3A_925 = arith.constant 12288 : i32
      %mul3A_926 = arith.muli %add3A, %mul3A_925 : i32
      %sub3A_927 = vector.broadcast %mul3A_926 : i32 to vector<16xi32>
      %sub3A_928 = arith.subi %get3A_924, %sub3A_927 : vector<16xi32>
      %ge3A_929 = arith.constant 0 : i32
      %ge3A_930 = vector.broadcast %ge3A_929 : i32 to vector<16xi32>
      %ge3A_931 = arith.cmpi sge, %sub3A_928, %ge3A_930 : vector<16xi32>
      %lt3A_932 = arith.constant 12288 : i32
      %lt3A_933 = vector.broadcast %lt3A_932 : i32 to vector<16xi32>
      %lt3A_934 = arith.cmpi slt, %sub3A_928, %lt3A_933 : vector<16xi32>
      %and3A_935 = arith.andi %ge3A_931, %lt3A_934 : vector<16xi1>
      %jit3A_936 = arith.constant 12304 : i32
      %broadcast_in_dim3A_937 = vector.broadcast %jit3A_936 : i32 to vector<16xi32>
      %select_n3A_938 = arith.select %and3A_935, %sub3A_928, %broadcast_in_dim3A_937 : vector<16xi1>, vector<16xi32>
      %add3A_939 = arith.constant 608 : i32
      %add3A_940 = arith.addi %mul3A_16, %add3A_939 : i32
      %add3A_941 = vector.broadcast %add3A_940 : i32 to vector<16xi32>
      %add3A_942 = arith.addi %add3A_941, %iota3A : vector<16xi32>
      tpu.vector_store_idx %arg14[%select_n3A_938], %add3A_942 : memref<12320xi32, #tpu.memory_space<vmem>>[vector<16xi32>], vector<16xi32>,
      %sub3A_943 = vector.broadcast %mul3A_2 : i32 to vector<16xi32>
      %sub3A_944 = arith.subi %get3A_922, %sub3A_943 : vector<16xi32>
      tpu.vector_store_idx %arg15[%select_n3A_938], %sub3A_944 : memref<12320xi32, #tpu.memory_space<vmem>>[vector<16xi32>], vector<16xi32>,
      %get3A_945 = arith.constant 624 : index
      %get3A_946 = tpu.vector_load %arg12[%get3A_945] {strides = array<i32>} : memref<1024xi32, #tpu.memory_space<vmem>>, vector<16xi32>,
      %get3A_947 = arith.constant 624 : index
      %get3A_948 = tpu.vector_load %arg13[%get3A_947] {strides = array<i32>} : memref<1024xi32, #tpu.memory_space<vmem>>, vector<16xi32>,
      %mul3A_949 = arith.constant 12288 : i32
      %mul3A_950 = arith.muli %add3A, %mul3A_949 : i32
      %sub3A_951 = vector.broadcast %mul3A_950 : i32 to vector<16xi32>
      %sub3A_952 = arith.subi %get3A_948, %sub3A_951 : vector<16xi32>
      %ge3A_953 = arith.constant 0 : i32
      %ge3A_954 = vector.broadcast %ge3A_953 : i32 to vector<16xi32>
      %ge3A_955 = arith.cmpi sge, %sub3A_952, %ge3A_954 : vector<16xi32>
      %lt3A_956 = arith.constant 12288 : i32
      %lt3A_957 = vector.broadcast %lt3A_956 : i32 to vector<16xi32>
      %lt3A_958 = arith.cmpi slt, %sub3A_952, %lt3A_957 : vector<16xi32>
      %and3A_959 = arith.andi %ge3A_955, %lt3A_958 : vector<16xi1>
      %jit3A_960 = arith.constant 12304 : i32
      %broadcast_in_dim3A_961 = vector.broadcast %jit3A_960 : i32 to vector<16xi32>
      %select_n3A_962 = arith.select %and3A_959, %sub3A_952, %broadcast_in_dim3A_961 : vector<16xi1>, vector<16xi32>
      %add3A_963 = arith.constant 624 : i32
      %add3A_964 = arith.addi %mul3A_16, %add3A_963 : i32
      %add3A_965 = vector.broadcast %add3A_964 : i32 to vector<16xi32>
      %add3A_966 = arith.addi %add3A_965, %iota3A : vector<16xi32>
      tpu.vector_store_idx %arg14[%select_n3A_962], %add3A_966 : memref<12320xi32, #tpu.memory_space<vmem>>[vector<16xi32>], vector<16xi32>,
      %sub3A_967 = vector.broadcast %mul3A_2 : i32 to vector<16xi32>
      %sub3A_968 = arith.subi %get3A_946, %sub3A_967 : vector<16xi32>
      tpu.vector_store_idx %arg15[%select_n3A_962], %sub3A_968 : memref<12320xi32, #tpu.memory_space<vmem>>[vector<16xi32>], vector<16xi32>,
      %get3A_969 = arith.constant 640 : index
      %get3A_970 = tpu.vector_load %arg12[%get3A_969] {strides = array<i32>} : memref<1024xi32, #tpu.memory_space<vmem>>, vector<16xi32>,
      %get3A_971 = arith.constant 640 : index
      %get3A_972 = tpu.vector_load %arg13[%get3A_971] {strides = array<i32>} : memref<1024xi32, #tpu.memory_space<vmem>>, vector<16xi32>,
      %mul3A_973 = arith.constant 12288 : i32
      %mul3A_974 = arith.muli %add3A, %mul3A_973 : i32
      %sub3A_975 = vector.broadcast %mul3A_974 : i32 to vector<16xi32>
      %sub3A_976 = arith.subi %get3A_972, %sub3A_975 : vector<16xi32>
      %ge3A_977 = arith.constant 0 : i32
      %ge3A_978 = vector.broadcast %ge3A_977 : i32 to vector<16xi32>
      %ge3A_979 = arith.cmpi sge, %sub3A_976, %ge3A_978 : vector<16xi32>
      %lt3A_980 = arith.constant 12288 : i32
      %lt3A_981 = vector.broadcast %lt3A_980 : i32 to vector<16xi32>
      %lt3A_982 = arith.cmpi slt, %sub3A_976, %lt3A_981 : vector<16xi32>
      %and3A_983 = arith.andi %ge3A_979, %lt3A_982 : vector<16xi1>
      %jit3A_984 = arith.constant 12304 : i32
      %broadcast_in_dim3A_985 = vector.broadcast %jit3A_984 : i32 to vector<16xi32>
      %select_n3A_986 = arith.select %and3A_983, %sub3A_976, %broadcast_in_dim3A_985 : vector<16xi1>, vector<16xi32>
      %add3A_987 = arith.constant 640 : i32
      %add3A_988 = arith.addi %mul3A_16, %add3A_987 : i32
      %add3A_989 = vector.broadcast %add3A_988 : i32 to vector<16xi32>
      %add3A_990 = arith.addi %add3A_989, %iota3A : vector<16xi32>
      tpu.vector_store_idx %arg14[%select_n3A_986], %add3A_990 : memref<12320xi32, #tpu.memory_space<vmem>>[vector<16xi32>], vector<16xi32>,
      %sub3A_991 = vector.broadcast %mul3A_2 : i32 to vector<16xi32>
      %sub3A_992 = arith.subi %get3A_970, %sub3A_991 : vector<16xi32>
      tpu.vector_store_idx %arg15[%select_n3A_986], %sub3A_992 : memref<12320xi32, #tpu.memory_space<vmem>>[vector<16xi32>], vector<16xi32>,
      %get3A_993 = arith.constant 656 : index
      %get3A_994 = tpu.vector_load %arg12[%get3A_993] {strides = array<i32>} : memref<1024xi32, #tpu.memory_space<vmem>>, vector<16xi32>,
      %get3A_995 = arith.constant 656 : index
      %get3A_996 = tpu.vector_load %arg13[%get3A_995] {strides = array<i32>} : memref<1024xi32, #tpu.memory_space<vmem>>, vector<16xi32>,
      %mul3A_997 = arith.constant 12288 : i32
      %mul3A_998 = arith.muli %add3A, %mul3A_997 : i32
      %sub3A_999 = vector.broadcast %mul3A_998 : i32 to vector<16xi32>
      %sub3A_1000 = arith.subi %get3A_996, %sub3A_999 : vector<16xi32>
      %ge3A_1001 = arith.constant 0 : i32
      %ge3A_1002 = vector.broadcast %ge3A_1001 : i32 to vector<16xi32>
      %ge3A_1003 = arith.cmpi sge, %sub3A_1000, %ge3A_1002 : vector<16xi32>
      %lt3A_1004 = arith.constant 12288 : i32
      %lt3A_1005 = vector.broadcast %lt3A_1004 : i32 to vector<16xi32>
      %lt3A_1006 = arith.cmpi slt, %sub3A_1000, %lt3A_1005 : vector<16xi32>
      %and3A_1007 = arith.andi %ge3A_1003, %lt3A_1006 : vector<16xi1>
      %jit3A_1008 = arith.constant 12304 : i32
      %broadcast_in_dim3A_1009 = vector.broadcast %jit3A_1008 : i32 to vector<16xi32>
      %select_n3A_1010 = arith.select %and3A_1007, %sub3A_1000, %broadcast_in_dim3A_1009 : vector<16xi1>, vector<16xi32>
      %add3A_1011 = arith.constant 656 : i32
      %add3A_1012 = arith.addi %mul3A_16, %add3A_1011 : i32
      %add3A_1013 = vector.broadcast %add3A_1012 : i32 to vector<16xi32>
      %add3A_1014 = arith.addi %add3A_1013, %iota3A : vector<16xi32>
      tpu.vector_store_idx %arg14[%select_n3A_1010], %add3A_1014 : memref<12320xi32, #tpu.memory_space<vmem>>[vector<16xi32>], vector<16xi32>,
      %sub3A_1015 = vector.broadcast %mul3A_2 : i32 to vector<16xi32>
      %sub3A_1016 = arith.subi %get3A_994, %sub3A_1015 : vector<16xi32>
      tpu.vector_store_idx %arg15[%select_n3A_1010], %sub3A_1016 : memref<12320xi32, #tpu.memory_space<vmem>>[vector<16xi32>], vector<16xi32>,
      %get3A_1017 = arith.constant 672 : index
      %get3A_1018 = tpu.vector_load %arg12[%get3A_1017] {strides = array<i32>} : memref<1024xi32, #tpu.memory_space<vmem>>, vector<16xi32>,
      %get3A_1019 = arith.constant 672 : index
      %get3A_1020 = tpu.vector_load %arg13[%get3A_1019] {strides = array<i32>} : memref<1024xi32, #tpu.memory_space<vmem>>, vector<16xi32>,
      %mul3A_1021 = arith.constant 12288 : i32
      %mul3A_1022 = arith.muli %add3A, %mul3A_1021 : i32
      %sub3A_1023 = vector.broadcast %mul3A_1022 : i32 to vector<16xi32>
      %sub3A_1024 = arith.subi %get3A_1020, %sub3A_1023 : vector<16xi32>
      %ge3A_1025 = arith.constant 0 : i32
      %ge3A_1026 = vector.broadcast %ge3A_1025 : i32 to vector<16xi32>
      %ge3A_1027 = arith.cmpi sge, %sub3A_1024, %ge3A_1026 : vector<16xi32>
      %lt3A_1028 = arith.constant 12288 : i32
      %lt3A_1029 = vector.broadcast %lt3A_1028 : i32 to vector<16xi32>
      %lt3A_1030 = arith.cmpi slt, %sub3A_1024, %lt3A_1029 : vector<16xi32>
      %and3A_1031 = arith.andi %ge3A_1027, %lt3A_1030 : vector<16xi1>
      %jit3A_1032 = arith.constant 12304 : i32
      %broadcast_in_dim3A_1033 = vector.broadcast %jit3A_1032 : i32 to vector<16xi32>
      %select_n3A_1034 = arith.select %and3A_1031, %sub3A_1024, %broadcast_in_dim3A_1033 : vector<16xi1>, vector<16xi32>
      %add3A_1035 = arith.constant 672 : i32
      %add3A_1036 = arith.addi %mul3A_16, %add3A_1035 : i32
      %add3A_1037 = vector.broadcast %add3A_1036 : i32 to vector<16xi32>
      %add3A_1038 = arith.addi %add3A_1037, %iota3A : vector<16xi32>
      tpu.vector_store_idx %arg14[%select_n3A_1034], %add3A_1038 : memref<12320xi32, #tpu.memory_space<vmem>>[vector<16xi32>], vector<16xi32>,
      %sub3A_1039 = vector.broadcast %mul3A_2 : i32 to vector<16xi32>
      %sub3A_1040 = arith.subi %get3A_1018, %sub3A_1039 : vector<16xi32>
      tpu.vector_store_idx %arg15[%select_n3A_1034], %sub3A_1040 : memref<12320xi32, #tpu.memory_space<vmem>>[vector<16xi32>], vector<16xi32>,
      %get3A_1041 = arith.constant 688 : index
      %get3A_1042 = tpu.vector_load %arg12[%get3A_1041] {strides = array<i32>} : memref<1024xi32, #tpu.memory_space<vmem>>, vector<16xi32>,
      %get3A_1043 = arith.constant 688 : index
      %get3A_1044 = tpu.vector_load %arg13[%get3A_1043] {strides = array<i32>} : memref<1024xi32, #tpu.memory_space<vmem>>, vector<16xi32>,
      %mul3A_1045 = arith.constant 12288 : i32
      %mul3A_1046 = arith.muli %add3A, %mul3A_1045 : i32
      %sub3A_1047 = vector.broadcast %mul3A_1046 : i32 to vector<16xi32>
      %sub3A_1048 = arith.subi %get3A_1044, %sub3A_1047 : vector<16xi32>
      %ge3A_1049 = arith.constant 0 : i32
      %ge3A_1050 = vector.broadcast %ge3A_1049 : i32 to vector<16xi32>
      %ge3A_1051 = arith.cmpi sge, %sub3A_1048, %ge3A_1050 : vector<16xi32>
      %lt3A_1052 = arith.constant 12288 : i32
      %lt3A_1053 = vector.broadcast %lt3A_1052 : i32 to vector<16xi32>
      %lt3A_1054 = arith.cmpi slt, %sub3A_1048, %lt3A_1053 : vector<16xi32>
      %and3A_1055 = arith.andi %ge3A_1051, %lt3A_1054 : vector<16xi1>
      %jit3A_1056 = arith.constant 12304 : i32
      %broadcast_in_dim3A_1057 = vector.broadcast %jit3A_1056 : i32 to vector<16xi32>
      %select_n3A_1058 = arith.select %and3A_1055, %sub3A_1048, %broadcast_in_dim3A_1057 : vector<16xi1>, vector<16xi32>
      %add3A_1059 = arith.constant 688 : i32
      %add3A_1060 = arith.addi %mul3A_16, %add3A_1059 : i32
      %add3A_1061 = vector.broadcast %add3A_1060 : i32 to vector<16xi32>
      %add3A_1062 = arith.addi %add3A_1061, %iota3A : vector<16xi32>
      tpu.vector_store_idx %arg14[%select_n3A_1058], %add3A_1062 : memref<12320xi32, #tpu.memory_space<vmem>>[vector<16xi32>], vector<16xi32>,
      %sub3A_1063 = vector.broadcast %mul3A_2 : i32 to vector<16xi32>
      %sub3A_1064 = arith.subi %get3A_1042, %sub3A_1063 : vector<16xi32>
      tpu.vector_store_idx %arg15[%select_n3A_1058], %sub3A_1064 : memref<12320xi32, #tpu.memory_space<vmem>>[vector<16xi32>], vector<16xi32>,
      %get3A_1065 = arith.constant 704 : index
      %get3A_1066 = tpu.vector_load %arg12[%get3A_1065] {strides = array<i32>} : memref<1024xi32, #tpu.memory_space<vmem>>, vector<16xi32>,
      %get3A_1067 = arith.constant 704 : index
      %get3A_1068 = tpu.vector_load %arg13[%get3A_1067] {strides = array<i32>} : memref<1024xi32, #tpu.memory_space<vmem>>, vector<16xi32>,
      %mul3A_1069 = arith.constant 12288 : i32
      %mul3A_1070 = arith.muli %add3A, %mul3A_1069 : i32
      %sub3A_1071 = vector.broadcast %mul3A_1070 : i32 to vector<16xi32>
      %sub3A_1072 = arith.subi %get3A_1068, %sub3A_1071 : vector<16xi32>
      %ge3A_1073 = arith.constant 0 : i32
      %ge3A_1074 = vector.broadcast %ge3A_1073 : i32 to vector<16xi32>
      %ge3A_1075 = arith.cmpi sge, %sub3A_1072, %ge3A_1074 : vector<16xi32>
      %lt3A_1076 = arith.constant 12288 : i32
      %lt3A_1077 = vector.broadcast %lt3A_1076 : i32 to vector<16xi32>
      %lt3A_1078 = arith.cmpi slt, %sub3A_1072, %lt3A_1077 : vector<16xi32>
      %and3A_1079 = arith.andi %ge3A_1075, %lt3A_1078 : vector<16xi1>
      %jit3A_1080 = arith.constant 12304 : i32
      %broadcast_in_dim3A_1081 = vector.broadcast %jit3A_1080 : i32 to vector<16xi32>
      %select_n3A_1082 = arith.select %and3A_1079, %sub3A_1072, %broadcast_in_dim3A_1081 : vector<16xi1>, vector<16xi32>
      %add3A_1083 = arith.constant 704 : i32
      %add3A_1084 = arith.addi %mul3A_16, %add3A_1083 : i32
      %add3A_1085 = vector.broadcast %add3A_1084 : i32 to vector<16xi32>
      %add3A_1086 = arith.addi %add3A_1085, %iota3A : vector<16xi32>
      tpu.vector_store_idx %arg14[%select_n3A_1082], %add3A_1086 : memref<12320xi32, #tpu.memory_space<vmem>>[vector<16xi32>], vector<16xi32>,
      %sub3A_1087 = vector.broadcast %mul3A_2 : i32 to vector<16xi32>
      %sub3A_1088 = arith.subi %get3A_1066, %sub3A_1087 : vector<16xi32>
      tpu.vector_store_idx %arg15[%select_n3A_1082], %sub3A_1088 : memref<12320xi32, #tpu.memory_space<vmem>>[vector<16xi32>], vector<16xi32>,
      %get3A_1089 = arith.constant 720 : index
      %get3A_1090 = tpu.vector_load %arg12[%get3A_1089] {strides = array<i32>} : memref<1024xi32, #tpu.memory_space<vmem>>, vector<16xi32>,
      %get3A_1091 = arith.constant 720 : index
      %get3A_1092 = tpu.vector_load %arg13[%get3A_1091] {strides = array<i32>} : memref<1024xi32, #tpu.memory_space<vmem>>, vector<16xi32>,
      %mul3A_1093 = arith.constant 12288 : i32
      %mul3A_1094 = arith.muli %add3A, %mul3A_1093 : i32
      %sub3A_1095 = vector.broadcast %mul3A_1094 : i32 to vector<16xi32>
      %sub3A_1096 = arith.subi %get3A_1092, %sub3A_1095 : vector<16xi32>
      %ge3A_1097 = arith.constant 0 : i32
      %ge3A_1098 = vector.broadcast %ge3A_1097 : i32 to vector<16xi32>
      %ge3A_1099 = arith.cmpi sge, %sub3A_1096, %ge3A_1098 : vector<16xi32>
      %lt3A_1100 = arith.constant 12288 : i32
      %lt3A_1101 = vector.broadcast %lt3A_1100 : i32 to vector<16xi32>
      %lt3A_1102 = arith.cmpi slt, %sub3A_1096, %lt3A_1101 : vector<16xi32>
      %and3A_1103 = arith.andi %ge3A_1099, %lt3A_1102 : vector<16xi1>
      %jit3A_1104 = arith.constant 12304 : i32
      %broadcast_in_dim3A_1105 = vector.broadcast %jit3A_1104 : i32 to vector<16xi32>
      %select_n3A_1106 = arith.select %and3A_1103, %sub3A_1096, %broadcast_in_dim3A_1105 : vector<16xi1>, vector<16xi32>
      %add3A_1107 = arith.constant 720 : i32
      %add3A_1108 = arith.addi %mul3A_16, %add3A_1107 : i32
      %add3A_1109 = vector.broadcast %add3A_1108 : i32 to vector<16xi32>
      %add3A_1110 = arith.addi %add3A_1109, %iota3A : vector<16xi32>
      tpu.vector_store_idx %arg14[%select_n3A_1106], %add3A_1110 : memref<12320xi32, #tpu.memory_space<vmem>>[vector<16xi32>], vector<16xi32>,
      %sub3A_1111 = vector.broadcast %mul3A_2 : i32 to vector<16xi32>
      %sub3A_1112 = arith.subi %get3A_1090, %sub3A_1111 : vector<16xi32>
      tpu.vector_store_idx %arg15[%select_n3A_1106], %sub3A_1112 : memref<12320xi32, #tpu.memory_space<vmem>>[vector<16xi32>], vector<16xi32>,
      %get3A_1113 = arith.constant 736 : index
      %get3A_1114 = tpu.vector_load %arg12[%get3A_1113] {strides = array<i32>} : memref<1024xi32, #tpu.memory_space<vmem>>, vector<16xi32>,
      %get3A_1115 = arith.constant 736 : index
      %get3A_1116 = tpu.vector_load %arg13[%get3A_1115] {strides = array<i32>} : memref<1024xi32, #tpu.memory_space<vmem>>, vector<16xi32>,
      %mul3A_1117 = arith.constant 12288 : i32
      %mul3A_1118 = arith.muli %add3A, %mul3A_1117 : i32
      %sub3A_1119 = vector.broadcast %mul3A_1118 : i32 to vector<16xi32>
      %sub3A_1120 = arith.subi %get3A_1116, %sub3A_1119 : vector<16xi32>
      %ge3A_1121 = arith.constant 0 : i32
      %ge3A_1122 = vector.broadcast %ge3A_1121 : i32 to vector<16xi32>
      %ge3A_1123 = arith.cmpi sge, %sub3A_1120, %ge3A_1122 : vector<16xi32>
      %lt3A_1124 = arith.constant 12288 : i32
      %lt3A_1125 = vector.broadcast %lt3A_1124 : i32 to vector<16xi32>
      %lt3A_1126 = arith.cmpi slt, %sub3A_1120, %lt3A_1125 : vector<16xi32>
      %and3A_1127 = arith.andi %ge3A_1123, %lt3A_1126 : vector<16xi1>
      %jit3A_1128 = arith.constant 12304 : i32
      %broadcast_in_dim3A_1129 = vector.broadcast %jit3A_1128 : i32 to vector<16xi32>
      %select_n3A_1130 = arith.select %and3A_1127, %sub3A_1120, %broadcast_in_dim3A_1129 : vector<16xi1>, vector<16xi32>
      %add3A_1131 = arith.constant 736 : i32
      %add3A_1132 = arith.addi %mul3A_16, %add3A_1131 : i32
      %add3A_1133 = vector.broadcast %add3A_1132 : i32 to vector<16xi32>
      %add3A_1134 = arith.addi %add3A_1133, %iota3A : vector<16xi32>
      tpu.vector_store_idx %arg14[%select_n3A_1130], %add3A_1134 : memref<12320xi32, #tpu.memory_space<vmem>>[vector<16xi32>], vector<16xi32>,
      %sub3A_1135 = vector.broadcast %mul3A_2 : i32 to vector<16xi32>
      %sub3A_1136 = arith.subi %get3A_1114, %sub3A_1135 : vector<16xi32>
      tpu.vector_store_idx %arg15[%select_n3A_1130], %sub3A_1136 : memref<12320xi32, #tpu.memory_space<vmem>>[vector<16xi32>], vector<16xi32>,
      %get3A_1137 = arith.constant 752 : index
      %get3A_1138 = tpu.vector_load %arg12[%get3A_1137] {strides = array<i32>} : memref<1024xi32, #tpu.memory_space<vmem>>, vector<16xi32>,
      %get3A_1139 = arith.constant 752 : index
      %get3A_1140 = tpu.vector_load %arg13[%get3A_1139] {strides = array<i32>} : memref<1024xi32, #tpu.memory_space<vmem>>, vector<16xi32>,
      %mul3A_1141 = arith.constant 12288 : i32
      %mul3A_1142 = arith.muli %add3A, %mul3A_1141 : i32
      %sub3A_1143 = vector.broadcast %mul3A_1142 : i32 to vector<16xi32>
      %sub3A_1144 = arith.subi %get3A_1140, %sub3A_1143 : vector<16xi32>
      %ge3A_1145 = arith.constant 0 : i32
      %ge3A_1146 = vector.broadcast %ge3A_1145 : i32 to vector<16xi32>
      %ge3A_1147 = arith.cmpi sge, %sub3A_1144, %ge3A_1146 : vector<16xi32>
      %lt3A_1148 = arith.constant 12288 : i32
      %lt3A_1149 = vector.broadcast %lt3A_1148 : i32 to vector<16xi32>
      %lt3A_1150 = arith.cmpi slt, %sub3A_1144, %lt3A_1149 : vector<16xi32>
      %and3A_1151 = arith.andi %ge3A_1147, %lt3A_1150 : vector<16xi1>
      %jit3A_1152 = arith.constant 12304 : i32
      %broadcast_in_dim3A_1153 = vector.broadcast %jit3A_1152 : i32 to vector<16xi32>
      %select_n3A_1154 = arith.select %and3A_1151, %sub3A_1144, %broadcast_in_dim3A_1153 : vector<16xi1>, vector<16xi32>
      %add3A_1155 = arith.constant 752 : i32
      %add3A_1156 = arith.addi %mul3A_16, %add3A_1155 : i32
      %add3A_1157 = vector.broadcast %add3A_1156 : i32 to vector<16xi32>
      %add3A_1158 = arith.addi %add3A_1157, %iota3A : vector<16xi32>
      tpu.vector_store_idx %arg14[%select_n3A_1154], %add3A_1158 : memref<12320xi32, #tpu.memory_space<vmem>>[vector<16xi32>], vector<16xi32>,
      %sub3A_1159 = vector.broadcast %mul3A_2 : i32 to vector<16xi32>
      %sub3A_1160 = arith.subi %get3A_1138, %sub3A_1159 : vector<16xi32>
      tpu.vector_store_idx %arg15[%select_n3A_1154], %sub3A_1160 : memref<12320xi32, #tpu.memory_space<vmem>>[vector<16xi32>], vector<16xi32>,
      %get3A_1161 = arith.constant 768 : index
      %get3A_1162 = tpu.vector_load %arg12[%get3A_1161] {strides = array<i32>} : memref<1024xi32, #tpu.memory_space<vmem>>, vector<16xi32>,
      %get3A_1163 = arith.constant 768 : index
      %get3A_1164 = tpu.vector_load %arg13[%get3A_1163] {strides = array<i32>} : memref<1024xi32, #tpu.memory_space<vmem>>, vector<16xi32>,
      %mul3A_1165 = arith.constant 12288 : i32
      %mul3A_1166 = arith.muli %add3A, %mul3A_1165 : i32
      %sub3A_1167 = vector.broadcast %mul3A_1166 : i32 to vector<16xi32>
      %sub3A_1168 = arith.subi %get3A_1164, %sub3A_1167 : vector<16xi32>
      %ge3A_1169 = arith.constant 0 : i32
      %ge3A_1170 = vector.broadcast %ge3A_1169 : i32 to vector<16xi32>
      %ge3A_1171 = arith.cmpi sge, %sub3A_1168, %ge3A_1170 : vector<16xi32>
      %lt3A_1172 = arith.constant 12288 : i32
      %lt3A_1173 = vector.broadcast %lt3A_1172 : i32 to vector<16xi32>
      %lt3A_1174 = arith.cmpi slt, %sub3A_1168, %lt3A_1173 : vector<16xi32>
      %and3A_1175 = arith.andi %ge3A_1171, %lt3A_1174 : vector<16xi1>
      %jit3A_1176 = arith.constant 12304 : i32
      %broadcast_in_dim3A_1177 = vector.broadcast %jit3A_1176 : i32 to vector<16xi32>
      %select_n3A_1178 = arith.select %and3A_1175, %sub3A_1168, %broadcast_in_dim3A_1177 : vector<16xi1>, vector<16xi32>
      %add3A_1179 = arith.constant 768 : i32
      %add3A_1180 = arith.addi %mul3A_16, %add3A_1179 : i32
      %add3A_1181 = vector.broadcast %add3A_1180 : i32 to vector<16xi32>
      %add3A_1182 = arith.addi %add3A_1181, %iota3A : vector<16xi32>
      tpu.vector_store_idx %arg14[%select_n3A_1178], %add3A_1182 : memref<12320xi32, #tpu.memory_space<vmem>>[vector<16xi32>], vector<16xi32>,
      %sub3A_1183 = vector.broadcast %mul3A_2 : i32 to vector<16xi32>
      %sub3A_1184 = arith.subi %get3A_1162, %sub3A_1183 : vector<16xi32>
      tpu.vector_store_idx %arg15[%select_n3A_1178], %sub3A_1184 : memref<12320xi32, #tpu.memory_space<vmem>>[vector<16xi32>], vector<16xi32>,
      %get3A_1185 = arith.constant 784 : index
      %get3A_1186 = tpu.vector_load %arg12[%get3A_1185] {strides = array<i32>} : memref<1024xi32, #tpu.memory_space<vmem>>, vector<16xi32>,
      %get3A_1187 = arith.constant 784 : index
      %get3A_1188 = tpu.vector_load %arg13[%get3A_1187] {strides = array<i32>} : memref<1024xi32, #tpu.memory_space<vmem>>, vector<16xi32>,
      %mul3A_1189 = arith.constant 12288 : i32
      %mul3A_1190 = arith.muli %add3A, %mul3A_1189 : i32
      %sub3A_1191 = vector.broadcast %mul3A_1190 : i32 to vector<16xi32>
      %sub3A_1192 = arith.subi %get3A_1188, %sub3A_1191 : vector<16xi32>
      %ge3A_1193 = arith.constant 0 : i32
      %ge3A_1194 = vector.broadcast %ge3A_1193 : i32 to vector<16xi32>
      %ge3A_1195 = arith.cmpi sge, %sub3A_1192, %ge3A_1194 : vector<16xi32>
      %lt3A_1196 = arith.constant 12288 : i32
      %lt3A_1197 = vector.broadcast %lt3A_1196 : i32 to vector<16xi32>
      %lt3A_1198 = arith.cmpi slt, %sub3A_1192, %lt3A_1197 : vector<16xi32>
      %and3A_1199 = arith.andi %ge3A_1195, %lt3A_1198 : vector<16xi1>
      %jit3A_1200 = arith.constant 12304 : i32
      %broadcast_in_dim3A_1201 = vector.broadcast %jit3A_1200 : i32 to vector<16xi32>
      %select_n3A_1202 = arith.select %and3A_1199, %sub3A_1192, %broadcast_in_dim3A_1201 : vector<16xi1>, vector<16xi32>
      %add3A_1203 = arith.constant 784 : i32
      %add3A_1204 = arith.addi %mul3A_16, %add3A_1203 : i32
      %add3A_1205 = vector.broadcast %add3A_1204 : i32 to vector<16xi32>
      %add3A_1206 = arith.addi %add3A_1205, %iota3A : vector<16xi32>
      tpu.vector_store_idx %arg14[%select_n3A_1202], %add3A_1206 : memref<12320xi32, #tpu.memory_space<vmem>>[vector<16xi32>], vector<16xi32>,
      %sub3A_1207 = vector.broadcast %mul3A_2 : i32 to vector<16xi32>
      %sub3A_1208 = arith.subi %get3A_1186, %sub3A_1207 : vector<16xi32>
      tpu.vector_store_idx %arg15[%select_n3A_1202], %sub3A_1208 : memref<12320xi32, #tpu.memory_space<vmem>>[vector<16xi32>], vector<16xi32>,
      %get3A_1209 = arith.constant 800 : index
      %get3A_1210 = tpu.vector_load %arg12[%get3A_1209] {strides = array<i32>} : memref<1024xi32, #tpu.memory_space<vmem>>, vector<16xi32>,
      %get3A_1211 = arith.constant 800 : index
      %get3A_1212 = tpu.vector_load %arg13[%get3A_1211] {strides = array<i32>} : memref<1024xi32, #tpu.memory_space<vmem>>, vector<16xi32>,
      %mul3A_1213 = arith.constant 12288 : i32
      %mul3A_1214 = arith.muli %add3A, %mul3A_1213 : i32
      %sub3A_1215 = vector.broadcast %mul3A_1214 : i32 to vector<16xi32>
      %sub3A_1216 = arith.subi %get3A_1212, %sub3A_1215 : vector<16xi32>
      %ge3A_1217 = arith.constant 0 : i32
      %ge3A_1218 = vector.broadcast %ge3A_1217 : i32 to vector<16xi32>
      %ge3A_1219 = arith.cmpi sge, %sub3A_1216, %ge3A_1218 : vector<16xi32>
      %lt3A_1220 = arith.constant 12288 : i32
      %lt3A_1221 = vector.broadcast %lt3A_1220 : i32 to vector<16xi32>
      %lt3A_1222 = arith.cmpi slt, %sub3A_1216, %lt3A_1221 : vector<16xi32>
      %and3A_1223 = arith.andi %ge3A_1219, %lt3A_1222 : vector<16xi1>
      %jit3A_1224 = arith.constant 12304 : i32
      %broadcast_in_dim3A_1225 = vector.broadcast %jit3A_1224 : i32 to vector<16xi32>
      %select_n3A_1226 = arith.select %and3A_1223, %sub3A_1216, %broadcast_in_dim3A_1225 : vector<16xi1>, vector<16xi32>
      %add3A_1227 = arith.constant 800 : i32
      %add3A_1228 = arith.addi %mul3A_16, %add3A_1227 : i32
      %add3A_1229 = vector.broadcast %add3A_1228 : i32 to vector<16xi32>
      %add3A_1230 = arith.addi %add3A_1229, %iota3A : vector<16xi32>
      tpu.vector_store_idx %arg14[%select_n3A_1226], %add3A_1230 : memref<12320xi32, #tpu.memory_space<vmem>>[vector<16xi32>], vector<16xi32>,
      %sub3A_1231 = vector.broadcast %mul3A_2 : i32 to vector<16xi32>
      %sub3A_1232 = arith.subi %get3A_1210, %sub3A_1231 : vector<16xi32>
      tpu.vector_store_idx %arg15[%select_n3A_1226], %sub3A_1232 : memref<12320xi32, #tpu.memory_space<vmem>>[vector<16xi32>], vector<16xi32>,
      %get3A_1233 = arith.constant 816 : index
      %get3A_1234 = tpu.vector_load %arg12[%get3A_1233] {strides = array<i32>} : memref<1024xi32, #tpu.memory_space<vmem>>, vector<16xi32>,
      %get3A_1235 = arith.constant 816 : index
      %get3A_1236 = tpu.vector_load %arg13[%get3A_1235] {strides = array<i32>} : memref<1024xi32, #tpu.memory_space<vmem>>, vector<16xi32>,
      %mul3A_1237 = arith.constant 12288 : i32
      %mul3A_1238 = arith.muli %add3A, %mul3A_1237 : i32
      %sub3A_1239 = vector.broadcast %mul3A_1238 : i32 to vector<16xi32>
      %sub3A_1240 = arith.subi %get3A_1236, %sub3A_1239 : vector<16xi32>
      %ge3A_1241 = arith.constant 0 : i32
      %ge3A_1242 = vector.broadcast %ge3A_1241 : i32 to vector<16xi32>
      %ge3A_1243 = arith.cmpi sge, %sub3A_1240, %ge3A_1242 : vector<16xi32>
      %lt3A_1244 = arith.constant 12288 : i32
      %lt3A_1245 = vector.broadcast %lt3A_1244 : i32 to vector<16xi32>
      %lt3A_1246 = arith.cmpi slt, %sub3A_1240, %lt3A_1245 : vector<16xi32>
      %and3A_1247 = arith.andi %ge3A_1243, %lt3A_1246 : vector<16xi1>
      %jit3A_1248 = arith.constant 12304 : i32
      %broadcast_in_dim3A_1249 = vector.broadcast %jit3A_1248 : i32 to vector<16xi32>
      %select_n3A_1250 = arith.select %and3A_1247, %sub3A_1240, %broadcast_in_dim3A_1249 : vector<16xi1>, vector<16xi32>
      %add3A_1251 = arith.constant 816 : i32
      %add3A_1252 = arith.addi %mul3A_16, %add3A_1251 : i32
      %add3A_1253 = vector.broadcast %add3A_1252 : i32 to vector<16xi32>
      %add3A_1254 = arith.addi %add3A_1253, %iota3A : vector<16xi32>
      tpu.vector_store_idx %arg14[%select_n3A_1250], %add3A_1254 : memref<12320xi32, #tpu.memory_space<vmem>>[vector<16xi32>], vector<16xi32>,
      %sub3A_1255 = vector.broadcast %mul3A_2 : i32 to vector<16xi32>
      %sub3A_1256 = arith.subi %get3A_1234, %sub3A_1255 : vector<16xi32>
      tpu.vector_store_idx %arg15[%select_n3A_1250], %sub3A_1256 : memref<12320xi32, #tpu.memory_space<vmem>>[vector<16xi32>], vector<16xi32>,
      %get3A_1257 = arith.constant 832 : index
      %get3A_1258 = tpu.vector_load %arg12[%get3A_1257] {strides = array<i32>} : memref<1024xi32, #tpu.memory_space<vmem>>, vector<16xi32>,
      %get3A_1259 = arith.constant 832 : index
      %get3A_1260 = tpu.vector_load %arg13[%get3A_1259] {strides = array<i32>} : memref<1024xi32, #tpu.memory_space<vmem>>, vector<16xi32>,
      %mul3A_1261 = arith.constant 12288 : i32
      %mul3A_1262 = arith.muli %add3A, %mul3A_1261 : i32
      %sub3A_1263 = vector.broadcast %mul3A_1262 : i32 to vector<16xi32>
      %sub3A_1264 = arith.subi %get3A_1260, %sub3A_1263 : vector<16xi32>
      %ge3A_1265 = arith.constant 0 : i32
      %ge3A_1266 = vector.broadcast %ge3A_1265 : i32 to vector<16xi32>
      %ge3A_1267 = arith.cmpi sge, %sub3A_1264, %ge3A_1266 : vector<16xi32>
      %lt3A_1268 = arith.constant 12288 : i32
      %lt3A_1269 = vector.broadcast %lt3A_1268 : i32 to vector<16xi32>
      %lt3A_1270 = arith.cmpi slt, %sub3A_1264, %lt3A_1269 : vector<16xi32>
      %and3A_1271 = arith.andi %ge3A_1267, %lt3A_1270 : vector<16xi1>
      %jit3A_1272 = arith.constant 12304 : i32
      %broadcast_in_dim3A_1273 = vector.broadcast %jit3A_1272 : i32 to vector<16xi32>
      %select_n3A_1274 = arith.select %and3A_1271, %sub3A_1264, %broadcast_in_dim3A_1273 : vector<16xi1>, vector<16xi32>
      %add3A_1275 = arith.constant 832 : i32
      %add3A_1276 = arith.addi %mul3A_16, %add3A_1275 : i32
      %add3A_1277 = vector.broadcast %add3A_1276 : i32 to vector<16xi32>
      %add3A_1278 = arith.addi %add3A_1277, %iota3A : vector<16xi32>
      tpu.vector_store_idx %arg14[%select_n3A_1274], %add3A_1278 : memref<12320xi32, #tpu.memory_space<vmem>>[vector<16xi32>], vector<16xi32>,
      %sub3A_1279 = vector.broadcast %mul3A_2 : i32 to vector<16xi32>
      %sub3A_1280 = arith.subi %get3A_1258, %sub3A_1279 : vector<16xi32>
      tpu.vector_store_idx %arg15[%select_n3A_1274], %sub3A_1280 : memref<12320xi32, #tpu.memory_space<vmem>>[vector<16xi32>], vector<16xi32>,
      %get3A_1281 = arith.constant 848 : index
      %get3A_1282 = tpu.vector_load %arg12[%get3A_1281] {strides = array<i32>} : memref<1024xi32, #tpu.memory_space<vmem>>, vector<16xi32>,
      %get3A_1283 = arith.constant 848 : index
      %get3A_1284 = tpu.vector_load %arg13[%get3A_1283] {strides = array<i32>} : memref<1024xi32, #tpu.memory_space<vmem>>, vector<16xi32>,
      %mul3A_1285 = arith.constant 12288 : i32
      %mul3A_1286 = arith.muli %add3A, %mul3A_1285 : i32
      %sub3A_1287 = vector.broadcast %mul3A_1286 : i32 to vector<16xi32>
      %sub3A_1288 = arith.subi %get3A_1284, %sub3A_1287 : vector<16xi32>
      %ge3A_1289 = arith.constant 0 : i32
      %ge3A_1290 = vector.broadcast %ge3A_1289 : i32 to vector<16xi32>
      %ge3A_1291 = arith.cmpi sge, %sub3A_1288, %ge3A_1290 : vector<16xi32>
      %lt3A_1292 = arith.constant 12288 : i32
      %lt3A_1293 = vector.broadcast %lt3A_1292 : i32 to vector<16xi32>
      %lt3A_1294 = arith.cmpi slt, %sub3A_1288, %lt3A_1293 : vector<16xi32>
      %and3A_1295 = arith.andi %ge3A_1291, %lt3A_1294 : vector<16xi1>
      %jit3A_1296 = arith.constant 12304 : i32
      %broadcast_in_dim3A_1297 = vector.broadcast %jit3A_1296 : i32 to vector<16xi32>
      %select_n3A_1298 = arith.select %and3A_1295, %sub3A_1288, %broadcast_in_dim3A_1297 : vector<16xi1>, vector<16xi32>
      %add3A_1299 = arith.constant 848 : i32
      %add3A_1300 = arith.addi %mul3A_16, %add3A_1299 : i32
      %add3A_1301 = vector.broadcast %add3A_1300 : i32 to vector<16xi32>
      %add3A_1302 = arith.addi %add3A_1301, %iota3A : vector<16xi32>
      tpu.vector_store_idx %arg14[%select_n3A_1298], %add3A_1302 : memref<12320xi32, #tpu.memory_space<vmem>>[vector<16xi32>], vector<16xi32>,
      %sub3A_1303 = vector.broadcast %mul3A_2 : i32 to vector<16xi32>
      %sub3A_1304 = arith.subi %get3A_1282, %sub3A_1303 : vector<16xi32>
      tpu.vector_store_idx %arg15[%select_n3A_1298], %sub3A_1304 : memref<12320xi32, #tpu.memory_space<vmem>>[vector<16xi32>], vector<16xi32>,
      %get3A_1305 = arith.constant 864 : index
      %get3A_1306 = tpu.vector_load %arg12[%get3A_1305] {strides = array<i32>} : memref<1024xi32, #tpu.memory_space<vmem>>, vector<16xi32>,
      %get3A_1307 = arith.constant 864 : index
      %get3A_1308 = tpu.vector_load %arg13[%get3A_1307] {strides = array<i32>} : memref<1024xi32, #tpu.memory_space<vmem>>, vector<16xi32>,
      %mul3A_1309 = arith.constant 12288 : i32
      %mul3A_1310 = arith.muli %add3A, %mul3A_1309 : i32
      %sub3A_1311 = vector.broadcast %mul3A_1310 : i32 to vector<16xi32>
      %sub3A_1312 = arith.subi %get3A_1308, %sub3A_1311 : vector<16xi32>
      %ge3A_1313 = arith.constant 0 : i32
      %ge3A_1314 = vector.broadcast %ge3A_1313 : i32 to vector<16xi32>
      %ge3A_1315 = arith.cmpi sge, %sub3A_1312, %ge3A_1314 : vector<16xi32>
      %lt3A_1316 = arith.constant 12288 : i32
      %lt3A_1317 = vector.broadcast %lt3A_1316 : i32 to vector<16xi32>
      %lt3A_1318 = arith.cmpi slt, %sub3A_1312, %lt3A_1317 : vector<16xi32>
      %and3A_1319 = arith.andi %ge3A_1315, %lt3A_1318 : vector<16xi1>
      %jit3A_1320 = arith.constant 12304 : i32
      %broadcast_in_dim3A_1321 = vector.broadcast %jit3A_1320 : i32 to vector<16xi32>
      %select_n3A_1322 = arith.select %and3A_1319, %sub3A_1312, %broadcast_in_dim3A_1321 : vector<16xi1>, vector<16xi32>
      %add3A_1323 = arith.constant 864 : i32
      %add3A_1324 = arith.addi %mul3A_16, %add3A_1323 : i32
      %add3A_1325 = vector.broadcast %add3A_1324 : i32 to vector<16xi32>
      %add3A_1326 = arith.addi %add3A_1325, %iota3A : vector<16xi32>
      tpu.vector_store_idx %arg14[%select_n3A_1322], %add3A_1326 : memref<12320xi32, #tpu.memory_space<vmem>>[vector<16xi32>], vector<16xi32>,
      %sub3A_1327 = vector.broadcast %mul3A_2 : i32 to vector<16xi32>
      %sub3A_1328 = arith.subi %get3A_1306, %sub3A_1327 : vector<16xi32>
      tpu.vector_store_idx %arg15[%select_n3A_1322], %sub3A_1328 : memref<12320xi32, #tpu.memory_space<vmem>>[vector<16xi32>], vector<16xi32>,
      %get3A_1329 = arith.constant 880 : index
      %get3A_1330 = tpu.vector_load %arg12[%get3A_1329] {strides = array<i32>} : memref<1024xi32, #tpu.memory_space<vmem>>, vector<16xi32>,
      %get3A_1331 = arith.constant 880 : index
      %get3A_1332 = tpu.vector_load %arg13[%get3A_1331] {strides = array<i32>} : memref<1024xi32, #tpu.memory_space<vmem>>, vector<16xi32>,
      %mul3A_1333 = arith.constant 12288 : i32
      %mul3A_1334 = arith.muli %add3A, %mul3A_1333 : i32
      %sub3A_1335 = vector.broadcast %mul3A_1334 : i32 to vector<16xi32>
      %sub3A_1336 = arith.subi %get3A_1332, %sub3A_1335 : vector<16xi32>
      %ge3A_1337 = arith.constant 0 : i32
      %ge3A_1338 = vector.broadcast %ge3A_1337 : i32 to vector<16xi32>
      %ge3A_1339 = arith.cmpi sge, %sub3A_1336, %ge3A_1338 : vector<16xi32>
      %lt3A_1340 = arith.constant 12288 : i32
      %lt3A_1341 = vector.broadcast %lt3A_1340 : i32 to vector<16xi32>
      %lt3A_1342 = arith.cmpi slt, %sub3A_1336, %lt3A_1341 : vector<16xi32>
      %and3A_1343 = arith.andi %ge3A_1339, %lt3A_1342 : vector<16xi1>
      %jit3A_1344 = arith.constant 12304 : i32
      %broadcast_in_dim3A_1345 = vector.broadcast %jit3A_1344 : i32 to vector<16xi32>
      %select_n3A_1346 = arith.select %and3A_1343, %sub3A_1336, %broadcast_in_dim3A_1345 : vector<16xi1>, vector<16xi32>
      %add3A_1347 = arith.constant 880 : i32
      %add3A_1348 = arith.addi %mul3A_16, %add3A_1347 : i32
      %add3A_1349 = vector.broadcast %add3A_1348 : i32 to vector<16xi32>
      %add3A_1350 = arith.addi %add3A_1349, %iota3A : vector<16xi32>
      tpu.vector_store_idx %arg14[%select_n3A_1346], %add3A_1350 : memref<12320xi32, #tpu.memory_space<vmem>>[vector<16xi32>], vector<16xi32>,
      %sub3A_1351 = vector.broadcast %mul3A_2 : i32 to vector<16xi32>
      %sub3A_1352 = arith.subi %get3A_1330, %sub3A_1351 : vector<16xi32>
      tpu.vector_store_idx %arg15[%select_n3A_1346], %sub3A_1352 : memref<12320xi32, #tpu.memory_space<vmem>>[vector<16xi32>], vector<16xi32>,
      %get3A_1353 = arith.constant 896 : index
      %get3A_1354 = tpu.vector_load %arg12[%get3A_1353] {strides = array<i32>} : memref<1024xi32, #tpu.memory_space<vmem>>, vector<16xi32>,
      %get3A_1355 = arith.constant 896 : index
      %get3A_1356 = tpu.vector_load %arg13[%get3A_1355] {strides = array<i32>} : memref<1024xi32, #tpu.memory_space<vmem>>, vector<16xi32>,
      %mul3A_1357 = arith.constant 12288 : i32
      %mul3A_1358 = arith.muli %add3A, %mul3A_1357 : i32
      %sub3A_1359 = vector.broadcast %mul3A_1358 : i32 to vector<16xi32>
      %sub3A_1360 = arith.subi %get3A_1356, %sub3A_1359 : vector<16xi32>
      %ge3A_1361 = arith.constant 0 : i32
      %ge3A_1362 = vector.broadcast %ge3A_1361 : i32 to vector<16xi32>
      %ge3A_1363 = arith.cmpi sge, %sub3A_1360, %ge3A_1362 : vector<16xi32>
      %lt3A_1364 = arith.constant 12288 : i32
      %lt3A_1365 = vector.broadcast %lt3A_1364 : i32 to vector<16xi32>
      %lt3A_1366 = arith.cmpi slt, %sub3A_1360, %lt3A_1365 : vector<16xi32>
      %and3A_1367 = arith.andi %ge3A_1363, %lt3A_1366 : vector<16xi1>
      %jit3A_1368 = arith.constant 12304 : i32
      %broadcast_in_dim3A_1369 = vector.broadcast %jit3A_1368 : i32 to vector<16xi32>
      %select_n3A_1370 = arith.select %and3A_1367, %sub3A_1360, %broadcast_in_dim3A_1369 : vector<16xi1>, vector<16xi32>
      %add3A_1371 = arith.constant 896 : i32
      %add3A_1372 = arith.addi %mul3A_16, %add3A_1371 : i32
      %add3A_1373 = vector.broadcast %add3A_1372 : i32 to vector<16xi32>
      %add3A_1374 = arith.addi %add3A_1373, %iota3A : vector<16xi32>
      tpu.vector_store_idx %arg14[%select_n3A_1370], %add3A_1374 : memref<12320xi32, #tpu.memory_space<vmem>>[vector<16xi32>], vector<16xi32>,
      %sub3A_1375 = vector.broadcast %mul3A_2 : i32 to vector<16xi32>
      %sub3A_1376 = arith.subi %get3A_1354, %sub3A_1375 : vector<16xi32>
      tpu.vector_store_idx %arg15[%select_n3A_1370], %sub3A_1376 : memref<12320xi32, #tpu.memory_space<vmem>>[vector<16xi32>], vector<16xi32>,
      %get3A_1377 = arith.constant 912 : index
      %get3A_1378 = tpu.vector_load %arg12[%get3A_1377] {strides = array<i32>} : memref<1024xi32, #tpu.memory_space<vmem>>, vector<16xi32>,
      %get3A_1379 = arith.constant 912 : index
      %get3A_1380 = tpu.vector_load %arg13[%get3A_1379] {strides = array<i32>} : memref<1024xi32, #tpu.memory_space<vmem>>, vector<16xi32>,
      %mul3A_1381 = arith.constant 12288 : i32
      %mul3A_1382 = arith.muli %add3A, %mul3A_1381 : i32
      %sub3A_1383 = vector.broadcast %mul3A_1382 : i32 to vector<16xi32>
      %sub3A_1384 = arith.subi %get3A_1380, %sub3A_1383 : vector<16xi32>
      %ge3A_1385 = arith.constant 0 : i32
      %ge3A_1386 = vector.broadcast %ge3A_1385 : i32 to vector<16xi32>
      %ge3A_1387 = arith.cmpi sge, %sub3A_1384, %ge3A_1386 : vector<16xi32>
      %lt3A_1388 = arith.constant 12288 : i32
      %lt3A_1389 = vector.broadcast %lt3A_1388 : i32 to vector<16xi32>
      %lt3A_1390 = arith.cmpi slt, %sub3A_1384, %lt3A_1389 : vector<16xi32>
      %and3A_1391 = arith.andi %ge3A_1387, %lt3A_1390 : vector<16xi1>
      %jit3A_1392 = arith.constant 12304 : i32
      %broadcast_in_dim3A_1393 = vector.broadcast %jit3A_1392 : i32 to vector<16xi32>
      %select_n3A_1394 = arith.select %and3A_1391, %sub3A_1384, %broadcast_in_dim3A_1393 : vector<16xi1>, vector<16xi32>
      %add3A_1395 = arith.constant 912 : i32
      %add3A_1396 = arith.addi %mul3A_16, %add3A_1395 : i32
      %add3A_1397 = vector.broadcast %add3A_1396 : i32 to vector<16xi32>
      %add3A_1398 = arith.addi %add3A_1397, %iota3A : vector<16xi32>
      tpu.vector_store_idx %arg14[%select_n3A_1394], %add3A_1398 : memref<12320xi32, #tpu.memory_space<vmem>>[vector<16xi32>], vector<16xi32>,
      %sub3A_1399 = vector.broadcast %mul3A_2 : i32 to vector<16xi32>
      %sub3A_1400 = arith.subi %get3A_1378, %sub3A_1399 : vector<16xi32>
      tpu.vector_store_idx %arg15[%select_n3A_1394], %sub3A_1400 : memref<12320xi32, #tpu.memory_space<vmem>>[vector<16xi32>], vector<16xi32>,
      %get3A_1401 = arith.constant 928 : index
      %get3A_1402 = tpu.vector_load %arg12[%get3A_1401] {strides = array<i32>} : memref<1024xi32, #tpu.memory_space<vmem>>, vector<16xi32>,
      %get3A_1403 = arith.constant 928 : index
      %get3A_1404 = tpu.vector_load %arg13[%get3A_1403] {strides = array<i32>} : memref<1024xi32, #tpu.memory_space<vmem>>, vector<16xi32>,
      %mul3A_1405 = arith.constant 12288 : i32
      %mul3A_1406 = arith.muli %add3A, %mul3A_1405 : i32
      %sub3A_1407 = vector.broadcast %mul3A_1406 : i32 to vector<16xi32>
      %sub3A_1408 = arith.subi %get3A_1404, %sub3A_1407 : vector<16xi32>
      %ge3A_1409 = arith.constant 0 : i32
      %ge3A_1410 = vector.broadcast %ge3A_1409 : i32 to vector<16xi32>
      %ge3A_1411 = arith.cmpi sge, %sub3A_1408, %ge3A_1410 : vector<16xi32>
      %lt3A_1412 = arith.constant 12288 : i32
      %lt3A_1413 = vector.broadcast %lt3A_1412 : i32 to vector<16xi32>
      %lt3A_1414 = arith.cmpi slt, %sub3A_1408, %lt3A_1413 : vector<16xi32>
      %and3A_1415 = arith.andi %ge3A_1411, %lt3A_1414 : vector<16xi1>
      %jit3A_1416 = arith.constant 12304 : i32
      %broadcast_in_dim3A_1417 = vector.broadcast %jit3A_1416 : i32 to vector<16xi32>
      %select_n3A_1418 = arith.select %and3A_1415, %sub3A_1408, %broadcast_in_dim3A_1417 : vector<16xi1>, vector<16xi32>
      %add3A_1419 = arith.constant 928 : i32
      %add3A_1420 = arith.addi %mul3A_16, %add3A_1419 : i32
      %add3A_1421 = vector.broadcast %add3A_1420 : i32 to vector<16xi32>
      %add3A_1422 = arith.addi %add3A_1421, %iota3A : vector<16xi32>
      tpu.vector_store_idx %arg14[%select_n3A_1418], %add3A_1422 : memref<12320xi32, #tpu.memory_space<vmem>>[vector<16xi32>], vector<16xi32>,
      %sub3A_1423 = vector.broadcast %mul3A_2 : i32 to vector<16xi32>
      %sub3A_1424 = arith.subi %get3A_1402, %sub3A_1423 : vector<16xi32>
      tpu.vector_store_idx %arg15[%select_n3A_1418], %sub3A_1424 : memref<12320xi32, #tpu.memory_space<vmem>>[vector<16xi32>], vector<16xi32>,
      %get3A_1425 = arith.constant 944 : index
      %get3A_1426 = tpu.vector_load %arg12[%get3A_1425] {strides = array<i32>} : memref<1024xi32, #tpu.memory_space<vmem>>, vector<16xi32>,
      %get3A_1427 = arith.constant 944 : index
      %get3A_1428 = tpu.vector_load %arg13[%get3A_1427] {strides = array<i32>} : memref<1024xi32, #tpu.memory_space<vmem>>, vector<16xi32>,
      %mul3A_1429 = arith.constant 12288 : i32
      %mul3A_1430 = arith.muli %add3A, %mul3A_1429 : i32
      %sub3A_1431 = vector.broadcast %mul3A_1430 : i32 to vector<16xi32>
      %sub3A_1432 = arith.subi %get3A_1428, %sub3A_1431 : vector<16xi32>
      %ge3A_1433 = arith.constant 0 : i32
      %ge3A_1434 = vector.broadcast %ge3A_1433 : i32 to vector<16xi32>
      %ge3A_1435 = arith.cmpi sge, %sub3A_1432, %ge3A_1434 : vector<16xi32>
      %lt3A_1436 = arith.constant 12288 : i32
      %lt3A_1437 = vector.broadcast %lt3A_1436 : i32 to vector<16xi32>
      %lt3A_1438 = arith.cmpi slt, %sub3A_1432, %lt3A_1437 : vector<16xi32>
      %and3A_1439 = arith.andi %ge3A_1435, %lt3A_1438 : vector<16xi1>
      %jit3A_1440 = arith.constant 12304 : i32
      %broadcast_in_dim3A_1441 = vector.broadcast %jit3A_1440 : i32 to vector<16xi32>
      %select_n3A_1442 = arith.select %and3A_1439, %sub3A_1432, %broadcast_in_dim3A_1441 : vector<16xi1>, vector<16xi32>
      %add3A_1443 = arith.constant 944 : i32
      %add3A_1444 = arith.addi %mul3A_16, %add3A_1443 : i32
      %add3A_1445 = vector.broadcast %add3A_1444 : i32 to vector<16xi32>
      %add3A_1446 = arith.addi %add3A_1445, %iota3A : vector<16xi32>
      tpu.vector_store_idx %arg14[%select_n3A_1442], %add3A_1446 : memref<12320xi32, #tpu.memory_space<vmem>>[vector<16xi32>], vector<16xi32>,
      %sub3A_1447 = vector.broadcast %mul3A_2 : i32 to vector<16xi32>
      %sub3A_1448 = arith.subi %get3A_1426, %sub3A_1447 : vector<16xi32>
      tpu.vector_store_idx %arg15[%select_n3A_1442], %sub3A_1448 : memref<12320xi32, #tpu.memory_space<vmem>>[vector<16xi32>], vector<16xi32>,
      %get3A_1449 = arith.constant 960 : index
      %get3A_1450 = tpu.vector_load %arg12[%get3A_1449] {strides = array<i32>} : memref<1024xi32, #tpu.memory_space<vmem>>, vector<16xi32>,
      %get3A_1451 = arith.constant 960 : index
      %get3A_1452 = tpu.vector_load %arg13[%get3A_1451] {strides = array<i32>} : memref<1024xi32, #tpu.memory_space<vmem>>, vector<16xi32>,
      %mul3A_1453 = arith.constant 12288 : i32
      %mul3A_1454 = arith.muli %add3A, %mul3A_1453 : i32
      %sub3A_1455 = vector.broadcast %mul3A_1454 : i32 to vector<16xi32>
      %sub3A_1456 = arith.subi %get3A_1452, %sub3A_1455 : vector<16xi32>
      %ge3A_1457 = arith.constant 0 : i32
      %ge3A_1458 = vector.broadcast %ge3A_1457 : i32 to vector<16xi32>
      %ge3A_1459 = arith.cmpi sge, %sub3A_1456, %ge3A_1458 : vector<16xi32>
      %lt3A_1460 = arith.constant 12288 : i32
      %lt3A_1461 = vector.broadcast %lt3A_1460 : i32 to vector<16xi32>
      %lt3A_1462 = arith.cmpi slt, %sub3A_1456, %lt3A_1461 : vector<16xi32>
      %and3A_1463 = arith.andi %ge3A_1459, %lt3A_1462 : vector<16xi1>
      %jit3A_1464 = arith.constant 12304 : i32
      %broadcast_in_dim3A_1465 = vector.broadcast %jit3A_1464 : i32 to vector<16xi32>
      %select_n3A_1466 = arith.select %and3A_1463, %sub3A_1456, %broadcast_in_dim3A_1465 : vector<16xi1>, vector<16xi32>
      %add3A_1467 = arith.constant 960 : i32
      %add3A_1468 = arith.addi %mul3A_16, %add3A_1467 : i32
      %add3A_1469 = vector.broadcast %add3A_1468 : i32 to vector<16xi32>
      %add3A_1470 = arith.addi %add3A_1469, %iota3A : vector<16xi32>
      tpu.vector_store_idx %arg14[%select_n3A_1466], %add3A_1470 : memref<12320xi32, #tpu.memory_space<vmem>>[vector<16xi32>], vector<16xi32>,
      %sub3A_1471 = vector.broadcast %mul3A_2 : i32 to vector<16xi32>
      %sub3A_1472 = arith.subi %get3A_1450, %sub3A_1471 : vector<16xi32>
      tpu.vector_store_idx %arg15[%select_n3A_1466], %sub3A_1472 : memref<12320xi32, #tpu.memory_space<vmem>>[vector<16xi32>], vector<16xi32>,
      %get3A_1473 = arith.constant 976 : index
      %get3A_1474 = tpu.vector_load %arg12[%get3A_1473] {strides = array<i32>} : memref<1024xi32, #tpu.memory_space<vmem>>, vector<16xi32>,
      %get3A_1475 = arith.constant 976 : index
      %get3A_1476 = tpu.vector_load %arg13[%get3A_1475] {strides = array<i32>} : memref<1024xi32, #tpu.memory_space<vmem>>, vector<16xi32>,
      %mul3A_1477 = arith.constant 12288 : i32
      %mul3A_1478 = arith.muli %add3A, %mul3A_1477 : i32
      %sub3A_1479 = vector.broadcast %mul3A_1478 : i32 to vector<16xi32>
      %sub3A_1480 = arith.subi %get3A_1476, %sub3A_1479 : vector<16xi32>
      %ge3A_1481 = arith.constant 0 : i32
      %ge3A_1482 = vector.broadcast %ge3A_1481 : i32 to vector<16xi32>
      %ge3A_1483 = arith.cmpi sge, %sub3A_1480, %ge3A_1482 : vector<16xi32>
      %lt3A_1484 = arith.constant 12288 : i32
      %lt3A_1485 = vector.broadcast %lt3A_1484 : i32 to vector<16xi32>
      %lt3A_1486 = arith.cmpi slt, %sub3A_1480, %lt3A_1485 : vector<16xi32>
      %and3A_1487 = arith.andi %ge3A_1483, %lt3A_1486 : vector<16xi1>
      %jit3A_1488 = arith.constant 12304 : i32
      %broadcast_in_dim3A_1489 = vector.broadcast %jit3A_1488 : i32 to vector<16xi32>
      %select_n3A_1490 = arith.select %and3A_1487, %sub3A_1480, %broadcast_in_dim3A_1489 : vector<16xi1>, vector<16xi32>
      %add3A_1491 = arith.constant 976 : i32
      %add3A_1492 = arith.addi %mul3A_16, %add3A_1491 : i32
      %add3A_1493 = vector.broadcast %add3A_1492 : i32 to vector<16xi32>
      %add3A_1494 = arith.addi %add3A_1493, %iota3A : vector<16xi32>
      tpu.vector_store_idx %arg14[%select_n3A_1490], %add3A_1494 : memref<12320xi32, #tpu.memory_space<vmem>>[vector<16xi32>], vector<16xi32>,
      %sub3A_1495 = vector.broadcast %mul3A_2 : i32 to vector<16xi32>
      %sub3A_1496 = arith.subi %get3A_1474, %sub3A_1495 : vector<16xi32>
      tpu.vector_store_idx %arg15[%select_n3A_1490], %sub3A_1496 : memref<12320xi32, #tpu.memory_space<vmem>>[vector<16xi32>], vector<16xi32>,
      %get3A_1497 = arith.constant 992 : index
      %get3A_1498 = tpu.vector_load %arg12[%get3A_1497] {strides = array<i32>} : memref<1024xi32, #tpu.memory_space<vmem>>, vector<16xi32>,
      %get3A_1499 = arith.constant 992 : index
      %get3A_1500 = tpu.vector_load %arg13[%get3A_1499] {strides = array<i32>} : memref<1024xi32, #tpu.memory_space<vmem>>, vector<16xi32>,
      %mul3A_1501 = arith.constant 12288 : i32
      %mul3A_1502 = arith.muli %add3A, %mul3A_1501 : i32
      %sub3A_1503 = vector.broadcast %mul3A_1502 : i32 to vector<16xi32>
      %sub3A_1504 = arith.subi %get3A_1500, %sub3A_1503 : vector<16xi32>
      %ge3A_1505 = arith.constant 0 : i32
      %ge3A_1506 = vector.broadcast %ge3A_1505 : i32 to vector<16xi32>
      %ge3A_1507 = arith.cmpi sge, %sub3A_1504, %ge3A_1506 : vector<16xi32>
      %lt3A_1508 = arith.constant 12288 : i32
      %lt3A_1509 = vector.broadcast %lt3A_1508 : i32 to vector<16xi32>
      %lt3A_1510 = arith.cmpi slt, %sub3A_1504, %lt3A_1509 : vector<16xi32>
      %and3A_1511 = arith.andi %ge3A_1507, %lt3A_1510 : vector<16xi1>
      %jit3A_1512 = arith.constant 12304 : i32
      %broadcast_in_dim3A_1513 = vector.broadcast %jit3A_1512 : i32 to vector<16xi32>
      %select_n3A_1514 = arith.select %and3A_1511, %sub3A_1504, %broadcast_in_dim3A_1513 : vector<16xi1>, vector<16xi32>
      %add3A_1515 = arith.constant 992 : i32
      %add3A_1516 = arith.addi %mul3A_16, %add3A_1515 : i32
      %add3A_1517 = vector.broadcast %add3A_1516 : i32 to vector<16xi32>
      %add3A_1518 = arith.addi %add3A_1517, %iota3A : vector<16xi32>
      tpu.vector_store_idx %arg14[%select_n3A_1514], %add3A_1518 : memref<12320xi32, #tpu.memory_space<vmem>>[vector<16xi32>], vector<16xi32>,
      %sub3A_1519 = vector.broadcast %mul3A_2 : i32 to vector<16xi32>
      %sub3A_1520 = arith.subi %get3A_1498, %sub3A_1519 : vector<16xi32>
      tpu.vector_store_idx %arg15[%select_n3A_1514], %sub3A_1520 : memref<12320xi32, #tpu.memory_space<vmem>>[vector<16xi32>], vector<16xi32>,
      %get3A_1521 = arith.constant 1008 : index
      %get3A_1522 = tpu.vector_load %arg12[%get3A_1521] {strides = array<i32>} : memref<1024xi32, #tpu.memory_space<vmem>>, vector<16xi32>,
      %get3A_1523 = arith.constant 1008 : index
      %get3A_1524 = tpu.vector_load %arg13[%get3A_1523] {strides = array<i32>} : memref<1024xi32, #tpu.memory_space<vmem>>, vector<16xi32>,
      %mul3A_1525 = arith.constant 12288 : i32
      %mul3A_1526 = arith.muli %add3A, %mul3A_1525 : i32
      %sub3A_1527 = vector.broadcast %mul3A_1526 : i32 to vector<16xi32>
      %sub3A_1528 = arith.subi %get3A_1524, %sub3A_1527 : vector<16xi32>
      %ge3A_1529 = arith.constant 0 : i32
      %ge3A_1530 = vector.broadcast %ge3A_1529 : i32 to vector<16xi32>
      %ge3A_1531 = arith.cmpi sge, %sub3A_1528, %ge3A_1530 : vector<16xi32>
      %lt3A_1532 = arith.constant 12288 : i32
      %lt3A_1533 = vector.broadcast %lt3A_1532 : i32 to vector<16xi32>
      %lt3A_1534 = arith.cmpi slt, %sub3A_1528, %lt3A_1533 : vector<16xi32>
      %and3A_1535 = arith.andi %ge3A_1531, %lt3A_1534 : vector<16xi1>
      %jit3A_1536 = arith.constant 12304 : i32
      %broadcast_in_dim3A_1537 = vector.broadcast %jit3A_1536 : i32 to vector<16xi32>
      %select_n3A_1538 = arith.select %and3A_1535, %sub3A_1528, %broadcast_in_dim3A_1537 : vector<16xi1>, vector<16xi32>
      %add3A_1539 = arith.constant 1008 : i32
      %add3A_1540 = arith.addi %mul3A_16, %add3A_1539 : i32
      %add3A_1541 = vector.broadcast %add3A_1540 : i32 to vector<16xi32>
      %add3A_1542 = arith.addi %add3A_1541, %iota3A : vector<16xi32>
      tpu.vector_store_idx %arg14[%select_n3A_1538], %add3A_1542 : memref<12320xi32, #tpu.memory_space<vmem>>[vector<16xi32>], vector<16xi32>,
      %sub3A_1543 = vector.broadcast %mul3A_2 : i32 to vector<16xi32>
      %sub3A_1544 = arith.subi %get3A_1522, %sub3A_1543 : vector<16xi32>
      tpu.vector_store_idx %arg15[%select_n3A_1538], %sub3A_1544 : memref<12320xi32, #tpu.memory_space<vmem>>[vector<16xi32>], vector<16xi32>,
    }
    %scan3A_7 = arith.constant 320 : i32
    %scan3A_8 = arith.constant 0 : i32
    %scan3A_9 = arith.constant 0 : i32
    %scan3A_10 = arith.constant 192 : i32
    %scan3A_11 = arith.addi %scan3A_9, %scan3A_10 : i32
    %scan3A_12 = arith.constant 1 : i32
    scf.for %scan3A_14 = %scan3A_9 to %scan3A_11 step %scan3A_12  : i32 {
      %mul3A_15 = arith.constant 64 : i32
      %mul3A_16 = arith.muli %scan3A_14, %mul3A_15 : i32
      %dma_start3A = tpu.memref_slice %arg14[%mul3A_16] : memref<12320xi32, #tpu.memory_space<vmem>> -> memref<64xi32, #tpu.memory_space<vmem>>
      %dma_start3A_17 = arith.constant 0 : i32
      %dma_start3A_18 = arith.constant 0 : i32
      %dma_start3A_19 = tpu.memref_slice %arg2[%dma_start3A_17, %dma_start3A_18] : memref<327680x128xf32, #tpu.memory_space<hbm>> -> memref<327680x128xf32, #tpu.memory_space<hbm>>
      tpu.enqueue_indirect_dma source(%dma_start3A_19 : memref<327680x128xf32, #tpu.memory_space<hbm>>) target(%arg16 : memref<64x128xf32, #tpu.memory_space<vmem>>) offsets(%dma_start3A : memref<64xi32, #tpu.memory_space<vmem>>) semaphore(%arg20 : memref<!tpu.dma_semaphore, #tpu.memory_space<semaphore_mem>>)
      %dma_start3A_20 = tpu.memref_slice %arg14[%mul3A_16] : memref<12320xi32, #tpu.memory_space<vmem>> -> memref<64xi32, #tpu.memory_space<vmem>>
      %dma_start3A_21 = arith.constant 0 : i32
      %dma_start3A_22 = arith.constant 0 : i32
      %dma_start3A_23 = tpu.memref_slice %arg3[%dma_start3A_21, %dma_start3A_22] : memref<327680x128xf32, #tpu.memory_space<hbm>> -> memref<327680x128xf32, #tpu.memory_space<hbm>>
      tpu.enqueue_indirect_dma source(%dma_start3A_23 : memref<327680x128xf32, #tpu.memory_space<hbm>>) target(%arg17 : memref<64x128xf32, #tpu.memory_space<vmem>>) offsets(%dma_start3A_20 : memref<64xi32, #tpu.memory_space<vmem>>) semaphore(%arg21 : memref<!tpu.dma_semaphore, #tpu.memory_space<semaphore_mem>>)
      %dma_wait3A = tpu.memref_slice %arg14[%mul3A_16] : memref<12320xi32, #tpu.memory_space<vmem>> -> memref<64xi32, #tpu.memory_space<vmem>>
      %dma_wait3A_24 = arith.constant 0 : i32
      %dma_wait3A_25 = arith.constant 0 : i32
      %dma_wait3A_26 = tpu.memref_slice %arg2[%dma_wait3A_24, %dma_wait3A_25] : memref<327680x128xf32, #tpu.memory_space<hbm>> -> memref<327680x128xf32, #tpu.memory_space<hbm>>
      tpu.wait_indirect_dma semaphore(%arg20 : memref<!tpu.dma_semaphore, #tpu.memory_space<semaphore_mem>>) src(%dma_wait3A_26 : memref<327680x128xf32, #tpu.memory_space<hbm>>) dst(%arg16 : memref<64x128xf32, #tpu.memory_space<vmem>>)
      %dma_wait3A_27 = tpu.memref_slice %arg14[%mul3A_16] : memref<12320xi32, #tpu.memory_space<vmem>> -> memref<64xi32, #tpu.memory_space<vmem>>
      %dma_wait3A_28 = arith.constant 0 : i32
      %dma_wait3A_29 = arith.constant 0 : i32
      %dma_wait3A_30 = tpu.memref_slice %arg3[%dma_wait3A_28, %dma_wait3A_29] : memref<327680x128xf32, #tpu.memory_space<hbm>> -> memref<327680x128xf32, #tpu.memory_space<hbm>>
      tpu.wait_indirect_dma semaphore(%arg21 : memref<!tpu.dma_semaphore, #tpu.memory_space<semaphore_mem>>) src(%dma_wait3A_30 : memref<327680x128xf32, #tpu.memory_space<hbm>>) dst(%arg17 : memref<64x128xf32, #tpu.memory_space<vmem>>)
      %scan3A_31 = arith.constant 0 : i32
      %scan3A_32 = arith.constant 0 : i32
      %scan3A_33 = arith.constant 4 : i32
      %scan3A_34 = arith.addi %scan3A_32, %scan3A_33 : i32
      %scan3A_35 = arith.constant 1 : i32
      scf.for %scan3A_37 = %scan3A_32 to %scan3A_34 step %scan3A_35  : i32 {
        %mul3A_38 = arith.constant 16 : i32
        %mul3A_39 = arith.muli %scan3A_37, %mul3A_38 : i32
        %add3A_40 = vector.broadcast %mul3A_39 : i32 to vector<16xi32>
        %add3A_41 = arith.addi %add3A_40, %iota3A : vector<16xi32>
        %add3A_42 = arith.addi %mul3A_16, %mul3A_39 : i32
        %get3A = arith.index_cast %add3A_42 : i32 to index
        %get3A_43 = tpu.vector_load %arg15[%get3A] {strides = array<i32>} : memref<12320xi32, #tpu.memory_space<vmem>>, vector<16xi32>,
        %broadcast_in_dim3A = arith.constant 0 : i32
        %broadcast_in_dim3A_44 = vector.broadcast %broadcast_in_dim3A : i32 to vector<16xi32>
        %gather3A = tpu.vector_load_idx %arg16[%add3A_41, %broadcast_in_dim3A_44] : memref<64x128xf32, #tpu.memory_space<vmem>>[vector<16xi32>, vector<16xi32>], vector<16xf32>,
        tpu.vector_store_idx %arg18[%get3A_43, %broadcast_in_dim3A_44], %gather3A {add = true} : memref<328x128xf32, #tpu.memory_space<vmem>>[vector<16xi32>, vector<16xi32>], vector<16xf32>,
        %broadcast_in_dim3A_45 = arith.constant 1 : i32
        %broadcast_in_dim3A_46 = vector.broadcast %broadcast_in_dim3A_45 : i32 to vector<16xi32>
        %gather3A_47 = tpu.vector_load_idx %arg16[%add3A_41, %broadcast_in_dim3A_46] : memref<64x128xf32, #tpu.memory_space<vmem>>[vector<16xi32>, vector<16xi32>], vector<16xf32>,
        tpu.vector_store_idx %arg18[%get3A_43, %broadcast_in_dim3A_46], %gather3A_47 {add = true} : memref<328x128xf32, #tpu.memory_space<vmem>>[vector<16xi32>, vector<16xi32>], vector<16xf32>,
        %broadcast_in_dim3A_48 = arith.constant 2 : i32
        %broadcast_in_dim3A_49 = vector.broadcast %broadcast_in_dim3A_48 : i32 to vector<16xi32>
        %gather3A_50 = tpu.vector_load_idx %arg16[%add3A_41, %broadcast_in_dim3A_49] : memref<64x128xf32, #tpu.memory_space<vmem>>[vector<16xi32>, vector<16xi32>], vector<16xf32>,
        tpu.vector_store_idx %arg18[%get3A_43, %broadcast_in_dim3A_49], %gather3A_50 {add = true} : memref<328x128xf32, #tpu.memory_space<vmem>>[vector<16xi32>, vector<16xi32>], vector<16xf32>,
        %broadcast_in_dim3A_51 = arith.constant 3 : i32
        %broadcast_in_dim3A_52 = vector.broadcast %broadcast_in_dim3A_51 : i32 to vector<16xi32>
        %gather3A_53 = tpu.vector_load_idx %arg16[%add3A_41, %broadcast_in_dim3A_52] : memref<64x128xf32, #tpu.memory_space<vmem>>[vector<16xi32>, vector<16xi32>], vector<16xf32>,
        tpu.vector_store_idx %arg18[%get3A_43, %broadcast_in_dim3A_52], %gather3A_53 {add = true} : memref<328x128xf32, #tpu.memory_space<vmem>>[vector<16xi32>, vector<16xi32>], vector<16xf32>,
        %broadcast_in_dim3A_54 = arith.constant 4 : i32
        %broadcast_in_dim3A_55 = vector.broadcast %broadcast_in_dim3A_54 : i32 to vector<16xi32>
        %gather3A_56 = tpu.vector_load_idx %arg16[%add3A_41, %broadcast_in_dim3A_55] : memref<64x128xf32, #tpu.memory_space<vmem>>[vector<16xi32>, vector<16xi32>], vector<16xf32>,
        tpu.vector_store_idx %arg18[%get3A_43, %broadcast_in_dim3A_55], %gather3A_56 {add = true} : memref<328x128xf32, #tpu.memory_space<vmem>>[vector<16xi32>, vector<16xi32>], vector<16xf32>,
        %broadcast_in_dim3A_57 = arith.constant 5 : i32
        %broadcast_in_dim3A_58 = vector.broadcast %broadcast_in_dim3A_57 : i32 to vector<16xi32>
        %gather3A_59 = tpu.vector_load_idx %arg16[%add3A_41, %broadcast_in_dim3A_58] : memref<64x128xf32, #tpu.memory_space<vmem>>[vector<16xi32>, vector<16xi32>], vector<16xf32>,
        tpu.vector_store_idx %arg18[%get3A_43, %broadcast_in_dim3A_58], %gather3A_59 {add = true} : memref<328x128xf32, #tpu.memory_space<vmem>>[vector<16xi32>, vector<16xi32>], vector<16xf32>,
        %broadcast_in_dim3A_60 = arith.constant 6 : i32
        %broadcast_in_dim3A_61 = vector.broadcast %broadcast_in_dim3A_60 : i32 to vector<16xi32>
        %gather3A_62 = tpu.vector_load_idx %arg16[%add3A_41, %broadcast_in_dim3A_61] : memref<64x128xf32, #tpu.memory_space<vmem>>[vector<16xi32>, vector<16xi32>], vector<16xf32>,
        tpu.vector_store_idx %arg18[%get3A_43, %broadcast_in_dim3A_61], %gather3A_62 {add = true} : memref<328x128xf32, #tpu.memory_space<vmem>>[vector<16xi32>, vector<16xi32>], vector<16xf32>,
        %broadcast_in_dim3A_63 = arith.constant 7 : i32
        %broadcast_in_dim3A_64 = vector.broadcast %broadcast_in_dim3A_63 : i32 to vector<16xi32>
        %gather3A_65 = tpu.vector_load_idx %arg16[%add3A_41, %broadcast_in_dim3A_64] : memref<64x128xf32, #tpu.memory_space<vmem>>[vector<16xi32>, vector<16xi32>], vector<16xf32>,
        tpu.vector_store_idx %arg18[%get3A_43, %broadcast_in_dim3A_64], %gather3A_65 {add = true} : memref<328x128xf32, #tpu.memory_space<vmem>>[vector<16xi32>, vector<16xi32>], vector<16xf32>,
        %broadcast_in_dim3A_66 = arith.constant 8 : i32
        %broadcast_in_dim3A_67 = vector.broadcast %broadcast_in_dim3A_66 : i32 to vector<16xi32>
        %gather3A_68 = tpu.vector_load_idx %arg16[%add3A_41, %broadcast_in_dim3A_67] : memref<64x128xf32, #tpu.memory_space<vmem>>[vector<16xi32>, vector<16xi32>], vector<16xf32>,
        tpu.vector_store_idx %arg18[%get3A_43, %broadcast_in_dim3A_67], %gather3A_68 {add = true} : memref<328x128xf32, #tpu.memory_space<vmem>>[vector<16xi32>, vector<16xi32>], vector<16xf32>,
        %broadcast_in_dim3A_69 = arith.constant 9 : i32
        %broadcast_in_dim3A_70 = vector.broadcast %broadcast_in_dim3A_69 : i32 to vector<16xi32>
        %gather3A_71 = tpu.vector_load_idx %arg16[%add3A_41, %broadcast_in_dim3A_70] : memref<64x128xf32, #tpu.memory_space<vmem>>[vector<16xi32>, vector<16xi32>], vector<16xf32>,
        tpu.vector_store_idx %arg18[%get3A_43, %broadcast_in_dim3A_70], %gather3A_71 {add = true} : memref<328x128xf32, #tpu.memory_space<vmem>>[vector<16xi32>, vector<16xi32>], vector<16xf32>,
        %broadcast_in_dim3A_72 = arith.constant 10 : i32
        %broadcast_in_dim3A_73 = vector.broadcast %broadcast_in_dim3A_72 : i32 to vector<16xi32>
        %gather3A_74 = tpu.vector_load_idx %arg16[%add3A_41, %broadcast_in_dim3A_73] : memref<64x128xf32, #tpu.memory_space<vmem>>[vector<16xi32>, vector<16xi32>], vector<16xf32>,
        tpu.vector_store_idx %arg18[%get3A_43, %broadcast_in_dim3A_73], %gather3A_74 {add = true} : memref<328x128xf32, #tpu.memory_space<vmem>>[vector<16xi32>, vector<16xi32>], vector<16xf32>,
        %broadcast_in_dim3A_75 = arith.constant 11 : i32
        %broadcast_in_dim3A_76 = vector.broadcast %broadcast_in_dim3A_75 : i32 to vector<16xi32>
        %gather3A_77 = tpu.vector_load_idx %arg16[%add3A_41, %broadcast_in_dim3A_76] : memref<64x128xf32, #tpu.memory_space<vmem>>[vector<16xi32>, vector<16xi32>], vector<16xf32>,
        tpu.vector_store_idx %arg18[%get3A_43, %broadcast_in_dim3A_76], %gather3A_77 {add = true} : memref<328x128xf32, #tpu.memory_space<vmem>>[vector<16xi32>, vector<16xi32>], vector<16xf32>,
        %broadcast_in_dim3A_78 = arith.constant 12 : i32
        %broadcast_in_dim3A_79 = vector.broadcast %broadcast_in_dim3A_78 : i32 to vector<16xi32>
        %gather3A_80 = tpu.vector_load_idx %arg16[%add3A_41, %broadcast_in_dim3A_79] : memref<64x128xf32, #tpu.memory_space<vmem>>[vector<16xi32>, vector<16xi32>], vector<16xf32>,
        tpu.vector_store_idx %arg18[%get3A_43, %broadcast_in_dim3A_79], %gather3A_80 {add = true} : memref<328x128xf32, #tpu.memory_space<vmem>>[vector<16xi32>, vector<16xi32>], vector<16xf32>,
        %broadcast_in_dim3A_81 = arith.constant 13 : i32
        %broadcast_in_dim3A_82 = vector.broadcast %broadcast_in_dim3A_81 : i32 to vector<16xi32>
        %gather3A_83 = tpu.vector_load_idx %arg16[%add3A_41, %broadcast_in_dim3A_82] : memref<64x128xf32, #tpu.memory_space<vmem>>[vector<16xi32>, vector<16xi32>], vector<16xf32>,
        tpu.vector_store_idx %arg18[%get3A_43, %broadcast_in_dim3A_82], %gather3A_83 {add = true} : memref<328x128xf32, #tpu.memory_space<vmem>>[vector<16xi32>, vector<16xi32>], vector<16xf32>,
        %broadcast_in_dim3A_84 = arith.constant 14 : i32
        %broadcast_in_dim3A_85 = vector.broadcast %broadcast_in_dim3A_84 : i32 to vector<16xi32>
        %gather3A_86 = tpu.vector_load_idx %arg16[%add3A_41, %broadcast_in_dim3A_85] : memref<64x128xf32, #tpu.memory_space<vmem>>[vector<16xi32>, vector<16xi32>], vector<16xf32>,
        tpu.vector_store_idx %arg18[%get3A_43, %broadcast_in_dim3A_85], %gather3A_86 {add = true} : memref<328x128xf32, #tpu.memory_space<vmem>>[vector<16xi32>, vector<16xi32>], vector<16xf32>,
        %broadcast_in_dim3A_87 = arith.constant 15 : i32
        %broadcast_in_dim3A_88 = vector.broadcast %broadcast_in_dim3A_87 : i32 to vector<16xi32>
        %gather3A_89 = tpu.vector_load_idx %arg16[%add3A_41, %broadcast_in_dim3A_88] : memref<64x128xf32, #tpu.memory_space<vmem>>[vector<16xi32>, vector<16xi32>], vector<16xf32>,
        tpu.vector_store_idx %arg18[%get3A_43, %broadcast_in_dim3A_88], %gather3A_89 {add = true} : memref<328x128xf32, #tpu.memory_space<vmem>>[vector<16xi32>, vector<16xi32>], vector<16xf32>,
        %broadcast_in_dim3A_90 = arith.constant 16 : i32
        %broadcast_in_dim3A_91 = vector.broadcast %broadcast_in_dim3A_90 : i32 to vector<16xi32>
        %gather3A_92 = tpu.vector_load_idx %arg16[%add3A_41, %broadcast_in_dim3A_91] : memref<64x128xf32, #tpu.memory_space<vmem>>[vector<16xi32>, vector<16xi32>], vector<16xf32>,
        tpu.vector_store_idx %arg18[%get3A_43, %broadcast_in_dim3A_91], %gather3A_92 {add = true} : memref<328x128xf32, #tpu.memory_space<vmem>>[vector<16xi32>, vector<16xi32>], vector<16xf32>,
        %broadcast_in_dim3A_93 = arith.constant 17 : i32
        %broadcast_in_dim3A_94 = vector.broadcast %broadcast_in_dim3A_93 : i32 to vector<16xi32>
        %gather3A_95 = tpu.vector_load_idx %arg16[%add3A_41, %broadcast_in_dim3A_94] : memref<64x128xf32, #tpu.memory_space<vmem>>[vector<16xi32>, vector<16xi32>], vector<16xf32>,
        tpu.vector_store_idx %arg18[%get3A_43, %broadcast_in_dim3A_94], %gather3A_95 {add = true} : memref<328x128xf32, #tpu.memory_space<vmem>>[vector<16xi32>, vector<16xi32>], vector<16xf32>,
        %broadcast_in_dim3A_96 = arith.constant 18 : i32
        %broadcast_in_dim3A_97 = vector.broadcast %broadcast_in_dim3A_96 : i32 to vector<16xi32>
        %gather3A_98 = tpu.vector_load_idx %arg16[%add3A_41, %broadcast_in_dim3A_97] : memref<64x128xf32, #tpu.memory_space<vmem>>[vector<16xi32>, vector<16xi32>], vector<16xf32>,
        tpu.vector_store_idx %arg18[%get3A_43, %broadcast_in_dim3A_97], %gather3A_98 {add = true} : memref<328x128xf32, #tpu.memory_space<vmem>>[vector<16xi32>, vector<16xi32>], vector<16xf32>,
        %broadcast_in_dim3A_99 = arith.constant 19 : i32
        %broadcast_in_dim3A_100 = vector.broadcast %broadcast_in_dim3A_99 : i32 to vector<16xi32>
        %gather3A_101 = tpu.vector_load_idx %arg16[%add3A_41, %broadcast_in_dim3A_100] : memref<64x128xf32, #tpu.memory_space<vmem>>[vector<16xi32>, vector<16xi32>], vector<16xf32>,
        tpu.vector_store_idx %arg18[%get3A_43, %broadcast_in_dim3A_100], %gather3A_101 {add = true} : memref<328x128xf32, #tpu.memory_space<vmem>>[vector<16xi32>, vector<16xi32>], vector<16xf32>,
        %broadcast_in_dim3A_102 = arith.constant 20 : i32
        %broadcast_in_dim3A_103 = vector.broadcast %broadcast_in_dim3A_102 : i32 to vector<16xi32>
        %gather3A_104 = tpu.vector_load_idx %arg16[%add3A_41, %broadcast_in_dim3A_103] : memref<64x128xf32, #tpu.memory_space<vmem>>[vector<16xi32>, vector<16xi32>], vector<16xf32>,
        tpu.vector_store_idx %arg18[%get3A_43, %broadcast_in_dim3A_103], %gather3A_104 {add = true} : memref<328x128xf32, #tpu.memory_space<vmem>>[vector<16xi32>, vector<16xi32>], vector<16xf32>,
        %broadcast_in_dim3A_105 = arith.constant 21 : i32
        %broadcast_in_dim3A_106 = vector.broadcast %broadcast_in_dim3A_105 : i32 to vector<16xi32>
        %gather3A_107 = tpu.vector_load_idx %arg16[%add3A_41, %broadcast_in_dim3A_106] : memref<64x128xf32, #tpu.memory_space<vmem>>[vector<16xi32>, vector<16xi32>], vector<16xf32>,
        tpu.vector_store_idx %arg18[%get3A_43, %broadcast_in_dim3A_106], %gather3A_107 {add = true} : memref<328x128xf32, #tpu.memory_space<vmem>>[vector<16xi32>, vector<16xi32>], vector<16xf32>,
        %broadcast_in_dim3A_108 = arith.constant 22 : i32
        %broadcast_in_dim3A_109 = vector.broadcast %broadcast_in_dim3A_108 : i32 to vector<16xi32>
        %gather3A_110 = tpu.vector_load_idx %arg16[%add3A_41, %broadcast_in_dim3A_109] : memref<64x128xf32, #tpu.memory_space<vmem>>[vector<16xi32>, vector<16xi32>], vector<16xf32>,
        tpu.vector_store_idx %arg18[%get3A_43, %broadcast_in_dim3A_109], %gather3A_110 {add = true} : memref<328x128xf32, #tpu.memory_space<vmem>>[vector<16xi32>, vector<16xi32>], vector<16xf32>,
        %broadcast_in_dim3A_111 = arith.constant 23 : i32
        %broadcast_in_dim3A_112 = vector.broadcast %broadcast_in_dim3A_111 : i32 to vector<16xi32>
        %gather3A_113 = tpu.vector_load_idx %arg16[%add3A_41, %broadcast_in_dim3A_112] : memref<64x128xf32, #tpu.memory_space<vmem>>[vector<16xi32>, vector<16xi32>], vector<16xf32>,
        tpu.vector_store_idx %arg18[%get3A_43, %broadcast_in_dim3A_112], %gather3A_113 {add = true} : memref<328x128xf32, #tpu.memory_space<vmem>>[vector<16xi32>, vector<16xi32>], vector<16xf32>,
        %broadcast_in_dim3A_114 = arith.constant 24 : i32
        %broadcast_in_dim3A_115 = vector.broadcast %broadcast_in_dim3A_114 : i32 to vector<16xi32>
        %gather3A_116 = tpu.vector_load_idx %arg16[%add3A_41, %broadcast_in_dim3A_115] : memref<64x128xf32, #tpu.memory_space<vmem>>[vector<16xi32>, vector<16xi32>], vector<16xf32>,
        tpu.vector_store_idx %arg18[%get3A_43, %broadcast_in_dim3A_115], %gather3A_116 {add = true} : memref<328x128xf32, #tpu.memory_space<vmem>>[vector<16xi32>, vector<16xi32>], vector<16xf32>,
        %broadcast_in_dim3A_117 = arith.constant 25 : i32
        %broadcast_in_dim3A_118 = vector.broadcast %broadcast_in_dim3A_117 : i32 to vector<16xi32>
        %gather3A_119 = tpu.vector_load_idx %arg16[%add3A_41, %broadcast_in_dim3A_118] : memref<64x128xf32, #tpu.memory_space<vmem>>[vector<16xi32>, vector<16xi32>], vector<16xf32>,
        tpu.vector_store_idx %arg18[%get3A_43, %broadcast_in_dim3A_118], %gather3A_119 {add = true} : memref<328x128xf32, #tpu.memory_space<vmem>>[vector<16xi32>, vector<16xi32>], vector<16xf32>,
        %broadcast_in_dim3A_120 = arith.constant 26 : i32
        %broadcast_in_dim3A_121 = vector.broadcast %broadcast_in_dim3A_120 : i32 to vector<16xi32>
        %gather3A_122 = tpu.vector_load_idx %arg16[%add3A_41, %broadcast_in_dim3A_121] : memref<64x128xf32, #tpu.memory_space<vmem>>[vector<16xi32>, vector<16xi32>], vector<16xf32>,
        tpu.vector_store_idx %arg18[%get3A_43, %broadcast_in_dim3A_121], %gather3A_122 {add = true} : memref<328x128xf32, #tpu.memory_space<vmem>>[vector<16xi32>, vector<16xi32>], vector<16xf32>,
        %broadcast_in_dim3A_123 = arith.constant 27 : i32
        %broadcast_in_dim3A_124 = vector.broadcast %broadcast_in_dim3A_123 : i32 to vector<16xi32>
        %gather3A_125 = tpu.vector_load_idx %arg16[%add3A_41, %broadcast_in_dim3A_124] : memref<64x128xf32, #tpu.memory_space<vmem>>[vector<16xi32>, vector<16xi32>], vector<16xf32>,
        tpu.vector_store_idx %arg18[%get3A_43, %broadcast_in_dim3A_124], %gather3A_125 {add = true} : memref<328x128xf32, #tpu.memory_space<vmem>>[vector<16xi32>, vector<16xi32>], vector<16xf32>,
        %broadcast_in_dim3A_126 = arith.constant 28 : i32
        %broadcast_in_dim3A_127 = vector.broadcast %broadcast_in_dim3A_126 : i32 to vector<16xi32>
        %gather3A_128 = tpu.vector_load_idx %arg16[%add3A_41, %broadcast_in_dim3A_127] : memref<64x128xf32, #tpu.memory_space<vmem>>[vector<16xi32>, vector<16xi32>], vector<16xf32>,
        tpu.vector_store_idx %arg18[%get3A_43, %broadcast_in_dim3A_127], %gather3A_128 {add = true} : memref<328x128xf32, #tpu.memory_space<vmem>>[vector<16xi32>, vector<16xi32>], vector<16xf32>,
        %broadcast_in_dim3A_129 = arith.constant 29 : i32
        %broadcast_in_dim3A_130 = vector.broadcast %broadcast_in_dim3A_129 : i32 to vector<16xi32>
        %gather3A_131 = tpu.vector_load_idx %arg16[%add3A_41, %broadcast_in_dim3A_130] : memref<64x128xf32, #tpu.memory_space<vmem>>[vector<16xi32>, vector<16xi32>], vector<16xf32>,
        tpu.vector_store_idx %arg18[%get3A_43, %broadcast_in_dim3A_130], %gather3A_131 {add = true} : memref<328x128xf32, #tpu.memory_space<vmem>>[vector<16xi32>, vector<16xi32>], vector<16xf32>,
        %broadcast_in_dim3A_132 = arith.constant 30 : i32
        %broadcast_in_dim3A_133 = vector.broadcast %broadcast_in_dim3A_132 : i32 to vector<16xi32>
        %gather3A_134 = tpu.vector_load_idx %arg16[%add3A_41, %broadcast_in_dim3A_133] : memref<64x128xf32, #tpu.memory_space<vmem>>[vector<16xi32>, vector<16xi32>], vector<16xf32>,
        tpu.vector_store_idx %arg18[%get3A_43, %broadcast_in_dim3A_133], %gather3A_134 {add = true} : memref<328x128xf32, #tpu.memory_space<vmem>>[vector<16xi32>, vector<16xi32>], vector<16xf32>,
        %broadcast_in_dim3A_135 = arith.constant 31 : i32
        %broadcast_in_dim3A_136 = vector.broadcast %broadcast_in_dim3A_135 : i32 to vector<16xi32>
        %gather3A_137 = tpu.vector_load_idx %arg16[%add3A_41, %broadcast_in_dim3A_136] : memref<64x128xf32, #tpu.memory_space<vmem>>[vector<16xi32>, vector<16xi32>], vector<16xf32>,
        tpu.vector_store_idx %arg18[%get3A_43, %broadcast_in_dim3A_136], %gather3A_137 {add = true} : memref<328x128xf32, #tpu.memory_space<vmem>>[vector<16xi32>, vector<16xi32>], vector<16xf32>,
        %broadcast_in_dim3A_138 = arith.constant 32 : i32
        %broadcast_in_dim3A_139 = vector.broadcast %broadcast_in_dim3A_138 : i32 to vector<16xi32>
        %gather3A_140 = tpu.vector_load_idx %arg16[%add3A_41, %broadcast_in_dim3A_139] : memref<64x128xf32, #tpu.memory_space<vmem>>[vector<16xi32>, vector<16xi32>], vector<16xf32>,
        tpu.vector_store_idx %arg18[%get3A_43, %broadcast_in_dim3A_139], %gather3A_140 {add = true} : memref<328x128xf32, #tpu.memory_space<vmem>>[vector<16xi32>, vector<16xi32>], vector<16xf32>,
        %broadcast_in_dim3A_141 = arith.constant 33 : i32
        %broadcast_in_dim3A_142 = vector.broadcast %broadcast_in_dim3A_141 : i32 to vector<16xi32>
        %gather3A_143 = tpu.vector_load_idx %arg16[%add3A_41, %broadcast_in_dim3A_142] : memref<64x128xf32, #tpu.memory_space<vmem>>[vector<16xi32>, vector<16xi32>], vector<16xf32>,
        tpu.vector_store_idx %arg18[%get3A_43, %broadcast_in_dim3A_142], %gather3A_143 {add = true} : memref<328x128xf32, #tpu.memory_space<vmem>>[vector<16xi32>, vector<16xi32>], vector<16xf32>,
        %broadcast_in_dim3A_144 = arith.constant 34 : i32
        %broadcast_in_dim3A_145 = vector.broadcast %broadcast_in_dim3A_144 : i32 to vector<16xi32>
        %gather3A_146 = tpu.vector_load_idx %arg16[%add3A_41, %broadcast_in_dim3A_145] : memref<64x128xf32, #tpu.memory_space<vmem>>[vector<16xi32>, vector<16xi32>], vector<16xf32>,
        tpu.vector_store_idx %arg18[%get3A_43, %broadcast_in_dim3A_145], %gather3A_146 {add = true} : memref<328x128xf32, #tpu.memory_space<vmem>>[vector<16xi32>, vector<16xi32>], vector<16xf32>,
        %broadcast_in_dim3A_147 = arith.constant 35 : i32
        %broadcast_in_dim3A_148 = vector.broadcast %broadcast_in_dim3A_147 : i32 to vector<16xi32>
        %gather3A_149 = tpu.vector_load_idx %arg16[%add3A_41, %broadcast_in_dim3A_148] : memref<64x128xf32, #tpu.memory_space<vmem>>[vector<16xi32>, vector<16xi32>], vector<16xf32>,
        tpu.vector_store_idx %arg18[%get3A_43, %broadcast_in_dim3A_148], %gather3A_149 {add = true} : memref<328x128xf32, #tpu.memory_space<vmem>>[vector<16xi32>, vector<16xi32>], vector<16xf32>,
        %broadcast_in_dim3A_150 = arith.constant 36 : i32
        %broadcast_in_dim3A_151 = vector.broadcast %broadcast_in_dim3A_150 : i32 to vector<16xi32>
        %gather3A_152 = tpu.vector_load_idx %arg16[%add3A_41, %broadcast_in_dim3A_151] : memref<64x128xf32, #tpu.memory_space<vmem>>[vector<16xi32>, vector<16xi32>], vector<16xf32>,
        tpu.vector_store_idx %arg18[%get3A_43, %broadcast_in_dim3A_151], %gather3A_152 {add = true} : memref<328x128xf32, #tpu.memory_space<vmem>>[vector<16xi32>, vector<16xi32>], vector<16xf32>,
        %broadcast_in_dim3A_153 = arith.constant 37 : i32
        %broadcast_in_dim3A_154 = vector.broadcast %broadcast_in_dim3A_153 : i32 to vector<16xi32>
        %gather3A_155 = tpu.vector_load_idx %arg16[%add3A_41, %broadcast_in_dim3A_154] : memref<64x128xf32, #tpu.memory_space<vmem>>[vector<16xi32>, vector<16xi32>], vector<16xf32>,
        tpu.vector_store_idx %arg18[%get3A_43, %broadcast_in_dim3A_154], %gather3A_155 {add = true} : memref<328x128xf32, #tpu.memory_space<vmem>>[vector<16xi32>, vector<16xi32>], vector<16xf32>,
        %broadcast_in_dim3A_156 = arith.constant 38 : i32
        %broadcast_in_dim3A_157 = vector.broadcast %broadcast_in_dim3A_156 : i32 to vector<16xi32>
        %gather3A_158 = tpu.vector_load_idx %arg16[%add3A_41, %broadcast_in_dim3A_157] : memref<64x128xf32, #tpu.memory_space<vmem>>[vector<16xi32>, vector<16xi32>], vector<16xf32>,
        tpu.vector_store_idx %arg18[%get3A_43, %broadcast_in_dim3A_157], %gather3A_158 {add = true} : memref<328x128xf32, #tpu.memory_space<vmem>>[vector<16xi32>, vector<16xi32>], vector<16xf32>,
        %broadcast_in_dim3A_159 = arith.constant 39 : i32
        %broadcast_in_dim3A_160 = vector.broadcast %broadcast_in_dim3A_159 : i32 to vector<16xi32>
        %gather3A_161 = tpu.vector_load_idx %arg16[%add3A_41, %broadcast_in_dim3A_160] : memref<64x128xf32, #tpu.memory_space<vmem>>[vector<16xi32>, vector<16xi32>], vector<16xf32>,
        tpu.vector_store_idx %arg18[%get3A_43, %broadcast_in_dim3A_160], %gather3A_161 {add = true} : memref<328x128xf32, #tpu.memory_space<vmem>>[vector<16xi32>, vector<16xi32>], vector<16xf32>,
        %broadcast_in_dim3A_162 = arith.constant 40 : i32
        %broadcast_in_dim3A_163 = vector.broadcast %broadcast_in_dim3A_162 : i32 to vector<16xi32>
        %gather3A_164 = tpu.vector_load_idx %arg16[%add3A_41, %broadcast_in_dim3A_163] : memref<64x128xf32, #tpu.memory_space<vmem>>[vector<16xi32>, vector<16xi32>], vector<16xf32>,
        tpu.vector_store_idx %arg18[%get3A_43, %broadcast_in_dim3A_163], %gather3A_164 {add = true} : memref<328x128xf32, #tpu.memory_space<vmem>>[vector<16xi32>, vector<16xi32>], vector<16xf32>,
        %broadcast_in_dim3A_165 = arith.constant 41 : i32
        %broadcast_in_dim3A_166 = vector.broadcast %broadcast_in_dim3A_165 : i32 to vector<16xi32>
        %gather3A_167 = tpu.vector_load_idx %arg16[%add3A_41, %broadcast_in_dim3A_166] : memref<64x128xf32, #tpu.memory_space<vmem>>[vector<16xi32>, vector<16xi32>], vector<16xf32>,
        tpu.vector_store_idx %arg18[%get3A_43, %broadcast_in_dim3A_166], %gather3A_167 {add = true} : memref<328x128xf32, #tpu.memory_space<vmem>>[vector<16xi32>, vector<16xi32>], vector<16xf32>,
        %broadcast_in_dim3A_168 = arith.constant 42 : i32
        %broadcast_in_dim3A_169 = vector.broadcast %broadcast_in_dim3A_168 : i32 to vector<16xi32>
        %gather3A_170 = tpu.vector_load_idx %arg16[%add3A_41, %broadcast_in_dim3A_169] : memref<64x128xf32, #tpu.memory_space<vmem>>[vector<16xi32>, vector<16xi32>], vector<16xf32>,
        tpu.vector_store_idx %arg18[%get3A_43, %broadcast_in_dim3A_169], %gather3A_170 {add = true} : memref<328x128xf32, #tpu.memory_space<vmem>>[vector<16xi32>, vector<16xi32>], vector<16xf32>,
        %broadcast_in_dim3A_171 = arith.constant 43 : i32
        %broadcast_in_dim3A_172 = vector.broadcast %broadcast_in_dim3A_171 : i32 to vector<16xi32>
        %gather3A_173 = tpu.vector_load_idx %arg16[%add3A_41, %broadcast_in_dim3A_172] : memref<64x128xf32, #tpu.memory_space<vmem>>[vector<16xi32>, vector<16xi32>], vector<16xf32>,
        tpu.vector_store_idx %arg18[%get3A_43, %broadcast_in_dim3A_172], %gather3A_173 {add = true} : memref<328x128xf32, #tpu.memory_space<vmem>>[vector<16xi32>, vector<16xi32>], vector<16xf32>,
        %broadcast_in_dim3A_174 = arith.constant 44 : i32
        %broadcast_in_dim3A_175 = vector.broadcast %broadcast_in_dim3A_174 : i32 to vector<16xi32>
        %gather3A_176 = tpu.vector_load_idx %arg16[%add3A_41, %broadcast_in_dim3A_175] : memref<64x128xf32, #tpu.memory_space<vmem>>[vector<16xi32>, vector<16xi32>], vector<16xf32>,
        tpu.vector_store_idx %arg18[%get3A_43, %broadcast_in_dim3A_175], %gather3A_176 {add = true} : memref<328x128xf32, #tpu.memory_space<vmem>>[vector<16xi32>, vector<16xi32>], vector<16xf32>,
        %broadcast_in_dim3A_177 = arith.constant 45 : i32
        %broadcast_in_dim3A_178 = vector.broadcast %broadcast_in_dim3A_177 : i32 to vector<16xi32>
        %gather3A_179 = tpu.vector_load_idx %arg16[%add3A_41, %broadcast_in_dim3A_178] : memref<64x128xf32, #tpu.memory_space<vmem>>[vector<16xi32>, vector<16xi32>], vector<16xf32>,
        tpu.vector_store_idx %arg18[%get3A_43, %broadcast_in_dim3A_178], %gather3A_179 {add = true} : memref<328x128xf32, #tpu.memory_space<vmem>>[vector<16xi32>, vector<16xi32>], vector<16xf32>,
        %broadcast_in_dim3A_180 = arith.constant 46 : i32
        %broadcast_in_dim3A_181 = vector.broadcast %broadcast_in_dim3A_180 : i32 to vector<16xi32>
        %gather3A_182 = tpu.vector_load_idx %arg16[%add3A_41, %broadcast_in_dim3A_181] : memref<64x128xf32, #tpu.memory_space<vmem>>[vector<16xi32>, vector<16xi32>], vector<16xf32>,
        tpu.vector_store_idx %arg18[%get3A_43, %broadcast_in_dim3A_181], %gather3A_182 {add = true} : memref<328x128xf32, #tpu.memory_space<vmem>>[vector<16xi32>, vector<16xi32>], vector<16xf32>,
        %broadcast_in_dim3A_183 = arith.constant 47 : i32
        %broadcast_in_dim3A_184 = vector.broadcast %broadcast_in_dim3A_183 : i32 to vector<16xi32>
        %gather3A_185 = tpu.vector_load_idx %arg16[%add3A_41, %broadcast_in_dim3A_184] : memref<64x128xf32, #tpu.memory_space<vmem>>[vector<16xi32>, vector<16xi32>], vector<16xf32>,
        tpu.vector_store_idx %arg18[%get3A_43, %broadcast_in_dim3A_184], %gather3A_185 {add = true} : memref<328x128xf32, #tpu.memory_space<vmem>>[vector<16xi32>, vector<16xi32>], vector<16xf32>,
        %broadcast_in_dim3A_186 = arith.constant 48 : i32
        %broadcast_in_dim3A_187 = vector.broadcast %broadcast_in_dim3A_186 : i32 to vector<16xi32>
        %gather3A_188 = tpu.vector_load_idx %arg16[%add3A_41, %broadcast_in_dim3A_187] : memref<64x128xf32, #tpu.memory_space<vmem>>[vector<16xi32>, vector<16xi32>], vector<16xf32>,
        tpu.vector_store_idx %arg18[%get3A_43, %broadcast_in_dim3A_187], %gather3A_188 {add = true} : memref<328x128xf32, #tpu.memory_space<vmem>>[vector<16xi32>, vector<16xi32>], vector<16xf32>,
        %broadcast_in_dim3A_189 = arith.constant 49 : i32
        %broadcast_in_dim3A_190 = vector.broadcast %broadcast_in_dim3A_189 : i32 to vector<16xi32>
        %gather3A_191 = tpu.vector_load_idx %arg16[%add3A_41, %broadcast_in_dim3A_190] : memref<64x128xf32, #tpu.memory_space<vmem>>[vector<16xi32>, vector<16xi32>], vector<16xf32>,
        tpu.vector_store_idx %arg18[%get3A_43, %broadcast_in_dim3A_190], %gather3A_191 {add = true} : memref<328x128xf32, #tpu.memory_space<vmem>>[vector<16xi32>, vector<16xi32>], vector<16xf32>,
        %broadcast_in_dim3A_192 = arith.constant 50 : i32
        %broadcast_in_dim3A_193 = vector.broadcast %broadcast_in_dim3A_192 : i32 to vector<16xi32>
        %gather3A_194 = tpu.vector_load_idx %arg16[%add3A_41, %broadcast_in_dim3A_193] : memref<64x128xf32, #tpu.memory_space<vmem>>[vector<16xi32>, vector<16xi32>], vector<16xf32>,
        tpu.vector_store_idx %arg18[%get3A_43, %broadcast_in_dim3A_193], %gather3A_194 {add = true} : memref<328x128xf32, #tpu.memory_space<vmem>>[vector<16xi32>, vector<16xi32>], vector<16xf32>,
        %broadcast_in_dim3A_195 = arith.constant 51 : i32
        %broadcast_in_dim3A_196 = vector.broadcast %broadcast_in_dim3A_195 : i32 to vector<16xi32>
        %gather3A_197 = tpu.vector_load_idx %arg16[%add3A_41, %broadcast_in_dim3A_196] : memref<64x128xf32, #tpu.memory_space<vmem>>[vector<16xi32>, vector<16xi32>], vector<16xf32>,
        tpu.vector_store_idx %arg18[%get3A_43, %broadcast_in_dim3A_196], %gather3A_197 {add = true} : memref<328x128xf32, #tpu.memory_space<vmem>>[vector<16xi32>, vector<16xi32>], vector<16xf32>,
        %broadcast_in_dim3A_198 = arith.constant 52 : i32
        %broadcast_in_dim3A_199 = vector.broadcast %broadcast_in_dim3A_198 : i32 to vector<16xi32>
        %gather3A_200 = tpu.vector_load_idx %arg16[%add3A_41, %broadcast_in_dim3A_199] : memref<64x128xf32, #tpu.memory_space<vmem>>[vector<16xi32>, vector<16xi32>], vector<16xf32>,
        tpu.vector_store_idx %arg18[%get3A_43, %broadcast_in_dim3A_199], %gather3A_200 {add = true} : memref<328x128xf32, #tpu.memory_space<vmem>>[vector<16xi32>, vector<16xi32>], vector<16xf32>,
        %broadcast_in_dim3A_201 = arith.constant 53 : i32
        %broadcast_in_dim3A_202 = vector.broadcast %broadcast_in_dim3A_201 : i32 to vector<16xi32>
        %gather3A_203 = tpu.vector_load_idx %arg16[%add3A_41, %broadcast_in_dim3A_202] : memref<64x128xf32, #tpu.memory_space<vmem>>[vector<16xi32>, vector<16xi32>], vector<16xf32>,
        tpu.vector_store_idx %arg18[%get3A_43, %broadcast_in_dim3A_202], %gather3A_203 {add = true} : memref<328x128xf32, #tpu.memory_space<vmem>>[vector<16xi32>, vector<16xi32>], vector<16xf32>,
        %broadcast_in_dim3A_204 = arith.constant 54 : i32
        %broadcast_in_dim3A_205 = vector.broadcast %broadcast_in_dim3A_204 : i32 to vector<16xi32>
        %gather3A_206 = tpu.vector_load_idx %arg16[%add3A_41, %broadcast_in_dim3A_205] : memref<64x128xf32, #tpu.memory_space<vmem>>[vector<16xi32>, vector<16xi32>], vector<16xf32>,
        tpu.vector_store_idx %arg18[%get3A_43, %broadcast_in_dim3A_205], %gather3A_206 {add = true} : memref<328x128xf32, #tpu.memory_space<vmem>>[vector<16xi32>, vector<16xi32>], vector<16xf32>,
        %broadcast_in_dim3A_207 = arith.constant 55 : i32
        %broadcast_in_dim3A_208 = vector.broadcast %broadcast_in_dim3A_207 : i32 to vector<16xi32>
        %gather3A_209 = tpu.vector_load_idx %arg16[%add3A_41, %broadcast_in_dim3A_208] : memref<64x128xf32, #tpu.memory_space<vmem>>[vector<16xi32>, vector<16xi32>], vector<16xf32>,
        tpu.vector_store_idx %arg18[%get3A_43, %broadcast_in_dim3A_208], %gather3A_209 {add = true} : memref<328x128xf32, #tpu.memory_space<vmem>>[vector<16xi32>, vector<16xi32>], vector<16xf32>,
        %broadcast_in_dim3A_210 = arith.constant 56 : i32
        %broadcast_in_dim3A_211 = vector.broadcast %broadcast_in_dim3A_210 : i32 to vector<16xi32>
        %gather3A_212 = tpu.vector_load_idx %arg16[%add3A_41, %broadcast_in_dim3A_211] : memref<64x128xf32, #tpu.memory_space<vmem>>[vector<16xi32>, vector<16xi32>], vector<16xf32>,
        tpu.vector_store_idx %arg18[%get3A_43, %broadcast_in_dim3A_211], %gather3A_212 {add = true} : memref<328x128xf32, #tpu.memory_space<vmem>>[vector<16xi32>, vector<16xi32>], vector<16xf32>,
        %broadcast_in_dim3A_213 = arith.constant 57 : i32
        %broadcast_in_dim3A_214 = vector.broadcast %broadcast_in_dim3A_213 : i32 to vector<16xi32>
        %gather3A_215 = tpu.vector_load_idx %arg16[%add3A_41, %broadcast_in_dim3A_214] : memref<64x128xf32, #tpu.memory_space<vmem>>[vector<16xi32>, vector<16xi32>], vector<16xf32>,
        tpu.vector_store_idx %arg18[%get3A_43, %broadcast_in_dim3A_214], %gather3A_215 {add = true} : memref<328x128xf32, #tpu.memory_space<vmem>>[vector<16xi32>, vector<16xi32>], vector<16xf32>,
        %broadcast_in_dim3A_216 = arith.constant 58 : i32
        %broadcast_in_dim3A_217 = vector.broadcast %broadcast_in_dim3A_216 : i32 to vector<16xi32>
        %gather3A_218 = tpu.vector_load_idx %arg16[%add3A_41, %broadcast_in_dim3A_217] : memref<64x128xf32, #tpu.memory_space<vmem>>[vector<16xi32>, vector<16xi32>], vector<16xf32>,
        tpu.vector_store_idx %arg18[%get3A_43, %broadcast_in_dim3A_217], %gather3A_218 {add = true} : memref<328x128xf32, #tpu.memory_space<vmem>>[vector<16xi32>, vector<16xi32>], vector<16xf32>,
        %broadcast_in_dim3A_219 = arith.constant 59 : i32
        %broadcast_in_dim3A_220 = vector.broadcast %broadcast_in_dim3A_219 : i32 to vector<16xi32>
        %gather3A_221 = tpu.vector_load_idx %arg16[%add3A_41, %broadcast_in_dim3A_220] : memref<64x128xf32, #tpu.memory_space<vmem>>[vector<16xi32>, vector<16xi32>], vector<16xf32>,
        tpu.vector_store_idx %arg18[%get3A_43, %broadcast_in_dim3A_220], %gather3A_221 {add = true} : memref<328x128xf32, #tpu.memory_space<vmem>>[vector<16xi32>, vector<16xi32>], vector<16xf32>,
        %broadcast_in_dim3A_222 = arith.constant 60 : i32
        %broadcast_in_dim3A_223 = vector.broadcast %broadcast_in_dim3A_222 : i32 to vector<16xi32>
        %gather3A_224 = tpu.vector_load_idx %arg16[%add3A_41, %broadcast_in_dim3A_223] : memref<64x128xf32, #tpu.memory_space<vmem>>[vector<16xi32>, vector<16xi32>], vector<16xf32>,
        tpu.vector_store_idx %arg18[%get3A_43, %broadcast_in_dim3A_223], %gather3A_224 {add = true} : memref<328x128xf32, #tpu.memory_space<vmem>>[vector<16xi32>, vector<16xi32>], vector<16xf32>,
        %broadcast_in_dim3A_225 = arith.constant 61 : i32
        %broadcast_in_dim3A_226 = vector.broadcast %broadcast_in_dim3A_225 : i32 to vector<16xi32>
        %gather3A_227 = tpu.vector_load_idx %arg16[%add3A_41, %broadcast_in_dim3A_226] : memref<64x128xf32, #tpu.memory_space<vmem>>[vector<16xi32>, vector<16xi32>], vector<16xf32>,
        tpu.vector_store_idx %arg18[%get3A_43, %broadcast_in_dim3A_226], %gather3A_227 {add = true} : memref<328x128xf32, #tpu.memory_space<vmem>>[vector<16xi32>, vector<16xi32>], vector<16xf32>,
        %broadcast_in_dim3A_228 = arith.constant 62 : i32
        %broadcast_in_dim3A_229 = vector.broadcast %broadcast_in_dim3A_228 : i32 to vector<16xi32>
        %gather3A_230 = tpu.vector_load_idx %arg16[%add3A_41, %broadcast_in_dim3A_229] : memref<64x128xf32, #tpu.memory_space<vmem>>[vector<16xi32>, vector<16xi32>], vector<16xf32>,
        tpu.vector_store_idx %arg18[%get3A_43, %broadcast_in_dim3A_229], %gather3A_230 {add = true} : memref<328x128xf32, #tpu.memory_space<vmem>>[vector<16xi32>, vector<16xi32>], vector<16xf32>,
        %broadcast_in_dim3A_231 = arith.constant 63 : i32
        %broadcast_in_dim3A_232 = vector.broadcast %broadcast_in_dim3A_231 : i32 to vector<16xi32>
        %gather3A_233 = tpu.vector_load_idx %arg16[%add3A_41, %broadcast_in_dim3A_232] : memref<64x128xf32, #tpu.memory_space<vmem>>[vector<16xi32>, vector<16xi32>], vector<16xf32>,
        tpu.vector_store_idx %arg18[%get3A_43, %broadcast_in_dim3A_232], %gather3A_233 {add = true} : memref<328x128xf32, #tpu.memory_space<vmem>>[vector<16xi32>, vector<16xi32>], vector<16xf32>,
        %broadcast_in_dim3A_234 = arith.constant 64 : i32
        %broadcast_in_dim3A_235 = vector.broadcast %broadcast_in_dim3A_234 : i32 to vector<16xi32>
        %gather3A_236 = tpu.vector_load_idx %arg16[%add3A_41, %broadcast_in_dim3A_235] : memref<64x128xf32, #tpu.memory_space<vmem>>[vector<16xi32>, vector<16xi32>], vector<16xf32>,
        tpu.vector_store_idx %arg18[%get3A_43, %broadcast_in_dim3A_235], %gather3A_236 {add = true} : memref<328x128xf32, #tpu.memory_space<vmem>>[vector<16xi32>, vector<16xi32>], vector<16xf32>,
        %broadcast_in_dim3A_237 = arith.constant 65 : i32
        %broadcast_in_dim3A_238 = vector.broadcast %broadcast_in_dim3A_237 : i32 to vector<16xi32>
        %gather3A_239 = tpu.vector_load_idx %arg16[%add3A_41, %broadcast_in_dim3A_238] : memref<64x128xf32, #tpu.memory_space<vmem>>[vector<16xi32>, vector<16xi32>], vector<16xf32>,
        tpu.vector_store_idx %arg18[%get3A_43, %broadcast_in_dim3A_238], %gather3A_239 {add = true} : memref<328x128xf32, #tpu.memory_space<vmem>>[vector<16xi32>, vector<16xi32>], vector<16xf32>,
        %broadcast_in_dim3A_240 = arith.constant 66 : i32
        %broadcast_in_dim3A_241 = vector.broadcast %broadcast_in_dim3A_240 : i32 to vector<16xi32>
        %gather3A_242 = tpu.vector_load_idx %arg16[%add3A_41, %broadcast_in_dim3A_241] : memref<64x128xf32, #tpu.memory_space<vmem>>[vector<16xi32>, vector<16xi32>], vector<16xf32>,
        tpu.vector_store_idx %arg18[%get3A_43, %broadcast_in_dim3A_241], %gather3A_242 {add = true} : memref<328x128xf32, #tpu.memory_space<vmem>>[vector<16xi32>, vector<16xi32>], vector<16xf32>,
        %broadcast_in_dim3A_243 = arith.constant 67 : i32
        %broadcast_in_dim3A_244 = vector.broadcast %broadcast_in_dim3A_243 : i32 to vector<16xi32>
        %gather3A_245 = tpu.vector_load_idx %arg16[%add3A_41, %broadcast_in_dim3A_244] : memref<64x128xf32, #tpu.memory_space<vmem>>[vector<16xi32>, vector<16xi32>], vector<16xf32>,
        tpu.vector_store_idx %arg18[%get3A_43, %broadcast_in_dim3A_244], %gather3A_245 {add = true} : memref<328x128xf32, #tpu.memory_space<vmem>>[vector<16xi32>, vector<16xi32>], vector<16xf32>,
        %broadcast_in_dim3A_246 = arith.constant 68 : i32
        %broadcast_in_dim3A_247 = vector.broadcast %broadcast_in_dim3A_246 : i32 to vector<16xi32>
        %gather3A_248 = tpu.vector_load_idx %arg16[%add3A_41, %broadcast_in_dim3A_247] : memref<64x128xf32, #tpu.memory_space<vmem>>[vector<16xi32>, vector<16xi32>], vector<16xf32>,
        tpu.vector_store_idx %arg18[%get3A_43, %broadcast_in_dim3A_247], %gather3A_248 {add = true} : memref<328x128xf32, #tpu.memory_space<vmem>>[vector<16xi32>, vector<16xi32>], vector<16xf32>,
        %broadcast_in_dim3A_249 = arith.constant 69 : i32
        %broadcast_in_dim3A_250 = vector.broadcast %broadcast_in_dim3A_249 : i32 to vector<16xi32>
        %gather3A_251 = tpu.vector_load_idx %arg16[%add3A_41, %broadcast_in_dim3A_250] : memref<64x128xf32, #tpu.memory_space<vmem>>[vector<16xi32>, vector<16xi32>], vector<16xf32>,
        tpu.vector_store_idx %arg18[%get3A_43, %broadcast_in_dim3A_250], %gather3A_251 {add = true} : memref<328x128xf32, #tpu.memory_space<vmem>>[vector<16xi32>, vector<16xi32>], vector<16xf32>,
        %broadcast_in_dim3A_252 = arith.constant 70 : i32
        %broadcast_in_dim3A_253 = vector.broadcast %broadcast_in_dim3A_252 : i32 to vector<16xi32>
        %gather3A_254 = tpu.vector_load_idx %arg16[%add3A_41, %broadcast_in_dim3A_253] : memref<64x128xf32, #tpu.memory_space<vmem>>[vector<16xi32>, vector<16xi32>], vector<16xf32>,
        tpu.vector_store_idx %arg18[%get3A_43, %broadcast_in_dim3A_253], %gather3A_254 {add = true} : memref<328x128xf32, #tpu.memory_space<vmem>>[vector<16xi32>, vector<16xi32>], vector<16xf32>,
        %broadcast_in_dim3A_255 = arith.constant 71 : i32
        %broadcast_in_dim3A_256 = vector.broadcast %broadcast_in_dim3A_255 : i32 to vector<16xi32>
        %gather3A_257 = tpu.vector_load_idx %arg16[%add3A_41, %broadcast_in_dim3A_256] : memref<64x128xf32, #tpu.memory_space<vmem>>[vector<16xi32>, vector<16xi32>], vector<16xf32>,
        tpu.vector_store_idx %arg18[%get3A_43, %broadcast_in_dim3A_256], %gather3A_257 {add = true} : memref<328x128xf32, #tpu.memory_space<vmem>>[vector<16xi32>, vector<16xi32>], vector<16xf32>,
        %broadcast_in_dim3A_258 = arith.constant 72 : i32
        %broadcast_in_dim3A_259 = vector.broadcast %broadcast_in_dim3A_258 : i32 to vector<16xi32>
        %gather3A_260 = tpu.vector_load_idx %arg16[%add3A_41, %broadcast_in_dim3A_259] : memref<64x128xf32, #tpu.memory_space<vmem>>[vector<16xi32>, vector<16xi32>], vector<16xf32>,
        tpu.vector_store_idx %arg18[%get3A_43, %broadcast_in_dim3A_259], %gather3A_260 {add = true} : memref<328x128xf32, #tpu.memory_space<vmem>>[vector<16xi32>, vector<16xi32>], vector<16xf32>,
        %broadcast_in_dim3A_261 = arith.constant 73 : i32
        %broadcast_in_dim3A_262 = vector.broadcast %broadcast_in_dim3A_261 : i32 to vector<16xi32>
        %gather3A_263 = tpu.vector_load_idx %arg16[%add3A_41, %broadcast_in_dim3A_262] : memref<64x128xf32, #tpu.memory_space<vmem>>[vector<16xi32>, vector<16xi32>], vector<16xf32>,
        tpu.vector_store_idx %arg18[%get3A_43, %broadcast_in_dim3A_262], %gather3A_263 {add = true} : memref<328x128xf32, #tpu.memory_space<vmem>>[vector<16xi32>, vector<16xi32>], vector<16xf32>,
        %broadcast_in_dim3A_264 = arith.constant 74 : i32
        %broadcast_in_dim3A_265 = vector.broadcast %broadcast_in_dim3A_264 : i32 to vector<16xi32>
        %gather3A_266 = tpu.vector_load_idx %arg16[%add3A_41, %broadcast_in_dim3A_265] : memref<64x128xf32, #tpu.memory_space<vmem>>[vector<16xi32>, vector<16xi32>], vector<16xf32>,
        tpu.vector_store_idx %arg18[%get3A_43, %broadcast_in_dim3A_265], %gather3A_266 {add = true} : memref<328x128xf32, #tpu.memory_space<vmem>>[vector<16xi32>, vector<16xi32>], vector<16xf32>,
        %broadcast_in_dim3A_267 = arith.constant 75 : i32
        %broadcast_in_dim3A_268 = vector.broadcast %broadcast_in_dim3A_267 : i32 to vector<16xi32>
        %gather3A_269 = tpu.vector_load_idx %arg16[%add3A_41, %broadcast_in_dim3A_268] : memref<64x128xf32, #tpu.memory_space<vmem>>[vector<16xi32>, vector<16xi32>], vector<16xf32>,
        tpu.vector_store_idx %arg18[%get3A_43, %broadcast_in_dim3A_268], %gather3A_269 {add = true} : memref<328x128xf32, #tpu.memory_space<vmem>>[vector<16xi32>, vector<16xi32>], vector<16xf32>,
        %broadcast_in_dim3A_270 = arith.constant 76 : i32
        %broadcast_in_dim3A_271 = vector.broadcast %broadcast_in_dim3A_270 : i32 to vector<16xi32>
        %gather3A_272 = tpu.vector_load_idx %arg16[%add3A_41, %broadcast_in_dim3A_271] : memref<64x128xf32, #tpu.memory_space<vmem>>[vector<16xi32>, vector<16xi32>], vector<16xf32>,
        tpu.vector_store_idx %arg18[%get3A_43, %broadcast_in_dim3A_271], %gather3A_272 {add = true} : memref<328x128xf32, #tpu.memory_space<vmem>>[vector<16xi32>, vector<16xi32>], vector<16xf32>,
        %broadcast_in_dim3A_273 = arith.constant 77 : i32
        %broadcast_in_dim3A_274 = vector.broadcast %broadcast_in_dim3A_273 : i32 to vector<16xi32>
        %gather3A_275 = tpu.vector_load_idx %arg16[%add3A_41, %broadcast_in_dim3A_274] : memref<64x128xf32, #tpu.memory_space<vmem>>[vector<16xi32>, vector<16xi32>], vector<16xf32>,
        tpu.vector_store_idx %arg18[%get3A_43, %broadcast_in_dim3A_274], %gather3A_275 {add = true} : memref<328x128xf32, #tpu.memory_space<vmem>>[vector<16xi32>, vector<16xi32>], vector<16xf32>,
        %broadcast_in_dim3A_276 = arith.constant 78 : i32
        %broadcast_in_dim3A_277 = vector.broadcast %broadcast_in_dim3A_276 : i32 to vector<16xi32>
        %gather3A_278 = tpu.vector_load_idx %arg16[%add3A_41, %broadcast_in_dim3A_277] : memref<64x128xf32, #tpu.memory_space<vmem>>[vector<16xi32>, vector<16xi32>], vector<16xf32>,
        tpu.vector_store_idx %arg18[%get3A_43, %broadcast_in_dim3A_277], %gather3A_278 {add = true} : memref<328x128xf32, #tpu.memory_space<vmem>>[vector<16xi32>, vector<16xi32>], vector<16xf32>,
        %broadcast_in_dim3A_279 = arith.constant 79 : i32
        %broadcast_in_dim3A_280 = vector.broadcast %broadcast_in_dim3A_279 : i32 to vector<16xi32>
        %gather3A_281 = tpu.vector_load_idx %arg16[%add3A_41, %broadcast_in_dim3A_280] : memref<64x128xf32, #tpu.memory_space<vmem>>[vector<16xi32>, vector<16xi32>], vector<16xf32>,
        tpu.vector_store_idx %arg18[%get3A_43, %broadcast_in_dim3A_280], %gather3A_281 {add = true} : memref<328x128xf32, #tpu.memory_space<vmem>>[vector<16xi32>, vector<16xi32>], vector<16xf32>,
        %broadcast_in_dim3A_282 = arith.constant 80 : i32
        %broadcast_in_dim3A_283 = vector.broadcast %broadcast_in_dim3A_282 : i32 to vector<16xi32>
        %gather3A_284 = tpu.vector_load_idx %arg16[%add3A_41, %broadcast_in_dim3A_283] : memref<64x128xf32, #tpu.memory_space<vmem>>[vector<16xi32>, vector<16xi32>], vector<16xf32>,
        tpu.vector_store_idx %arg18[%get3A_43, %broadcast_in_dim3A_283], %gather3A_284 {add = true} : memref<328x128xf32, #tpu.memory_space<vmem>>[vector<16xi32>, vector<16xi32>], vector<16xf32>,
        %broadcast_in_dim3A_285 = arith.constant 81 : i32
        %broadcast_in_dim3A_286 = vector.broadcast %broadcast_in_dim3A_285 : i32 to vector<16xi32>
        %gather3A_287 = tpu.vector_load_idx %arg16[%add3A_41, %broadcast_in_dim3A_286] : memref<64x128xf32, #tpu.memory_space<vmem>>[vector<16xi32>, vector<16xi32>], vector<16xf32>,
        tpu.vector_store_idx %arg18[%get3A_43, %broadcast_in_dim3A_286], %gather3A_287 {add = true} : memref<328x128xf32, #tpu.memory_space<vmem>>[vector<16xi32>, vector<16xi32>], vector<16xf32>,
        %broadcast_in_dim3A_288 = arith.constant 82 : i32
        %broadcast_in_dim3A_289 = vector.broadcast %broadcast_in_dim3A_288 : i32 to vector<16xi32>
        %gather3A_290 = tpu.vector_load_idx %arg16[%add3A_41, %broadcast_in_dim3A_289] : memref<64x128xf32, #tpu.memory_space<vmem>>[vector<16xi32>, vector<16xi32>], vector<16xf32>,
        tpu.vector_store_idx %arg18[%get3A_43, %broadcast_in_dim3A_289], %gather3A_290 {add = true} : memref<328x128xf32, #tpu.memory_space<vmem>>[vector<16xi32>, vector<16xi32>], vector<16xf32>,
        %broadcast_in_dim3A_291 = arith.constant 83 : i32
        %broadcast_in_dim3A_292 = vector.broadcast %broadcast_in_dim3A_291 : i32 to vector<16xi32>
        %gather3A_293 = tpu.vector_load_idx %arg16[%add3A_41, %broadcast_in_dim3A_292] : memref<64x128xf32, #tpu.memory_space<vmem>>[vector<16xi32>, vector<16xi32>], vector<16xf32>,
        tpu.vector_store_idx %arg18[%get3A_43, %broadcast_in_dim3A_292], %gather3A_293 {add = true} : memref<328x128xf32, #tpu.memory_space<vmem>>[vector<16xi32>, vector<16xi32>], vector<16xf32>,
        %broadcast_in_dim3A_294 = arith.constant 84 : i32
        %broadcast_in_dim3A_295 = vector.broadcast %broadcast_in_dim3A_294 : i32 to vector<16xi32>
        %gather3A_296 = tpu.vector_load_idx %arg16[%add3A_41, %broadcast_in_dim3A_295] : memref<64x128xf32, #tpu.memory_space<vmem>>[vector<16xi32>, vector<16xi32>], vector<16xf32>,
        tpu.vector_store_idx %arg18[%get3A_43, %broadcast_in_dim3A_295], %gather3A_296 {add = true} : memref<328x128xf32, #tpu.memory_space<vmem>>[vector<16xi32>, vector<16xi32>], vector<16xf32>,
        %broadcast_in_dim3A_297 = arith.constant 85 : i32
        %broadcast_in_dim3A_298 = vector.broadcast %broadcast_in_dim3A_297 : i32 to vector<16xi32>
        %gather3A_299 = tpu.vector_load_idx %arg16[%add3A_41, %broadcast_in_dim3A_298] : memref<64x128xf32, #tpu.memory_space<vmem>>[vector<16xi32>, vector<16xi32>], vector<16xf32>,
        tpu.vector_store_idx %arg18[%get3A_43, %broadcast_in_dim3A_298], %gather3A_299 {add = true} : memref<328x128xf32, #tpu.memory_space<vmem>>[vector<16xi32>, vector<16xi32>], vector<16xf32>,
        %broadcast_in_dim3A_300 = arith.constant 86 : i32
        %broadcast_in_dim3A_301 = vector.broadcast %broadcast_in_dim3A_300 : i32 to vector<16xi32>
        %gather3A_302 = tpu.vector_load_idx %arg16[%add3A_41, %broadcast_in_dim3A_301] : memref<64x128xf32, #tpu.memory_space<vmem>>[vector<16xi32>, vector<16xi32>], vector<16xf32>,
        tpu.vector_store_idx %arg18[%get3A_43, %broadcast_in_dim3A_301], %gather3A_302 {add = true} : memref<328x128xf32, #tpu.memory_space<vmem>>[vector<16xi32>, vector<16xi32>], vector<16xf32>,
        %broadcast_in_dim3A_303 = arith.constant 87 : i32
        %broadcast_in_dim3A_304 = vector.broadcast %broadcast_in_dim3A_303 : i32 to vector<16xi32>
        %gather3A_305 = tpu.vector_load_idx %arg16[%add3A_41, %broadcast_in_dim3A_304] : memref<64x128xf32, #tpu.memory_space<vmem>>[vector<16xi32>, vector<16xi32>], vector<16xf32>,
        tpu.vector_store_idx %arg18[%get3A_43, %broadcast_in_dim3A_304], %gather3A_305 {add = true} : memref<328x128xf32, #tpu.memory_space<vmem>>[vector<16xi32>, vector<16xi32>], vector<16xf32>,
        %broadcast_in_dim3A_306 = arith.constant 88 : i32
        %broadcast_in_dim3A_307 = vector.broadcast %broadcast_in_dim3A_306 : i32 to vector<16xi32>
        %gather3A_308 = tpu.vector_load_idx %arg16[%add3A_41, %broadcast_in_dim3A_307] : memref<64x128xf32, #tpu.memory_space<vmem>>[vector<16xi32>, vector<16xi32>], vector<16xf32>,
        tpu.vector_store_idx %arg18[%get3A_43, %broadcast_in_dim3A_307], %gather3A_308 {add = true} : memref<328x128xf32, #tpu.memory_space<vmem>>[vector<16xi32>, vector<16xi32>], vector<16xf32>,
        %broadcast_in_dim3A_309 = arith.constant 89 : i32
        %broadcast_in_dim3A_310 = vector.broadcast %broadcast_in_dim3A_309 : i32 to vector<16xi32>
        %gather3A_311 = tpu.vector_load_idx %arg16[%add3A_41, %broadcast_in_dim3A_310] : memref<64x128xf32, #tpu.memory_space<vmem>>[vector<16xi32>, vector<16xi32>], vector<16xf32>,
        tpu.vector_store_idx %arg18[%get3A_43, %broadcast_in_dim3A_310], %gather3A_311 {add = true} : memref<328x128xf32, #tpu.memory_space<vmem>>[vector<16xi32>, vector<16xi32>], vector<16xf32>,
        %broadcast_in_dim3A_312 = arith.constant 90 : i32
        %broadcast_in_dim3A_313 = vector.broadcast %broadcast_in_dim3A_312 : i32 to vector<16xi32>
        %gather3A_314 = tpu.vector_load_idx %arg16[%add3A_41, %broadcast_in_dim3A_313] : memref<64x128xf32, #tpu.memory_space<vmem>>[vector<16xi32>, vector<16xi32>], vector<16xf32>,
        tpu.vector_store_idx %arg18[%get3A_43, %broadcast_in_dim3A_313], %gather3A_314 {add = true} : memref<328x128xf32, #tpu.memory_space<vmem>>[vector<16xi32>, vector<16xi32>], vector<16xf32>,
        %broadcast_in_dim3A_315 = arith.constant 91 : i32
        %broadcast_in_dim3A_316 = vector.broadcast %broadcast_in_dim3A_315 : i32 to vector<16xi32>
        %gather3A_317 = tpu.vector_load_idx %arg16[%add3A_41, %broadcast_in_dim3A_316] : memref<64x128xf32, #tpu.memory_space<vmem>>[vector<16xi32>, vector<16xi32>], vector<16xf32>,
        tpu.vector_store_idx %arg18[%get3A_43, %broadcast_in_dim3A_316], %gather3A_317 {add = true} : memref<328x128xf32, #tpu.memory_space<vmem>>[vector<16xi32>, vector<16xi32>], vector<16xf32>,
        %broadcast_in_dim3A_318 = arith.constant 92 : i32
        %broadcast_in_dim3A_319 = vector.broadcast %broadcast_in_dim3A_318 : i32 to vector<16xi32>
        %gather3A_320 = tpu.vector_load_idx %arg16[%add3A_41, %broadcast_in_dim3A_319] : memref<64x128xf32, #tpu.memory_space<vmem>>[vector<16xi32>, vector<16xi32>], vector<16xf32>,
        tpu.vector_store_idx %arg18[%get3A_43, %broadcast_in_dim3A_319], %gather3A_320 {add = true} : memref<328x128xf32, #tpu.memory_space<vmem>>[vector<16xi32>, vector<16xi32>], vector<16xf32>,
        %broadcast_in_dim3A_321 = arith.constant 93 : i32
        %broadcast_in_dim3A_322 = vector.broadcast %broadcast_in_dim3A_321 : i32 to vector<16xi32>
        %gather3A_323 = tpu.vector_load_idx %arg16[%add3A_41, %broadcast_in_dim3A_322] : memref<64x128xf32, #tpu.memory_space<vmem>>[vector<16xi32>, vector<16xi32>], vector<16xf32>,
        tpu.vector_store_idx %arg18[%get3A_43, %broadcast_in_dim3A_322], %gather3A_323 {add = true} : memref<328x128xf32, #tpu.memory_space<vmem>>[vector<16xi32>, vector<16xi32>], vector<16xf32>,
        %broadcast_in_dim3A_324 = arith.constant 94 : i32
        %broadcast_in_dim3A_325 = vector.broadcast %broadcast_in_dim3A_324 : i32 to vector<16xi32>
        %gather3A_326 = tpu.vector_load_idx %arg16[%add3A_41, %broadcast_in_dim3A_325] : memref<64x128xf32, #tpu.memory_space<vmem>>[vector<16xi32>, vector<16xi32>], vector<16xf32>,
        tpu.vector_store_idx %arg18[%get3A_43, %broadcast_in_dim3A_325], %gather3A_326 {add = true} : memref<328x128xf32, #tpu.memory_space<vmem>>[vector<16xi32>, vector<16xi32>], vector<16xf32>,
        %broadcast_in_dim3A_327 = arith.constant 95 : i32
        %broadcast_in_dim3A_328 = vector.broadcast %broadcast_in_dim3A_327 : i32 to vector<16xi32>
        %gather3A_329 = tpu.vector_load_idx %arg16[%add3A_41, %broadcast_in_dim3A_328] : memref<64x128xf32, #tpu.memory_space<vmem>>[vector<16xi32>, vector<16xi32>], vector<16xf32>,
        tpu.vector_store_idx %arg18[%get3A_43, %broadcast_in_dim3A_328], %gather3A_329 {add = true} : memref<328x128xf32, #tpu.memory_space<vmem>>[vector<16xi32>, vector<16xi32>], vector<16xf32>,
        %broadcast_in_dim3A_330 = arith.constant 96 : i32
        %broadcast_in_dim3A_331 = vector.broadcast %broadcast_in_dim3A_330 : i32 to vector<16xi32>
        %gather3A_332 = tpu.vector_load_idx %arg16[%add3A_41, %broadcast_in_dim3A_331] : memref<64x128xf32, #tpu.memory_space<vmem>>[vector<16xi32>, vector<16xi32>], vector<16xf32>,
        tpu.vector_store_idx %arg18[%get3A_43, %broadcast_in_dim3A_331], %gather3A_332 {add = true} : memref<328x128xf32, #tpu.memory_space<vmem>>[vector<16xi32>, vector<16xi32>], vector<16xf32>,
        %broadcast_in_dim3A_333 = arith.constant 97 : i32
        %broadcast_in_dim3A_334 = vector.broadcast %broadcast_in_dim3A_333 : i32 to vector<16xi32>
        %gather3A_335 = tpu.vector_load_idx %arg16[%add3A_41, %broadcast_in_dim3A_334] : memref<64x128xf32, #tpu.memory_space<vmem>>[vector<16xi32>, vector<16xi32>], vector<16xf32>,
        tpu.vector_store_idx %arg18[%get3A_43, %broadcast_in_dim3A_334], %gather3A_335 {add = true} : memref<328x128xf32, #tpu.memory_space<vmem>>[vector<16xi32>, vector<16xi32>], vector<16xf32>,
        %broadcast_in_dim3A_336 = arith.constant 98 : i32
        %broadcast_in_dim3A_337 = vector.broadcast %broadcast_in_dim3A_336 : i32 to vector<16xi32>
        %gather3A_338 = tpu.vector_load_idx %arg16[%add3A_41, %broadcast_in_dim3A_337] : memref<64x128xf32, #tpu.memory_space<vmem>>[vector<16xi32>, vector<16xi32>], vector<16xf32>,
        tpu.vector_store_idx %arg18[%get3A_43, %broadcast_in_dim3A_337], %gather3A_338 {add = true} : memref<328x128xf32, #tpu.memory_space<vmem>>[vector<16xi32>, vector<16xi32>], vector<16xf32>,
        %broadcast_in_dim3A_339 = arith.constant 99 : i32
        %broadcast_in_dim3A_340 = vector.broadcast %broadcast_in_dim3A_339 : i32 to vector<16xi32>
        %gather3A_341 = tpu.vector_load_idx %arg16[%add3A_41, %broadcast_in_dim3A_340] : memref<64x128xf32, #tpu.memory_space<vmem>>[vector<16xi32>, vector<16xi32>], vector<16xf32>,
        tpu.vector_store_idx %arg18[%get3A_43, %broadcast_in_dim3A_340], %gather3A_341 {add = true} : memref<328x128xf32, #tpu.memory_space<vmem>>[vector<16xi32>, vector<16xi32>], vector<16xf32>,
        %broadcast_in_dim3A_342 = arith.constant 100 : i32
        %broadcast_in_dim3A_343 = vector.broadcast %broadcast_in_dim3A_342 : i32 to vector<16xi32>
        %gather3A_344 = tpu.vector_load_idx %arg16[%add3A_41, %broadcast_in_dim3A_343] : memref<64x128xf32, #tpu.memory_space<vmem>>[vector<16xi32>, vector<16xi32>], vector<16xf32>,
        tpu.vector_store_idx %arg18[%get3A_43, %broadcast_in_dim3A_343], %gather3A_344 {add = true} : memref<328x128xf32, #tpu.memory_space<vmem>>[vector<16xi32>, vector<16xi32>], vector<16xf32>,
        %broadcast_in_dim3A_345 = arith.constant 101 : i32
        %broadcast_in_dim3A_346 = vector.broadcast %broadcast_in_dim3A_345 : i32 to vector<16xi32>
        %gather3A_347 = tpu.vector_load_idx %arg16[%add3A_41, %broadcast_in_dim3A_346] : memref<64x128xf32, #tpu.memory_space<vmem>>[vector<16xi32>, vector<16xi32>], vector<16xf32>,
        tpu.vector_store_idx %arg18[%get3A_43, %broadcast_in_dim3A_346], %gather3A_347 {add = true} : memref<328x128xf32, #tpu.memory_space<vmem>>[vector<16xi32>, vector<16xi32>], vector<16xf32>,
        %broadcast_in_dim3A_348 = arith.constant 102 : i32
        %broadcast_in_dim3A_349 = vector.broadcast %broadcast_in_dim3A_348 : i32 to vector<16xi32>
        %gather3A_350 = tpu.vector_load_idx %arg16[%add3A_41, %broadcast_in_dim3A_349] : memref<64x128xf32, #tpu.memory_space<vmem>>[vector<16xi32>, vector<16xi32>], vector<16xf32>,
        tpu.vector_store_idx %arg18[%get3A_43, %broadcast_in_dim3A_349], %gather3A_350 {add = true} : memref<328x128xf32, #tpu.memory_space<vmem>>[vector<16xi32>, vector<16xi32>], vector<16xf32>,
        %broadcast_in_dim3A_351 = arith.constant 103 : i32
        %broadcast_in_dim3A_352 = vector.broadcast %broadcast_in_dim3A_351 : i32 to vector<16xi32>
        %gather3A_353 = tpu.vector_load_idx %arg16[%add3A_41, %broadcast_in_dim3A_352] : memref<64x128xf32, #tpu.memory_space<vmem>>[vector<16xi32>, vector<16xi32>], vector<16xf32>,
        tpu.vector_store_idx %arg18[%get3A_43, %broadcast_in_dim3A_352], %gather3A_353 {add = true} : memref<328x128xf32, #tpu.memory_space<vmem>>[vector<16xi32>, vector<16xi32>], vector<16xf32>,
        %broadcast_in_dim3A_354 = arith.constant 104 : i32
        %broadcast_in_dim3A_355 = vector.broadcast %broadcast_in_dim3A_354 : i32 to vector<16xi32>
        %gather3A_356 = tpu.vector_load_idx %arg16[%add3A_41, %broadcast_in_dim3A_355] : memref<64x128xf32, #tpu.memory_space<vmem>>[vector<16xi32>, vector<16xi32>], vector<16xf32>,
        tpu.vector_store_idx %arg18[%get3A_43, %broadcast_in_dim3A_355], %gather3A_356 {add = true} : memref<328x128xf32, #tpu.memory_space<vmem>>[vector<16xi32>, vector<16xi32>], vector<16xf32>,
        %broadcast_in_dim3A_357 = arith.constant 105 : i32
        %broadcast_in_dim3A_358 = vector.broadcast %broadcast_in_dim3A_357 : i32 to vector<16xi32>
        %gather3A_359 = tpu.vector_load_idx %arg16[%add3A_41, %broadcast_in_dim3A_358] : memref<64x128xf32, #tpu.memory_space<vmem>>[vector<16xi32>, vector<16xi32>], vector<16xf32>,
        tpu.vector_store_idx %arg18[%get3A_43, %broadcast_in_dim3A_358], %gather3A_359 {add = true} : memref<328x128xf32, #tpu.memory_space<vmem>>[vector<16xi32>, vector<16xi32>], vector<16xf32>,
        %broadcast_in_dim3A_360 = arith.constant 106 : i32
        %broadcast_in_dim3A_361 = vector.broadcast %broadcast_in_dim3A_360 : i32 to vector<16xi32>
        %gather3A_362 = tpu.vector_load_idx %arg16[%add3A_41, %broadcast_in_dim3A_361] : memref<64x128xf32, #tpu.memory_space<vmem>>[vector<16xi32>, vector<16xi32>], vector<16xf32>,
        tpu.vector_store_idx %arg18[%get3A_43, %broadcast_in_dim3A_361], %gather3A_362 {add = true} : memref<328x128xf32, #tpu.memory_space<vmem>>[vector<16xi32>, vector<16xi32>], vector<16xf32>,
        %broadcast_in_dim3A_363 = arith.constant 107 : i32
        %broadcast_in_dim3A_364 = vector.broadcast %broadcast_in_dim3A_363 : i32 to vector<16xi32>
        %gather3A_365 = tpu.vector_load_idx %arg16[%add3A_41, %broadcast_in_dim3A_364] : memref<64x128xf32, #tpu.memory_space<vmem>>[vector<16xi32>, vector<16xi32>], vector<16xf32>,
        tpu.vector_store_idx %arg18[%get3A_43, %broadcast_in_dim3A_364], %gather3A_365 {add = true} : memref<328x128xf32, #tpu.memory_space<vmem>>[vector<16xi32>, vector<16xi32>], vector<16xf32>,
        %broadcast_in_dim3A_366 = arith.constant 108 : i32
        %broadcast_in_dim3A_367 = vector.broadcast %broadcast_in_dim3A_366 : i32 to vector<16xi32>
        %gather3A_368 = tpu.vector_load_idx %arg16[%add3A_41, %broadcast_in_dim3A_367] : memref<64x128xf32, #tpu.memory_space<vmem>>[vector<16xi32>, vector<16xi32>], vector<16xf32>,
        tpu.vector_store_idx %arg18[%get3A_43, %broadcast_in_dim3A_367], %gather3A_368 {add = true} : memref<328x128xf32, #tpu.memory_space<vmem>>[vector<16xi32>, vector<16xi32>], vector<16xf32>,
        %broadcast_in_dim3A_369 = arith.constant 109 : i32
        %broadcast_in_dim3A_370 = vector.broadcast %broadcast_in_dim3A_369 : i32 to vector<16xi32>
        %gather3A_371 = tpu.vector_load_idx %arg16[%add3A_41, %broadcast_in_dim3A_370] : memref<64x128xf32, #tpu.memory_space<vmem>>[vector<16xi32>, vector<16xi32>], vector<16xf32>,
        tpu.vector_store_idx %arg18[%get3A_43, %broadcast_in_dim3A_370], %gather3A_371 {add = true} : memref<328x128xf32, #tpu.memory_space<vmem>>[vector<16xi32>, vector<16xi32>], vector<16xf32>,
        %broadcast_in_dim3A_372 = arith.constant 110 : i32
        %broadcast_in_dim3A_373 = vector.broadcast %broadcast_in_dim3A_372 : i32 to vector<16xi32>
        %gather3A_374 = tpu.vector_load_idx %arg16[%add3A_41, %broadcast_in_dim3A_373] : memref<64x128xf32, #tpu.memory_space<vmem>>[vector<16xi32>, vector<16xi32>], vector<16xf32>,
        tpu.vector_store_idx %arg18[%get3A_43, %broadcast_in_dim3A_373], %gather3A_374 {add = true} : memref<328x128xf32, #tpu.memory_space<vmem>>[vector<16xi32>, vector<16xi32>], vector<16xf32>,
        %broadcast_in_dim3A_375 = arith.constant 111 : i32
        %broadcast_in_dim3A_376 = vector.broadcast %broadcast_in_dim3A_375 : i32 to vector<16xi32>
        %gather3A_377 = tpu.vector_load_idx %arg16[%add3A_41, %broadcast_in_dim3A_376] : memref<64x128xf32, #tpu.memory_space<vmem>>[vector<16xi32>, vector<16xi32>], vector<16xf32>,
        tpu.vector_store_idx %arg18[%get3A_43, %broadcast_in_dim3A_376], %gather3A_377 {add = true} : memref<328x128xf32, #tpu.memory_space<vmem>>[vector<16xi32>, vector<16xi32>], vector<16xf32>,
        %broadcast_in_dim3A_378 = arith.constant 112 : i32
        %broadcast_in_dim3A_379 = vector.broadcast %broadcast_in_dim3A_378 : i32 to vector<16xi32>
        %gather3A_380 = tpu.vector_load_idx %arg16[%add3A_41, %broadcast_in_dim3A_379] : memref<64x128xf32, #tpu.memory_space<vmem>>[vector<16xi32>, vector<16xi32>], vector<16xf32>,
        tpu.vector_store_idx %arg18[%get3A_43, %broadcast_in_dim3A_379], %gather3A_380 {add = true} : memref<328x128xf32, #tpu.memory_space<vmem>>[vector<16xi32>, vector<16xi32>], vector<16xf32>,
        %broadcast_in_dim3A_381 = arith.constant 113 : i32
        %broadcast_in_dim3A_382 = vector.broadcast %broadcast_in_dim3A_381 : i32 to vector<16xi32>
        %gather3A_383 = tpu.vector_load_idx %arg16[%add3A_41, %broadcast_in_dim3A_382] : memref<64x128xf32, #tpu.memory_space<vmem>>[vector<16xi32>, vector<16xi32>], vector<16xf32>,
        tpu.vector_store_idx %arg18[%get3A_43, %broadcast_in_dim3A_382], %gather3A_383 {add = true} : memref<328x128xf32, #tpu.memory_space<vmem>>[vector<16xi32>, vector<16xi32>], vector<16xf32>,
        %broadcast_in_dim3A_384 = arith.constant 114 : i32
        %broadcast_in_dim3A_385 = vector.broadcast %broadcast_in_dim3A_384 : i32 to vector<16xi32>
        %gather3A_386 = tpu.vector_load_idx %arg16[%add3A_41, %broadcast_in_dim3A_385] : memref<64x128xf32, #tpu.memory_space<vmem>>[vector<16xi32>, vector<16xi32>], vector<16xf32>,
        tpu.vector_store_idx %arg18[%get3A_43, %broadcast_in_dim3A_385], %gather3A_386 {add = true} : memref<328x128xf32, #tpu.memory_space<vmem>>[vector<16xi32>, vector<16xi32>], vector<16xf32>,
        %broadcast_in_dim3A_387 = arith.constant 115 : i32
        %broadcast_in_dim3A_388 = vector.broadcast %broadcast_in_dim3A_387 : i32 to vector<16xi32>
        %gather3A_389 = tpu.vector_load_idx %arg16[%add3A_41, %broadcast_in_dim3A_388] : memref<64x128xf32, #tpu.memory_space<vmem>>[vector<16xi32>, vector<16xi32>], vector<16xf32>,
        tpu.vector_store_idx %arg18[%get3A_43, %broadcast_in_dim3A_388], %gather3A_389 {add = true} : memref<328x128xf32, #tpu.memory_space<vmem>>[vector<16xi32>, vector<16xi32>], vector<16xf32>,
        %broadcast_in_dim3A_390 = arith.constant 116 : i32
        %broadcast_in_dim3A_391 = vector.broadcast %broadcast_in_dim3A_390 : i32 to vector<16xi32>
        %gather3A_392 = tpu.vector_load_idx %arg16[%add3A_41, %broadcast_in_dim3A_391] : memref<64x128xf32, #tpu.memory_space<vmem>>[vector<16xi32>, vector<16xi32>], vector<16xf32>,
        tpu.vector_store_idx %arg18[%get3A_43, %broadcast_in_dim3A_391], %gather3A_392 {add = true} : memref<328x128xf32, #tpu.memory_space<vmem>>[vector<16xi32>, vector<16xi32>], vector<16xf32>,
        %broadcast_in_dim3A_393 = arith.constant 117 : i32
        %broadcast_in_dim3A_394 = vector.broadcast %broadcast_in_dim3A_393 : i32 to vector<16xi32>
        %gather3A_395 = tpu.vector_load_idx %arg16[%add3A_41, %broadcast_in_dim3A_394] : memref<64x128xf32, #tpu.memory_space<vmem>>[vector<16xi32>, vector<16xi32>], vector<16xf32>,
        tpu.vector_store_idx %arg18[%get3A_43, %broadcast_in_dim3A_394], %gather3A_395 {add = true} : memref<328x128xf32, #tpu.memory_space<vmem>>[vector<16xi32>, vector<16xi32>], vector<16xf32>,
        %broadcast_in_dim3A_396 = arith.constant 118 : i32
        %broadcast_in_dim3A_397 = vector.broadcast %broadcast_in_dim3A_396 : i32 to vector<16xi32>
        %gather3A_398 = tpu.vector_load_idx %arg16[%add3A_41, %broadcast_in_dim3A_397] : memref<64x128xf32, #tpu.memory_space<vmem>>[vector<16xi32>, vector<16xi32>], vector<16xf32>,
        tpu.vector_store_idx %arg18[%get3A_43, %broadcast_in_dim3A_397], %gather3A_398 {add = true} : memref<328x128xf32, #tpu.memory_space<vmem>>[vector<16xi32>, vector<16xi32>], vector<16xf32>,
        %broadcast_in_dim3A_399 = arith.constant 119 : i32
        %broadcast_in_dim3A_400 = vector.broadcast %broadcast_in_dim3A_399 : i32 to vector<16xi32>
        %gather3A_401 = tpu.vector_load_idx %arg16[%add3A_41, %broadcast_in_dim3A_400] : memref<64x128xf32, #tpu.memory_space<vmem>>[vector<16xi32>, vector<16xi32>], vector<16xf32>,
        tpu.vector_store_idx %arg18[%get3A_43, %broadcast_in_dim3A_400], %gather3A_401 {add = true} : memref<328x128xf32, #tpu.memory_space<vmem>>[vector<16xi32>, vector<16xi32>], vector<16xf32>,
        %broadcast_in_dim3A_402 = arith.constant 120 : i32
        %broadcast_in_dim3A_403 = vector.broadcast %broadcast_in_dim3A_402 : i32 to vector<16xi32>
        %gather3A_404 = tpu.vector_load_idx %arg16[%add3A_41, %broadcast_in_dim3A_403] : memref<64x128xf32, #tpu.memory_space<vmem>>[vector<16xi32>, vector<16xi32>], vector<16xf32>,
        tpu.vector_store_idx %arg18[%get3A_43, %broadcast_in_dim3A_403], %gather3A_404 {add = true} : memref<328x128xf32, #tpu.memory_space<vmem>>[vector<16xi32>, vector<16xi32>], vector<16xf32>,
        %broadcast_in_dim3A_405 = arith.constant 121 : i32
        %broadcast_in_dim3A_406 = vector.broadcast %broadcast_in_dim3A_405 : i32 to vector<16xi32>
        %gather3A_407 = tpu.vector_load_idx %arg16[%add3A_41, %broadcast_in_dim3A_406] : memref<64x128xf32, #tpu.memory_space<vmem>>[vector<16xi32>, vector<16xi32>], vector<16xf32>,
        tpu.vector_store_idx %arg18[%get3A_43, %broadcast_in_dim3A_406], %gather3A_407 {add = true} : memref<328x128xf32, #tpu.memory_space<vmem>>[vector<16xi32>, vector<16xi32>], vector<16xf32>,
        %broadcast_in_dim3A_408 = arith.constant 122 : i32
        %broadcast_in_dim3A_409 = vector.broadcast %broadcast_in_dim3A_408 : i32 to vector<16xi32>
        %gather3A_410 = tpu.vector_load_idx %arg16[%add3A_41, %broadcast_in_dim3A_409] : memref<64x128xf32, #tpu.memory_space<vmem>>[vector<16xi32>, vector<16xi32>], vector<16xf32>,
        tpu.vector_store_idx %arg18[%get3A_43, %broadcast_in_dim3A_409], %gather3A_410 {add = true} : memref<328x128xf32, #tpu.memory_space<vmem>>[vector<16xi32>, vector<16xi32>], vector<16xf32>,
        %broadcast_in_dim3A_411 = arith.constant 123 : i32
        %broadcast_in_dim3A_412 = vector.broadcast %broadcast_in_dim3A_411 : i32 to vector<16xi32>
        %gather3A_413 = tpu.vector_load_idx %arg16[%add3A_41, %broadcast_in_dim3A_412] : memref<64x128xf32, #tpu.memory_space<vmem>>[vector<16xi32>, vector<16xi32>], vector<16xf32>,
        tpu.vector_store_idx %arg18[%get3A_43, %broadcast_in_dim3A_412], %gather3A_413 {add = true} : memref<328x128xf32, #tpu.memory_space<vmem>>[vector<16xi32>, vector<16xi32>], vector<16xf32>,
        %broadcast_in_dim3A_414 = arith.constant 124 : i32
        %broadcast_in_dim3A_415 = vector.broadcast %broadcast_in_dim3A_414 : i32 to vector<16xi32>
        %gather3A_416 = tpu.vector_load_idx %arg16[%add3A_41, %broadcast_in_dim3A_415] : memref<64x128xf32, #tpu.memory_space<vmem>>[vector<16xi32>, vector<16xi32>], vector<16xf32>,
        tpu.vector_store_idx %arg18[%get3A_43, %broadcast_in_dim3A_415], %gather3A_416 {add = true} : memref<328x128xf32, #tpu.memory_space<vmem>>[vector<16xi32>, vector<16xi32>], vector<16xf32>,
        %broadcast_in_dim3A_417 = arith.constant 125 : i32
        %broadcast_in_dim3A_418 = vector.broadcast %broadcast_in_dim3A_417 : i32 to vector<16xi32>
        %gather3A_419 = tpu.vector_load_idx %arg16[%add3A_41, %broadcast_in_dim3A_418] : memref<64x128xf32, #tpu.memory_space<vmem>>[vector<16xi32>, vector<16xi32>], vector<16xf32>,
        tpu.vector_store_idx %arg18[%get3A_43, %broadcast_in_dim3A_418], %gather3A_419 {add = true} : memref<328x128xf32, #tpu.memory_space<vmem>>[vector<16xi32>, vector<16xi32>], vector<16xf32>,
        %broadcast_in_dim3A_420 = arith.constant 126 : i32
        %broadcast_in_dim3A_421 = vector.broadcast %broadcast_in_dim3A_420 : i32 to vector<16xi32>
        %gather3A_422 = tpu.vector_load_idx %arg16[%add3A_41, %broadcast_in_dim3A_421] : memref<64x128xf32, #tpu.memory_space<vmem>>[vector<16xi32>, vector<16xi32>], vector<16xf32>,
        tpu.vector_store_idx %arg18[%get3A_43, %broadcast_in_dim3A_421], %gather3A_422 {add = true} : memref<328x128xf32, #tpu.memory_space<vmem>>[vector<16xi32>, vector<16xi32>], vector<16xf32>,
        %broadcast_in_dim3A_423 = arith.constant 127 : i32
        %broadcast_in_dim3A_424 = vector.broadcast %broadcast_in_dim3A_423 : i32 to vector<16xi32>
        %gather3A_425 = tpu.vector_load_idx %arg16[%add3A_41, %broadcast_in_dim3A_424] : memref<64x128xf32, #tpu.memory_space<vmem>>[vector<16xi32>, vector<16xi32>], vector<16xf32>,
        tpu.vector_store_idx %arg18[%get3A_43, %broadcast_in_dim3A_424], %gather3A_425 {add = true} : memref<328x128xf32, #tpu.memory_space<vmem>>[vector<16xi32>, vector<16xi32>], vector<16xf32>,
        %broadcast_in_dim3A_426 = arith.constant 0 : i32
        %broadcast_in_dim3A_427 = vector.broadcast %broadcast_in_dim3A_426 : i32 to vector<16xi32>
        %gather3A_428 = tpu.vector_load_idx %arg17[%add3A_41, %broadcast_in_dim3A_427] : memref<64x128xf32, #tpu.memory_space<vmem>>[vector<16xi32>, vector<16xi32>], vector<16xf32>,
        tpu.vector_store_idx %arg19[%get3A_43, %broadcast_in_dim3A_427], %gather3A_428 {add = true} : memref<328x16xf32, #tpu.memory_space<vmem>>[vector<16xi32>, vector<16xi32>], vector<16xf32>,
        %broadcast_in_dim3A_429 = arith.constant 1 : i32
        %broadcast_in_dim3A_430 = vector.broadcast %broadcast_in_dim3A_429 : i32 to vector<16xi32>
        %gather3A_431 = tpu.vector_load_idx %arg17[%add3A_41, %broadcast_in_dim3A_430] : memref<64x128xf32, #tpu.memory_space<vmem>>[vector<16xi32>, vector<16xi32>], vector<16xf32>,
        tpu.vector_store_idx %arg19[%get3A_43, %broadcast_in_dim3A_430], %gather3A_431 {add = true} : memref<328x16xf32, #tpu.memory_space<vmem>>[vector<16xi32>, vector<16xi32>], vector<16xf32>,
        %broadcast_in_dim3A_432 = arith.constant 2 : i32
        %broadcast_in_dim3A_433 = vector.broadcast %broadcast_in_dim3A_432 : i32 to vector<16xi32>
        %gather3A_434 = tpu.vector_load_idx %arg17[%add3A_41, %broadcast_in_dim3A_433] : memref<64x128xf32, #tpu.memory_space<vmem>>[vector<16xi32>, vector<16xi32>], vector<16xf32>,
        tpu.vector_store_idx %arg19[%get3A_43, %broadcast_in_dim3A_433], %gather3A_434 {add = true} : memref<328x16xf32, #tpu.memory_space<vmem>>[vector<16xi32>, vector<16xi32>], vector<16xf32>,
        %broadcast_in_dim3A_435 = arith.constant 3 : i32
        %broadcast_in_dim3A_436 = vector.broadcast %broadcast_in_dim3A_435 : i32 to vector<16xi32>
        %gather3A_437 = tpu.vector_load_idx %arg17[%add3A_41, %broadcast_in_dim3A_436] : memref<64x128xf32, #tpu.memory_space<vmem>>[vector<16xi32>, vector<16xi32>], vector<16xf32>,
        tpu.vector_store_idx %arg19[%get3A_43, %broadcast_in_dim3A_436], %gather3A_437 {add = true} : memref<328x16xf32, #tpu.memory_space<vmem>>[vector<16xi32>, vector<16xi32>], vector<16xf32>,
        %broadcast_in_dim3A_438 = arith.constant 4 : i32
        %broadcast_in_dim3A_439 = vector.broadcast %broadcast_in_dim3A_438 : i32 to vector<16xi32>
        %gather3A_440 = tpu.vector_load_idx %arg17[%add3A_41, %broadcast_in_dim3A_439] : memref<64x128xf32, #tpu.memory_space<vmem>>[vector<16xi32>, vector<16xi32>], vector<16xf32>,
        tpu.vector_store_idx %arg19[%get3A_43, %broadcast_in_dim3A_439], %gather3A_440 {add = true} : memref<328x16xf32, #tpu.memory_space<vmem>>[vector<16xi32>, vector<16xi32>], vector<16xf32>,
        %broadcast_in_dim3A_441 = arith.constant 5 : i32
        %broadcast_in_dim3A_442 = vector.broadcast %broadcast_in_dim3A_441 : i32 to vector<16xi32>
        %gather3A_443 = tpu.vector_load_idx %arg17[%add3A_41, %broadcast_in_dim3A_442] : memref<64x128xf32, #tpu.memory_space<vmem>>[vector<16xi32>, vector<16xi32>], vector<16xf32>,
        tpu.vector_store_idx %arg19[%get3A_43, %broadcast_in_dim3A_442], %gather3A_443 {add = true} : memref<328x16xf32, #tpu.memory_space<vmem>>[vector<16xi32>, vector<16xi32>], vector<16xf32>,
        %broadcast_in_dim3A_444 = arith.constant 6 : i32
        %broadcast_in_dim3A_445 = vector.broadcast %broadcast_in_dim3A_444 : i32 to vector<16xi32>
        %gather3A_446 = tpu.vector_load_idx %arg17[%add3A_41, %broadcast_in_dim3A_445] : memref<64x128xf32, #tpu.memory_space<vmem>>[vector<16xi32>, vector<16xi32>], vector<16xf32>,
        tpu.vector_store_idx %arg19[%get3A_43, %broadcast_in_dim3A_445], %gather3A_446 {add = true} : memref<328x16xf32, #tpu.memory_space<vmem>>[vector<16xi32>, vector<16xi32>], vector<16xf32>,
        %broadcast_in_dim3A_447 = arith.constant 7 : i32
        %broadcast_in_dim3A_448 = vector.broadcast %broadcast_in_dim3A_447 : i32 to vector<16xi32>
        %gather3A_449 = tpu.vector_load_idx %arg17[%add3A_41, %broadcast_in_dim3A_448] : memref<64x128xf32, #tpu.memory_space<vmem>>[vector<16xi32>, vector<16xi32>], vector<16xf32>,
        tpu.vector_store_idx %arg19[%get3A_43, %broadcast_in_dim3A_448], %gather3A_449 {add = true} : memref<328x16xf32, #tpu.memory_space<vmem>>[vector<16xi32>, vector<16xi32>], vector<16xf32>,
        %broadcast_in_dim3A_450 = arith.constant 8 : i32
        %broadcast_in_dim3A_451 = vector.broadcast %broadcast_in_dim3A_450 : i32 to vector<16xi32>
        %gather3A_452 = tpu.vector_load_idx %arg17[%add3A_41, %broadcast_in_dim3A_451] : memref<64x128xf32, #tpu.memory_space<vmem>>[vector<16xi32>, vector<16xi32>], vector<16xf32>,
        tpu.vector_store_idx %arg19[%get3A_43, %broadcast_in_dim3A_451], %gather3A_452 {add = true} : memref<328x16xf32, #tpu.memory_space<vmem>>[vector<16xi32>, vector<16xi32>], vector<16xf32>,
        %broadcast_in_dim3A_453 = arith.constant 9 : i32
        %broadcast_in_dim3A_454 = vector.broadcast %broadcast_in_dim3A_453 : i32 to vector<16xi32>
        %gather3A_455 = tpu.vector_load_idx %arg17[%add3A_41, %broadcast_in_dim3A_454] : memref<64x128xf32, #tpu.memory_space<vmem>>[vector<16xi32>, vector<16xi32>], vector<16xf32>,
        tpu.vector_store_idx %arg19[%get3A_43, %broadcast_in_dim3A_454], %gather3A_455 {add = true} : memref<328x16xf32, #tpu.memory_space<vmem>>[vector<16xi32>, vector<16xi32>], vector<16xf32>,
        %broadcast_in_dim3A_456 = arith.constant 10 : i32
        %broadcast_in_dim3A_457 = vector.broadcast %broadcast_in_dim3A_456 : i32 to vector<16xi32>
        %gather3A_458 = tpu.vector_load_idx %arg17[%add3A_41, %broadcast_in_dim3A_457] : memref<64x128xf32, #tpu.memory_space<vmem>>[vector<16xi32>, vector<16xi32>], vector<16xf32>,
        tpu.vector_store_idx %arg19[%get3A_43, %broadcast_in_dim3A_457], %gather3A_458 {add = true} : memref<328x16xf32, #tpu.memory_space<vmem>>[vector<16xi32>, vector<16xi32>], vector<16xf32>,
        %broadcast_in_dim3A_459 = arith.constant 11 : i32
        %broadcast_in_dim3A_460 = vector.broadcast %broadcast_in_dim3A_459 : i32 to vector<16xi32>
        %gather3A_461 = tpu.vector_load_idx %arg17[%add3A_41, %broadcast_in_dim3A_460] : memref<64x128xf32, #tpu.memory_space<vmem>>[vector<16xi32>, vector<16xi32>], vector<16xf32>,
        tpu.vector_store_idx %arg19[%get3A_43, %broadcast_in_dim3A_460], %gather3A_461 {add = true} : memref<328x16xf32, #tpu.memory_space<vmem>>[vector<16xi32>, vector<16xi32>], vector<16xf32>,
        %broadcast_in_dim3A_462 = arith.constant 12 : i32
        %broadcast_in_dim3A_463 = vector.broadcast %broadcast_in_dim3A_462 : i32 to vector<16xi32>
        %gather3A_464 = tpu.vector_load_idx %arg17[%add3A_41, %broadcast_in_dim3A_463] : memref<64x128xf32, #tpu.memory_space<vmem>>[vector<16xi32>, vector<16xi32>], vector<16xf32>,
        tpu.vector_store_idx %arg19[%get3A_43, %broadcast_in_dim3A_463], %gather3A_464 {add = true} : memref<328x16xf32, #tpu.memory_space<vmem>>[vector<16xi32>, vector<16xi32>], vector<16xf32>,
        %broadcast_in_dim3A_465 = arith.constant 13 : i32
        %broadcast_in_dim3A_466 = vector.broadcast %broadcast_in_dim3A_465 : i32 to vector<16xi32>
        %gather3A_467 = tpu.vector_load_idx %arg17[%add3A_41, %broadcast_in_dim3A_466] : memref<64x128xf32, #tpu.memory_space<vmem>>[vector<16xi32>, vector<16xi32>], vector<16xf32>,
        tpu.vector_store_idx %arg19[%get3A_43, %broadcast_in_dim3A_466], %gather3A_467 {add = true} : memref<328x16xf32, #tpu.memory_space<vmem>>[vector<16xi32>, vector<16xi32>], vector<16xf32>,
        %broadcast_in_dim3A_468 = arith.constant 14 : i32
        %broadcast_in_dim3A_469 = vector.broadcast %broadcast_in_dim3A_468 : i32 to vector<16xi32>
        %gather3A_470 = tpu.vector_load_idx %arg17[%add3A_41, %broadcast_in_dim3A_469] : memref<64x128xf32, #tpu.memory_space<vmem>>[vector<16xi32>, vector<16xi32>], vector<16xf32>,
        tpu.vector_store_idx %arg19[%get3A_43, %broadcast_in_dim3A_469], %gather3A_470 {add = true} : memref<328x16xf32, #tpu.memory_space<vmem>>[vector<16xi32>, vector<16xi32>], vector<16xf32>,
        %broadcast_in_dim3A_471 = arith.constant 15 : i32
        %broadcast_in_dim3A_472 = vector.broadcast %broadcast_in_dim3A_471 : i32 to vector<16xi32>
        %gather3A_473 = tpu.vector_load_idx %arg17[%add3A_41, %broadcast_in_dim3A_472] : memref<64x128xf32, #tpu.memory_space<vmem>>[vector<16xi32>, vector<16xi32>], vector<16xf32>,
        tpu.vector_store_idx %arg19[%get3A_43, %broadcast_in_dim3A_472], %gather3A_473 {add = true} : memref<328x16xf32, #tpu.memory_space<vmem>>[vector<16xi32>, vector<16xi32>], vector<16xf32>,
      }
      %scan3A_36 = arith.constant 4 : i32
    }
    %scan3A_13 = arith.constant 192 : i32
    "tpu.region"() ({
      %run_scoped3A = tpu.sem_alloc : memref<!tpu.dma_semaphore, #tpu.memory_space<semaphore_mem>>
      %dma_start3A = arith.constant 0 : i32
      %dma_start3A_14 = arith.constant 0 : i32
      %dma_start3A_15 = tpu.memref_slice %arg18[%dma_start3A, %dma_start3A_14] : memref<328x128xf32, #tpu.memory_space<vmem>> -> memref<320x128xf32, #tpu.memory_space<vmem>>
      %dma_start3A_16 = arith.constant 0 : i32
      %dma_start3A_17 = tpu.memref_slice %arg10[%mul3A_2, %dma_start3A_16] : memref<10240x128xf32, #tpu.memory_space<hbm>> -> memref<320x128xf32, #tpu.memory_space<hbm>>
      %dma_start3A_18 = arith.constant 0 : i32
      %dma_start3A_19 = tpu.memref_slice %arg10[%mul3A_2, %dma_start3A_18] : memref<10240x128xf32, #tpu.memory_space<hbm>> -> memref<320x128xf32, #tpu.memory_space<hbm>>
      %dma_start3A_20 = arith.constant 0 : i32
      %dma_start3A_21 = arith.constant 0 : i32
      %dma_start3A_22 = tpu.memref_slice %arg18[%dma_start3A_20, %dma_start3A_21] : memref<328x128xf32, #tpu.memory_space<vmem>> -> memref<320x128xf32, #tpu.memory_space<vmem>>
      tpu.enqueue_dma source(%dma_start3A_22 : memref<320x128xf32, #tpu.memory_space<vmem>>) target(%dma_start3A_19 : memref<320x128xf32, #tpu.memory_space<hbm>>) target_semaphore(%run_scoped3A : memref<!tpu.dma_semaphore, #tpu.memory_space<semaphore_mem>>)
      %dma_wait3A = arith.constant 0 : i32
      %dma_wait3A_23 = arith.constant 0 : i32
      %dma_wait3A_24 = tpu.memref_slice %arg18[%dma_wait3A, %dma_wait3A_23] : memref<328x128xf32, #tpu.memory_space<vmem>> -> memref<320x128xf32, #tpu.memory_space<vmem>>
      %dma_wait3A_25 = arith.constant 0 : i32
      %dma_wait3A_26 = tpu.memref_slice %arg10[%mul3A_2, %dma_wait3A_25] : memref<10240x128xf32, #tpu.memory_space<hbm>> -> memref<320x128xf32, #tpu.memory_space<hbm>>
      %dma_wait3A_27 = arith.constant 0 : i32
      %dma_wait3A_28 = tpu.memref_slice %arg10[%mul3A_2, %dma_wait3A_27] : memref<10240x128xf32, #tpu.memory_space<hbm>> -> memref<320x128xf32, #tpu.memory_space<hbm>>
      %dma_wait3A_29 = arith.constant 0 : i32
      %dma_wait3A_30 = arith.constant 0 : i32
      %dma_wait3A_31 = tpu.memref_slice %arg18[%dma_wait3A_29, %dma_wait3A_30] : memref<328x128xf32, #tpu.memory_space<vmem>> -> memref<320x128xf32, #tpu.memory_space<vmem>>
      tpu.wait_dma2 semaphore(%run_scoped3A : memref<!tpu.dma_semaphore, #tpu.memory_space<semaphore_mem>>) src(%dma_wait3A_31 : memref<320x128xf32, #tpu.memory_space<vmem>>) dst(%dma_wait3A_28 : memref<320x128xf32, #tpu.memory_space<hbm>>)
      tpu.yield
    }) : () -> ()
    "tpu.region"() ({
      %run_scoped3A = tpu.sem_alloc : memref<!tpu.dma_semaphore, #tpu.memory_space<semaphore_mem>>
      %dma_start3A = arith.constant 0 : i32
      %dma_start3A_14 = arith.constant 0 : i32
      %dma_start3A_15 = tpu.memref_slice %arg19[%dma_start3A, %dma_start3A_14] : memref<328x16xf32, #tpu.memory_space<vmem>> -> memref<320x16xf32, #tpu.memory_space<vmem>>
      %dma_start3A_16 = arith.constant 0 : i32
      %dma_start3A_17 = tpu.memref_slice %arg11[%mul3A_2, %dma_start3A_16] : memref<10240x16xf32, #tpu.memory_space<hbm>> -> memref<320x16xf32, #tpu.memory_space<hbm>>
      %dma_start3A_18 = arith.constant 0 : i32
      %dma_start3A_19 = tpu.memref_slice %arg11[%mul3A_2, %dma_start3A_18] : memref<10240x16xf32, #tpu.memory_space<hbm>> -> memref<320x16xf32, #tpu.memory_space<hbm>>
      %dma_start3A_20 = arith.constant 0 : i32
      %dma_start3A_21 = arith.constant 0 : i32
      %dma_start3A_22 = tpu.memref_slice %arg19[%dma_start3A_20, %dma_start3A_21] : memref<328x16xf32, #tpu.memory_space<vmem>> -> memref<320x16xf32, #tpu.memory_space<vmem>>
      tpu.enqueue_dma source(%dma_start3A_22 : memref<320x16xf32, #tpu.memory_space<vmem>>) target(%dma_start3A_19 : memref<320x16xf32, #tpu.memory_space<hbm>>) target_semaphore(%run_scoped3A : memref<!tpu.dma_semaphore, #tpu.memory_space<semaphore_mem>>)
      %dma_wait3A = arith.constant 0 : i32
      %dma_wait3A_23 = arith.constant 0 : i32
      %dma_wait3A_24 = tpu.memref_slice %arg19[%dma_wait3A, %dma_wait3A_23] : memref<328x16xf32, #tpu.memory_space<vmem>> -> memref<320x16xf32, #tpu.memory_space<vmem>>
      %dma_wait3A_25 = arith.constant 0 : i32
      %dma_wait3A_26 = tpu.memref_slice %arg11[%mul3A_2, %dma_wait3A_25] : memref<10240x16xf32, #tpu.memory_space<hbm>> -> memref<320x16xf32, #tpu.memory_space<hbm>>
      %dma_wait3A_27 = arith.constant 0 : i32
      %dma_wait3A_28 = tpu.memref_slice %arg11[%mul3A_2, %dma_wait3A_27] : memref<10240x16xf32, #tpu.memory_space<hbm>> -> memref<320x16xf32, #tpu.memory_space<hbm>>
      %dma_wait3A_29 = arith.constant 0 : i32
      %dma_wait3A_30 = arith.constant 0 : i32
      %dma_wait3A_31 = tpu.memref_slice %arg19[%dma_wait3A_29, %dma_wait3A_30] : memref<328x16xf32, #tpu.memory_space<vmem>> -> memref<320x16xf32, #tpu.memory_space<vmem>>
      tpu.wait_dma2 semaphore(%run_scoped3A : memref<!tpu.dma_semaphore, #tpu.memory_space<semaphore_mem>>) src(%dma_wait3A_31 : memref<320x16xf32, #tpu.memory_space<vmem>>) dst(%dma_wait3A_28 : memref<320x16xf32, #tpu.memory_space<hbm>>)
      tpu.yield
    }) : () -> ()
    return
  }
}

#map = affine_map<(d0, d1) -> (0, 0)>
#map1 = affine_map<(d0, d1) -> (0)>
module attributes {stable_mosaic.version = 14 : i64} {
  func.func @_gather_body(%arg0: i32, %arg1: i32, %arg2: memref<10000x256xf32, #tpu.memory_space<hbm>>, %arg3: memref<10000x128xf32, #tpu.memory_space<hbm>>, %arg4: memref<327680xi32, #tpu.memory_space<hbm>>, %arg5: memref<327680xi32, #tpu.memory_space<hbm>>, %arg6: memref<327680x256xf32, #tpu.memory_space<hbm>>, %arg7: memref<327680x128xf32, #tpu.memory_space<hbm>>, %arg8: memref<1024xi32, #tpu.memory_space<vmem>>, %arg9: memref<1024xi32, #tpu.memory_space<vmem>>, %arg10: memref<128x256xf32, #tpu.memory_space<vmem>>, %arg11: memref<128x128xf32, #tpu.memory_space<vmem>>, %arg12: memref<!tpu.dma_semaphore, #tpu.memory_space<semaphore_mem>>, %arg13: memref<!tpu.dma_semaphore, #tpu.memory_space<semaphore_mem>>) attributes {dimension_semantics = [#tpu.dimension_semantics<core_parallel>, #tpu.dimension_semantics<subcore_parallel>], iteration_bounds = array<i64: 2, 16>, scalar_prefetch = 0 : i64, scratch_operands = 6 : i64, tpu.core_type = #tpu.core_type<sc_vector_subcore>, window_params = [{transform_indices = #map}, {transform_indices = #map}, {transform_indices = #map1}, {transform_indices = #map1}, {transform_indices = #map}, {transform_indices = #map}]} {
    %mul3A = arith.constant 2 : i32
    %mul3A_0 = arith.muli %arg1, %mul3A : i32
    %add3A = arith.addi %mul3A_0, %arg0 : i32
    %scan3A = arith.constant 0 : i32
    %scan3A_1 = arith.constant 0 : i32
    %scan3A_2 = arith.constant 10 : i32
    %scan3A_3 = arith.addi %scan3A_1, %scan3A_2 : i32
    %scan3A_4 = arith.constant 1 : i32
    scf.for %scan3A_6 = %scan3A_1 to %scan3A_3 step %scan3A_4  : i32 {
      %mul3A_7 = arith.constant 10 : i32
      %mul3A_8 = arith.muli %add3A, %mul3A_7 : i32
      %add3A_9 = arith.addi %mul3A_8, %scan3A_6 : i32
      %mul3A_10 = arith.constant 1024 : i32
      %mul3A_11 = arith.muli %add3A_9, %mul3A_10 : i32
      "tpu.region"() ({
        %run_scoped3A = tpu.sem_alloc : memref<!tpu.dma_semaphore, #tpu.memory_space<semaphore_mem>>
        %dma_start3A_186 = tpu.memref_slice %arg4[%mul3A_11] : memref<327680xi32, #tpu.memory_space<hbm>> -> memref<1024xi32, #tpu.memory_space<hbm>>
        %dma_start3A_187 = tpu.memref_slice %arg4[%mul3A_11] : memref<327680xi32, #tpu.memory_space<hbm>> -> memref<1024xi32, #tpu.memory_space<hbm>>
        tpu.enqueue_dma source(%dma_start3A_187 : memref<1024xi32, #tpu.memory_space<hbm>>) target(%arg8 : memref<1024xi32, #tpu.memory_space<vmem>>) target_semaphore(%run_scoped3A : memref<!tpu.dma_semaphore, #tpu.memory_space<semaphore_mem>>)
        %dma_wait3A_188 = tpu.memref_slice %arg4[%mul3A_11] : memref<327680xi32, #tpu.memory_space<hbm>> -> memref<1024xi32, #tpu.memory_space<hbm>>
        %dma_wait3A_189 = tpu.memref_slice %arg4[%mul3A_11] : memref<327680xi32, #tpu.memory_space<hbm>> -> memref<1024xi32, #tpu.memory_space<hbm>>
        tpu.wait_dma2 semaphore(%run_scoped3A : memref<!tpu.dma_semaphore, #tpu.memory_space<semaphore_mem>>) src(%dma_wait3A_189 : memref<1024xi32, #tpu.memory_space<hbm>>) dst(%arg8 : memref<1024xi32, #tpu.memory_space<vmem>>)
        tpu.yield
      }) : () -> ()
      "tpu.region"() ({
        %run_scoped3A = tpu.sem_alloc : memref<!tpu.dma_semaphore, #tpu.memory_space<semaphore_mem>>
        %dma_start3A_186 = tpu.memref_slice %arg5[%mul3A_11] : memref<327680xi32, #tpu.memory_space<hbm>> -> memref<1024xi32, #tpu.memory_space<hbm>>
        %dma_start3A_187 = tpu.memref_slice %arg5[%mul3A_11] : memref<327680xi32, #tpu.memory_space<hbm>> -> memref<1024xi32, #tpu.memory_space<hbm>>
        tpu.enqueue_dma source(%dma_start3A_187 : memref<1024xi32, #tpu.memory_space<hbm>>) target(%arg9 : memref<1024xi32, #tpu.memory_space<vmem>>) target_semaphore(%run_scoped3A : memref<!tpu.dma_semaphore, #tpu.memory_space<semaphore_mem>>)
        %dma_wait3A_188 = tpu.memref_slice %arg5[%mul3A_11] : memref<327680xi32, #tpu.memory_space<hbm>> -> memref<1024xi32, #tpu.memory_space<hbm>>
        %dma_wait3A_189 = tpu.memref_slice %arg5[%mul3A_11] : memref<327680xi32, #tpu.memory_space<hbm>> -> memref<1024xi32, #tpu.memory_space<hbm>>
        tpu.wait_dma2 semaphore(%run_scoped3A : memref<!tpu.dma_semaphore, #tpu.memory_space<semaphore_mem>>) src(%dma_wait3A_189 : memref<1024xi32, #tpu.memory_space<hbm>>) dst(%arg9 : memref<1024xi32, #tpu.memory_space<vmem>>)
        tpu.yield
      }) : () -> ()
      %add3A_12 = arith.constant 0 : i32
      %add3A_13 = arith.addi %mul3A_11, %add3A_12 : i32
      %dma_start3A = arith.constant 0 : i32
      %dma_start3A_14 = tpu.memref_slice %arg8[%dma_start3A] : memref<1024xi32, #tpu.memory_space<vmem>> -> memref<128xi32, #tpu.memory_space<vmem>>
      %dma_start3A_15 = arith.constant 0 : i32
      %dma_start3A_16 = arith.constant 0 : i32
      %dma_start3A_17 = tpu.memref_slice %arg2[%dma_start3A_15, %dma_start3A_16] : memref<10000x256xf32, #tpu.memory_space<hbm>> -> memref<10000x256xf32, #tpu.memory_space<hbm>>
      tpu.enqueue_indirect_dma source(%dma_start3A_17 : memref<10000x256xf32, #tpu.memory_space<hbm>>) target(%arg10 : memref<128x256xf32, #tpu.memory_space<vmem>>) offsets(%dma_start3A_14 : memref<128xi32, #tpu.memory_space<vmem>>) semaphore(%arg12 : memref<!tpu.dma_semaphore, #tpu.memory_space<semaphore_mem>>)
      %dma_start3A_18 = arith.constant 0 : i32
      %dma_start3A_19 = tpu.memref_slice %arg9[%dma_start3A_18] : memref<1024xi32, #tpu.memory_space<vmem>> -> memref<128xi32, #tpu.memory_space<vmem>>
      %dma_start3A_20 = arith.constant 0 : i32
      %dma_start3A_21 = arith.constant 0 : i32
      %dma_start3A_22 = tpu.memref_slice %arg3[%dma_start3A_20, %dma_start3A_21] : memref<10000x128xf32, #tpu.memory_space<hbm>> -> memref<10000x128xf32, #tpu.memory_space<hbm>>
      tpu.enqueue_indirect_dma source(%dma_start3A_22 : memref<10000x128xf32, #tpu.memory_space<hbm>>) target(%arg11 : memref<128x128xf32, #tpu.memory_space<vmem>>) offsets(%dma_start3A_19 : memref<128xi32, #tpu.memory_space<vmem>>) semaphore(%arg13 : memref<!tpu.dma_semaphore, #tpu.memory_space<semaphore_mem>>)
      %dma_wait3A = arith.constant 0 : i32
      %dma_wait3A_23 = tpu.memref_slice %arg8[%dma_wait3A] : memref<1024xi32, #tpu.memory_space<vmem>> -> memref<128xi32, #tpu.memory_space<vmem>>
      %dma_wait3A_24 = arith.constant 0 : i32
      %dma_wait3A_25 = arith.constant 0 : i32
      %dma_wait3A_26 = tpu.memref_slice %arg2[%dma_wait3A_24, %dma_wait3A_25] : memref<10000x256xf32, #tpu.memory_space<hbm>> -> memref<10000x256xf32, #tpu.memory_space<hbm>>
      tpu.wait_indirect_dma semaphore(%arg12 : memref<!tpu.dma_semaphore, #tpu.memory_space<semaphore_mem>>) src(%dma_wait3A_26 : memref<10000x256xf32, #tpu.memory_space<hbm>>) dst(%arg10 : memref<128x256xf32, #tpu.memory_space<vmem>>)
      "tpu.region"() ({
        %run_scoped3A = tpu.sem_alloc : memref<!tpu.dma_semaphore, #tpu.memory_space<semaphore_mem>>
        %dma_start3A_186 = arith.constant 0 : i32
        %dma_start3A_187 = tpu.memref_slice %arg6[%add3A_13, %dma_start3A_186] : memref<327680x256xf32, #tpu.memory_space<hbm>> -> memref<128x256xf32, #tpu.memory_space<hbm>>
        %dma_start3A_188 = arith.constant 0 : i32
        %dma_start3A_189 = tpu.memref_slice %arg6[%add3A_13, %dma_start3A_188] : memref<327680x256xf32, #tpu.memory_space<hbm>> -> memref<128x256xf32, #tpu.memory_space<hbm>>
        tpu.enqueue_dma source(%arg10 : memref<128x256xf32, #tpu.memory_space<vmem>>) target(%dma_start3A_189 : memref<128x256xf32, #tpu.memory_space<hbm>>) target_semaphore(%run_scoped3A : memref<!tpu.dma_semaphore, #tpu.memory_space<semaphore_mem>>)
        %dma_wait3A_190 = arith.constant 0 : i32
        %dma_wait3A_191 = tpu.memref_slice %arg6[%add3A_13, %dma_wait3A_190] : memref<327680x256xf32, #tpu.memory_space<hbm>> -> memref<128x256xf32, #tpu.memory_space<hbm>>
        %dma_wait3A_192 = arith.constant 0 : i32
        %dma_wait3A_193 = tpu.memref_slice %arg6[%add3A_13, %dma_wait3A_192] : memref<327680x256xf32, #tpu.memory_space<hbm>> -> memref<128x256xf32, #tpu.memory_space<hbm>>
        tpu.wait_dma2 semaphore(%run_scoped3A : memref<!tpu.dma_semaphore, #tpu.memory_space<semaphore_mem>>) src(%arg10 : memref<128x256xf32, #tpu.memory_space<vmem>>) dst(%dma_wait3A_193 : memref<128x256xf32, #tpu.memory_space<hbm>>)
        tpu.yield
      }) : () -> ()
      %dma_wait3A_27 = arith.constant 0 : i32
      %dma_wait3A_28 = tpu.memref_slice %arg9[%dma_wait3A_27] : memref<1024xi32, #tpu.memory_space<vmem>> -> memref<128xi32, #tpu.memory_space<vmem>>
      %dma_wait3A_29 = arith.constant 0 : i32
      %dma_wait3A_30 = arith.constant 0 : i32
      %dma_wait3A_31 = tpu.memref_slice %arg3[%dma_wait3A_29, %dma_wait3A_30] : memref<10000x128xf32, #tpu.memory_space<hbm>> -> memref<10000x128xf32, #tpu.memory_space<hbm>>
      tpu.wait_indirect_dma semaphore(%arg13 : memref<!tpu.dma_semaphore, #tpu.memory_space<semaphore_mem>>) src(%dma_wait3A_31 : memref<10000x128xf32, #tpu.memory_space<hbm>>) dst(%arg11 : memref<128x128xf32, #tpu.memory_space<vmem>>)
      "tpu.region"() ({
        %run_scoped3A = tpu.sem_alloc : memref<!tpu.dma_semaphore, #tpu.memory_space<semaphore_mem>>
        %dma_start3A_186 = arith.constant 0 : i32
        %dma_start3A_187 = tpu.memref_slice %arg7[%add3A_13, %dma_start3A_186] : memref<327680x128xf32, #tpu.memory_space<hbm>> -> memref<128x128xf32, #tpu.memory_space<hbm>>
        %dma_start3A_188 = arith.constant 0 : i32
        %dma_start3A_189 = tpu.memref_slice %arg7[%add3A_13, %dma_start3A_188] : memref<327680x128xf32, #tpu.memory_space<hbm>> -> memref<128x128xf32, #tpu.memory_space<hbm>>
        tpu.enqueue_dma source(%arg11 : memref<128x128xf32, #tpu.memory_space<vmem>>) target(%dma_start3A_189 : memref<128x128xf32, #tpu.memory_space<hbm>>) target_semaphore(%run_scoped3A : memref<!tpu.dma_semaphore, #tpu.memory_space<semaphore_mem>>)
        %dma_wait3A_190 = arith.constant 0 : i32
        %dma_wait3A_191 = tpu.memref_slice %arg7[%add3A_13, %dma_wait3A_190] : memref<327680x128xf32, #tpu.memory_space<hbm>> -> memref<128x128xf32, #tpu.memory_space<hbm>>
        %dma_wait3A_192 = arith.constant 0 : i32
        %dma_wait3A_193 = tpu.memref_slice %arg7[%add3A_13, %dma_wait3A_192] : memref<327680x128xf32, #tpu.memory_space<hbm>> -> memref<128x128xf32, #tpu.memory_space<hbm>>
        tpu.wait_dma2 semaphore(%run_scoped3A : memref<!tpu.dma_semaphore, #tpu.memory_space<semaphore_mem>>) src(%arg11 : memref<128x128xf32, #tpu.memory_space<vmem>>) dst(%dma_wait3A_193 : memref<128x128xf32, #tpu.memory_space<hbm>>)
        tpu.yield
      }) : () -> ()
      %add3A_32 = arith.constant 128 : i32
      %add3A_33 = arith.addi %mul3A_11, %add3A_32 : i32
      %dma_start3A_34 = arith.constant 128 : i32
      %dma_start3A_35 = tpu.memref_slice %arg8[%dma_start3A_34] : memref<1024xi32, #tpu.memory_space<vmem>> -> memref<128xi32, #tpu.memory_space<vmem>>
      %dma_start3A_36 = arith.constant 0 : i32
      %dma_start3A_37 = arith.constant 0 : i32
      %dma_start3A_38 = tpu.memref_slice %arg2[%dma_start3A_36, %dma_start3A_37] : memref<10000x256xf32, #tpu.memory_space<hbm>> -> memref<10000x256xf32, #tpu.memory_space<hbm>>
      tpu.enqueue_indirect_dma source(%dma_start3A_38 : memref<10000x256xf32, #tpu.memory_space<hbm>>) target(%arg10 : memref<128x256xf32, #tpu.memory_space<vmem>>) offsets(%dma_start3A_35 : memref<128xi32, #tpu.memory_space<vmem>>) semaphore(%arg12 : memref<!tpu.dma_semaphore, #tpu.memory_space<semaphore_mem>>)
      %dma_start3A_39 = arith.constant 128 : i32
      %dma_start3A_40 = tpu.memref_slice %arg9[%dma_start3A_39] : memref<1024xi32, #tpu.memory_space<vmem>> -> memref<128xi32, #tpu.memory_space<vmem>>
      %dma_start3A_41 = arith.constant 0 : i32
      %dma_start3A_42 = arith.constant 0 : i32
      %dma_start3A_43 = tpu.memref_slice %arg3[%dma_start3A_41, %dma_start3A_42] : memref<10000x128xf32, #tpu.memory_space<hbm>> -> memref<10000x128xf32, #tpu.memory_space<hbm>>
      tpu.enqueue_indirect_dma source(%dma_start3A_43 : memref<10000x128xf32, #tpu.memory_space<hbm>>) target(%arg11 : memref<128x128xf32, #tpu.memory_space<vmem>>) offsets(%dma_start3A_40 : memref<128xi32, #tpu.memory_space<vmem>>) semaphore(%arg13 : memref<!tpu.dma_semaphore, #tpu.memory_space<semaphore_mem>>)
      %dma_wait3A_44 = arith.constant 128 : i32
      %dma_wait3A_45 = tpu.memref_slice %arg8[%dma_wait3A_44] : memref<1024xi32, #tpu.memory_space<vmem>> -> memref<128xi32, #tpu.memory_space<vmem>>
      %dma_wait3A_46 = arith.constant 0 : i32
      %dma_wait3A_47 = arith.constant 0 : i32
      %dma_wait3A_48 = tpu.memref_slice %arg2[%dma_wait3A_46, %dma_wait3A_47] : memref<10000x256xf32, #tpu.memory_space<hbm>> -> memref<10000x256xf32, #tpu.memory_space<hbm>>
      tpu.wait_indirect_dma semaphore(%arg12 : memref<!tpu.dma_semaphore, #tpu.memory_space<semaphore_mem>>) src(%dma_wait3A_48 : memref<10000x256xf32, #tpu.memory_space<hbm>>) dst(%arg10 : memref<128x256xf32, #tpu.memory_space<vmem>>)
      "tpu.region"() ({
        %run_scoped3A = tpu.sem_alloc : memref<!tpu.dma_semaphore, #tpu.memory_space<semaphore_mem>>
        %dma_start3A_186 = arith.constant 0 : i32
        %dma_start3A_187 = tpu.memref_slice %arg6[%add3A_33, %dma_start3A_186] : memref<327680x256xf32, #tpu.memory_space<hbm>> -> memref<128x256xf32, #tpu.memory_space<hbm>>
        %dma_start3A_188 = arith.constant 0 : i32
        %dma_start3A_189 = tpu.memref_slice %arg6[%add3A_33, %dma_start3A_188] : memref<327680x256xf32, #tpu.memory_space<hbm>> -> memref<128x256xf32, #tpu.memory_space<hbm>>
        tpu.enqueue_dma source(%arg10 : memref<128x256xf32, #tpu.memory_space<vmem>>) target(%dma_start3A_189 : memref<128x256xf32, #tpu.memory_space<hbm>>) target_semaphore(%run_scoped3A : memref<!tpu.dma_semaphore, #tpu.memory_space<semaphore_mem>>)
        %dma_wait3A_190 = arith.constant 0 : i32
        %dma_wait3A_191 = tpu.memref_slice %arg6[%add3A_33, %dma_wait3A_190] : memref<327680x256xf32, #tpu.memory_space<hbm>> -> memref<128x256xf32, #tpu.memory_space<hbm>>
        %dma_wait3A_192 = arith.constant 0 : i32
        %dma_wait3A_193 = tpu.memref_slice %arg6[%add3A_33, %dma_wait3A_192] : memref<327680x256xf32, #tpu.memory_space<hbm>> -> memref<128x256xf32, #tpu.memory_space<hbm>>
        tpu.wait_dma2 semaphore(%run_scoped3A : memref<!tpu.dma_semaphore, #tpu.memory_space<semaphore_mem>>) src(%arg10 : memref<128x256xf32, #tpu.memory_space<vmem>>) dst(%dma_wait3A_193 : memref<128x256xf32, #tpu.memory_space<hbm>>)
        tpu.yield
      }) : () -> ()
      %dma_wait3A_49 = arith.constant 128 : i32
      %dma_wait3A_50 = tpu.memref_slice %arg9[%dma_wait3A_49] : memref<1024xi32, #tpu.memory_space<vmem>> -> memref<128xi32, #tpu.memory_space<vmem>>
      %dma_wait3A_51 = arith.constant 0 : i32
      %dma_wait3A_52 = arith.constant 0 : i32
      %dma_wait3A_53 = tpu.memref_slice %arg3[%dma_wait3A_51, %dma_wait3A_52] : memref<10000x128xf32, #tpu.memory_space<hbm>> -> memref<10000x128xf32, #tpu.memory_space<hbm>>
      tpu.wait_indirect_dma semaphore(%arg13 : memref<!tpu.dma_semaphore, #tpu.memory_space<semaphore_mem>>) src(%dma_wait3A_53 : memref<10000x128xf32, #tpu.memory_space<hbm>>) dst(%arg11 : memref<128x128xf32, #tpu.memory_space<vmem>>)
      "tpu.region"() ({
        %run_scoped3A = tpu.sem_alloc : memref<!tpu.dma_semaphore, #tpu.memory_space<semaphore_mem>>
        %dma_start3A_186 = arith.constant 0 : i32
        %dma_start3A_187 = tpu.memref_slice %arg7[%add3A_33, %dma_start3A_186] : memref<327680x128xf32, #tpu.memory_space<hbm>> -> memref<128x128xf32, #tpu.memory_space<hbm>>
        %dma_start3A_188 = arith.constant 0 : i32
        %dma_start3A_189 = tpu.memref_slice %arg7[%add3A_33, %dma_start3A_188] : memref<327680x128xf32, #tpu.memory_space<hbm>> -> memref<128x128xf32, #tpu.memory_space<hbm>>
        tpu.enqueue_dma source(%arg11 : memref<128x128xf32, #tpu.memory_space<vmem>>) target(%dma_start3A_189 : memref<128x128xf32, #tpu.memory_space<hbm>>) target_semaphore(%run_scoped3A : memref<!tpu.dma_semaphore, #tpu.memory_space<semaphore_mem>>)
        %dma_wait3A_190 = arith.constant 0 : i32
        %dma_wait3A_191 = tpu.memref_slice %arg7[%add3A_33, %dma_wait3A_190] : memref<327680x128xf32, #tpu.memory_space<hbm>> -> memref<128x128xf32, #tpu.memory_space<hbm>>
        %dma_wait3A_192 = arith.constant 0 : i32
        %dma_wait3A_193 = tpu.memref_slice %arg7[%add3A_33, %dma_wait3A_192] : memref<327680x128xf32, #tpu.memory_space<hbm>> -> memref<128x128xf32, #tpu.memory_space<hbm>>
        tpu.wait_dma2 semaphore(%run_scoped3A : memref<!tpu.dma_semaphore, #tpu.memory_space<semaphore_mem>>) src(%arg11 : memref<128x128xf32, #tpu.memory_space<vmem>>) dst(%dma_wait3A_193 : memref<128x128xf32, #tpu.memory_space<hbm>>)
        tpu.yield
      }) : () -> ()
      %add3A_54 = arith.constant 256 : i32
      %add3A_55 = arith.addi %mul3A_11, %add3A_54 : i32
      %dma_start3A_56 = arith.constant 256 : i32
      %dma_start3A_57 = tpu.memref_slice %arg8[%dma_start3A_56] : memref<1024xi32, #tpu.memory_space<vmem>> -> memref<128xi32, #tpu.memory_space<vmem>>
      %dma_start3A_58 = arith.constant 0 : i32
      %dma_start3A_59 = arith.constant 0 : i32
      %dma_start3A_60 = tpu.memref_slice %arg2[%dma_start3A_58, %dma_start3A_59] : memref<10000x256xf32, #tpu.memory_space<hbm>> -> memref<10000x256xf32, #tpu.memory_space<hbm>>
      tpu.enqueue_indirect_dma source(%dma_start3A_60 : memref<10000x256xf32, #tpu.memory_space<hbm>>) target(%arg10 : memref<128x256xf32, #tpu.memory_space<vmem>>) offsets(%dma_start3A_57 : memref<128xi32, #tpu.memory_space<vmem>>) semaphore(%arg12 : memref<!tpu.dma_semaphore, #tpu.memory_space<semaphore_mem>>)
      %dma_start3A_61 = arith.constant 256 : i32
      %dma_start3A_62 = tpu.memref_slice %arg9[%dma_start3A_61] : memref<1024xi32, #tpu.memory_space<vmem>> -> memref<128xi32, #tpu.memory_space<vmem>>
      %dma_start3A_63 = arith.constant 0 : i32
      %dma_start3A_64 = arith.constant 0 : i32
      %dma_start3A_65 = tpu.memref_slice %arg3[%dma_start3A_63, %dma_start3A_64] : memref<10000x128xf32, #tpu.memory_space<hbm>> -> memref<10000x128xf32, #tpu.memory_space<hbm>>
      tpu.enqueue_indirect_dma source(%dma_start3A_65 : memref<10000x128xf32, #tpu.memory_space<hbm>>) target(%arg11 : memref<128x128xf32, #tpu.memory_space<vmem>>) offsets(%dma_start3A_62 : memref<128xi32, #tpu.memory_space<vmem>>) semaphore(%arg13 : memref<!tpu.dma_semaphore, #tpu.memory_space<semaphore_mem>>)
      %dma_wait3A_66 = arith.constant 256 : i32
      %dma_wait3A_67 = tpu.memref_slice %arg8[%dma_wait3A_66] : memref<1024xi32, #tpu.memory_space<vmem>> -> memref<128xi32, #tpu.memory_space<vmem>>
      %dma_wait3A_68 = arith.constant 0 : i32
      %dma_wait3A_69 = arith.constant 0 : i32
      %dma_wait3A_70 = tpu.memref_slice %arg2[%dma_wait3A_68, %dma_wait3A_69] : memref<10000x256xf32, #tpu.memory_space<hbm>> -> memref<10000x256xf32, #tpu.memory_space<hbm>>
      tpu.wait_indirect_dma semaphore(%arg12 : memref<!tpu.dma_semaphore, #tpu.memory_space<semaphore_mem>>) src(%dma_wait3A_70 : memref<10000x256xf32, #tpu.memory_space<hbm>>) dst(%arg10 : memref<128x256xf32, #tpu.memory_space<vmem>>)
      "tpu.region"() ({
        %run_scoped3A = tpu.sem_alloc : memref<!tpu.dma_semaphore, #tpu.memory_space<semaphore_mem>>
        %dma_start3A_186 = arith.constant 0 : i32
        %dma_start3A_187 = tpu.memref_slice %arg6[%add3A_55, %dma_start3A_186] : memref<327680x256xf32, #tpu.memory_space<hbm>> -> memref<128x256xf32, #tpu.memory_space<hbm>>
        %dma_start3A_188 = arith.constant 0 : i32
        %dma_start3A_189 = tpu.memref_slice %arg6[%add3A_55, %dma_start3A_188] : memref<327680x256xf32, #tpu.memory_space<hbm>> -> memref<128x256xf32, #tpu.memory_space<hbm>>
        tpu.enqueue_dma source(%arg10 : memref<128x256xf32, #tpu.memory_space<vmem>>) target(%dma_start3A_189 : memref<128x256xf32, #tpu.memory_space<hbm>>) target_semaphore(%run_scoped3A : memref<!tpu.dma_semaphore, #tpu.memory_space<semaphore_mem>>)
        %dma_wait3A_190 = arith.constant 0 : i32
        %dma_wait3A_191 = tpu.memref_slice %arg6[%add3A_55, %dma_wait3A_190] : memref<327680x256xf32, #tpu.memory_space<hbm>> -> memref<128x256xf32, #tpu.memory_space<hbm>>
        %dma_wait3A_192 = arith.constant 0 : i32
        %dma_wait3A_193 = tpu.memref_slice %arg6[%add3A_55, %dma_wait3A_192] : memref<327680x256xf32, #tpu.memory_space<hbm>> -> memref<128x256xf32, #tpu.memory_space<hbm>>
        tpu.wait_dma2 semaphore(%run_scoped3A : memref<!tpu.dma_semaphore, #tpu.memory_space<semaphore_mem>>) src(%arg10 : memref<128x256xf32, #tpu.memory_space<vmem>>) dst(%dma_wait3A_193 : memref<128x256xf32, #tpu.memory_space<hbm>>)
        tpu.yield
      }) : () -> ()
      %dma_wait3A_71 = arith.constant 256 : i32
      %dma_wait3A_72 = tpu.memref_slice %arg9[%dma_wait3A_71] : memref<1024xi32, #tpu.memory_space<vmem>> -> memref<128xi32, #tpu.memory_space<vmem>>
      %dma_wait3A_73 = arith.constant 0 : i32
      %dma_wait3A_74 = arith.constant 0 : i32
      %dma_wait3A_75 = tpu.memref_slice %arg3[%dma_wait3A_73, %dma_wait3A_74] : memref<10000x128xf32, #tpu.memory_space<hbm>> -> memref<10000x128xf32, #tpu.memory_space<hbm>>
      tpu.wait_indirect_dma semaphore(%arg13 : memref<!tpu.dma_semaphore, #tpu.memory_space<semaphore_mem>>) src(%dma_wait3A_75 : memref<10000x128xf32, #tpu.memory_space<hbm>>) dst(%arg11 : memref<128x128xf32, #tpu.memory_space<vmem>>)
      "tpu.region"() ({
        %run_scoped3A = tpu.sem_alloc : memref<!tpu.dma_semaphore, #tpu.memory_space<semaphore_mem>>
        %dma_start3A_186 = arith.constant 0 : i32
        %dma_start3A_187 = tpu.memref_slice %arg7[%add3A_55, %dma_start3A_186] : memref<327680x128xf32, #tpu.memory_space<hbm>> -> memref<128x128xf32, #tpu.memory_space<hbm>>
        %dma_start3A_188 = arith.constant 0 : i32
        %dma_start3A_189 = tpu.memref_slice %arg7[%add3A_55, %dma_start3A_188] : memref<327680x128xf32, #tpu.memory_space<hbm>> -> memref<128x128xf32, #tpu.memory_space<hbm>>
        tpu.enqueue_dma source(%arg11 : memref<128x128xf32, #tpu.memory_space<vmem>>) target(%dma_start3A_189 : memref<128x128xf32, #tpu.memory_space<hbm>>) target_semaphore(%run_scoped3A : memref<!tpu.dma_semaphore, #tpu.memory_space<semaphore_mem>>)
        %dma_wait3A_190 = arith.constant 0 : i32
        %dma_wait3A_191 = tpu.memref_slice %arg7[%add3A_55, %dma_wait3A_190] : memref<327680x128xf32, #tpu.memory_space<hbm>> -> memref<128x128xf32, #tpu.memory_space<hbm>>
        %dma_wait3A_192 = arith.constant 0 : i32
        %dma_wait3A_193 = tpu.memref_slice %arg7[%add3A_55, %dma_wait3A_192] : memref<327680x128xf32, #tpu.memory_space<hbm>> -> memref<128x128xf32, #tpu.memory_space<hbm>>
        tpu.wait_dma2 semaphore(%run_scoped3A : memref<!tpu.dma_semaphore, #tpu.memory_space<semaphore_mem>>) src(%arg11 : memref<128x128xf32, #tpu.memory_space<vmem>>) dst(%dma_wait3A_193 : memref<128x128xf32, #tpu.memory_space<hbm>>)
        tpu.yield
      }) : () -> ()
      %add3A_76 = arith.constant 384 : i32
      %add3A_77 = arith.addi %mul3A_11, %add3A_76 : i32
      %dma_start3A_78 = arith.constant 384 : i32
      %dma_start3A_79 = tpu.memref_slice %arg8[%dma_start3A_78] : memref<1024xi32, #tpu.memory_space<vmem>> -> memref<128xi32, #tpu.memory_space<vmem>>
      %dma_start3A_80 = arith.constant 0 : i32
      %dma_start3A_81 = arith.constant 0 : i32
      %dma_start3A_82 = tpu.memref_slice %arg2[%dma_start3A_80, %dma_start3A_81] : memref<10000x256xf32, #tpu.memory_space<hbm>> -> memref<10000x256xf32, #tpu.memory_space<hbm>>
      tpu.enqueue_indirect_dma source(%dma_start3A_82 : memref<10000x256xf32, #tpu.memory_space<hbm>>) target(%arg10 : memref<128x256xf32, #tpu.memory_space<vmem>>) offsets(%dma_start3A_79 : memref<128xi32, #tpu.memory_space<vmem>>) semaphore(%arg12 : memref<!tpu.dma_semaphore, #tpu.memory_space<semaphore_mem>>)
      %dma_start3A_83 = arith.constant 384 : i32
      %dma_start3A_84 = tpu.memref_slice %arg9[%dma_start3A_83] : memref<1024xi32, #tpu.memory_space<vmem>> -> memref<128xi32, #tpu.memory_space<vmem>>
      %dma_start3A_85 = arith.constant 0 : i32
      %dma_start3A_86 = arith.constant 0 : i32
      %dma_start3A_87 = tpu.memref_slice %arg3[%dma_start3A_85, %dma_start3A_86] : memref<10000x128xf32, #tpu.memory_space<hbm>> -> memref<10000x128xf32, #tpu.memory_space<hbm>>
      tpu.enqueue_indirect_dma source(%dma_start3A_87 : memref<10000x128xf32, #tpu.memory_space<hbm>>) target(%arg11 : memref<128x128xf32, #tpu.memory_space<vmem>>) offsets(%dma_start3A_84 : memref<128xi32, #tpu.memory_space<vmem>>) semaphore(%arg13 : memref<!tpu.dma_semaphore, #tpu.memory_space<semaphore_mem>>)
      %dma_wait3A_88 = arith.constant 384 : i32
      %dma_wait3A_89 = tpu.memref_slice %arg8[%dma_wait3A_88] : memref<1024xi32, #tpu.memory_space<vmem>> -> memref<128xi32, #tpu.memory_space<vmem>>
      %dma_wait3A_90 = arith.constant 0 : i32
      %dma_wait3A_91 = arith.constant 0 : i32
      %dma_wait3A_92 = tpu.memref_slice %arg2[%dma_wait3A_90, %dma_wait3A_91] : memref<10000x256xf32, #tpu.memory_space<hbm>> -> memref<10000x256xf32, #tpu.memory_space<hbm>>
      tpu.wait_indirect_dma semaphore(%arg12 : memref<!tpu.dma_semaphore, #tpu.memory_space<semaphore_mem>>) src(%dma_wait3A_92 : memref<10000x256xf32, #tpu.memory_space<hbm>>) dst(%arg10 : memref<128x256xf32, #tpu.memory_space<vmem>>)
      "tpu.region"() ({
        %run_scoped3A = tpu.sem_alloc : memref<!tpu.dma_semaphore, #tpu.memory_space<semaphore_mem>>
        %dma_start3A_186 = arith.constant 0 : i32
        %dma_start3A_187 = tpu.memref_slice %arg6[%add3A_77, %dma_start3A_186] : memref<327680x256xf32, #tpu.memory_space<hbm>> -> memref<128x256xf32, #tpu.memory_space<hbm>>
        %dma_start3A_188 = arith.constant 0 : i32
        %dma_start3A_189 = tpu.memref_slice %arg6[%add3A_77, %dma_start3A_188] : memref<327680x256xf32, #tpu.memory_space<hbm>> -> memref<128x256xf32, #tpu.memory_space<hbm>>
        tpu.enqueue_dma source(%arg10 : memref<128x256xf32, #tpu.memory_space<vmem>>) target(%dma_start3A_189 : memref<128x256xf32, #tpu.memory_space<hbm>>) target_semaphore(%run_scoped3A : memref<!tpu.dma_semaphore, #tpu.memory_space<semaphore_mem>>)
        %dma_wait3A_190 = arith.constant 0 : i32
        %dma_wait3A_191 = tpu.memref_slice %arg6[%add3A_77, %dma_wait3A_190] : memref<327680x256xf32, #tpu.memory_space<hbm>> -> memref<128x256xf32, #tpu.memory_space<hbm>>
        %dma_wait3A_192 = arith.constant 0 : i32
        %dma_wait3A_193 = tpu.memref_slice %arg6[%add3A_77, %dma_wait3A_192] : memref<327680x256xf32, #tpu.memory_space<hbm>> -> memref<128x256xf32, #tpu.memory_space<hbm>>
        tpu.wait_dma2 semaphore(%run_scoped3A : memref<!tpu.dma_semaphore, #tpu.memory_space<semaphore_mem>>) src(%arg10 : memref<128x256xf32, #tpu.memory_space<vmem>>) dst(%dma_wait3A_193 : memref<128x256xf32, #tpu.memory_space<hbm>>)
        tpu.yield
      }) : () -> ()
      %dma_wait3A_93 = arith.constant 384 : i32
      %dma_wait3A_94 = tpu.memref_slice %arg9[%dma_wait3A_93] : memref<1024xi32, #tpu.memory_space<vmem>> -> memref<128xi32, #tpu.memory_space<vmem>>
      %dma_wait3A_95 = arith.constant 0 : i32
      %dma_wait3A_96 = arith.constant 0 : i32
      %dma_wait3A_97 = tpu.memref_slice %arg3[%dma_wait3A_95, %dma_wait3A_96] : memref<10000x128xf32, #tpu.memory_space<hbm>> -> memref<10000x128xf32, #tpu.memory_space<hbm>>
      tpu.wait_indirect_dma semaphore(%arg13 : memref<!tpu.dma_semaphore, #tpu.memory_space<semaphore_mem>>) src(%dma_wait3A_97 : memref<10000x128xf32, #tpu.memory_space<hbm>>) dst(%arg11 : memref<128x128xf32, #tpu.memory_space<vmem>>)
      "tpu.region"() ({
        %run_scoped3A = tpu.sem_alloc : memref<!tpu.dma_semaphore, #tpu.memory_space<semaphore_mem>>
        %dma_start3A_186 = arith.constant 0 : i32
        %dma_start3A_187 = tpu.memref_slice %arg7[%add3A_77, %dma_start3A_186] : memref<327680x128xf32, #tpu.memory_space<hbm>> -> memref<128x128xf32, #tpu.memory_space<hbm>>
        %dma_start3A_188 = arith.constant 0 : i32
        %dma_start3A_189 = tpu.memref_slice %arg7[%add3A_77, %dma_start3A_188] : memref<327680x128xf32, #tpu.memory_space<hbm>> -> memref<128x128xf32, #tpu.memory_space<hbm>>
        tpu.enqueue_dma source(%arg11 : memref<128x128xf32, #tpu.memory_space<vmem>>) target(%dma_start3A_189 : memref<128x128xf32, #tpu.memory_space<hbm>>) target_semaphore(%run_scoped3A : memref<!tpu.dma_semaphore, #tpu.memory_space<semaphore_mem>>)
        %dma_wait3A_190 = arith.constant 0 : i32
        %dma_wait3A_191 = tpu.memref_slice %arg7[%add3A_77, %dma_wait3A_190] : memref<327680x128xf32, #tpu.memory_space<hbm>> -> memref<128x128xf32, #tpu.memory_space<hbm>>
        %dma_wait3A_192 = arith.constant 0 : i32
        %dma_wait3A_193 = tpu.memref_slice %arg7[%add3A_77, %dma_wait3A_192] : memref<327680x128xf32, #tpu.memory_space<hbm>> -> memref<128x128xf32, #tpu.memory_space<hbm>>
        tpu.wait_dma2 semaphore(%run_scoped3A : memref<!tpu.dma_semaphore, #tpu.memory_space<semaphore_mem>>) src(%arg11 : memref<128x128xf32, #tpu.memory_space<vmem>>) dst(%dma_wait3A_193 : memref<128x128xf32, #tpu.memory_space<hbm>>)
        tpu.yield
      }) : () -> ()
      %add3A_98 = arith.constant 512 : i32
      %add3A_99 = arith.addi %mul3A_11, %add3A_98 : i32
      %dma_start3A_100 = arith.constant 512 : i32
      %dma_start3A_101 = tpu.memref_slice %arg8[%dma_start3A_100] : memref<1024xi32, #tpu.memory_space<vmem>> -> memref<128xi32, #tpu.memory_space<vmem>>
      %dma_start3A_102 = arith.constant 0 : i32
      %dma_start3A_103 = arith.constant 0 : i32
      %dma_start3A_104 = tpu.memref_slice %arg2[%dma_start3A_102, %dma_start3A_103] : memref<10000x256xf32, #tpu.memory_space<hbm>> -> memref<10000x256xf32, #tpu.memory_space<hbm>>
      tpu.enqueue_indirect_dma source(%dma_start3A_104 : memref<10000x256xf32, #tpu.memory_space<hbm>>) target(%arg10 : memref<128x256xf32, #tpu.memory_space<vmem>>) offsets(%dma_start3A_101 : memref<128xi32, #tpu.memory_space<vmem>>) semaphore(%arg12 : memref<!tpu.dma_semaphore, #tpu.memory_space<semaphore_mem>>)
      %dma_start3A_105 = arith.constant 512 : i32
      %dma_start3A_106 = tpu.memref_slice %arg9[%dma_start3A_105] : memref<1024xi32, #tpu.memory_space<vmem>> -> memref<128xi32, #tpu.memory_space<vmem>>
      %dma_start3A_107 = arith.constant 0 : i32
      %dma_start3A_108 = arith.constant 0 : i32
      %dma_start3A_109 = tpu.memref_slice %arg3[%dma_start3A_107, %dma_start3A_108] : memref<10000x128xf32, #tpu.memory_space<hbm>> -> memref<10000x128xf32, #tpu.memory_space<hbm>>
      tpu.enqueue_indirect_dma source(%dma_start3A_109 : memref<10000x128xf32, #tpu.memory_space<hbm>>) target(%arg11 : memref<128x128xf32, #tpu.memory_space<vmem>>) offsets(%dma_start3A_106 : memref<128xi32, #tpu.memory_space<vmem>>) semaphore(%arg13 : memref<!tpu.dma_semaphore, #tpu.memory_space<semaphore_mem>>)
      %dma_wait3A_110 = arith.constant 512 : i32
      %dma_wait3A_111 = tpu.memref_slice %arg8[%dma_wait3A_110] : memref<1024xi32, #tpu.memory_space<vmem>> -> memref<128xi32, #tpu.memory_space<vmem>>
      %dma_wait3A_112 = arith.constant 0 : i32
      %dma_wait3A_113 = arith.constant 0 : i32
      %dma_wait3A_114 = tpu.memref_slice %arg2[%dma_wait3A_112, %dma_wait3A_113] : memref<10000x256xf32, #tpu.memory_space<hbm>> -> memref<10000x256xf32, #tpu.memory_space<hbm>>
      tpu.wait_indirect_dma semaphore(%arg12 : memref<!tpu.dma_semaphore, #tpu.memory_space<semaphore_mem>>) src(%dma_wait3A_114 : memref<10000x256xf32, #tpu.memory_space<hbm>>) dst(%arg10 : memref<128x256xf32, #tpu.memory_space<vmem>>)
      "tpu.region"() ({
        %run_scoped3A = tpu.sem_alloc : memref<!tpu.dma_semaphore, #tpu.memory_space<semaphore_mem>>
        %dma_start3A_186 = arith.constant 0 : i32
        %dma_start3A_187 = tpu.memref_slice %arg6[%add3A_99, %dma_start3A_186] : memref<327680x256xf32, #tpu.memory_space<hbm>> -> memref<128x256xf32, #tpu.memory_space<hbm>>
        %dma_start3A_188 = arith.constant 0 : i32
        %dma_start3A_189 = tpu.memref_slice %arg6[%add3A_99, %dma_start3A_188] : memref<327680x256xf32, #tpu.memory_space<hbm>> -> memref<128x256xf32, #tpu.memory_space<hbm>>
        tpu.enqueue_dma source(%arg10 : memref<128x256xf32, #tpu.memory_space<vmem>>) target(%dma_start3A_189 : memref<128x256xf32, #tpu.memory_space<hbm>>) target_semaphore(%run_scoped3A : memref<!tpu.dma_semaphore, #tpu.memory_space<semaphore_mem>>)
        %dma_wait3A_190 = arith.constant 0 : i32
        %dma_wait3A_191 = tpu.memref_slice %arg6[%add3A_99, %dma_wait3A_190] : memref<327680x256xf32, #tpu.memory_space<hbm>> -> memref<128x256xf32, #tpu.memory_space<hbm>>
        %dma_wait3A_192 = arith.constant 0 : i32
        %dma_wait3A_193 = tpu.memref_slice %arg6[%add3A_99, %dma_wait3A_192] : memref<327680x256xf32, #tpu.memory_space<hbm>> -> memref<128x256xf32, #tpu.memory_space<hbm>>
        tpu.wait_dma2 semaphore(%run_scoped3A : memref<!tpu.dma_semaphore, #tpu.memory_space<semaphore_mem>>) src(%arg10 : memref<128x256xf32, #tpu.memory_space<vmem>>) dst(%dma_wait3A_193 : memref<128x256xf32, #tpu.memory_space<hbm>>)
        tpu.yield
      }) : () -> ()
      %dma_wait3A_115 = arith.constant 512 : i32
      %dma_wait3A_116 = tpu.memref_slice %arg9[%dma_wait3A_115] : memref<1024xi32, #tpu.memory_space<vmem>> -> memref<128xi32, #tpu.memory_space<vmem>>
      %dma_wait3A_117 = arith.constant 0 : i32
      %dma_wait3A_118 = arith.constant 0 : i32
      %dma_wait3A_119 = tpu.memref_slice %arg3[%dma_wait3A_117, %dma_wait3A_118] : memref<10000x128xf32, #tpu.memory_space<hbm>> -> memref<10000x128xf32, #tpu.memory_space<hbm>>
      tpu.wait_indirect_dma semaphore(%arg13 : memref<!tpu.dma_semaphore, #tpu.memory_space<semaphore_mem>>) src(%dma_wait3A_119 : memref<10000x128xf32, #tpu.memory_space<hbm>>) dst(%arg11 : memref<128x128xf32, #tpu.memory_space<vmem>>)
      "tpu.region"() ({
        %run_scoped3A = tpu.sem_alloc : memref<!tpu.dma_semaphore, #tpu.memory_space<semaphore_mem>>
        %dma_start3A_186 = arith.constant 0 : i32
        %dma_start3A_187 = tpu.memref_slice %arg7[%add3A_99, %dma_start3A_186] : memref<327680x128xf32, #tpu.memory_space<hbm>> -> memref<128x128xf32, #tpu.memory_space<hbm>>
        %dma_start3A_188 = arith.constant 0 : i32
        %dma_start3A_189 = tpu.memref_slice %arg7[%add3A_99, %dma_start3A_188] : memref<327680x128xf32, #tpu.memory_space<hbm>> -> memref<128x128xf32, #tpu.memory_space<hbm>>
        tpu.enqueue_dma source(%arg11 : memref<128x128xf32, #tpu.memory_space<vmem>>) target(%dma_start3A_189 : memref<128x128xf32, #tpu.memory_space<hbm>>) target_semaphore(%run_scoped3A : memref<!tpu.dma_semaphore, #tpu.memory_space<semaphore_mem>>)
        %dma_wait3A_190 = arith.constant 0 : i32
        %dma_wait3A_191 = tpu.memref_slice %arg7[%add3A_99, %dma_wait3A_190] : memref<327680x128xf32, #tpu.memory_space<hbm>> -> memref<128x128xf32, #tpu.memory_space<hbm>>
        %dma_wait3A_192 = arith.constant 0 : i32
        %dma_wait3A_193 = tpu.memref_slice %arg7[%add3A_99, %dma_wait3A_192] : memref<327680x128xf32, #tpu.memory_space<hbm>> -> memref<128x128xf32, #tpu.memory_space<hbm>>
        tpu.wait_dma2 semaphore(%run_scoped3A : memref<!tpu.dma_semaphore, #tpu.memory_space<semaphore_mem>>) src(%arg11 : memref<128x128xf32, #tpu.memory_space<vmem>>) dst(%dma_wait3A_193 : memref<128x128xf32, #tpu.memory_space<hbm>>)
        tpu.yield
      }) : () -> ()
      %add3A_120 = arith.constant 640 : i32
      %add3A_121 = arith.addi %mul3A_11, %add3A_120 : i32
      %dma_start3A_122 = arith.constant 640 : i32
      %dma_start3A_123 = tpu.memref_slice %arg8[%dma_start3A_122] : memref<1024xi32, #tpu.memory_space<vmem>> -> memref<128xi32, #tpu.memory_space<vmem>>
      %dma_start3A_124 = arith.constant 0 : i32
      %dma_start3A_125 = arith.constant 0 : i32
      %dma_start3A_126 = tpu.memref_slice %arg2[%dma_start3A_124, %dma_start3A_125] : memref<10000x256xf32, #tpu.memory_space<hbm>> -> memref<10000x256xf32, #tpu.memory_space<hbm>>
      tpu.enqueue_indirect_dma source(%dma_start3A_126 : memref<10000x256xf32, #tpu.memory_space<hbm>>) target(%arg10 : memref<128x256xf32, #tpu.memory_space<vmem>>) offsets(%dma_start3A_123 : memref<128xi32, #tpu.memory_space<vmem>>) semaphore(%arg12 : memref<!tpu.dma_semaphore, #tpu.memory_space<semaphore_mem>>)
      %dma_start3A_127 = arith.constant 640 : i32
      %dma_start3A_128 = tpu.memref_slice %arg9[%dma_start3A_127] : memref<1024xi32, #tpu.memory_space<vmem>> -> memref<128xi32, #tpu.memory_space<vmem>>
      %dma_start3A_129 = arith.constant 0 : i32
      %dma_start3A_130 = arith.constant 0 : i32
      %dma_start3A_131 = tpu.memref_slice %arg3[%dma_start3A_129, %dma_start3A_130] : memref<10000x128xf32, #tpu.memory_space<hbm>> -> memref<10000x128xf32, #tpu.memory_space<hbm>>
      tpu.enqueue_indirect_dma source(%dma_start3A_131 : memref<10000x128xf32, #tpu.memory_space<hbm>>) target(%arg11 : memref<128x128xf32, #tpu.memory_space<vmem>>) offsets(%dma_start3A_128 : memref<128xi32, #tpu.memory_space<vmem>>) semaphore(%arg13 : memref<!tpu.dma_semaphore, #tpu.memory_space<semaphore_mem>>)
      %dma_wait3A_132 = arith.constant 640 : i32
      %dma_wait3A_133 = tpu.memref_slice %arg8[%dma_wait3A_132] : memref<1024xi32, #tpu.memory_space<vmem>> -> memref<128xi32, #tpu.memory_space<vmem>>
      %dma_wait3A_134 = arith.constant 0 : i32
      %dma_wait3A_135 = arith.constant 0 : i32
      %dma_wait3A_136 = tpu.memref_slice %arg2[%dma_wait3A_134, %dma_wait3A_135] : memref<10000x256xf32, #tpu.memory_space<hbm>> -> memref<10000x256xf32, #tpu.memory_space<hbm>>
      tpu.wait_indirect_dma semaphore(%arg12 : memref<!tpu.dma_semaphore, #tpu.memory_space<semaphore_mem>>) src(%dma_wait3A_136 : memref<10000x256xf32, #tpu.memory_space<hbm>>) dst(%arg10 : memref<128x256xf32, #tpu.memory_space<vmem>>)
      "tpu.region"() ({
        %run_scoped3A = tpu.sem_alloc : memref<!tpu.dma_semaphore, #tpu.memory_space<semaphore_mem>>
        %dma_start3A_186 = arith.constant 0 : i32
        %dma_start3A_187 = tpu.memref_slice %arg6[%add3A_121, %dma_start3A_186] : memref<327680x256xf32, #tpu.memory_space<hbm>> -> memref<128x256xf32, #tpu.memory_space<hbm>>
        %dma_start3A_188 = arith.constant 0 : i32
        %dma_start3A_189 = tpu.memref_slice %arg6[%add3A_121, %dma_start3A_188] : memref<327680x256xf32, #tpu.memory_space<hbm>> -> memref<128x256xf32, #tpu.memory_space<hbm>>
        tpu.enqueue_dma source(%arg10 : memref<128x256xf32, #tpu.memory_space<vmem>>) target(%dma_start3A_189 : memref<128x256xf32, #tpu.memory_space<hbm>>) target_semaphore(%run_scoped3A : memref<!tpu.dma_semaphore, #tpu.memory_space<semaphore_mem>>)
        %dma_wait3A_190 = arith.constant 0 : i32
        %dma_wait3A_191 = tpu.memref_slice %arg6[%add3A_121, %dma_wait3A_190] : memref<327680x256xf32, #tpu.memory_space<hbm>> -> memref<128x256xf32, #tpu.memory_space<hbm>>
        %dma_wait3A_192 = arith.constant 0 : i32
        %dma_wait3A_193 = tpu.memref_slice %arg6[%add3A_121, %dma_wait3A_192] : memref<327680x256xf32, #tpu.memory_space<hbm>> -> memref<128x256xf32, #tpu.memory_space<hbm>>
        tpu.wait_dma2 semaphore(%run_scoped3A : memref<!tpu.dma_semaphore, #tpu.memory_space<semaphore_mem>>) src(%arg10 : memref<128x256xf32, #tpu.memory_space<vmem>>) dst(%dma_wait3A_193 : memref<128x256xf32, #tpu.memory_space<hbm>>)
        tpu.yield
      }) : () -> ()
      %dma_wait3A_137 = arith.constant 640 : i32
      %dma_wait3A_138 = tpu.memref_slice %arg9[%dma_wait3A_137] : memref<1024xi32, #tpu.memory_space<vmem>> -> memref<128xi32, #tpu.memory_space<vmem>>
      %dma_wait3A_139 = arith.constant 0 : i32
      %dma_wait3A_140 = arith.constant 0 : i32
      %dma_wait3A_141 = tpu.memref_slice %arg3[%dma_wait3A_139, %dma_wait3A_140] : memref<10000x128xf32, #tpu.memory_space<hbm>> -> memref<10000x128xf32, #tpu.memory_space<hbm>>
      tpu.wait_indirect_dma semaphore(%arg13 : memref<!tpu.dma_semaphore, #tpu.memory_space<semaphore_mem>>) src(%dma_wait3A_141 : memref<10000x128xf32, #tpu.memory_space<hbm>>) dst(%arg11 : memref<128x128xf32, #tpu.memory_space<vmem>>)
      "tpu.region"() ({
        %run_scoped3A = tpu.sem_alloc : memref<!tpu.dma_semaphore, #tpu.memory_space<semaphore_mem>>
        %dma_start3A_186 = arith.constant 0 : i32
        %dma_start3A_187 = tpu.memref_slice %arg7[%add3A_121, %dma_start3A_186] : memref<327680x128xf32, #tpu.memory_space<hbm>> -> memref<128x128xf32, #tpu.memory_space<hbm>>
        %dma_start3A_188 = arith.constant 0 : i32
        %dma_start3A_189 = tpu.memref_slice %arg7[%add3A_121, %dma_start3A_188] : memref<327680x128xf32, #tpu.memory_space<hbm>> -> memref<128x128xf32, #tpu.memory_space<hbm>>
        tpu.enqueue_dma source(%arg11 : memref<128x128xf32, #tpu.memory_space<vmem>>) target(%dma_start3A_189 : memref<128x128xf32, #tpu.memory_space<hbm>>) target_semaphore(%run_scoped3A : memref<!tpu.dma_semaphore, #tpu.memory_space<semaphore_mem>>)
        %dma_wait3A_190 = arith.constant 0 : i32
        %dma_wait3A_191 = tpu.memref_slice %arg7[%add3A_121, %dma_wait3A_190] : memref<327680x128xf32, #tpu.memory_space<hbm>> -> memref<128x128xf32, #tpu.memory_space<hbm>>
        %dma_wait3A_192 = arith.constant 0 : i32
        %dma_wait3A_193 = tpu.memref_slice %arg7[%add3A_121, %dma_wait3A_192] : memref<327680x128xf32, #tpu.memory_space<hbm>> -> memref<128x128xf32, #tpu.memory_space<hbm>>
        tpu.wait_dma2 semaphore(%run_scoped3A : memref<!tpu.dma_semaphore, #tpu.memory_space<semaphore_mem>>) src(%arg11 : memref<128x128xf32, #tpu.memory_space<vmem>>) dst(%dma_wait3A_193 : memref<128x128xf32, #tpu.memory_space<hbm>>)
        tpu.yield
      }) : () -> ()
      %add3A_142 = arith.constant 768 : i32
      %add3A_143 = arith.addi %mul3A_11, %add3A_142 : i32
      %dma_start3A_144 = arith.constant 768 : i32
      %dma_start3A_145 = tpu.memref_slice %arg8[%dma_start3A_144] : memref<1024xi32, #tpu.memory_space<vmem>> -> memref<128xi32, #tpu.memory_space<vmem>>
      %dma_start3A_146 = arith.constant 0 : i32
      %dma_start3A_147 = arith.constant 0 : i32
      %dma_start3A_148 = tpu.memref_slice %arg2[%dma_start3A_146, %dma_start3A_147] : memref<10000x256xf32, #tpu.memory_space<hbm>> -> memref<10000x256xf32, #tpu.memory_space<hbm>>
      tpu.enqueue_indirect_dma source(%dma_start3A_148 : memref<10000x256xf32, #tpu.memory_space<hbm>>) target(%arg10 : memref<128x256xf32, #tpu.memory_space<vmem>>) offsets(%dma_start3A_145 : memref<128xi32, #tpu.memory_space<vmem>>) semaphore(%arg12 : memref<!tpu.dma_semaphore, #tpu.memory_space<semaphore_mem>>)
      %dma_start3A_149 = arith.constant 768 : i32
      %dma_start3A_150 = tpu.memref_slice %arg9[%dma_start3A_149] : memref<1024xi32, #tpu.memory_space<vmem>> -> memref<128xi32, #tpu.memory_space<vmem>>
      %dma_start3A_151 = arith.constant 0 : i32
      %dma_start3A_152 = arith.constant 0 : i32
      %dma_start3A_153 = tpu.memref_slice %arg3[%dma_start3A_151, %dma_start3A_152] : memref<10000x128xf32, #tpu.memory_space<hbm>> -> memref<10000x128xf32, #tpu.memory_space<hbm>>
      tpu.enqueue_indirect_dma source(%dma_start3A_153 : memref<10000x128xf32, #tpu.memory_space<hbm>>) target(%arg11 : memref<128x128xf32, #tpu.memory_space<vmem>>) offsets(%dma_start3A_150 : memref<128xi32, #tpu.memory_space<vmem>>) semaphore(%arg13 : memref<!tpu.dma_semaphore, #tpu.memory_space<semaphore_mem>>)
      %dma_wait3A_154 = arith.constant 768 : i32
      %dma_wait3A_155 = tpu.memref_slice %arg8[%dma_wait3A_154] : memref<1024xi32, #tpu.memory_space<vmem>> -> memref<128xi32, #tpu.memory_space<vmem>>
      %dma_wait3A_156 = arith.constant 0 : i32
      %dma_wait3A_157 = arith.constant 0 : i32
      %dma_wait3A_158 = tpu.memref_slice %arg2[%dma_wait3A_156, %dma_wait3A_157] : memref<10000x256xf32, #tpu.memory_space<hbm>> -> memref<10000x256xf32, #tpu.memory_space<hbm>>
      tpu.wait_indirect_dma semaphore(%arg12 : memref<!tpu.dma_semaphore, #tpu.memory_space<semaphore_mem>>) src(%dma_wait3A_158 : memref<10000x256xf32, #tpu.memory_space<hbm>>) dst(%arg10 : memref<128x256xf32, #tpu.memory_space<vmem>>)
      "tpu.region"() ({
        %run_scoped3A = tpu.sem_alloc : memref<!tpu.dma_semaphore, #tpu.memory_space<semaphore_mem>>
        %dma_start3A_186 = arith.constant 0 : i32
        %dma_start3A_187 = tpu.memref_slice %arg6[%add3A_143, %dma_start3A_186] : memref<327680x256xf32, #tpu.memory_space<hbm>> -> memref<128x256xf32, #tpu.memory_space<hbm>>
        %dma_start3A_188 = arith.constant 0 : i32
        %dma_start3A_189 = tpu.memref_slice %arg6[%add3A_143, %dma_start3A_188] : memref<327680x256xf32, #tpu.memory_space<hbm>> -> memref<128x256xf32, #tpu.memory_space<hbm>>
        tpu.enqueue_dma source(%arg10 : memref<128x256xf32, #tpu.memory_space<vmem>>) target(%dma_start3A_189 : memref<128x256xf32, #tpu.memory_space<hbm>>) target_semaphore(%run_scoped3A : memref<!tpu.dma_semaphore, #tpu.memory_space<semaphore_mem>>)
        %dma_wait3A_190 = arith.constant 0 : i32
        %dma_wait3A_191 = tpu.memref_slice %arg6[%add3A_143, %dma_wait3A_190] : memref<327680x256xf32, #tpu.memory_space<hbm>> -> memref<128x256xf32, #tpu.memory_space<hbm>>
        %dma_wait3A_192 = arith.constant 0 : i32
        %dma_wait3A_193 = tpu.memref_slice %arg6[%add3A_143, %dma_wait3A_192] : memref<327680x256xf32, #tpu.memory_space<hbm>> -> memref<128x256xf32, #tpu.memory_space<hbm>>
        tpu.wait_dma2 semaphore(%run_scoped3A : memref<!tpu.dma_semaphore, #tpu.memory_space<semaphore_mem>>) src(%arg10 : memref<128x256xf32, #tpu.memory_space<vmem>>) dst(%dma_wait3A_193 : memref<128x256xf32, #tpu.memory_space<hbm>>)
        tpu.yield
      }) : () -> ()
      %dma_wait3A_159 = arith.constant 768 : i32
      %dma_wait3A_160 = tpu.memref_slice %arg9[%dma_wait3A_159] : memref<1024xi32, #tpu.memory_space<vmem>> -> memref<128xi32, #tpu.memory_space<vmem>>
      %dma_wait3A_161 = arith.constant 0 : i32
      %dma_wait3A_162 = arith.constant 0 : i32
      %dma_wait3A_163 = tpu.memref_slice %arg3[%dma_wait3A_161, %dma_wait3A_162] : memref<10000x128xf32, #tpu.memory_space<hbm>> -> memref<10000x128xf32, #tpu.memory_space<hbm>>
      tpu.wait_indirect_dma semaphore(%arg13 : memref<!tpu.dma_semaphore, #tpu.memory_space<semaphore_mem>>) src(%dma_wait3A_163 : memref<10000x128xf32, #tpu.memory_space<hbm>>) dst(%arg11 : memref<128x128xf32, #tpu.memory_space<vmem>>)
      "tpu.region"() ({
        %run_scoped3A = tpu.sem_alloc : memref<!tpu.dma_semaphore, #tpu.memory_space<semaphore_mem>>
        %dma_start3A_186 = arith.constant 0 : i32
        %dma_start3A_187 = tpu.memref_slice %arg7[%add3A_143, %dma_start3A_186] : memref<327680x128xf32, #tpu.memory_space<hbm>> -> memref<128x128xf32, #tpu.memory_space<hbm>>
        %dma_start3A_188 = arith.constant 0 : i32
        %dma_start3A_189 = tpu.memref_slice %arg7[%add3A_143, %dma_start3A_188] : memref<327680x128xf32, #tpu.memory_space<hbm>> -> memref<128x128xf32, #tpu.memory_space<hbm>>
        tpu.enqueue_dma source(%arg11 : memref<128x128xf32, #tpu.memory_space<vmem>>) target(%dma_start3A_189 : memref<128x128xf32, #tpu.memory_space<hbm>>) target_semaphore(%run_scoped3A : memref<!tpu.dma_semaphore, #tpu.memory_space<semaphore_mem>>)
        %dma_wait3A_190 = arith.constant 0 : i32
        %dma_wait3A_191 = tpu.memref_slice %arg7[%add3A_143, %dma_wait3A_190] : memref<327680x128xf32, #tpu.memory_space<hbm>> -> memref<128x128xf32, #tpu.memory_space<hbm>>
        %dma_wait3A_192 = arith.constant 0 : i32
        %dma_wait3A_193 = tpu.memref_slice %arg7[%add3A_143, %dma_wait3A_192] : memref<327680x128xf32, #tpu.memory_space<hbm>> -> memref<128x128xf32, #tpu.memory_space<hbm>>
        tpu.wait_dma2 semaphore(%run_scoped3A : memref<!tpu.dma_semaphore, #tpu.memory_space<semaphore_mem>>) src(%arg11 : memref<128x128xf32, #tpu.memory_space<vmem>>) dst(%dma_wait3A_193 : memref<128x128xf32, #tpu.memory_space<hbm>>)
        tpu.yield
      }) : () -> ()
      %add3A_164 = arith.constant 896 : i32
      %add3A_165 = arith.addi %mul3A_11, %add3A_164 : i32
      %dma_start3A_166 = arith.constant 896 : i32
      %dma_start3A_167 = tpu.memref_slice %arg8[%dma_start3A_166] : memref<1024xi32, #tpu.memory_space<vmem>> -> memref<128xi32, #tpu.memory_space<vmem>>
      %dma_start3A_168 = arith.constant 0 : i32
      %dma_start3A_169 = arith.constant 0 : i32
      %dma_start3A_170 = tpu.memref_slice %arg2[%dma_start3A_168, %dma_start3A_169] : memref<10000x256xf32, #tpu.memory_space<hbm>> -> memref<10000x256xf32, #tpu.memory_space<hbm>>
      tpu.enqueue_indirect_dma source(%dma_start3A_170 : memref<10000x256xf32, #tpu.memory_space<hbm>>) target(%arg10 : memref<128x256xf32, #tpu.memory_space<vmem>>) offsets(%dma_start3A_167 : memref<128xi32, #tpu.memory_space<vmem>>) semaphore(%arg12 : memref<!tpu.dma_semaphore, #tpu.memory_space<semaphore_mem>>)
      %dma_start3A_171 = arith.constant 896 : i32
      %dma_start3A_172 = tpu.memref_slice %arg9[%dma_start3A_171] : memref<1024xi32, #tpu.memory_space<vmem>> -> memref<128xi32, #tpu.memory_space<vmem>>
      %dma_start3A_173 = arith.constant 0 : i32
      %dma_start3A_174 = arith.constant 0 : i32
      %dma_start3A_175 = tpu.memref_slice %arg3[%dma_start3A_173, %dma_start3A_174] : memref<10000x128xf32, #tpu.memory_space<hbm>> -> memref<10000x128xf32, #tpu.memory_space<hbm>>
      tpu.enqueue_indirect_dma source(%dma_start3A_175 : memref<10000x128xf32, #tpu.memory_space<hbm>>) target(%arg11 : memref<128x128xf32, #tpu.memory_space<vmem>>) offsets(%dma_start3A_172 : memref<128xi32, #tpu.memory_space<vmem>>) semaphore(%arg13 : memref<!tpu.dma_semaphore, #tpu.memory_space<semaphore_mem>>)
      %dma_wait3A_176 = arith.constant 896 : i32
      %dma_wait3A_177 = tpu.memref_slice %arg8[%dma_wait3A_176] : memref<1024xi32, #tpu.memory_space<vmem>> -> memref<128xi32, #tpu.memory_space<vmem>>
      %dma_wait3A_178 = arith.constant 0 : i32
      %dma_wait3A_179 = arith.constant 0 : i32
      %dma_wait3A_180 = tpu.memref_slice %arg2[%dma_wait3A_178, %dma_wait3A_179] : memref<10000x256xf32, #tpu.memory_space<hbm>> -> memref<10000x256xf32, #tpu.memory_space<hbm>>
      tpu.wait_indirect_dma semaphore(%arg12 : memref<!tpu.dma_semaphore, #tpu.memory_space<semaphore_mem>>) src(%dma_wait3A_180 : memref<10000x256xf32, #tpu.memory_space<hbm>>) dst(%arg10 : memref<128x256xf32, #tpu.memory_space<vmem>>)
      "tpu.region"() ({
        %run_scoped3A = tpu.sem_alloc : memref<!tpu.dma_semaphore, #tpu.memory_space<semaphore_mem>>
        %dma_start3A_186 = arith.constant 0 : i32
        %dma_start3A_187 = tpu.memref_slice %arg6[%add3A_165, %dma_start3A_186] : memref<327680x256xf32, #tpu.memory_space<hbm>> -> memref<128x256xf32, #tpu.memory_space<hbm>>
        %dma_start3A_188 = arith.constant 0 : i32
        %dma_start3A_189 = tpu.memref_slice %arg6[%add3A_165, %dma_start3A_188] : memref<327680x256xf32, #tpu.memory_space<hbm>> -> memref<128x256xf32, #tpu.memory_space<hbm>>
        tpu.enqueue_dma source(%arg10 : memref<128x256xf32, #tpu.memory_space<vmem>>) target(%dma_start3A_189 : memref<128x256xf32, #tpu.memory_space<hbm>>) target_semaphore(%run_scoped3A : memref<!tpu.dma_semaphore, #tpu.memory_space<semaphore_mem>>)
        %dma_wait3A_190 = arith.constant 0 : i32
        %dma_wait3A_191 = tpu.memref_slice %arg6[%add3A_165, %dma_wait3A_190] : memref<327680x256xf32, #tpu.memory_space<hbm>> -> memref<128x256xf32, #tpu.memory_space<hbm>>
        %dma_wait3A_192 = arith.constant 0 : i32
        %dma_wait3A_193 = tpu.memref_slice %arg6[%add3A_165, %dma_wait3A_192] : memref<327680x256xf32, #tpu.memory_space<hbm>> -> memref<128x256xf32, #tpu.memory_space<hbm>>
        tpu.wait_dma2 semaphore(%run_scoped3A : memref<!tpu.dma_semaphore, #tpu.memory_space<semaphore_mem>>) src(%arg10 : memref<128x256xf32, #tpu.memory_space<vmem>>) dst(%dma_wait3A_193 : memref<128x256xf32, #tpu.memory_space<hbm>>)
        tpu.yield
      }) : () -> ()
      %dma_wait3A_181 = arith.constant 896 : i32
      %dma_wait3A_182 = tpu.memref_slice %arg9[%dma_wait3A_181] : memref<1024xi32, #tpu.memory_space<vmem>> -> memref<128xi32, #tpu.memory_space<vmem>>
      %dma_wait3A_183 = arith.constant 0 : i32
      %dma_wait3A_184 = arith.constant 0 : i32
      %dma_wait3A_185 = tpu.memref_slice %arg3[%dma_wait3A_183, %dma_wait3A_184] : memref<10000x128xf32, #tpu.memory_space<hbm>> -> memref<10000x128xf32, #tpu.memory_space<hbm>>
      tpu.wait_indirect_dma semaphore(%arg13 : memref<!tpu.dma_semaphore, #tpu.memory_space<semaphore_mem>>) src(%dma_wait3A_185 : memref<10000x128xf32, #tpu.memory_space<hbm>>) dst(%arg11 : memref<128x128xf32, #tpu.memory_space<vmem>>)
      "tpu.region"() ({
        %run_scoped3A = tpu.sem_alloc : memref<!tpu.dma_semaphore, #tpu.memory_space<semaphore_mem>>
        %dma_start3A_186 = arith.constant 0 : i32
        %dma_start3A_187 = tpu.memref_slice %arg7[%add3A_165, %dma_start3A_186] : memref<327680x128xf32, #tpu.memory_space<hbm>> -> memref<128x128xf32, #tpu.memory_space<hbm>>
        %dma_start3A_188 = arith.constant 0 : i32
        %dma_start3A_189 = tpu.memref_slice %arg7[%add3A_165, %dma_start3A_188] : memref<327680x128xf32, #tpu.memory_space<hbm>> -> memref<128x128xf32, #tpu.memory_space<hbm>>
        tpu.enqueue_dma source(%arg11 : memref<128x128xf32, #tpu.memory_space<vmem>>) target(%dma_start3A_189 : memref<128x128xf32, #tpu.memory_space<hbm>>) target_semaphore(%run_scoped3A : memref<!tpu.dma_semaphore, #tpu.memory_space<semaphore_mem>>)
        %dma_wait3A_190 = arith.constant 0 : i32
        %dma_wait3A_191 = tpu.memref_slice %arg7[%add3A_165, %dma_wait3A_190] : memref<327680x128xf32, #tpu.memory_space<hbm>> -> memref<128x128xf32, #tpu.memory_space<hbm>>
        %dma_wait3A_192 = arith.constant 0 : i32
        %dma_wait3A_193 = tpu.memref_slice %arg7[%add3A_165, %dma_wait3A_192] : memref<327680x128xf32, #tpu.memory_space<hbm>> -> memref<128x128xf32, #tpu.memory_space<hbm>>
        tpu.wait_dma2 semaphore(%run_scoped3A : memref<!tpu.dma_semaphore, #tpu.memory_space<semaphore_mem>>) src(%arg11 : memref<128x128xf32, #tpu.memory_space<vmem>>) dst(%dma_wait3A_193 : memref<128x128xf32, #tpu.memory_space<hbm>>)
        tpu.yield
      }) : () -> ()
    }
    %scan3A_5 = arith.constant 10 : i32
    return
  }
}

module attributes {stable_mosaic.version = 14 : i64} {
  func.func @_q_body(%arg0: i32, %arg1: memref<1000x128xf32, #tpu.memory_space<vmem>>, %arg2: memref<128x128xf32, #tpu.memory_space<vmem>>, %arg3: memref<1x128xf32, #tpu.memory_space<vmem>>, %arg4: memref<1x128xf32, #tpu.memory_space<vmem>>, %arg5: memref<1x128xf32, #tpu.memory_space<vmem>>, %arg6: memref<128x128xf32, #tpu.memory_space<vmem>>, %arg7: memref<1x128xf32, #tpu.memory_space<vmem>>, %arg8: memref<1000x256xf32, #tpu.memory_space<vmem>>) attributes {dimension_semantics = [#tpu.dimension_semantics<arbitrary>], iteration_bounds = array<i64: 10>, scalar_prefetch = 0 : i64, scratch_operands = 0 : i64, tpu.core_type = #tpu.core_type<tc>, window_params = [{transform_indices = @transform_0, window_bounds = array<i64: 1000, 128>}, {pipeline_mode = #tpu.pipeline_mode<synchronous>, transform_indices = @transform_1, window_bounds = array<i64: 128, 128>}, {pipeline_mode = #tpu.pipeline_mode<synchronous>, transform_indices = @transform_2, window_bounds = array<i64: 1, 128>}, {pipeline_mode = #tpu.pipeline_mode<synchronous>, transform_indices = @transform_3, window_bounds = array<i64: 1, 128>}, {pipeline_mode = #tpu.pipeline_mode<synchronous>, transform_indices = @transform_4, window_bounds = array<i64: 1, 128>}, {pipeline_mode = #tpu.pipeline_mode<synchronous>, transform_indices = @transform_5, window_bounds = array<i64: 128, 128>}, {pipeline_mode = #tpu.pipeline_mode<synchronous>, transform_indices = @transform_6, window_bounds = array<i64: 1, 128>}, {transform_indices = @transform_7, window_bounds = array<i64: 1000, 256>}]} {
    %get3A = arith.constant 0 : index
    %get3A_0 = arith.constant 0 : index
    %get3A_1 = vector.load %arg1[%get3A, %get3A_0] : memref<1000x128xf32, #tpu.memory_space<vmem>>, vector<1000x128xf32>
    %get3A_2 = arith.constant 0 : index
    %get3A_3 = arith.constant 0 : index
    %get3A_4 = vector.load %arg2[%get3A_2, %get3A_3] : memref<128x128xf32, #tpu.memory_space<vmem>>, vector<128x128xf32>
    %dot_general3A = arith.constant dense<0.000000e+00> : vector<1000x128xf32>
    %dot_general3A_5 = tpu.matmul %get3A_1, %get3A_4, %dot_general3A {dimension_numbers = #tpu.dot_dimension_numbers<[1], [0], [0], [1], [0, 0, 1, 1], [], []>, precision = #tpu.contract_precision<fp32>, transpose_lhs_hint = false} : vector<1000x128xf32>, vector<128x128xf32>, vector<1000x128xf32> -> vector<1000x128xf32>
    %get3A_6 = arith.constant 0 : index
    %get3A_7 = arith.constant 0 : index
    %get3A_8 = vector.load %arg3[%get3A_6, %get3A_7] : memref<1x128xf32, #tpu.memory_space<vmem>>, vector<1x128xf32>
    %add3A = vector.broadcast %get3A_8 : vector<1x128xf32> to vector<1000x128xf32>
    %add3A_9 = arith.addf %dot_general3A_5, %add3A : vector<1000x128xf32>
    %get3A_10 = arith.constant 0 : index
    %get3A_11 = arith.constant 0 : index
    %get3A_12 = vector.load %arg4[%get3A_10, %get3A_11] : memref<1x128xf32, #tpu.memory_space<vmem>>, vector<1x128xf32>
    %get3A_13 = arith.constant 0 : index
    %get3A_14 = arith.constant 0 : index
    %get3A_15 = vector.load %arg5[%get3A_13, %get3A_14] : memref<1x128xf32, #tpu.memory_space<vmem>>, vector<1x128xf32>
    %reduce_sum3A = arith.constant dense<0.000000e+00> : vector<1000xf32>
    %reduce_sum3A_16 = vector.multi_reduction <add>, %add3A_9, %reduce_sum3A [1] : vector<1000x128xf32> to vector<1000xf32>
    %broadcast_in_dim3A = vector.shape_cast %reduce_sum3A_16 : vector<1000xf32> to vector<1000x1xf32>
    %div3A = arith.constant 1.280000e+02 : f32
    %div3A_17 = vector.broadcast %div3A : f32 to vector<1000x1xf32>
    %div3A_18 = arith.divf %broadcast_in_dim3A, %div3A_17 : vector<1000x1xf32>
    %sub3A = vector.broadcast %div3A_18 : vector<1000x1xf32> to vector<1000x128xf32>
    %sub3A_19 = arith.subf %add3A_9, %sub3A : vector<1000x128xf32>
    %sub3A_20 = vector.broadcast %div3A_18 : vector<1000x1xf32> to vector<1000x128xf32>
    %sub3A_21 = arith.subf %add3A_9, %sub3A_20 : vector<1000x128xf32>
    %mul3A = arith.mulf %sub3A_19, %sub3A_21 : vector<1000x128xf32>
    %reduce_sum3A_22 = arith.constant dense<0.000000e+00> : vector<1000xf32>
    %reduce_sum3A_23 = vector.multi_reduction <add>, %mul3A, %reduce_sum3A_22 [1] : vector<1000x128xf32> to vector<1000xf32>
    %broadcast_in_dim3A_24 = vector.shape_cast %reduce_sum3A_23 : vector<1000xf32> to vector<1000x1xf32>
    %div3A_25 = arith.constant 1.280000e+02 : f32
    %div3A_26 = vector.broadcast %div3A_25 : f32 to vector<1000x1xf32>
    %div3A_27 = arith.divf %broadcast_in_dim3A_24, %div3A_26 : vector<1000x1xf32>
    %sub3A_28 = vector.broadcast %div3A_18 : vector<1000x1xf32> to vector<1000x128xf32>
    %sub3A_29 = arith.subf %add3A_9, %sub3A_28 : vector<1000x128xf32>
    %add3A_30 = arith.constant 9.99999974E-6 : f32
    %add3A_31 = vector.broadcast %add3A_30 : f32 to vector<1000x1xf32>
    %add3A_32 = arith.addf %div3A_27, %add3A_31 : vector<1000x1xf32>
    %sqrt3A = math.sqrt %add3A_32 : vector<1000x1xf32>
    %div3A_33 = vector.broadcast %sqrt3A : vector<1000x1xf32> to vector<1000x128xf32>
    %div3A_34 = arith.divf %sub3A_29, %div3A_33 : vector<1000x128xf32>
    %mul3A_35 = vector.broadcast %get3A_12 : vector<1x128xf32> to vector<1000x128xf32>
    %mul3A_36 = arith.mulf %div3A_34, %mul3A_35 : vector<1000x128xf32>
    %add3A_37 = vector.broadcast %get3A_15 : vector<1x128xf32> to vector<1000x128xf32>
    %add3A_38 = arith.addf %mul3A_36, %add3A_37 : vector<1000x128xf32>
    %max3A = arith.constant 0.000000e+00 : f32
    %max3A_39 = vector.broadcast %max3A : f32 to vector<1000x128xf32>
    %max3A_40 = arith.maximumf %add3A_38, %max3A_39 : vector<1000x128xf32>
    %get3A_41 = arith.constant 0 : index
    %get3A_42 = arith.constant 0 : index
    %get3A_43 = vector.load %arg6[%get3A_41, %get3A_42] : memref<128x128xf32, #tpu.memory_space<vmem>>, vector<128x128xf32>
    %dot_general3A_44 = arith.constant dense<0.000000e+00> : vector<1000x128xf32>
    %dot_general3A_45 = tpu.matmul %max3A_40, %get3A_43, %dot_general3A_44 {dimension_numbers = #tpu.dot_dimension_numbers<[1], [0], [0], [1], [0, 0, 1, 1], [], []>, precision = #tpu.contract_precision<fp32>, transpose_lhs_hint = false} : vector<1000x128xf32>, vector<128x128xf32>, vector<1000x128xf32> -> vector<1000x128xf32>
    %get3A_46 = arith.constant 0 : index
    %get3A_47 = arith.constant 0 : index
    %get3A_48 = vector.load %arg7[%get3A_46, %get3A_47] : memref<1x128xf32, #tpu.memory_space<vmem>>, vector<1x128xf32>
    %add3A_49 = vector.broadcast %get3A_48 : vector<1x128xf32> to vector<1000x128xf32>
    %add3A_50 = arith.addf %dot_general3A_45, %add3A_49 : vector<1000x128xf32>
    %swap3A = arith.constant 0 : index
    %swap3A_51 = arith.constant 0 : index
    %swap3A_52 = vector.load %arg8[%swap3A, %swap3A_51] : memref<1000x256xf32, #tpu.memory_space<vmem>>, vector<1000x128xf32>
    tpu.vector_store %arg8[%swap3A, %swap3A_51], %get3A_1 {strides = array<i32>} : memref<1000x256xf32, #tpu.memory_space<vmem>>, vector<1000x128xf32>,
    %swap3A_53 = arith.constant 0 : index
    %swap3A_54 = arith.constant 128 : index
    %swap3A_55 = vector.load %arg8[%swap3A_53, %swap3A_54] : memref<1000x256xf32, #tpu.memory_space<vmem>>, vector<1000x128xf32>
    tpu.vector_store %arg8[%swap3A_53, %swap3A_54], %add3A_50 {strides = array<i32>} : memref<1000x256xf32, #tpu.memory_space<vmem>>, vector<1000x128xf32>,
    return
  }
  func.func @transform_0(%arg0: i32) -> (i32, i32) {
    %c0_i32 = arith.constant 0 : i32
    %c0_i32_0 = arith.constant 0 : i32
    return %arg0, %c0_i32 : i32, i32
  }
  func.func @transform_1(%arg0: i32) -> (i32, i32) {
    %c0_i32 = arith.constant 0 : i32
    %c0_i32_0 = arith.constant 0 : i32
    %c0_i32_1 = arith.constant 0 : i32
    return %c0_i32, %c0_i32_0 : i32, i32
  }
  func.func @transform_2(%arg0: i32) -> (i32, i32) {
    %c0_i32 = arith.constant 0 : i32
    %c0_i32_0 = arith.constant 0 : i32
    %c0_i32_1 = arith.constant 0 : i32
    return %c0_i32, %c0_i32_0 : i32, i32
  }
  func.func @transform_3(%arg0: i32) -> (i32, i32) {
    %c0_i32 = arith.constant 0 : i32
    %c0_i32_0 = arith.constant 0 : i32
    %c0_i32_1 = arith.constant 0 : i32
    return %c0_i32, %c0_i32_0 : i32, i32
  }
  func.func @transform_4(%arg0: i32) -> (i32, i32) {
    %c0_i32 = arith.constant 0 : i32
    %c0_i32_0 = arith.constant 0 : i32
    %c0_i32_1 = arith.constant 0 : i32
    return %c0_i32, %c0_i32_0 : i32, i32
  }
  func.func @transform_5(%arg0: i32) -> (i32, i32) {
    %c0_i32 = arith.constant 0 : i32
    %c0_i32_0 = arith.constant 0 : i32
    %c0_i32_1 = arith.constant 0 : i32
    return %c0_i32, %c0_i32_0 : i32, i32
  }
  func.func @transform_6(%arg0: i32) -> (i32, i32) {
    %c0_i32 = arith.constant 0 : i32
    %c0_i32_0 = arith.constant 0 : i32
    %c0_i32_1 = arith.constant 0 : i32
    return %c0_i32, %c0_i32_0 : i32, i32
  }
  func.func @transform_7(%arg0: i32) -> (i32, i32) {
    %c0_i32 = arith.constant 0 : i32
    %c0_i32_0 = arith.constant 0 : i32
    return %arg0, %c0_i32 : i32, i32
  }
}

module attributes {stable_mosaic.version = 14 : i64} {
  func.func @_rank_body(%arg0: i32, %arg1: memref<512x1xi32, #tpu.memory_space<vmem>>, %arg2: memref<512x512xf32, #tpu.memory_space<vmem>>, %arg3: memref<512x1xi32, #tpu.memory_space<vmem>>, %arg4: memref<1x32xf32, #tpu.memory_space<vmem>>) attributes {dimension_semantics = [#tpu.dimension_semantics<arbitrary>], iteration_bounds = array<i64: 640>, scalar_prefetch = 0 : i64, scratch_operands = 1 : i64, tpu.core_type = #tpu.core_type<tc>, window_params = [{transform_indices = @transform_0, window_bounds = array<i64: 512, 1>}, {pipeline_mode = #tpu.pipeline_mode<synchronous>, transform_indices = @transform_1, window_bounds = array<i64: 512, 512>}, {transform_indices = @transform_2, window_bounds = array<i64: 512, 1>}]} {
    %eq3A = arith.constant 0 : i32
    %eq3A_0 = arith.cmpi eq, %arg0, %eq3A : i32
    %convert_element_type3A = arith.extui %eq3A_0 : i1 to i32
    %cond3A = arith.constant 0 : i32
    %cond3A_1 = arith.cmpi ne, %convert_element_type3A, %cond3A : i32
    scf.if %cond3A_1 {
      %broadcast_in_dim3A_56 = arith.constant 0.000000e+00 : f32
      %broadcast_in_dim3A_57 = vector.broadcast %broadcast_in_dim3A_56 : f32 to vector<1x32xf32>
      %swap3A_58 = arith.constant 0 : index
      %swap3A_59 = arith.constant 0 : index
      %swap3A_60 = vector.load %arg4[%swap3A_58, %swap3A_59] : memref<1x32xf32, #tpu.memory_space<vmem>>, vector<1x32xf32>
      tpu.vector_store %arg4[%swap3A_58, %swap3A_59], %broadcast_in_dim3A_57 {strides = array<i32>} : memref<1x32xf32, #tpu.memory_space<vmem>>, vector<1x32xf32>,
    } else {
    }
    %get3A = arith.constant 0 : index
    %get3A_2 = arith.constant 0 : index
    %get3A_3 = vector.load %arg1[%get3A, %get3A_2] : memref<512x1xi32, #tpu.memory_space<vmem>>, vector<512x1xi32>
    %jit3A = arith.constant 320 : i32
    %div3A = vector.broadcast %jit3A : i32 to vector<512x1xi32>
    %div3A_4 = arith.divsi %get3A_3, %div3A : vector<512x1xi32>
    %sign3A = arith.constant 0 : i32
    %sign3A_5 = vector.broadcast %sign3A : i32 to vector<512x1xi32>
    %sign3A_6 = arith.cmpi sgt, %get3A_3, %sign3A_5 : vector<512x1xi32>
    %sign3A_7 = arith.extui %sign3A_6 : vector<512x1xi1> to vector<512x1xi32>
    %sign3A_8 = arith.constant 0 : i32
    %sign3A_9 = vector.broadcast %sign3A_8 : i32 to vector<512x1xi32>
    %sign3A_10 = arith.cmpi slt, %get3A_3, %sign3A_9 : vector<512x1xi32>
    %sign3A_11 = arith.extui %sign3A_10 : vector<512x1xi1> to vector<512x1xi32>
    %sign3A_12 = arith.subi %sign3A_7, %sign3A_11 : vector<512x1xi32>
    %sign3A_13 = arith.constant 0 : i32
    %sign3A_14 = arith.cmpi sgt, %jit3A, %sign3A_13 : i32
    %sign3A_15 = arith.extui %sign3A_14 : i1 to i32
    %sign3A_16 = arith.constant 0 : i32
    %sign3A_17 = arith.cmpi slt, %jit3A, %sign3A_16 : i32
    %sign3A_18 = arith.extui %sign3A_17 : i1 to i32
    %sign3A_19 = arith.subi %sign3A_15, %sign3A_18 : i32
    %ne3A = vector.broadcast %sign3A_19 : i32 to vector<512x1xi32>
    %ne3A_20 = arith.cmpi ne, %sign3A_12, %ne3A : vector<512x1xi32>
    %rem3A = vector.broadcast %jit3A : i32 to vector<512x1xi32>
    %rem3A_21 = arith.remsi %get3A_3, %rem3A : vector<512x1xi32>
    %ne3A_22 = arith.constant 0 : i32
    %ne3A_23 = vector.broadcast %ne3A_22 : i32 to vector<512x1xi32>
    %ne3A_24 = arith.cmpi ne, %rem3A_21, %ne3A_23 : vector<512x1xi32>
    %and3A = arith.andi %ne3A_20, %ne3A_24 : vector<512x1xi1>
    %sub3A = arith.constant 1 : i32
    %sub3A_25 = vector.broadcast %sub3A : i32 to vector<512x1xi32>
    %sub3A_26 = arith.subi %div3A_4, %sub3A_25 : vector<512x1xi32>
    %select_n3A = arith.select %and3A, %sub3A_26, %div3A_4 : vector<512x1xi1>, vector<512x1xi32>
    %iota3A = tpu.iota {dimensions = array<i32: 1>} : vector<512x32xi32>
    %eq3A_27 = vector.broadcast %select_n3A : vector<512x1xi32> to vector<512x32xi32>
    %eq3A_28 = arith.cmpi eq, %eq3A_27, %iota3A : vector<512x32xi32>
    %convert_element_type3A_29 = arith.extui %eq3A_28 : vector<512x32xi1> to vector<512x32xi32>
    %convert_element_type3A_30 = arith.sitofp %convert_element_type3A_29 : vector<512x32xi32> to vector<512x32xf32>
    %get3A_31 = arith.constant 0 : index
    %get3A_32 = arith.constant 0 : index
    %get3A_33 = vector.load %arg2[%get3A_31, %get3A_32] : memref<512x512xf32, #tpu.memory_space<vmem>>, vector<512x512xf32>
    %dot_general3A = arith.constant dense<0.000000e+00> : vector<512x32xf32>
    %dot_general3A_34 = tpu.matmul %get3A_33, %convert_element_type3A_30, %dot_general3A {dimension_numbers = #tpu.dot_dimension_numbers<[1], [0], [0], [1], [0, 0, 1, 1], [], []>, precision = #tpu.contract_precision<fp32>, transpose_lhs_hint = false} : vector<512x512xf32>, vector<512x32xf32>, vector<512x32xf32> -> vector<512x32xf32>
    %get3A_35 = arith.constant 0 : index
    %get3A_36 = arith.constant 0 : index
    %get3A_37 = vector.load %arg4[%get3A_35, %get3A_36] : memref<1x32xf32, #tpu.memory_space<vmem>>, vector<1x32xf32>
    %add3A = vector.broadcast %get3A_37 : vector<1x32xf32> to vector<512x32xf32>
    %add3A_38 = arith.addf %dot_general3A_34, %add3A : vector<512x32xf32>
    %mul3A = arith.mulf %convert_element_type3A_30, %add3A_38 : vector<512x32xf32>
    %reduce_sum3A = arith.constant dense<0.000000e+00> : vector<512xf32>
    %reduce_sum3A_39 = vector.multi_reduction <add>, %mul3A, %reduce_sum3A [1] : vector<512x32xf32> to vector<512xf32>
    %broadcast_in_dim3A = vector.shape_cast %reduce_sum3A_39 : vector<512xf32> to vector<512x1xf32>
    %convert_element_type3A_40 = arith.fptosi %broadcast_in_dim3A : vector<512x1xf32> to vector<512x1xi32>
    %min3A = arith.constant 12287 : i32
    %min3A_41 = vector.broadcast %min3A : i32 to vector<512x1xi32>
    %min3A_42 = arith.minsi %convert_element_type3A_40, %min3A_41 : vector<512x1xi32>
    %mul3A_43 = arith.constant 12288 : i32
    %mul3A_44 = vector.broadcast %mul3A_43 : i32 to vector<512x1xi32>
    %mul3A_45 = arith.muli %select_n3A, %mul3A_44 : vector<512x1xi32>
    %add3A_46 = arith.addi %mul3A_45, %min3A_42 : vector<512x1xi32>
    %swap3A = arith.constant 0 : index
    %swap3A_47 = arith.constant 0 : index
    %swap3A_48 = vector.load %arg3[%swap3A, %swap3A_47] : memref<512x1xi32, #tpu.memory_space<vmem>>, vector<512x1xi32>
    tpu.vector_store %arg3[%swap3A, %swap3A_47], %add3A_46 {strides = array<i32>} : memref<512x1xi32, #tpu.memory_space<vmem>>, vector<512x1xi32>,
    %reduce_sum3A_49 = arith.constant dense<0.000000e+00> : vector<32xf32>
    %reduce_sum3A_50 = vector.multi_reduction <add>, %convert_element_type3A_30, %reduce_sum3A_49 [0] : vector<512x32xf32> to vector<32xf32>
    %broadcast_in_dim3A_51 = vector.shape_cast %reduce_sum3A_50 : vector<32xf32> to vector<1x32xf32>
    %add3A_52 = arith.addf %get3A_37, %broadcast_in_dim3A_51 : vector<1x32xf32>
    %swap3A_53 = arith.constant 0 : index
    %swap3A_54 = arith.constant 0 : index
    %swap3A_55 = vector.load %arg4[%swap3A_53, %swap3A_54] : memref<1x32xf32, #tpu.memory_space<vmem>>, vector<1x32xf32>
    tpu.vector_store %arg4[%swap3A_53, %swap3A_54], %add3A_52 {strides = array<i32>} : memref<1x32xf32, #tpu.memory_space<vmem>>, vector<1x32xf32>,
    return
  }
  func.func @transform_0(%arg0: i32) -> (i32, i32) {
    %c0_i32 = arith.constant 0 : i32
    %c0_i32_0 = arith.constant 0 : i32
    return %arg0, %c0_i32 : i32, i32
  }
  func.func @transform_1(%arg0: i32) -> (i32, i32) {
    %c0_i32 = arith.constant 0 : i32
    %c0_i32_0 = arith.constant 0 : i32
    %c0_i32_1 = arith.constant 0 : i32
    return %c0_i32, %c0_i32_0 : i32, i32
  }
  func.func @transform_2(%arg0: i32) -> (i32, i32) {
    %c0_i32 = arith.constant 0 : i32
    %c0_i32_0 = arith.constant 0 : i32
    return %arg0, %c0_i32 : i32, i32
  }
}

module attributes {stable_mosaic.version = 14 : i64} {
  func.func @_edge_body(%arg0: i32, %arg1: memref<512x16xf32, #tpu.memory_space<vmem>>, %arg2: memref<512x16xf32, #tpu.memory_space<vmem>>, %arg3: memref<512x1xf32, #tpu.memory_space<vmem>>, %arg4: memref<512x256xf32, #tpu.memory_space<vmem>>, %arg5: memref<512x128xf32, #tpu.memory_space<vmem>>, %arg6: memref<16x128xf32, #tpu.memory_space<vmem>>, %arg7: memref<16x128xf32, #tpu.memory_space<vmem>>, %arg8: memref<128x128xf32, #tpu.memory_space<vmem>>, %arg9: memref<128x128xf32, #tpu.memory_space<vmem>>, %arg10: memref<1x128xf32, #tpu.memory_space<vmem>>, %arg11: memref<1x128xf32, #tpu.memory_space<vmem>>, %arg12: memref<1x128xf32, #tpu.memory_space<vmem>>, %arg13: memref<128x128xf32, #tpu.memory_space<vmem>>, %arg14: memref<1x128xf32, #tpu.memory_space<vmem>>, %arg15: memref<16x128xf32, #tpu.memory_space<vmem>>, %arg16: memref<16x128xf32, #tpu.memory_space<vmem>>, %arg17: memref<128x128xf32, #tpu.memory_space<vmem>>, %arg18: memref<128x128xf32, #tpu.memory_space<vmem>>, %arg19: memref<1x128xf32, #tpu.memory_space<vmem>>, %arg20: memref<1x128xf32, #tpu.memory_space<vmem>>, %arg21: memref<1x128xf32, #tpu.memory_space<vmem>>, %arg22: memref<128x128xf32, #tpu.memory_space<vmem>>, %arg23: memref<1x128xf32, #tpu.memory_space<vmem>>, %arg24: memref<128x16xf32, #tpu.memory_space<vmem>>, %arg25: memref<16x128xf32, #tpu.memory_space<vmem>>, %arg26: memref<512x128xf32, #tpu.memory_space<vmem>>, %arg27: memref<512x128xf32, #tpu.memory_space<vmem>>) attributes {dimension_semantics = [#tpu.dimension_semantics<arbitrary>], iteration_bounds = array<i64: 640>, scalar_prefetch = 0 : i64, scratch_operands = 0 : i64, tpu.core_type = #tpu.core_type<tc>, window_params = [{transform_indices = @transform_0, window_bounds = array<i64: 512, 16>}, {transform_indices = @transform_1, window_bounds = array<i64: 512, 16>}, {transform_indices = @transform_2, window_bounds = array<i64: 512, 1>}, {transform_indices = @transform_3, window_bounds = array<i64: 512, 256>}, {transform_indices = @transform_4, window_bounds = array<i64: 512, 128>}, {pipeline_mode = #tpu.pipeline_mode<synchronous>, transform_indices = @transform_5, window_bounds = array<i64: 16, 128>}, {pipeline_mode = #tpu.pipeline_mode<synchronous>, transform_indices = @transform_6, window_bounds = array<i64: 16, 128>}, {pipeline_mode = #tpu.pipeline_mode<synchronous>, transform_indices = @transform_7, window_bounds = array<i64: 128, 128>}, {pipeline_mode = #tpu.pipeline_mode<synchronous>, transform_indices = @transform_8, window_bounds = array<i64: 128, 128>}, {pipeline_mode = #tpu.pipeline_mode<synchronous>, transform_indices = @transform_9, window_bounds = array<i64: 1, 128>}, {pipeline_mode = #tpu.pipeline_mode<synchronous>, transform_indices = @transform_10, window_bounds = array<i64: 1, 128>}, {pipeline_mode = #tpu.pipeline_mode<synchronous>, transform_indices = @transform_11, window_bounds = array<i64: 1, 128>}, {pipeline_mode = #tpu.pipeline_mode<synchronous>, transform_indices = @transform_12, window_bounds = array<i64: 128, 128>}, {pipeline_mode = #tpu.pipeline_mode<synchronous>, transform_indices = @transform_13, window_bounds = array<i64: 1, 128>}, {pipeline_mode = #tpu.pipeline_mode<synchronous>, transform_indices = @transform_14, window_bounds = array<i64: 16, 128>}, {pipeline_mode = #tpu.pipeline_mode<synchronous>, transform_indices = @transform_15, window_bounds = array<i64: 16, 128>}, {pipeline_mode = #tpu.pipeline_mode<synchronous>, transform_indices = @transform_16, window_bounds = array<i64: 128, 128>}, {pipeline_mode = #tpu.pipeline_mode<synchronous>, transform_indices = @transform_17, window_bounds = array<i64: 128, 128>}, {pipeline_mode = #tpu.pipeline_mode<synchronous>, transform_indices = @transform_18, window_bounds = array<i64: 1, 128>}, {pipeline_mode = #tpu.pipeline_mode<synchronous>, transform_indices = @transform_19, window_bounds = array<i64: 1, 128>}, {pipeline_mode = #tpu.pipeline_mode<synchronous>, transform_indices = @transform_20, window_bounds = array<i64: 1, 128>}, {pipeline_mode = #tpu.pipeline_mode<synchronous>, transform_indices = @transform_21, window_bounds = array<i64: 128, 128>}, {pipeline_mode = #tpu.pipeline_mode<synchronous>, transform_indices = @transform_22, window_bounds = array<i64: 1, 128>}, {pipeline_mode = #tpu.pipeline_mode<synchronous>, transform_indices = @transform_23, window_bounds = array<i64: 128, 16>}, {pipeline_mode = #tpu.pipeline_mode<synchronous>, transform_indices = @transform_24, window_bounds = array<i64: 16, 128>}, {transform_indices = @transform_25, window_bounds = array<i64: 512, 128>}, {transform_indices = @transform_26, window_bounds = array<i64: 512, 128>}]} {
    %get3A = arith.constant 0 : index
    %get3A_0 = arith.constant 0 : index
    %get3A_1 = vector.load %arg4[%get3A, %get3A_0] : memref<512x256xf32, #tpu.memory_space<vmem>>, vector<512x128xf32>
    %get3A_2 = arith.constant 0 : index
    %get3A_3 = arith.constant 128 : index
    %get3A_4 = vector.load %arg4[%get3A_2, %get3A_3] : memref<512x256xf32, #tpu.memory_space<vmem>>, vector<512x128xf32>
    %get3A_5 = arith.constant 0 : index
    %get3A_6 = arith.constant 0 : index
    %get3A_7 = vector.load %arg5[%get3A_5, %get3A_6] : memref<512x128xf32, #tpu.memory_space<vmem>>, vector<512x128xf32>
    %get3A_8 = arith.constant 0 : index
    %get3A_9 = arith.constant 0 : index
    %get3A_10 = vector.load %arg1[%get3A_8, %get3A_9] : memref<512x16xf32, #tpu.memory_space<vmem>>, vector<512x16xf32>
    %get3A_11 = arith.constant 0 : index
    %get3A_12 = arith.constant 0 : index
    %get3A_13 = vector.load %arg2[%get3A_11, %get3A_12] : memref<512x16xf32, #tpu.memory_space<vmem>>, vector<512x16xf32>
    %get3A_14 = arith.constant 0 : index
    %get3A_15 = arith.constant 0 : index
    %get3A_16 = vector.load %arg6[%get3A_14, %get3A_15] : memref<16x128xf32, #tpu.memory_space<vmem>>, vector<16x128xf32>
    %dot_general3A = arith.constant dense<0.000000e+00> : vector<512x128xf32>
    %dot_general3A_17 = tpu.matmul %get3A_10, %get3A_16, %dot_general3A {dimension_numbers = #tpu.dot_dimension_numbers<[1], [0], [0], [1], [0, 0, 1, 1], [], []>, precision = #tpu.contract_precision<fp32>, transpose_lhs_hint = false} : vector<512x16xf32>, vector<16x128xf32>, vector<512x128xf32> -> vector<512x128xf32>
    %get3A_18 = arith.constant 0 : index
    %get3A_19 = arith.constant 0 : index
    %get3A_20 = vector.load %arg7[%get3A_18, %get3A_19] : memref<16x128xf32, #tpu.memory_space<vmem>>, vector<16x128xf32>
    %dot_general3A_21 = arith.constant dense<0.000000e+00> : vector<512x128xf32>
    %dot_general3A_22 = tpu.matmul %get3A_13, %get3A_20, %dot_general3A_21 {dimension_numbers = #tpu.dot_dimension_numbers<[1], [0], [0], [1], [0, 0, 1, 1], [], []>, precision = #tpu.contract_precision<fp32>, transpose_lhs_hint = false} : vector<512x16xf32>, vector<16x128xf32>, vector<512x128xf32> -> vector<512x128xf32>
    %add3A = arith.addf %dot_general3A_17, %dot_general3A_22 : vector<512x128xf32>
    %get3A_23 = arith.constant 0 : index
    %get3A_24 = arith.constant 0 : index
    %get3A_25 = vector.load %arg8[%get3A_23, %get3A_24] : memref<128x128xf32, #tpu.memory_space<vmem>>, vector<128x128xf32>
    %dot_general3A_26 = arith.constant dense<0.000000e+00> : vector<512x128xf32>
    %dot_general3A_27 = tpu.matmul %get3A_1, %get3A_25, %dot_general3A_26 {dimension_numbers = #tpu.dot_dimension_numbers<[1], [0], [0], [1], [0, 0, 1, 1], [], []>, precision = #tpu.contract_precision<fp32>, transpose_lhs_hint = false} : vector<512x128xf32>, vector<128x128xf32>, vector<512x128xf32> -> vector<512x128xf32>
    %add3A_28 = arith.addf %add3A, %dot_general3A_27 : vector<512x128xf32>
    %get3A_29 = arith.constant 0 : index
    %get3A_30 = arith.constant 0 : index
    %get3A_31 = vector.load %arg9[%get3A_29, %get3A_30] : memref<128x128xf32, #tpu.memory_space<vmem>>, vector<128x128xf32>
    %dot_general3A_32 = arith.constant dense<0.000000e+00> : vector<512x128xf32>
    %dot_general3A_33 = tpu.matmul %get3A_7, %get3A_31, %dot_general3A_32 {dimension_numbers = #tpu.dot_dimension_numbers<[1], [0], [0], [1], [0, 0, 1, 1], [], []>, precision = #tpu.contract_precision<fp32>, transpose_lhs_hint = false} : vector<512x128xf32>, vector<128x128xf32>, vector<512x128xf32> -> vector<512x128xf32>
    %add3A_34 = arith.addf %add3A_28, %dot_general3A_33 : vector<512x128xf32>
    %get3A_35 = arith.constant 0 : index
    %get3A_36 = arith.constant 0 : index
    %get3A_37 = vector.load %arg10[%get3A_35, %get3A_36] : memref<1x128xf32, #tpu.memory_space<vmem>>, vector<1x128xf32>
    %add3A_38 = vector.broadcast %get3A_37 : vector<1x128xf32> to vector<512x128xf32>
    %add3A_39 = arith.addf %add3A_34, %add3A_38 : vector<512x128xf32>
    %get3A_40 = arith.constant 0 : index
    %get3A_41 = arith.constant 0 : index
    %get3A_42 = vector.load %arg11[%get3A_40, %get3A_41] : memref<1x128xf32, #tpu.memory_space<vmem>>, vector<1x128xf32>
    %get3A_43 = arith.constant 0 : index
    %get3A_44 = arith.constant 0 : index
    %get3A_45 = vector.load %arg12[%get3A_43, %get3A_44] : memref<1x128xf32, #tpu.memory_space<vmem>>, vector<1x128xf32>
    %reduce_sum3A = arith.constant dense<0.000000e+00> : vector<512xf32>
    %reduce_sum3A_46 = vector.multi_reduction <add>, %add3A_39, %reduce_sum3A [1] : vector<512x128xf32> to vector<512xf32>
    %broadcast_in_dim3A = vector.shape_cast %reduce_sum3A_46 : vector<512xf32> to vector<512x1xf32>
    %div3A = arith.constant 1.280000e+02 : f32
    %div3A_47 = vector.broadcast %div3A : f32 to vector<512x1xf32>
    %div3A_48 = arith.divf %broadcast_in_dim3A, %div3A_47 : vector<512x1xf32>
    %sub3A = vector.broadcast %div3A_48 : vector<512x1xf32> to vector<512x128xf32>
    %sub3A_49 = arith.subf %add3A_39, %sub3A : vector<512x128xf32>
    %sub3A_50 = vector.broadcast %div3A_48 : vector<512x1xf32> to vector<512x128xf32>
    %sub3A_51 = arith.subf %add3A_39, %sub3A_50 : vector<512x128xf32>
    %mul3A = arith.mulf %sub3A_49, %sub3A_51 : vector<512x128xf32>
    %reduce_sum3A_52 = arith.constant dense<0.000000e+00> : vector<512xf32>
    %reduce_sum3A_53 = vector.multi_reduction <add>, %mul3A, %reduce_sum3A_52 [1] : vector<512x128xf32> to vector<512xf32>
    %broadcast_in_dim3A_54 = vector.shape_cast %reduce_sum3A_53 : vector<512xf32> to vector<512x1xf32>
    %div3A_55 = arith.constant 1.280000e+02 : f32
    %div3A_56 = vector.broadcast %div3A_55 : f32 to vector<512x1xf32>
    %div3A_57 = arith.divf %broadcast_in_dim3A_54, %div3A_56 : vector<512x1xf32>
    %sub3A_58 = vector.broadcast %div3A_48 : vector<512x1xf32> to vector<512x128xf32>
    %sub3A_59 = arith.subf %add3A_39, %sub3A_58 : vector<512x128xf32>
    %add3A_60 = arith.constant 9.99999974E-6 : f32
    %add3A_61 = vector.broadcast %add3A_60 : f32 to vector<512x1xf32>
    %add3A_62 = arith.addf %div3A_57, %add3A_61 : vector<512x1xf32>
    %sqrt3A = math.sqrt %add3A_62 : vector<512x1xf32>
    %div3A_63 = vector.broadcast %sqrt3A : vector<512x1xf32> to vector<512x128xf32>
    %div3A_64 = arith.divf %sub3A_59, %div3A_63 : vector<512x128xf32>
    %mul3A_65 = vector.broadcast %get3A_42 : vector<1x128xf32> to vector<512x128xf32>
    %mul3A_66 = arith.mulf %div3A_64, %mul3A_65 : vector<512x128xf32>
    %add3A_67 = vector.broadcast %get3A_45 : vector<1x128xf32> to vector<512x128xf32>
    %add3A_68 = arith.addf %mul3A_66, %add3A_67 : vector<512x128xf32>
    %max3A = arith.constant 0.000000e+00 : f32
    %max3A_69 = vector.broadcast %max3A : f32 to vector<512x128xf32>
    %max3A_70 = arith.maximumf %add3A_68, %max3A_69 : vector<512x128xf32>
    %get3A_71 = arith.constant 0 : index
    %get3A_72 = arith.constant 0 : index
    %get3A_73 = vector.load %arg13[%get3A_71, %get3A_72] : memref<128x128xf32, #tpu.memory_space<vmem>>, vector<128x128xf32>
    %dot_general3A_74 = arith.constant dense<0.000000e+00> : vector<512x128xf32>
    %dot_general3A_75 = tpu.matmul %max3A_70, %get3A_73, %dot_general3A_74 {dimension_numbers = #tpu.dot_dimension_numbers<[1], [0], [0], [1], [0, 0, 1, 1], [], []>, precision = #tpu.contract_precision<fp32>, transpose_lhs_hint = false} : vector<512x128xf32>, vector<128x128xf32>, vector<512x128xf32> -> vector<512x128xf32>
    %get3A_76 = arith.constant 0 : index
    %get3A_77 = arith.constant 0 : index
    %get3A_78 = vector.load %arg14[%get3A_76, %get3A_77] : memref<1x128xf32, #tpu.memory_space<vmem>>, vector<1x128xf32>
    %add3A_79 = vector.broadcast %get3A_78 : vector<1x128xf32> to vector<512x128xf32>
    %add3A_80 = arith.addf %dot_general3A_75, %add3A_79 : vector<512x128xf32>
    %get3A_81 = arith.constant 0 : index
    %get3A_82 = arith.constant 0 : index
    %get3A_83 = vector.load %arg15[%get3A_81, %get3A_82] : memref<16x128xf32, #tpu.memory_space<vmem>>, vector<16x128xf32>
    %dot_general3A_84 = arith.constant dense<0.000000e+00> : vector<512x128xf32>
    %dot_general3A_85 = tpu.matmul %get3A_10, %get3A_83, %dot_general3A_84 {dimension_numbers = #tpu.dot_dimension_numbers<[1], [0], [0], [1], [0, 0, 1, 1], [], []>, precision = #tpu.contract_precision<fp32>, transpose_lhs_hint = false} : vector<512x16xf32>, vector<16x128xf32>, vector<512x128xf32> -> vector<512x128xf32>
    %get3A_86 = arith.constant 0 : index
    %get3A_87 = arith.constant 0 : index
    %get3A_88 = vector.load %arg16[%get3A_86, %get3A_87] : memref<16x128xf32, #tpu.memory_space<vmem>>, vector<16x128xf32>
    %dot_general3A_89 = arith.constant dense<0.000000e+00> : vector<512x128xf32>
    %dot_general3A_90 = tpu.matmul %get3A_13, %get3A_88, %dot_general3A_89 {dimension_numbers = #tpu.dot_dimension_numbers<[1], [0], [0], [1], [0, 0, 1, 1], [], []>, precision = #tpu.contract_precision<fp32>, transpose_lhs_hint = false} : vector<512x16xf32>, vector<16x128xf32>, vector<512x128xf32> -> vector<512x128xf32>
    %add3A_91 = arith.addf %dot_general3A_85, %dot_general3A_90 : vector<512x128xf32>
    %get3A_92 = arith.constant 0 : index
    %get3A_93 = arith.constant 0 : index
    %get3A_94 = vector.load %arg17[%get3A_92, %get3A_93] : memref<128x128xf32, #tpu.memory_space<vmem>>, vector<128x128xf32>
    %dot_general3A_95 = arith.constant dense<0.000000e+00> : vector<512x128xf32>
    %dot_general3A_96 = tpu.matmul %get3A_1, %get3A_94, %dot_general3A_95 {dimension_numbers = #tpu.dot_dimension_numbers<[1], [0], [0], [1], [0, 0, 1, 1], [], []>, precision = #tpu.contract_precision<fp32>, transpose_lhs_hint = false} : vector<512x128xf32>, vector<128x128xf32>, vector<512x128xf32> -> vector<512x128xf32>
    %add3A_97 = arith.addf %add3A_91, %dot_general3A_96 : vector<512x128xf32>
    %get3A_98 = arith.constant 0 : index
    %get3A_99 = arith.constant 0 : index
    %get3A_100 = vector.load %arg18[%get3A_98, %get3A_99] : memref<128x128xf32, #tpu.memory_space<vmem>>, vector<128x128xf32>
    %dot_general3A_101 = arith.constant dense<0.000000e+00> : vector<512x128xf32>
    %dot_general3A_102 = tpu.matmul %get3A_7, %get3A_100, %dot_general3A_101 {dimension_numbers = #tpu.dot_dimension_numbers<[1], [0], [0], [1], [0, 0, 1, 1], [], []>, precision = #tpu.contract_precision<fp32>, transpose_lhs_hint = false} : vector<512x128xf32>, vector<128x128xf32>, vector<512x128xf32> -> vector<512x128xf32>
    %add3A_103 = arith.addf %add3A_97, %dot_general3A_102 : vector<512x128xf32>
    %get3A_104 = arith.constant 0 : index
    %get3A_105 = arith.constant 0 : index
    %get3A_106 = vector.load %arg19[%get3A_104, %get3A_105] : memref<1x128xf32, #tpu.memory_space<vmem>>, vector<1x128xf32>
    %add3A_107 = vector.broadcast %get3A_106 : vector<1x128xf32> to vector<512x128xf32>
    %add3A_108 = arith.addf %add3A_103, %add3A_107 : vector<512x128xf32>
    %get3A_109 = arith.constant 0 : index
    %get3A_110 = arith.constant 0 : index
    %get3A_111 = vector.load %arg20[%get3A_109, %get3A_110] : memref<1x128xf32, #tpu.memory_space<vmem>>, vector<1x128xf32>
    %get3A_112 = arith.constant 0 : index
    %get3A_113 = arith.constant 0 : index
    %get3A_114 = vector.load %arg21[%get3A_112, %get3A_113] : memref<1x128xf32, #tpu.memory_space<vmem>>, vector<1x128xf32>
    %reduce_sum3A_115 = arith.constant dense<0.000000e+00> : vector<512xf32>
    %reduce_sum3A_116 = vector.multi_reduction <add>, %add3A_108, %reduce_sum3A_115 [1] : vector<512x128xf32> to vector<512xf32>
    %broadcast_in_dim3A_117 = vector.shape_cast %reduce_sum3A_116 : vector<512xf32> to vector<512x1xf32>
    %div3A_118 = arith.constant 1.280000e+02 : f32
    %div3A_119 = vector.broadcast %div3A_118 : f32 to vector<512x1xf32>
    %div3A_120 = arith.divf %broadcast_in_dim3A_117, %div3A_119 : vector<512x1xf32>
    %sub3A_121 = vector.broadcast %div3A_120 : vector<512x1xf32> to vector<512x128xf32>
    %sub3A_122 = arith.subf %add3A_108, %sub3A_121 : vector<512x128xf32>
    %sub3A_123 = vector.broadcast %div3A_120 : vector<512x1xf32> to vector<512x128xf32>
    %sub3A_124 = arith.subf %add3A_108, %sub3A_123 : vector<512x128xf32>
    %mul3A_125 = arith.mulf %sub3A_122, %sub3A_124 : vector<512x128xf32>
    %reduce_sum3A_126 = arith.constant dense<0.000000e+00> : vector<512xf32>
    %reduce_sum3A_127 = vector.multi_reduction <add>, %mul3A_125, %reduce_sum3A_126 [1] : vector<512x128xf32> to vector<512xf32>
    %broadcast_in_dim3A_128 = vector.shape_cast %reduce_sum3A_127 : vector<512xf32> to vector<512x1xf32>
    %div3A_129 = arith.constant 1.280000e+02 : f32
    %div3A_130 = vector.broadcast %div3A_129 : f32 to vector<512x1xf32>
    %div3A_131 = arith.divf %broadcast_in_dim3A_128, %div3A_130 : vector<512x1xf32>
    %sub3A_132 = vector.broadcast %div3A_120 : vector<512x1xf32> to vector<512x128xf32>
    %sub3A_133 = arith.subf %add3A_108, %sub3A_132 : vector<512x128xf32>
    %add3A_134 = arith.constant 9.99999974E-6 : f32
    %add3A_135 = vector.broadcast %add3A_134 : f32 to vector<512x1xf32>
    %add3A_136 = arith.addf %div3A_131, %add3A_135 : vector<512x1xf32>
    %sqrt3A_137 = math.sqrt %add3A_136 : vector<512x1xf32>
    %div3A_138 = vector.broadcast %sqrt3A_137 : vector<512x1xf32> to vector<512x128xf32>
    %div3A_139 = arith.divf %sub3A_133, %div3A_138 : vector<512x128xf32>
    %mul3A_140 = vector.broadcast %get3A_111 : vector<1x128xf32> to vector<512x128xf32>
    %mul3A_141 = arith.mulf %div3A_139, %mul3A_140 : vector<512x128xf32>
    %add3A_142 = vector.broadcast %get3A_114 : vector<1x128xf32> to vector<512x128xf32>
    %add3A_143 = arith.addf %mul3A_141, %add3A_142 : vector<512x128xf32>
    %max3A_144 = arith.constant 0.000000e+00 : f32
    %max3A_145 = vector.broadcast %max3A_144 : f32 to vector<512x128xf32>
    %max3A_146 = arith.maximumf %add3A_143, %max3A_145 : vector<512x128xf32>
    %get3A_147 = arith.constant 0 : index
    %get3A_148 = arith.constant 0 : index
    %get3A_149 = vector.load %arg22[%get3A_147, %get3A_148] : memref<128x128xf32, #tpu.memory_space<vmem>>, vector<128x128xf32>
    %dot_general3A_150 = arith.constant dense<0.000000e+00> : vector<512x128xf32>
    %dot_general3A_151 = tpu.matmul %max3A_146, %get3A_149, %dot_general3A_150 {dimension_numbers = #tpu.dot_dimension_numbers<[1], [0], [0], [1], [0, 0, 1, 1], [], []>, precision = #tpu.contract_precision<fp32>, transpose_lhs_hint = false} : vector<512x128xf32>, vector<128x128xf32>, vector<512x128xf32> -> vector<512x128xf32>
    %get3A_152 = arith.constant 0 : index
    %get3A_153 = arith.constant 0 : index
    %get3A_154 = vector.load %arg23[%get3A_152, %get3A_153] : memref<1x128xf32, #tpu.memory_space<vmem>>, vector<1x128xf32>
    %add3A_155 = vector.broadcast %get3A_154 : vector<1x128xf32> to vector<512x128xf32>
    %add3A_156 = arith.addf %dot_general3A_151, %add3A_155 : vector<512x128xf32>
    %get3A_157 = arith.constant 0 : index
    %get3A_158 = arith.constant 0 : index
    %get3A_159 = vector.load %arg3[%get3A_157, %get3A_158] : memref<512x1xf32, #tpu.memory_space<vmem>>, vector<512x1xf32>
    %mul3A_160 = vector.broadcast %get3A_159 : vector<512x1xf32> to vector<512x128xf32>
    %mul3A_161 = arith.mulf %add3A_156, %mul3A_160 : vector<512x128xf32>
    %mul3A_162 = arith.mulf %get3A_4, %add3A_80 : vector<512x128xf32>
    %get3A_163 = arith.constant 0 : index
    %get3A_164 = arith.constant 0 : index
    %get3A_165 = vector.load %arg24[%get3A_163, %get3A_164] : memref<128x16xf32, #tpu.memory_space<vmem>>, vector<128x16xf32>
    %dot_general3A_166 = arith.constant dense<0.000000e+00> : vector<512x16xf32>
    %dot_general3A_167 = tpu.matmul %mul3A_162, %get3A_165, %dot_general3A_166 {dimension_numbers = #tpu.dot_dimension_numbers<[1], [0], [0], [1], [0, 0, 1, 1], [], []>, precision = #tpu.contract_precision<fp32>, transpose_lhs_hint = false} : vector<512x128xf32>, vector<128x16xf32>, vector<512x16xf32> -> vector<512x16xf32>
    %mul3A_168 = arith.constant 0.353553385 : f32
    %mul3A_169 = vector.broadcast %mul3A_168 : f32 to vector<512x16xf32>
    %mul3A_170 = arith.mulf %dot_general3A_167, %mul3A_169 : vector<512x16xf32>
    %mul3A_171 = arith.constant 512 : i32
    %mul3A_172 = arith.muli %arg0, %mul3A_171 : i32
    %iota3A = tpu.iota {dimensions = array<i32: 0>} : vector<512x16xi32>
    %add3A_173 = vector.broadcast %mul3A_172 : i32 to vector<512x16xi32>
    %add3A_174 = arith.addi %add3A_173, %iota3A : vector<512x16xi32>
    %lt3A = arith.constant 320000 : i32
    %lt3A_175 = vector.broadcast %lt3A : i32 to vector<512x16xi32>
    %lt3A_176 = arith.cmpi slt, %add3A_174, %lt3A_175 : vector<512x16xi32>
    %exp3A = math.exp %mul3A_170 : vector<512x16xf32>
    %jit3A = arith.constant 0.000000e+00 : f32
    %broadcast_in_dim3A_177 = vector.broadcast %jit3A : f32 to vector<512x16xf32>
    %select_n3A = arith.select %lt3A_176, %exp3A, %broadcast_in_dim3A_177 : vector<512x16xi1>, vector<512x16xf32>
    %get3A_178 = arith.constant 0 : index
    %get3A_179 = arith.constant 0 : index
    %get3A_180 = vector.load %arg25[%get3A_178, %get3A_179] : memref<16x128xf32, #tpu.memory_space<vmem>>, vector<16x128xf32>
    %dot_general3A_181 = arith.constant dense<0.000000e+00> : vector<512x128xf32>
    %dot_general3A_182 = tpu.matmul %select_n3A, %get3A_180, %dot_general3A_181 {dimension_numbers = #tpu.dot_dimension_numbers<[1], [0], [0], [1], [0, 0, 1, 1], [], []>, precision = #tpu.contract_precision<fp32>, transpose_lhs_hint = false} : vector<512x16xf32>, vector<16x128xf32>, vector<512x128xf32> -> vector<512x128xf32>
    %mul3A_183 = arith.mulf %dot_general3A_182, %mul3A_161 : vector<512x128xf32>
    %swap3A = arith.constant 0 : index
    %swap3A_184 = arith.constant 0 : index
    %swap3A_185 = vector.load %arg26[%swap3A, %swap3A_184] : memref<512x128xf32, #tpu.memory_space<vmem>>, vector<512x128xf32>
    tpu.vector_store %arg26[%swap3A, %swap3A_184], %mul3A_183 {strides = array<i32>} : memref<512x128xf32, #tpu.memory_space<vmem>>, vector<512x128xf32>,
    %swap3A_186 = arith.constant 0 : index
    %swap3A_187 = arith.constant 0 : index
    %swap3A_188 = vector.load %arg27[%swap3A_186, %swap3A_187] : memref<512x128xf32, #tpu.memory_space<vmem>>, vector<512x16xf32>
    tpu.vector_store %arg27[%swap3A_186, %swap3A_187], %select_n3A {strides = array<i32>} : memref<512x128xf32, #tpu.memory_space<vmem>>, vector<512x16xf32>,
    %broadcast_in_dim3A_189 = arith.constant 0.000000e+00 : f32
    %broadcast_in_dim3A_190 = vector.broadcast %broadcast_in_dim3A_189 : f32 to vector<512x112xf32>
    %swap3A_191 = arith.constant 0 : index
    %swap3A_192 = arith.constant 16 : index
    %swap3A_193 = vector.load %arg27[%swap3A_191, %swap3A_192] : memref<512x128xf32, #tpu.memory_space<vmem>>, vector<512x112xf32>
    tpu.vector_store %arg27[%swap3A_191, %swap3A_192], %broadcast_in_dim3A_190 {strides = array<i32>} : memref<512x128xf32, #tpu.memory_space<vmem>>, vector<512x112xf32>,
    return
  }
  func.func @transform_0(%arg0: i32) -> (i32, i32) {
    %c0_i32 = arith.constant 0 : i32
    %c0_i32_0 = arith.constant 0 : i32
    return %arg0, %c0_i32 : i32, i32
  }
  func.func @transform_1(%arg0: i32) -> (i32, i32) {
    %c0_i32 = arith.constant 0 : i32
    %c0_i32_0 = arith.constant 0 : i32
    return %arg0, %c0_i32 : i32, i32
  }
  func.func @transform_2(%arg0: i32) -> (i32, i32) {
    %c0_i32 = arith.constant 0 : i32
    %c0_i32_0 = arith.constant 0 : i32
    return %arg0, %c0_i32 : i32, i32
  }
  func.func @transform_3(%arg0: i32) -> (i32, i32) {
    %c0_i32 = arith.constant 0 : i32
    %c0_i32_0 = arith.constant 0 : i32
    return %arg0, %c0_i32 : i32, i32
  }
  func.func @transform_4(%arg0: i32) -> (i32, i32) {
    %c0_i32 = arith.constant 0 : i32
    %c0_i32_0 = arith.constant 0 : i32
    return %arg0, %c0_i32 : i32, i32
  }
  func.func @transform_5(%arg0: i32) -> (i32, i32) {
    %c0_i32 = arith.constant 0 : i32
    %c0_i32_0 = arith.constant 0 : i32
    %c0_i32_1 = arith.constant 0 : i32
    return %c0_i32, %c0_i32_0 : i32, i32
  }
  func.func @transform_6(%arg0: i32) -> (i32, i32) {
    %c0_i32 = arith.constant 0 : i32
    %c0_i32_0 = arith.constant 0 : i32
    %c0_i32_1 = arith.constant 0 : i32
    return %c0_i32, %c0_i32_0 : i32, i32
  }
  func.func @transform_7(%arg0: i32) -> (i32, i32) {
    %c0_i32 = arith.constant 0 : i32
    %c0_i32_0 = arith.constant 0 : i32
    %c0_i32_1 = arith.constant 0 : i32
    return %c0_i32, %c0_i32_0 : i32, i32
  }
  func.func @transform_8(%arg0: i32) -> (i32, i32) {
    %c0_i32 = arith.constant 0 : i32
    %c0_i32_0 = arith.constant 0 : i32
    %c0_i32_1 = arith.constant 0 : i32
    return %c0_i32, %c0_i32_0 : i32, i32
  }
  func.func @transform_9(%arg0: i32) -> (i32, i32) {
    %c0_i32 = arith.constant 0 : i32
    %c0_i32_0 = arith.constant 0 : i32
    %c0_i32_1 = arith.constant 0 : i32
    return %c0_i32, %c0_i32_0 : i32, i32
  }
  func.func @transform_10(%arg0: i32) -> (i32, i32) {
    %c0_i32 = arith.constant 0 : i32
    %c0_i32_0 = arith.constant 0 : i32
    %c0_i32_1 = arith.constant 0 : i32
    return %c0_i32, %c0_i32_0 : i32, i32
  }
  func.func @transform_11(%arg0: i32) -> (i32, i32) {
    %c0_i32 = arith.constant 0 : i32
    %c0_i32_0 = arith.constant 0 : i32
    %c0_i32_1 = arith.constant 0 : i32
    return %c0_i32, %c0_i32_0 : i32, i32
  }
  func.func @transform_12(%arg0: i32) -> (i32, i32) {
    %c0_i32 = arith.constant 0 : i32
    %c0_i32_0 = arith.constant 0 : i32
    %c0_i32_1 = arith.constant 0 : i32
    return %c0_i32, %c0_i32_0 : i32, i32
  }
  func.func @transform_13(%arg0: i32) -> (i32, i32) {
    %c0_i32 = arith.constant 0 : i32
    %c0_i32_0 = arith.constant 0 : i32
    %c0_i32_1 = arith.constant 0 : i32
    return %c0_i32, %c0_i32_0 : i32, i32
  }
  func.func @transform_14(%arg0: i32) -> (i32, i32) {
    %c0_i32 = arith.constant 0 : i32
    %c0_i32_0 = arith.constant 0 : i32
    %c0_i32_1 = arith.constant 0 : i32
    return %c0_i32, %c0_i32_0 : i32, i32
  }
  func.func @transform_15(%arg0: i32) -> (i32, i32) {
    %c0_i32 = arith.constant 0 : i32
    %c0_i32_0 = arith.constant 0 : i32
    %c0_i32_1 = arith.constant 0 : i32
    return %c0_i32, %c0_i32_0 : i32, i32
  }
  func.func @transform_16(%arg0: i32) -> (i32, i32) {
    %c0_i32 = arith.constant 0 : i32
    %c0_i32_0 = arith.constant 0 : i32
    %c0_i32_1 = arith.constant 0 : i32
    return %c0_i32, %c0_i32_0 : i32, i32
  }
  func.func @transform_17(%arg0: i32) -> (i32, i32) {
    %c0_i32 = arith.constant 0 : i32
    %c0_i32_0 = arith.constant 0 : i32
    %c0_i32_1 = arith.constant 0 : i32
    return %c0_i32, %c0_i32_0 : i32, i32
  }
  func.func @transform_18(%arg0: i32) -> (i32, i32) {
    %c0_i32 = arith.constant 0 : i32
    %c0_i32_0 = arith.constant 0 : i32
    %c0_i32_1 = arith.constant 0 : i32
    return %c0_i32, %c0_i32_0 : i32, i32
  }
  func.func @transform_19(%arg0: i32) -> (i32, i32) {
    %c0_i32 = arith.constant 0 : i32
    %c0_i32_0 = arith.constant 0 : i32
    %c0_i32_1 = arith.constant 0 : i32
    return %c0_i32, %c0_i32_0 : i32, i32
  }
  func.func @transform_20(%arg0: i32) -> (i32, i32) {
    %c0_i32 = arith.constant 0 : i32
    %c0_i32_0 = arith.constant 0 : i32
    %c0_i32_1 = arith.constant 0 : i32
    return %c0_i32, %c0_i32_0 : i32, i32
  }
  func.func @transform_21(%arg0: i32) -> (i32, i32) {
    %c0_i32 = arith.constant 0 : i32
    %c0_i32_0 = arith.constant 0 : i32
    %c0_i32_1 = arith.constant 0 : i32
    return %c0_i32, %c0_i32_0 : i32, i32
  }
  func.func @transform_22(%arg0: i32) -> (i32, i32) {
    %c0_i32 = arith.constant 0 : i32
    %c0_i32_0 = arith.constant 0 : i32
    %c0_i32_1 = arith.constant 0 : i32
    return %c0_i32, %c0_i32_0 : i32, i32
  }
  func.func @transform_23(%arg0: i32) -> (i32, i32) {
    %c0_i32 = arith.constant 0 : i32
    %c0_i32_0 = arith.constant 0 : i32
    %c0_i32_1 = arith.constant 0 : i32
    return %c0_i32, %c0_i32_0 : i32, i32
  }
  func.func @transform_24(%arg0: i32) -> (i32, i32) {
    %c0_i32 = arith.constant 0 : i32
    %c0_i32_0 = arith.constant 0 : i32
    %c0_i32_1 = arith.constant 0 : i32
    return %c0_i32, %c0_i32_0 : i32, i32
  }
  func.func @transform_25(%arg0: i32) -> (i32, i32) {
    %c0_i32 = arith.constant 0 : i32
    %c0_i32_0 = arith.constant 0 : i32
    return %arg0, %c0_i32 : i32, i32
  }
  func.func @transform_26(%arg0: i32) -> (i32, i32) {
    %c0_i32 = arith.constant 0 : i32
    %c0_i32_0 = arith.constant 0 : i32
    return %arg0, %c0_i32 : i32, i32
  }
}

module attributes {stable_mosaic.version = 14 : i64} {
  func.func @_topo_body(%arg0: i32, %arg1: memref<1000x128xf32, #tpu.memory_space<vmem>>, %arg2: memref<1000x128xf32, #tpu.memory_space<vmem>>, %arg3: memref<1000x128xf32, #tpu.memory_space<vmem>>, %arg4: memref<128x128xf32, #tpu.memory_space<vmem>>, %arg5: memref<128x128xf32, #tpu.memory_space<vmem>>, %arg6: memref<1x128xf32, #tpu.memory_space<vmem>>, %arg7: memref<1x128xf32, #tpu.memory_space<vmem>>, %arg8: memref<1x128xf32, #tpu.memory_space<vmem>>, %arg9: memref<128x128xf32, #tpu.memory_space<vmem>>, %arg10: memref<1x128xf32, #tpu.memory_space<vmem>>, %arg11: memref<16x128xf32, #tpu.memory_space<vmem>>, %arg12: memref<1000x128xf32, #tpu.memory_space<vmem>>) attributes {dimension_semantics = [#tpu.dimension_semantics<arbitrary>], iteration_bounds = array<i64: 10>, scalar_prefetch = 0 : i64, scratch_operands = 0 : i64, tpu.core_type = #tpu.core_type<tc>, window_params = [{transform_indices = @transform_0, window_bounds = array<i64: 1000, 128>}, {transform_indices = @transform_1, window_bounds = array<i64: 1000, 128>}, {transform_indices = @transform_2, window_bounds = array<i64: 1000, 128>}, {pipeline_mode = #tpu.pipeline_mode<synchronous>, transform_indices = @transform_3, window_bounds = array<i64: 128, 128>}, {pipeline_mode = #tpu.pipeline_mode<synchronous>, transform_indices = @transform_4, window_bounds = array<i64: 128, 128>}, {pipeline_mode = #tpu.pipeline_mode<synchronous>, transform_indices = @transform_5, window_bounds = array<i64: 1, 128>}, {pipeline_mode = #tpu.pipeline_mode<synchronous>, transform_indices = @transform_6, window_bounds = array<i64: 1, 128>}, {pipeline_mode = #tpu.pipeline_mode<synchronous>, transform_indices = @transform_7, window_bounds = array<i64: 1, 128>}, {pipeline_mode = #tpu.pipeline_mode<synchronous>, transform_indices = @transform_8, window_bounds = array<i64: 128, 128>}, {pipeline_mode = #tpu.pipeline_mode<synchronous>, transform_indices = @transform_9, window_bounds = array<i64: 1, 128>}, {pipeline_mode = #tpu.pipeline_mode<synchronous>, transform_indices = @transform_10, window_bounds = array<i64: 16, 128>}, {transform_indices = @transform_11, window_bounds = array<i64: 1000, 128>}]} {
    %get3A = arith.constant 0 : index
    %get3A_0 = arith.constant 0 : index
    %get3A_1 = vector.load %arg2[%get3A, %get3A_0] : memref<1000x128xf32, #tpu.memory_space<vmem>>, vector<1000x16xf32>
    %add3A = arith.constant 1.000000e-16 : f32
    %add3A_2 = vector.broadcast %add3A : f32 to vector<1000x16xf32>
    %add3A_3 = arith.addf %get3A_1, %add3A_2 : vector<1000x16xf32>
    %div3A = arith.constant 1.000000e+00 : f32
    %div3A_4 = vector.broadcast %div3A : f32 to vector<1000x16xf32>
    %div3A_5 = arith.divf %div3A_4, %add3A_3 : vector<1000x16xf32>
    %get3A_6 = arith.constant 0 : index
    %get3A_7 = arith.constant 0 : index
    %get3A_8 = vector.load %arg11[%get3A_6, %get3A_7] : memref<16x128xf32, #tpu.memory_space<vmem>>, vector<16x128xf32>
    %dot_general3A = arith.constant dense<0.000000e+00> : vector<1000x128xf32>
    %dot_general3A_9 = tpu.matmul %div3A_5, %get3A_8, %dot_general3A {dimension_numbers = #tpu.dot_dimension_numbers<[1], [0], [0], [1], [0, 0, 1, 1], [], []>, precision = #tpu.contract_precision<fp32>, transpose_lhs_hint = false} : vector<1000x16xf32>, vector<16x128xf32>, vector<1000x128xf32> -> vector<1000x128xf32>
    %get3A_10 = arith.constant 0 : index
    %get3A_11 = arith.constant 0 : index
    %get3A_12 = vector.load %arg1[%get3A_10, %get3A_11] : memref<1000x128xf32, #tpu.memory_space<vmem>>, vector<1000x128xf32>
    %mul3A = arith.mulf %get3A_12, %dot_general3A_9 : vector<1000x128xf32>
    %get3A_13 = arith.constant 0 : index
    %get3A_14 = arith.constant 0 : index
    %get3A_15 = vector.load %arg3[%get3A_13, %get3A_14] : memref<1000x128xf32, #tpu.memory_space<vmem>>, vector<1000x128xf32>
    %get3A_16 = arith.constant 0 : index
    %get3A_17 = arith.constant 0 : index
    %get3A_18 = vector.load %arg4[%get3A_16, %get3A_17] : memref<128x128xf32, #tpu.memory_space<vmem>>, vector<128x128xf32>
    %dot_general3A_19 = arith.constant dense<0.000000e+00> : vector<1000x128xf32>
    %dot_general3A_20 = tpu.matmul %mul3A, %get3A_18, %dot_general3A_19 {dimension_numbers = #tpu.dot_dimension_numbers<[1], [0], [0], [1], [0, 0, 1, 1], [], []>, precision = #tpu.contract_precision<fp32>, transpose_lhs_hint = false} : vector<1000x128xf32>, vector<128x128xf32>, vector<1000x128xf32> -> vector<1000x128xf32>
    %get3A_21 = arith.constant 0 : index
    %get3A_22 = arith.constant 0 : index
    %get3A_23 = vector.load %arg5[%get3A_21, %get3A_22] : memref<128x128xf32, #tpu.memory_space<vmem>>, vector<128x128xf32>
    %dot_general3A_24 = arith.constant dense<0.000000e+00> : vector<1000x128xf32>
    %dot_general3A_25 = tpu.matmul %get3A_15, %get3A_23, %dot_general3A_24 {dimension_numbers = #tpu.dot_dimension_numbers<[1], [0], [0], [1], [0, 0, 1, 1], [], []>, precision = #tpu.contract_precision<fp32>, transpose_lhs_hint = false} : vector<1000x128xf32>, vector<128x128xf32>, vector<1000x128xf32> -> vector<1000x128xf32>
    %add3A_26 = arith.addf %dot_general3A_20, %dot_general3A_25 : vector<1000x128xf32>
    %get3A_27 = arith.constant 0 : index
    %get3A_28 = arith.constant 0 : index
    %get3A_29 = vector.load %arg6[%get3A_27, %get3A_28] : memref<1x128xf32, #tpu.memory_space<vmem>>, vector<1x128xf32>
    %add3A_30 = vector.broadcast %get3A_29 : vector<1x128xf32> to vector<1000x128xf32>
    %add3A_31 = arith.addf %add3A_26, %add3A_30 : vector<1000x128xf32>
    %get3A_32 = arith.constant 0 : index
    %get3A_33 = arith.constant 0 : index
    %get3A_34 = vector.load %arg7[%get3A_32, %get3A_33] : memref<1x128xf32, #tpu.memory_space<vmem>>, vector<1x128xf32>
    %get3A_35 = arith.constant 0 : index
    %get3A_36 = arith.constant 0 : index
    %get3A_37 = vector.load %arg8[%get3A_35, %get3A_36] : memref<1x128xf32, #tpu.memory_space<vmem>>, vector<1x128xf32>
    %reduce_sum3A = arith.constant dense<0.000000e+00> : vector<1000xf32>
    %reduce_sum3A_38 = vector.multi_reduction <add>, %add3A_31, %reduce_sum3A [1] : vector<1000x128xf32> to vector<1000xf32>
    %broadcast_in_dim3A = vector.shape_cast %reduce_sum3A_38 : vector<1000xf32> to vector<1000x1xf32>
    %div3A_39 = arith.constant 1.280000e+02 : f32
    %div3A_40 = vector.broadcast %div3A_39 : f32 to vector<1000x1xf32>
    %div3A_41 = arith.divf %broadcast_in_dim3A, %div3A_40 : vector<1000x1xf32>
    %sub3A = vector.broadcast %div3A_41 : vector<1000x1xf32> to vector<1000x128xf32>
    %sub3A_42 = arith.subf %add3A_31, %sub3A : vector<1000x128xf32>
    %sub3A_43 = vector.broadcast %div3A_41 : vector<1000x1xf32> to vector<1000x128xf32>
    %sub3A_44 = arith.subf %add3A_31, %sub3A_43 : vector<1000x128xf32>
    %mul3A_45 = arith.mulf %sub3A_42, %sub3A_44 : vector<1000x128xf32>
    %reduce_sum3A_46 = arith.constant dense<0.000000e+00> : vector<1000xf32>
    %reduce_sum3A_47 = vector.multi_reduction <add>, %mul3A_45, %reduce_sum3A_46 [1] : vector<1000x128xf32> to vector<1000xf32>
    %broadcast_in_dim3A_48 = vector.shape_cast %reduce_sum3A_47 : vector<1000xf32> to vector<1000x1xf32>
    %div3A_49 = arith.constant 1.280000e+02 : f32
    %div3A_50 = vector.broadcast %div3A_49 : f32 to vector<1000x1xf32>
    %div3A_51 = arith.divf %broadcast_in_dim3A_48, %div3A_50 : vector<1000x1xf32>
    %sub3A_52 = vector.broadcast %div3A_41 : vector<1000x1xf32> to vector<1000x128xf32>
    %sub3A_53 = arith.subf %add3A_31, %sub3A_52 : vector<1000x128xf32>
    %add3A_54 = arith.constant 9.99999974E-6 : f32
    %add3A_55 = vector.broadcast %add3A_54 : f32 to vector<1000x1xf32>
    %add3A_56 = arith.addf %div3A_51, %add3A_55 : vector<1000x1xf32>
    %sqrt3A = math.sqrt %add3A_56 : vector<1000x1xf32>
    %div3A_57 = vector.broadcast %sqrt3A : vector<1000x1xf32> to vector<1000x128xf32>
    %div3A_58 = arith.divf %sub3A_53, %div3A_57 : vector<1000x128xf32>
    %mul3A_59 = vector.broadcast %get3A_34 : vector<1x128xf32> to vector<1000x128xf32>
    %mul3A_60 = arith.mulf %div3A_58, %mul3A_59 : vector<1000x128xf32>
    %add3A_61 = vector.broadcast %get3A_37 : vector<1x128xf32> to vector<1000x128xf32>
    %add3A_62 = arith.addf %mul3A_60, %add3A_61 : vector<1000x128xf32>
    %max3A = arith.constant 0.000000e+00 : f32
    %max3A_63 = vector.broadcast %max3A : f32 to vector<1000x128xf32>
    %max3A_64 = arith.maximumf %add3A_62, %max3A_63 : vector<1000x128xf32>
    %get3A_65 = arith.constant 0 : index
    %get3A_66 = arith.constant 0 : index
    %get3A_67 = vector.load %arg9[%get3A_65, %get3A_66] : memref<128x128xf32, #tpu.memory_space<vmem>>, vector<128x128xf32>
    %dot_general3A_68 = arith.constant dense<0.000000e+00> : vector<1000x128xf32>
    %dot_general3A_69 = tpu.matmul %max3A_64, %get3A_67, %dot_general3A_68 {dimension_numbers = #tpu.dot_dimension_numbers<[1], [0], [0], [1], [0, 0, 1, 1], [], []>, precision = #tpu.contract_precision<fp32>, transpose_lhs_hint = false} : vector<1000x128xf32>, vector<128x128xf32>, vector<1000x128xf32> -> vector<1000x128xf32>
    %get3A_70 = arith.constant 0 : index
    %get3A_71 = arith.constant 0 : index
    %get3A_72 = vector.load %arg10[%get3A_70, %get3A_71] : memref<1x128xf32, #tpu.memory_space<vmem>>, vector<1x128xf32>
    %add3A_73 = vector.broadcast %get3A_72 : vector<1x128xf32> to vector<1000x128xf32>
    %add3A_74 = arith.addf %dot_general3A_69, %add3A_73 : vector<1000x128xf32>
    %swap3A = arith.constant 0 : index
    %swap3A_75 = arith.constant 0 : index
    %swap3A_76 = vector.load %arg12[%swap3A, %swap3A_75] : memref<1000x128xf32, #tpu.memory_space<vmem>>, vector<1000x128xf32>
    tpu.vector_store %arg12[%swap3A, %swap3A_75], %add3A_74 {strides = array<i32>} : memref<1000x128xf32, #tpu.memory_space<vmem>>, vector<1000x128xf32>,
    return
  }
  func.func @transform_0(%arg0: i32) -> (i32, i32) {
    %c0_i32 = arith.constant 0 : i32
    %c0_i32_0 = arith.constant 0 : i32
    return %arg0, %c0_i32 : i32, i32
  }
  func.func @transform_1(%arg0: i32) -> (i32, i32) {
    %c0_i32 = arith.constant 0 : i32
    %c0_i32_0 = arith.constant 0 : i32
    return %arg0, %c0_i32 : i32, i32
  }
  func.func @transform_2(%arg0: i32) -> (i32, i32) {
    %c0_i32 = arith.constant 0 : i32
    %c0_i32_0 = arith.constant 0 : i32
    return %arg0, %c0_i32 : i32, i32
  }
  func.func @transform_3(%arg0: i32) -> (i32, i32) {
    %c0_i32 = arith.constant 0 : i32
    %c0_i32_0 = arith.constant 0 : i32
    %c0_i32_1 = arith.constant 0 : i32
    return %c0_i32, %c0_i32_0 : i32, i32
  }
  func.func @transform_4(%arg0: i32) -> (i32, i32) {
    %c0_i32 = arith.constant 0 : i32
    %c0_i32_0 = arith.constant 0 : i32
    %c0_i32_1 = arith.constant 0 : i32
    return %c0_i32, %c0_i32_0 : i32, i32
  }
  func.func @transform_5(%arg0: i32) -> (i32, i32) {
    %c0_i32 = arith.constant 0 : i32
    %c0_i32_0 = arith.constant 0 : i32
    %c0_i32_1 = arith.constant 0 : i32
    return %c0_i32, %c0_i32_0 : i32, i32
  }
  func.func @transform_6(%arg0: i32) -> (i32, i32) {
    %c0_i32 = arith.constant 0 : i32
    %c0_i32_0 = arith.constant 0 : i32
    %c0_i32_1 = arith.constant 0 : i32
    return %c0_i32, %c0_i32_0 : i32, i32
  }
  func.func @transform_7(%arg0: i32) -> (i32, i32) {
    %c0_i32 = arith.constant 0 : i32
    %c0_i32_0 = arith.constant 0 : i32
    %c0_i32_1 = arith.constant 0 : i32
    return %c0_i32, %c0_i32_0 : i32, i32
  }
  func.func @transform_8(%arg0: i32) -> (i32, i32) {
    %c0_i32 = arith.constant 0 : i32
    %c0_i32_0 = arith.constant 0 : i32
    %c0_i32_1 = arith.constant 0 : i32
    return %c0_i32, %c0_i32_0 : i32, i32
  }
  func.func @transform_9(%arg0: i32) -> (i32, i32) {
    %c0_i32 = arith.constant 0 : i32
    %c0_i32_0 = arith.constant 0 : i32
    %c0_i32_1 = arith.constant 0 : i32
    return %c0_i32, %c0_i32_0 : i32, i32
  }
  func.func @transform_10(%arg0: i32) -> (i32, i32) {
    %c0_i32 = arith.constant 0 : i32
    %c0_i32_0 = arith.constant 0 : i32
    %c0_i32_1 = arith.constant 0 : i32
    return %c0_i32, %c0_i32_0 : i32, i32
  }
  func.func @transform_11(%arg0: i32) -> (i32, i32) {
    %c0_i32 = arith.constant 0 : i32
    %c0_i32_0 = arith.constant 0 : i32
    return %arg0, %c0_i32 : i32, i32
  }
}

</mosaic_0001>

<sc_bundles>
// kernel: kernel.11.cloned.1.call-start
scs
__scs_entry_jumppad:
0x0: {  	(pc) =	sbr.rel $0x88, $3  }
0x1: {  	(tag) =	ssettag $0x0;
	lr =	simm.s32 $0x1  }
0x2: {  	[smem:$0x3F84] =	sst lr;
	_ =	strace $0xD0000000  }
0x3: {  	_ = 	snop  }
0x4: {  	_ = 	snop  }
0x5: {  	_ = 	snop  }
0x6: {  	_ = 	snop  }
0x7: {  	_ = 	snop  }
__scs_overlays_trampoline_lowered:
0x8: {  	[smem:$0x3F93] =	sst s0  }
0x9: {  	[smem:$0x3F94] =	sst s1  }
0xa: {  	[smem:$0x3F95] =	sst s2  }
0xb: {  	[smem:$0x3F96] =	sst s3  }
0xc: {  	[smem:$0x3F97] =	sst s4  }
0xd: {  	[smem:$0x3F98] =	sst s5  }
0xe: {  	[smem:$0x3F99] =	sst s6  }
0xf: {  	[smem:$0x3F9A] =	sst s7  }
0x10: {  	[smem:$0x3F9B] =	sst s8  }
0x11: {  	[smem:$0x3F9C] =	sst s9;
	s0 =	simm.s32 @!p0 $0x0  }
0x12: {  	s1 =	sld [smem:$0x3F82];
	s0 =	simm.s32 @p0 $0x1  }
0x13: {  	[smem:$0x3F9D] =	sst s0;
	s0 =	simm.s32 @!p1 $0x0  }
0x14: {  	s2 =	sld [smem:$0x3F81];
	s0 =	simm.s32 @p1 $0x1  }
0x15: {  	[smem:$0x3F9E] =	sst s0;
	s0 =	simm.s32 @!p2 $0x0  }
0x16: {  	s3 =	sld [smem:$0x3FDB];
	s0 =	simm.s32 @p2 $0x1  }
0x17: {  	s4 =	simm.s32 $0x1BF5;
	[smem:$0x3FA0] =	sst s0  }
0x18: {  	s0 =	sld [smem:$0x3F83];
	_ =	swait.ge [sflag:s4], $0x0  }
0x19: {  	s7 =	sld [smem:$0x3F84]  }
0x1a: {  	s8 =	sadd.s32 $0xFFFFE003, lr  }
0x1b: {  	s9 =	sadd.s32 $0xFFFFFEF7, lr;
	s5 =	simm.s32 $0xFFFFFFFF;
	p2 =	slt.u32 s8, $0xFFFFF086  }
0x1c: {  	p1 =	slt.u32 s9, $0xF7A;
	s5 =	simm.s32 @!p2 $0x0  }
0x1d: {  	s5 =	simm.s32 @p1 $0x1;
	p0 =	seq.s32 s7, s2  }
0x1e: {  	s7 =	smul.u32 @!p0 $0xF7A, s2;
	p2 =	seq.s32 @!p0 s5, $0x0  }
0x1f: {  	s9 =	smul.u32 $0xF7A, s1;
	s8 =	simm.s32 @!p0 $0x1BF5;
	p2 =	por !p2, p0  }
0x20: {  	[sflag:s8] =	ssyncset.s32 @!p0 $0xFFFFF086;
	s6 =	sadd.s32 @!p0 s3, s7;
	s7 =	simm.s32 @!p0 $0x108  }
0x21: {  	s3 =	sadd.s32 s3, s9;
	s6 =	sadd.s32 @!p0 $0x88, s6;
	s7 =	simm.s32 @p2 $0x1082  }
0x22: {  	[simem:s7], [sflag:s8] =	dma.local @!p0 [hbm:s6], $0xF7A  }
0x23: {  	s9 =	sor.u32 $0xD0000000, s2;
	s6 =	simm.s32 $0x108;
	_ =	swait.ge @!p0 [sflag:s8], $0x0  }
0x24: {  	s3 =	sadd.s32 $0x88, s3;
	s6 =	simm.s32 @!p1 $0x1082;
	[sflag:s4] =	ssyncset.s32 $0xFFFFF086  }
0x25: {  	[simem:s6], [sflag:s4] =	dma.local [hbm:s3], $0xF7A  }
0x26: {  	[smem:$0x3F84] =	sst s1;
	(tag) =	ssettag s2;
	_ =	strace s9  }
0x27: {  	s1 =	sld [smem:$0x3F94]  }
0x28: {  	s2 =	sld [smem:$0x3F95]  }
0x29: {  	s4 =	sld [smem:$0x3F97]  }
0x2a: {  	p0 =	seq.s32 s5, $0x0;
	s5 =	sld [smem:$0x3F98]  }
0x2b: {  	s6 =	sld [smem:$0x3F99]  }
0x2c: {  	s7 =	sld [smem:$0x3F9A]  }
0x2d: {  	s3 =	simm.s32 $0x108;
	s8 =	sld [smem:$0x3F9B]  }
0x2e: {  	s3 =	simm.s32 @!p0 $0x1082;
	s9 =	sld [smem:$0x3F9C]  }
0x2f: {  	lr =	sadd.s32 s0, s3;
	s0 =	sld [smem:$0x3F93]  }
0x30: {  	s3 =	sld [smem:$0x3F96]  }
0x31: {  	[smem:$0x3F9F] =	sst s10  }
0x32: {  	s10 =	sld [smem:$0x3F9D];
	_ =	sdelay $0x3  }
0x33: {  	p0 =	seq.s32 s10, $0x1;
	s10 =	sld [smem:$0x3F9F];
	_ =	sdelay $0x3  }
0x34: {  	[smem:$0x3F9F] =	sst s10  }
0x35: {  	s10 =	sld [smem:$0x3F9E];
	_ =	sdelay $0x3  }
0x36: {  	p1 =	seq.s32 s10, $0x1;
	s10 =	sld [smem:$0x3F9F];
	_ =	sdelay $0x3  }
0x37: {  	[smem:$0x3F9F] =	sst s10  }
0x38: {  	s10 =	sld [smem:$0x3FA0]  }
0x39: {  	_ = 	snop;
	(pc) =	sbr.ind lr, $3  }
0x3a: {  	_ = 	snop  }
0x3b: {  	_ = 	snop  }
0x3c: {  	p2 =	seq.s32 s10, $0x1;
	s10 =	sld [smem:$0x3F9F]  }
0x3d: {  	_ =	shalt  }
0x3e: {  	_ =	shalt  }
0x3f: {  	_ =	shalt  }
0x40: {  	_ =	shalt  }
0x41: {  	_ =	shalt  }
0x42: {  	_ =	shalt  }
0x43: {  	_ =	shalt  }
0x44: {  	_ =	shalt  }
0x45: {  	_ =	shalt  }
0x46: {  	_ =	shalt  }
0x47: {  	_ =	shalt  }
0x48: {  	_ =	shalt  }
0x49: {  	_ =	shalt  }
0x4a: {  	_ =	shalt  }
0x4b: {  	_ =	shalt  }
0x4c: {  	_ =	shalt  }
0x4d: {  	_ =	shalt  }
0x4e: {  	_ =	shalt  }
0x4f: {  	_ =	shalt  }
0x50: {  	_ =	shalt  }
0x51: {  	_ =	shalt  }
0x52: {  	_ =	shalt  }
0x53: {  	_ =	shalt  }
0x54: {  	_ =	shalt  }
0x55: {  	_ =	shalt  }
0x56: {  	_ =	shalt  }
0x57: {  	_ =	shalt  }
0x58: {  	_ =	shalt  }
0x59: {  	_ =	shalt  }
0x5a: {  	_ =	shalt  }
0x5b: {  	_ =	shalt  }
0x5c: {  	_ =	shalt  }
0x5d: {  	_ =	shalt  }
0x5e: {  	_ =	shalt  }
0x5f: {  	_ =	shalt  }
0x60: {  	_ =	shalt  }
0x61: {  	_ =	shalt  }
0x62: {  	_ =	shalt  }
0x63: {  	_ =	shalt  }
0x64: {  	_ =	shalt  }
0x65: {  	_ =	shalt  }
0x66: {  	_ =	shalt  }
0x67: {  	_ =	shalt  }
0x68: {  	_ =	shalt  }
0x69: {  	_ =	shalt  }
0x6a: {  	_ =	shalt  }
0x6b: {  	_ =	shalt  }
0x6c: {  	_ =	shalt  }
0x6d: {  	_ =	shalt  }
0x6e: {  	_ =	shalt  }
0x6f: {  	_ =	shalt  }
0x70: {  	_ =	shalt  }
0x71: {  	_ =	shalt  }
0x72: {  	_ =	shalt  }
0x73: {  	_ =	shalt  }
0x74: {  	_ =	shalt  }
0x75: {  	_ =	shalt  }
0x76: {  	_ =	shalt  }
0x77: {  	_ =	shalt  }
0x78: {  	_ =	shalt  }
0x79: {  	_ =	shalt  }
0x7a: {  	_ =	shalt  }
0x7b: {  	_ =	shalt  }
0x7c: {  	_ =	shalt  }
0x7d: {  	_ =	shalt  }
0x7e: {  	_ =	shalt  }
0x7f: {  	_ =	shalt  }
0x80: {  	_ =	shalt  }
0x81: {  	_ =	shalt  }
0x82: {  	_ =	shalt  }
0x83: {  	_ =	shalt  }
0x84: {  	_ =	shalt  }
0x85: {  	_ =	shalt  }
0x86: {  	_ =	shalt  }
0x87: {  	_ =	shalt  }
.Lfunc_end0:
.L_simem_size_0:
called_computation.1_lowered:
.L_overlay_start_0:
0x88: {  	s2 =	sld [smem:$0x3FD9]  }
0x89: {  	s3 =	sld [smem:$0x3FFE];
	_ =	sdelay $0x1  }
0x8a: {  	s1 =	srdreg.scid  }
0x8b: {  	s0 =	sand.u32 $0x1, s1  }
0x8c: {  	s17 =	sshll.u32 s0, $0xA;
	s2 =	sadd.s32 s3, s2  }
0x8d: {  	s2 =	sadd.s32 s2, s17  }
0x8e: {  	[smem:$0x3FAB] =	sst s2  }
0x8f: {  	_ = 	snop  }
0x90: {  	s2 =	sld [smem:$0x3FD0];
	(tm) =	ssettm $0x1  }
0x91: {  	s18 =	sld [smem:$0x3FFB];
	_ =	sdelay $0x3  }
0x92: {  	_ =	strace s18  }
0x93: {  	s3 =	sld [smem:$0x3FFC];
	_ =	sdelay $0x3  }
0x94: {  	_ =	strace s3  }
0x95: {  	s3 =	sld [smem:$0x3FFD];
	_ =	sdelay $0x3  }
0x96: {  	_ =	strace s3  }
0x97: {  	_ =	strace $0x8FFFFFFF  }
0x98: {  	s19 =	sld [smem:$0x3FDB];
	_ =	sdelay $0x1  }
0x99: {  	s4 =	simm.s32 $_scs_section_size  }
0x9a: {  	s5 =	simm.s32 $_size__tile_overlayer_lowered;
	s6 =	simm.s32 $_tile_overlayer_lowered  }
0x9b: {  	s22 =	simm.s32 $0x1BFF;
	s21 =	sshll.u32 s6, $0x1;
	s3 =	sadd.s32 s4, s19  }
0x9c: {  	s7 =	simm.s32 $0x0;
	s20 =	sshll.u32 s5, $0x1;
	s5 =	sadd.s32 s21, s3  }
0x9d: {  	[timem:s7], [sflag:s22] =	dma.local [hbm:s5], s20  }
0x9e: {  	_ =	swait.ge [sflag:s22], s20  }
0x9f: {  	s4 =	ssub.s32 $0x0, s20;
	[sflag:s22] =	ssyncset.done $0x0  }
0xa0: {  	[sflag:s22] =	ssyncadd.s32 s4;
	_ =	sdelay $0x1  }
0xa1: {  	s23 =	simm.s32 $0x1B8B  }
0xa2: {  	_ =	swait.ge [sflag:s23], $0x1  }
0xa3: {  	[sflag:s23] =	ssyncset.done $0x0  }
0xa4: {  	s25 =	simm.s32 $0x1B8E;
	s24 =	sld [smem:$0x3FFE];
	[sflag:s23] =	ssyncadd.s32 $0xFFFFFFFF  }
0xa5: {  	s26 =	simm.s32 $execute0_lowered;
	[smem:$0x3FD2] =	sst s25  }
0xa6: {  	s5 =	sshll.u32 s26, $0x1;
	_ =	strace $0x80000049;
	[dreg:$0x1] =	wrdreg $0xFFFFFFFF  }
0xa7: {  	s28 =	simm.s32 $_size_execute0_lowered;
	s3 =	sadd.s32 s3, s5;
	[dreg:$0x0] =	wrdreg $0x0  }
0xa8: {  	s5 =	sshll.u32 s28, $0x1;
	[dreg:$0x2] =	wrdreg s3  }
0xa9: {  	[dreg:$0x3] =	wrdreg s5  }
0xaa: {  	[dreg:$0x4] =	wrdreg $0xC0  }
0xab: {  	_ =	task [dreg:s7], $0x5FFFF  }
0xac: {  	[dreg:$0x1] =	wrdreg $0xFFFFFFFF  }
0xad: {  	[dreg:$0x0] =	wrdreg $0x60  }
0xae: {  	[dreg:$0x2] =	wrdreg s24  }
0xaf: {  	[dreg:$0x3] =	wrdreg s2  }
0xb0: {  	[dreg:$0x4] =	wrdreg $0x9  }
0xb1: {  	_ =	task.clear_ibuf [dreg:s7], $0x5FFFF;
	_ =	strace $0x90000049  }
0xb2: {  	s29 =	simm.s32 $0x9;
	_ =	strace $0x8000004B  }
0xb3: {  	_ =	swait.ge [sflag:s29], $0x1  }
0xb4: {  	[sflag:s29] =	ssyncadd.s32 $0xFFFFFFFF  }
0xb5: {  	_ =	strace $0x9000004B  }
0xb6: {  	_ =	sfence  }
0xb7: {  	s30 =	sld [smem:$0x0];
	_ =	sdelay $0x2  }
0xb8: {  	s31 =	sshll.u32 s1, $0xD;
	s1 =	sshrl.u32 s1, $0x2  }
0xb9: {  	s3 =	sand.u32 $0x4000, s31;
	s1 =	sadd.s32 s1, s30  }
0xba: {  	s0 =	sor.u32 s3, s0;
	s1 =	sshll.u32 s1, $0x11  }
0xbb: {  	s0 =	sor.u32 s1, s0  }
0xbc: {  	s0 =	sadd.s32 $0x8F2B, s0  }
0xbd: {  	[sflag:s0] =	ssyncadd.remote.s32 $0x1  }
0xbe: {  	_ =	sfence.sel $0xFFFF  }
0xbf: {  	[dreg:$0x0] =	wrdreg $0xFFFFFFFF;
	(pc) =	sbr.abs _section_cstart, $3  }
0xc0: {  	[dreg:$0x1] =	wrdreg $0xFFFFFFFF  }
0xc1: {  	_ =	task.clear_ibuf [dreg:s7], $0x2FFFF;
	_ =	strace $0x9FFFFFFF  }
0xc2: {  	(tm) =	ssettm $0x7FFFFFFF  }
0xc3: {  	_ =	shalt  }
tec
execute0_lowered:
.L_overlay_start_1:
0x0: {  	(tag) =	ssettag $0x1  }
0x1: {  	s11 =	rddreg [dreg:$0x0]  }
0x2: {  	s1 =	rddreg [dreg:$0x1]  }
0x3: {  	s0 =	rddreg [dreg:$0x2];
	s2 =	simm.s32 $0x0;
	s3 =	srdreg.scid  }
0x4: {  	s16 =	simm.s32 $0x3880;
	s19 =	simm.s32 $0x400;
	s17 =	simm.s32 $0xA900  }
0x5: {  	s18 =	simm.s32 $0x14D00;
	s20 =	simm.s32 $0x6900;
	s21 =	simm.s32 $0x8900  }
0x6: {  	s24 =	simm.s32 $0x0;
	[smem:$0x7FF] =	sst s2;
	s4 =	sadd.s32 $0x232C800, s11  }
0x7: {  	s12 =	sand.u32 $0x1, s3;
	s5 =	sadd.s32 $0x282C800, s11;
	s6 =	sadd.s32 $0x1468800, s11  }
0x8: {  	s3 =	stileid.u32;
	s7 =	sadd.s32 $0x1475C00, s11;
	s9 =	sadd.s32 $0x1473E00, s11  }
0x9: {  	s10 =	sadd.s32 $0x1472800, s11;
	_ =	strace $0x8000004A;
	s8 =	sshll.u32 s12, $0x4  }
0xa: {  	s12 =	ssub.s32 $0x2, s12;
	[dreg:$0x3] =	wrdreg s19;
	s13 =	sor.u32 s3, s8  }
0xb: {  	s19 =	simm.s32 $0x40;
	s31 =	sshrl.u32 s12, $0x1;
	s14 =	smul.u32 $0x1400, s13  }
0xc: {  	s8 =	sadd.s32 $0x1475400, s11;
	s22 =	smul.u32 $0x140, s13;
	s15 =	ssub.s32 s12, s31  }
0xd: {  	s23 =	smul.u32 $0x3000, s13;
	s13 =	smax.u32 s15, $0x1;
	s14 =	sadd.s32 s14, s11  }
0xe: {  	s15 =	simm.s32 $0x3;
	v1 =	vmov s22;
	s22 =	simm.s32 $0x1;
	s11 =	sadd.s32 $0x1476400, s14  }
0xf: {  	v2 =	vlaneseq.u32;
	v0 =	vmov s23;
	s23 =	simm.s32 $0x2;
	s12 =	sadd.s32 $0x149E400, s14;
	s14 =	simm.s32 $0x800  }
.LBB2_1:
0x10: {  	[tilespmem:s14], [sflag:$0x3] =	stream.linear.gather [hbm4b:s7+s2], $0x3080, $0x38;
	[tilespmem:$0x1F100] =	vst v63  }
0x11: {  	_ =	swait.ge [sflag:s15], $0x3080  }
0x12: {  	[sflag:s15] =	ssyncset.done $0x0  }
0x13: {  	[sflag:s15] =	ssyncadd.s32 $0xFFFFCF80  }
0x14: {  	[tilespmem:s16], [sflag:$0x3] =	stream.linear.gather [hbm4b:s8+s2], $0x3080, $0x38;
	[tilespmem:$0x1F100] =	vst v63  }
0x15: {  	_ =	swait.ge [sflag:s15], $0x3080  }
0x16: {  	[sflag:s15] =	ssyncset.done $0x0  }
0x17: {  	[sflag:s15] =	ssyncadd.s32 $0xFFFFCF80  }
0x18: {  	[tilespmem:s17], [sflag:$0x3] =	stream.linear.gather [hbm4b:s9+s2], $0xA400, $0x38;
	[tilespmem:$0x1F100] =	vst v63  }
0x19: {  	_ =	swait.ge [sflag:s15], $0xA400  }
0x1a: {  	[sflag:s15] =	ssyncset.done $0x0  }
0x1b: {  	[sflag:s15] =	ssyncadd.s32 $0xFFFF5C00  }
0x1c: {  	[tilespmem:s18], [sflag:$0x3] =	stream.linear.gather [hbm4b:s10+s2], $0xA400, $0x38;
	[tilespmem:$0x1F100] =	vst v63  }
0x1d: {  	_ =	swait.ge [sflag:s15], $0xA400  }
0x1e: {  	s28 =	simm.s32 $0x3F0;
	[sflag:s15] =	ssyncset.done $0x0  }
0x1f: {  	s29 =	smov.u32 s6;
	s30 =	smov.u32 s1;
	[sflag:s15] =	ssyncadd.s32 $0xFFFF5C00  }
.LBB2_2:
0x20: {  	s25 =	simm.s32 $0x0  }
0x21: {  	[tilespmem:s25], [sflag:$0x3] =	stream.linear.gather [hbm4b:s30+s25], $0x400, $0x38;
	[tilespmem:$0x1F100] =	vst v63  }
0x22: {  	_ =	swait.ge [sflag:s15], $0x400  }
0x23: {  	[sflag:s15] =	ssyncset.done $0x0  }
0x24: {  	s26 =	rddreg [dreg:$0x3];
	[sflag:s15] =	ssyncadd.s32 $0xFFFFFC00  }
0x25: {  	[tilespmem:s26], [sflag:$0x3] =	stream.linear.gather [hbm4b:s29+s25], $0x400, $0x38;
	[tilespmem:$0x1F100] =	vst v63  }
0x26: {  	_ =	swait.ge [sflag:s15], $0x400  }
0x27: {  	[sflag:s15] =	ssyncset.done $0x0  }
0x28: {  	[sflag:s15] =	ssyncadd.s32 $0xFFFFFC00  }
0x29: {  	v3 =	vld [tilespmem:$0x400];
	_ =	sdelay $0x4  }
0x2a: {  	v3 =	vsub.s32 v3, v0  }
0x2b: {  	vm0 =	vlt.u32 v3, $0x3000  }
0x2c: {  	v4 =	vld [tilespmem:$0x0];
	v3 =	vnsel vm0, $0x3010, v3;
	_ =	sdelay $0x2  }
0x2d: {  	s31 =	sadd.s32 $0xFFFFFC10, s28  }
0x2e: {  	v5 =	vor.u32 s31, v2  }
0x2f: {  	s26 =	simm.s32 $0x3880;
	v4 =	vsub.s32 v4, v1;
	[tilespmem:v3+s14+$0x0] =	vst.idx.msk $0xffff, v5  }
0x30: {  	[tilespmem:v3+s26+$0x0] =	vst.idx.msk $0xffff, v4  }
0x31: {  	v3 =	vld [tilespmem:$0x410];
	_ =	sdelay $0x4  }
0x32: {  	v3 =	vsub.s32 v3, v0  }
0x33: {  	vm13 =	vlt.u32 v3, $0x3000  }
0x34: {  	v4 =	vld [tilespmem:$0x10];
	v3 =	vnsel vm13, $0x3010, v3;
	_ =	sdelay $0x2  }
0x35: {  	s31 =	sadd.s32 $0xFFFFFC20, s28  }
0x36: {  	v57 =	vor.u32 s31, v2  }
0x37: {  	v4 =	vsub.s32 v4, v1;
	[tilespmem:v3+s14+$0x0] =	vst.idx.msk $0xffff, v57  }
0x38: {  	[tilespmem:v3+s26+$0x0] =	vst.idx.msk $0xffff, v4  }
0x39: {  	v3 =	vld [tilespmem:$0x420];
	_ =	sdelay $0x4  }
0x3a: {  	v3 =	vsub.s32 v3, v0  }
0x3b: {  	vm14 =	vlt.u32 v3, $0x3000  }
0x3c: {  	v4 =	vld [tilespmem:$0x20];
	v3 =	vnsel vm14, $0x3010, v3;
	_ =	sdelay $0x2  }
0x3d: {  	s31 =	sadd.s32 $0xFFFFFC30, s28  }
0x3e: {  	v58 =	vor.u32 s31, v2  }
0x3f: {  	v4 =	vsub.s32 v4, v1;
	[tilespmem:v3+s14+$0x0] =	vst.idx.msk $0xffff, v58  }
0x40: {  	[tilespmem:v3+s26+$0x0] =	vst.idx.msk $0xffff, v4  }
0x41: {  	v3 =	vld [tilespmem:$0x430];
	_ =	sdelay $0x4  }
0x42: {  	v3 =	vsub.s32 v3, v0  }
0x43: {  	vm15 =	vlt.u32 v3, $0x3000  }
0x44: {  	v4 =	vld [tilespmem:$0x30];
	v3 =	vnsel vm15, $0x3010, v3;
	_ =	sdelay $0x2  }
0x45: {  	s31 =	sadd.s32 $0xFFFFFC40, s28  }
0x46: {  	v59 =	vor.u32 s31, v2  }
0x47: {  	v4 =	vsub.s32 v4, v1;
	[tilespmem:v3+s14+$0x0] =	vst.idx.msk $0xffff, v59  }
0x48: {  	[tilespmem:v3+s26+$0x0] =	vst.idx.msk $0xffff, v4  }
0x49: {  	v3 =	vld [tilespmem:$0x440];
	_ =	sdelay $0x4  }
0x4a: {  	v3 =	vsub.s32 v3, v0  }
0x4b: {  	vm4 =	vlt.u32 v3, $0x3000  }
0x4c: {  	v4 =	vld [tilespmem:$0x40];
	v3 =	vnsel vm4, $0x3010, v3;
	_ =	sdelay $0x2  }
0x4d: {  	s31 =	sadd.s32 $0xFFFFFC50, s28  }
0x4e: {  	v60 =	vor.u32 s31, v2  }
0x4f: {  	v4 =	vsub.s32 v4, v1;
	[tilespmem:v3+s14+$0x0] =	vst.idx.msk $0xffff, v60  }
0x50: {  	[tilespmem:v3+s26+$0x0] =	vst.idx.msk $0xffff, v4  }
0x51: {  	v3 =	vld [tilespmem:$0x450];
	_ =	sdelay $0x4  }
0x52: {  	v3 =	vsub.s32 v3, v0  }
0x53: {  	vm5 =	vlt.u32 v3, $0x3000  }
0x54: {  	v4 =	vld [tilespmem:$0x50];
	v3 =	vnsel vm5, $0x3010, v3;
	_ =	sdelay $0x2  }
0x55: {  	s31 =	sadd.s32 $0xFFFFFC60, s28  }
0x56: {  	v61 =	vor.u32 s31, v2  }
0x57: {  	v4 =	vsub.s32 v4, v1;
	[tilespmem:v3+s14+$0x0] =	vst.idx.msk $0xffff, v61  }
0x58: {  	[tilespmem:v3+s26+$0x0] =	vst.idx.msk $0xffff, v4  }
0x59: {  	v3 =	vld [tilespmem:$0x460];
	_ =	sdelay $0x4  }
0x5a: {  	v3 =	vsub.s32 v3, v0  }
0x5b: {  	vm6 =	vlt.u32 v3, $0x3000  }
0x5c: {  	v4 =	vld [tilespmem:$0x60];
	v3 =	vnsel vm6, $0x3010, v3;
	_ =	sdelay $0x2  }
0x5d: {  	s31 =	sadd.s32 $0xFFFFFC70, s28  }
0x5e: {  	v62 =	vor.u32 s31, v2  }
0x5f: {  	v4 =	vsub.s32 v4, v1;
	[tilespmem:v3+s14+$0x0] =	vst.idx.msk $0xffff, v62  }
0x60: {  	[tilespmem:v3+s26+$0x0] =	vst.idx.msk $0xffff, v4  }
0x61: {  	v3 =	vld [tilespmem:$0x470];
	_ =	sdelay $0x4  }
0x62: {  	v3 =	vsub.s32 v3, v0  }
0x63: {  	vm7 =	vlt.u32 v3, $0x3000  }
0x64: {  	v4 =	vld [tilespmem:$0x70];
	v3 =	vnsel vm7, $0x3010, v3;
	_ =	sdelay $0x2  }
0x65: {  	s31 =	sadd.s32 $0xFFFFFC80, s28  }
0x66: {  	v63 =	vor.u32 s31, v2  }
0x67: {  	v4 =	vsub.s32 v4, v1;
	[tilespmem:v3+s14+$0x0] =	vst.idx.msk $0xffff, v63  }
0x68: {  	[tilespmem:v3+s26+$0x0] =	vst.idx.msk $0xffff, v4  }
0x69: {  	v3 =	vld [tilespmem:$0x480];
	_ =	sdelay $0x4  }
0x6a: {  	v3 =	vsub.s32 v3, v0  }
0x6b: {  	vm8 =	vlt.u32 v3, $0x3000  }
0x6c: {  	v4 =	vld [tilespmem:$0x80];
	v3 =	vnsel vm8, $0x3010, v3;
	_ =	sdelay $0x2  }
0x6d: {  	s31 =	sadd.s32 $0xFFFFFC90, s28  }
0x6e: {  	v8 =	vor.u32 s31, v2  }
0x6f: {  	v4 =	vsub.s32 v4, v1;
	[tilespmem:v3+s14+$0x0] =	vst.idx.msk $0xffff, v8  }
0x70: {  	[tilespmem:v3+s26+$0x0] =	vst.idx.msk $0xffff, v4  }
0x71: {  	v3 =	vld [tilespmem:$0x490];
	_ =	sdelay $0x4  }
0x72: {  	v3 =	vsub.s32 v3, v0  }
0x73: {  	vm9 =	vlt.u32 v3, $0x3000  }
0x74: {  	v4 =	vld [tilespmem:$0x90];
	v3 =	vnsel vm9, $0x3010, v3;
	_ =	sdelay $0x2  }
0x75: {  	s31 =	sadd.s32 $0xFFFFFCA0, s28  }
0x76: {  	v9 =	vor.u32 s31, v2  }
0x77: {  	v4 =	vsub.s32 v4, v1;
	[tilespmem:v3+s14+$0x0] =	vst.idx.msk $0xffff, v9  }
0x78: {  	[tilespmem:v3+s26+$0x0] =	vst.idx.msk $0xffff, v4  }
0x79: {  	v3 =	vld [tilespmem:$0x4A0];
	_ =	sdelay $0x4  }
0x7a: {  	v3 =	vsub.s32 v3, v0  }
0x7b: {  	vm10 =	vlt.u32 v3, $0x3000  }
0x7c: {  	v4 =	vld [tilespmem:$0xA0];
	v3 =	vnsel vm10, $0x3010, v3;
	_ =	sdelay $0x2  }
0x7d: {  	s31 =	sadd.s32 $0xFFFFFCB0, s28  }
0x7e: {  	v10 =	vor.u32 s31, v2  }
0x7f: {  	v4 =	vsub.s32 v4, v1;
	[tilespmem:v3+s14+$0x0] =	vst.idx.msk $0xffff, v10  }
0x80: {  	[tilespmem:v3+s26+$0x0] =	vst.idx.msk $0xffff, v4  }
0x81: {  	v3 =	vld [tilespmem:$0x4B0];
	_ =	sdelay $0x4  }
0x82: {  	v3 =	vsub.s32 v3, v0  }
0x83: {  	vm11 =	vlt.u32 v3, $0x3000  }
0x84: {  	v4 =	vld [tilespmem:$0xB0];
	v3 =	vnsel vm11, $0x3010, v3;
	_ =	sdelay $0x2  }
0x85: {  	s31 =	sadd.s32 $0xFFFFFCC0, s28  }
0x86: {  	v11 =	vor.u32 s31, v2  }
0x87: {  	v4 =	vsub.s32 v4, v1;
	[tilespmem:v3+s14+$0x0] =	vst.idx.msk $0xffff, v11  }
0x88: {  	[tilespmem:v3+s26+$0x0] =	vst.idx.msk $0xffff, v4  }
0x89: {  	v3 =	vld [tilespmem:$0x4C0];
	_ =	sdelay $0x4  }
0x8a: {  	v3 =	vsub.s32 v3, v0  }
0x8b: {  	vm12 =	vlt.u32 v3, $0x3000  }
0x8c: {  	v4 =	vld [tilespmem:$0xC0];
	v3 =	vnsel vm12, $0x3010, v3;
	_ =	sdelay $0x2  }
0x8d: {  	s31 =	sadd.s32 $0xFFFFFCD0, s28  }
0x8e: {  	v12 =	vor.u32 s31, v2  }
0x8f: {  	v4 =	vsub.s32 v4, v1;
	[tilespmem:v3+s14+$0x0] =	vst.idx.msk $0xffff, v12  }
0x90: {  	[tilespmem:v3+s26+$0x0] =	vst.idx.msk $0xffff, v4  }
0x91: {  	v3 =	vld [tilespmem:$0x4D0];
	_ =	sdelay $0x4  }
0x92: {  	v3 =	vsub.s32 v3, v0  }
0x93: {  	vm13 =	vlt.u32 v3, $0x3000  }
0x94: {  	v4 =	vld [tilespmem:$0xD0];
	v3 =	vnsel vm13, $0x3010, v3;
	_ =	sdelay $0x2  }
0x95: {  	s31 =	sadd.s32 $0xFFFFFCE0, s28  }
0x96: {  	v13 =	vor.u32 s31, v2  }
0x97: {  	v4 =	vsub.s32 v4, v1;
	[tilespmem:v3+s14+$0x0] =	vst.idx.msk $0xffff, v13  }
0x98: {  	[tilespmem:v3+s26+$0x0] =	vst.idx.msk $0xffff, v4  }
0x99: {  	v3 =	vld [tilespmem:$0x4E0];
	_ =	sdelay $0x4  }
0x9a: {  	v3 =	vsub.s32 v3, v0  }
0x9b: {  	vm14 =	vlt.u32 v3, $0x3000  }
0x9c: {  	v4 =	vld [tilespmem:$0xE0];
	v3 =	vnsel vm14, $0x3010, v3;
	_ =	sdelay $0x2  }
0x9d: {  	s31 =	sadd.s32 $0xFFFFFCF0, s28  }
0x9e: {  	v14 =	vor.u32 s31, v2  }
0x9f: {  	v4 =	vsub.s32 v4, v1;
	[tilespmem:v3+s14+$0x0] =	vst.idx.msk $0xffff, v14  }
0xa0: {  	[tilespmem:v3+s26+$0x0] =	vst.idx.msk $0xffff, v4  }
0xa1: {  	v3 =	vld [tilespmem:$0x4F0];
	_ =	sdelay $0x4  }
0xa2: {  	v3 =	vsub.s32 v3, v0  }
0xa3: {  	vm15 =	vlt.u32 v3, $0x3000  }
0xa4: {  	v4 =	vld [tilespmem:$0xF0];
	v3 =	vnsel vm15, $0x3010, v3;
	_ =	sdelay $0x2  }
0xa5: {  	s31 =	sadd.s32 $0xFFFFFD00, s28  }
0xa6: {  	v15 =	vor.u32 s31, v2  }
0xa7: {  	v4 =	vsub.s32 v4, v1;
	[tilespmem:v3+s14+$0x0] =	vst.idx.msk $0xffff, v15  }
0xa8: {  	[tilespmem:v3+s26+$0x0] =	vst.idx.msk $0xffff, v4  }
0xa9: {  	v3 =	vld [tilespmem:$0x500];
	_ =	sdelay $0x4  }
0xaa: {  	v3 =	vsub.s32 v3, v0  }
0xab: {  	vm4 =	vlt.u32 v3, $0x3000  }
0xac: {  	v4 =	vld [tilespmem:$0x100];
	v3 =	vnsel vm4, $0x3010, v3;
	_ =	sdelay $0x2  }
0xad: {  	s31 =	sadd.s32 $0xFFFFFD10, s28  }
0xae: {  	v16 =	vor.u32 s31, v2  }
0xaf: {  	v4 =	vsub.s32 v4, v1;
	[tilespmem:v3+s14+$0x0] =	vst.idx.msk $0xffff, v16  }
0xb0: {  	[tilespmem:v3+s26+$0x0] =	vst.idx.msk $0xffff, v4  }
0xb1: {  	v3 =	vld [tilespmem:$0x510];
	_ =	sdelay $0x4  }
0xb2: {  	v3 =	vsub.s32 v3, v0  }
0xb3: {  	vm5 =	vlt.u32 v3, $0x3000  }
0xb4: {  	v4 =	vld [tilespmem:$0x110];
	v3 =	vnsel vm5, $0x3010, v3;
	_ =	sdelay $0x2  }
0xb5: {  	s31 =	sadd.s32 $0xFFFFFD20, s28  }
0xb6: {  	v17 =	vor.u32 s31, v2  }
0xb7: {  	v4 =	vsub.s32 v4, v1;
	[tilespmem:v3+s14+$0x0] =	vst.idx.msk $0xffff, v17  }
0xb8: {  	[tilespmem:v3+s26+$0x0] =	vst.idx.msk $0xffff, v4  }
0xb9: {  	v3 =	vld [tilespmem:$0x520];
	_ =	sdelay $0x4  }
0xba: {  	v3 =	vsub.s32 v3, v0  }
0xbb: {  	vm6 =	vlt.u32 v3, $0x3000  }
0xbc: {  	v4 =	vld [tilespmem:$0x120];
	v3 =	vnsel vm6, $0x3010, v3;
	_ =	sdelay $0x2  }
0xbd: {  	s31 =	sadd.s32 $0xFFFFFD30, s28  }
0xbe: {  	v18 =	vor.u32 s31, v2  }
0xbf: {  	v4 =	vsub.s32 v4, v1;
	[tilespmem:v3+s14+$0x0] =	vst.idx.msk $0xffff, v18  }
0xc0: {  	[tilespmem:v3+s26+$0x0] =	vst.idx.msk $0xffff, v4  }
0xc1: {  	v3 =	vld [tilespmem:$0x530];
	_ =	sdelay $0x4  }
0xc2: {  	v3 =	vsub.s32 v3, v0  }
0xc3: {  	vm7 =	vlt.u32 v3, $0x3000  }
0xc4: {  	v4 =	vld [tilespmem:$0x130];
	v3 =	vnsel vm7, $0x3010, v3;
	_ =	sdelay $0x2  }
0xc5: {  	s31 =	sadd.s32 $0xFFFFFD40, s28  }
0xc6: {  	v19 =	vor.u32 s31, v2  }
0xc7: {  	v4 =	vsub.s32 v4, v1;
	[tilespmem:v3+s14+$0x0] =	vst.idx.msk $0xffff, v19  }
0xc8: {  	[tilespmem:v3+s26+$0x0] =	vst.idx.msk $0xffff, v4  }
0xc9: {  	v3 =	vld [tilespmem:$0x540];
	_ =	sdelay $0x4  }
0xca: {  	v3 =	vsub.s32 v3, v0  }
0xcb: {  	vm8 =	vlt.u32 v3, $0x3000  }
0xcc: {  	v4 =	vld [tilespmem:$0x140];
	v3 =	vnsel vm8, $0x3010, v3;
	_ =	sdelay $0x2  }
0xcd: {  	s31 =	sadd.s32 $0xFFFFFD50, s28  }
0xce: {  	v20 =	vor.u32 s31, v2  }
0xcf: {  	v4 =	vsub.s32 v4, v1;
	[tilespmem:v3+s14+$0x0] =	vst.idx.msk $0xffff, v20  }
0xd0: {  	[tilespmem:v3+s26+$0x0] =	vst.idx.msk $0xffff, v4  }
0xd1: {  	v3 =	vld [tilespmem:$0x550];
	_ =	sdelay $0x4  }
0xd2: {  	v3 =	vsub.s32 v3, v0  }
0xd3: {  	vm9 =	vlt.u32 v3, $0x3000  }
0xd4: {  	v4 =	vld [tilespmem:$0x150];
	v3 =	vnsel vm9, $0x3010, v3;
	_ =	sdelay $0x2  }
0xd5: {  	s31 =	sadd.s32 $0xFFFFFD60, s28  }
0xd6: {  	v21 =	vor.u32 s31, v2  }
0xd7: {  	v4 =	vsub.s32 v4, v1;
	[tilespmem:v3+s14+$0x0] =	vst.idx.msk $0xffff, v21  }
0xd8: {  	[tilespmem:v3+s26+$0x0] =	vst.idx.msk $0xffff, v4  }
0xd9: {  	v3 =	vld [tilespmem:$0x560];
	_ =	sdelay $0x4  }
0xda: {  	v3 =	vsub.s32 v3, v0  }
0xdb: {  	vm10 =	vlt.u32 v3, $0x3000  }
0xdc: {  	v4 =	vld [tilespmem:$0x160];
	v3 =	vnsel vm10, $0x3010, v3;
	_ =	sdelay $0x2  }
0xdd: {  	s31 =	sadd.s32 $0xFFFFFD70, s28  }
0xde: {  	v22 =	vor.u32 s31, v2  }
0xdf: {  	v4 =	vsub.s32 v4, v1;
	[tilespmem:v3+s14+$0x0] =	vst.idx.msk $0xffff, v22  }
0xe0: {  	[tilespmem:v3+s26+$0x0] =	vst.idx.msk $0xffff, v4  }
0xe1: {  	v3 =	vld [tilespmem:$0x570];
	_ =	sdelay $0x4  }
0xe2: {  	v3 =	vsub.s32 v3, v0  }
0xe3: {  	vm11 =	vlt.u32 v3, $0x3000  }
0xe4: {  	v4 =	vld [tilespmem:$0x170];
	v3 =	vnsel vm11, $0x3010, v3;
	_ =	sdelay $0x2  }
0xe5: {  	s31 =	sadd.s32 $0xFFFFFD80, s28  }
0xe6: {  	v23 =	vor.u32 s31, v2  }
0xe7: {  	v4 =	vsub.s32 v4, v1;
	[tilespmem:v3+s14+$0x0] =	vst.idx.msk $0xffff, v23  }
0xe8: {  	[tilespmem:v3+s26+$0x0] =	vst.idx.msk $0xffff, v4  }
0xe9: {  	v3 =	vld [tilespmem:$0x580];
	_ =	sdelay $0x4  }
0xea: {  	v3 =	vsub.s32 v3, v0  }
0xeb: {  	vm12 =	vlt.u32 v3, $0x3000  }
0xec: {  	v4 =	vld [tilespmem:$0x180];
	v3 =	vnsel vm12, $0x3010, v3;
	_ =	sdelay $0x2  }
0xed: {  	s31 =	sadd.s32 $0xFFFFFD90, s28  }
0xee: {  	v24 =	vor.u32 s31, v2  }
0xef: {  	v4 =	vsub.s32 v4, v1;
	[tilespmem:v3+s14+$0x0] =	vst.idx.msk $0xffff, v24  }
0xf0: {  	[tilespmem:v3+s26+$0x0] =	vst.idx.msk $0xffff, v4  }
0xf1: {  	v3 =	vld [tilespmem:$0x590];
	_ =	sdelay $0x4  }
0xf2: {  	v3 =	vsub.s32 v3, v0  }
0xf3: {  	vm13 =	vlt.u32 v3, $0x3000  }
0xf4: {  	v4 =	vld [tilespmem:$0x190];
	v3 =	vnsel vm13, $0x3010, v3;
	_ =	sdelay $0x2  }
0xf5: {  	s31 =	sadd.s32 $0xFFFFFDA0, s28  }
0xf6: {  	v25 =	vor.u32 s31, v2  }
0xf7: {  	v4 =	vsub.s32 v4, v1;
	[tilespmem:v3+s14+$0x0] =	vst.idx.msk $0xffff, v25  }
0xf8: {  	[tilespmem:v3+s26+$0x0] =	vst.idx.msk $0xffff, v4  }
0xf9: {  	v3 =	vld [tilespmem:$0x5A0];
	_ =	sdelay $0x4  }
0xfa: {  	v3 =	vsub.s32 v3, v0  }
0xfb: {  	vm14 =	vlt.u32 v3, $0x3000  }
0xfc: {  	v4 =	vld [tilespmem:$0x1A0];
	v3 =	vnsel vm14, $0x3010, v3;
	_ =	sdelay $0x2  }
0xfd: {  	s31 =	sadd.s32 $0xFFFFFDB0, s28  }
0xfe: {  	v26 =	vor.u32 s31, v2  }
0xff: {  	v4 =	vsub.s32 v4, v1;
	[tilespmem:v3+s14+$0x0] =	vst.idx.msk $0xffff, v26  }
0x100: {  	[tilespmem:v3+s26+$0x0] =	vst.idx.msk $0xffff, v4  }
0x101: {  	v3 =	vld [tilespmem:$0x5B0];
	_ =	sdelay $0x4  }
0x102: {  	v3 =	vsub.s32 v3, v0  }
0x103: {  	vm15 =	vlt.u32 v3, $0x3000  }
0x104: {  	v4 =	vld [tilespmem:$0x1B0];
	v3 =	vnsel vm15, $0x3010, v3;
	_ =	sdelay $0x2  }
0x105: {  	s31 =	sadd.s32 $0xFFFFFDC0, s28  }
0x106: {  	v27 =	vor.u32 s31, v2  }
0x107: {  	v4 =	vsub.s32 v4, v1;
	[tilespmem:v3+s14+$0x0] =	vst.idx.msk $0xffff, v27  }
0x108: {  	[tilespmem:v3+s26+$0x0] =	vst.idx.msk $0xffff, v4  }
0x109: {  	v3 =	vld [tilespmem:$0x5C0];
	_ =	sdelay $0x4  }
0x10a: {  	v3 =	vsub.s32 v3, v0  }
0x10b: {  	vm4 =	vlt.u32 v3, $0x3000  }
0x10c: {  	v4 =	vld [tilespmem:$0x1C0];
	v3 =	vnsel vm4, $0x3010, v3;
	_ =	sdelay $0x2  }
0x10d: {  	s31 =	sadd.s32 $0xFFFFFDD0, s28  }
0x10e: {  	v28 =	vor.u32 s31, v2  }
0x10f: {  	v4 =	vsub.s32 v4, v1;
	[tilespmem:v3+s14+$0x0] =	vst.idx.msk $0xffff, v28  }
0x110: {  	[tilespmem:v3+s26+$0x0] =	vst.idx.msk $0xffff, v4  }
0x111: {  	v3 =	vld [tilespmem:$0x5D0];
	_ =	sdelay $0x4  }
0x112: {  	v3 =	vsub.s32 v3, v0  }
0x113: {  	vm5 =	vlt.u32 v3, $0x3000  }
0x114: {  	v4 =	vld [tilespmem:$0x1D0];
	v3 =	vnsel vm5, $0x3010, v3;
	_ =	sdelay $0x2  }
0x115: {  	s31 =	sadd.s32 $0xFFFFFDE0, s28  }
0x116: {  	v29 =	vor.u32 s31, v2  }
0x117: {  	v4 =	vsub.s32 v4, v1;
	[tilespmem:v3+s14+$0x0] =	vst.idx.msk $0xffff, v29  }
0x118: {  	[tilespmem:v3+s26+$0x0] =	vst.idx.msk $0xffff, v4  }
0x119: {  	v3 =	vld [tilespmem:$0x5E0];
	_ =	sdelay $0x4  }
0x11a: {  	v3 =	vsub.s32 v3, v0  }
0x11b: {  	vm6 =	vlt.u32 v3, $0x3000  }
0x11c: {  	v4 =	vld [tilespmem:$0x1E0];
	v3 =	vnsel vm6, $0x3010, v3;
	_ =	sdelay $0x2  }
0x11d: {  	s31 =	sadd.s32 $0xFFFFFDF0, s28  }
0x11e: {  	v30 =	vor.u32 s31, v2  }
0x11f: {  	v4 =	vsub.s32 v4, v1;
	[tilespmem:v3+s14+$0x0] =	vst.idx.msk $0xffff, v30  }
0x120: {  	[tilespmem:v3+s26+$0x0] =	vst.idx.msk $0xffff, v4  }
0x121: {  	v3 =	vld [tilespmem:$0x5F0];
	_ =	sdelay $0x4  }
0x122: {  	v3 =	vsub.s32 v3, v0  }
0x123: {  	vm7 =	vlt.u32 v3, $0x3000  }
0x124: {  	v4 =	vld [tilespmem:$0x1F0];
	v3 =	vnsel vm7, $0x3010, v3;
	_ =	sdelay $0x2  }
0x125: {  	s31 =	sadd.s32 $0xFFFFFE00, s28  }
0x126: {  	v31 =	vor.u32 s31, v2  }
0x127: {  	v4 =	vsub.s32 v4, v1;
	[tilespmem:v3+s14+$0x0] =	vst.idx.msk $0xffff, v31  }
0x128: {  	[tilespmem:v3+s26+$0x0] =	vst.idx.msk $0xffff, v4  }
0x129: {  	v3 =	vld [tilespmem:$0x600];
	_ =	sdelay $0x4  }
0x12a: {  	v3 =	vsub.s32 v3, v0  }
0x12b: {  	vm8 =	vlt.u32 v3, $0x3000  }
0x12c: {  	v4 =	vld [tilespmem:$0x200];
	v3 =	vnsel vm8, $0x3010, v3;
	_ =	sdelay $0x2  }
0x12d: {  	s31 =	sadd.s32 $0xFFFFFE10, s28  }
0x12e: {  	v32 =	vor.u32 s31, v2  }
0x12f: {  	v4 =	vsub.s32 v4, v1;
	[tilespmem:v3+s14+$0x0] =	vst.idx.msk $0xffff, v32  }
0x130: {  	[tilespmem:v3+s26+$0x0] =	vst.idx.msk $0xffff, v4  }
0x131: {  	v3 =	vld [tilespmem:$0x610];
	_ =	sdelay $0x4  }
0x132: {  	v3 =	vsub.s32 v3, v0  }
0x133: {  	vm9 =	vlt.u32 v3, $0x3000  }
0x134: {  	v4 =	vld [tilespmem:$0x210];
	v3 =	vnsel vm9, $0x3010, v3;
	_ =	sdelay $0x2  }
0x135: {  	s31 =	sadd.s32 $0xFFFFFE20, s28  }
0x136: {  	v33 =	vor.u32 s31, v2  }
0x137: {  	v4 =	vsub.s32 v4, v1;
	[tilespmem:v3+s14+$0x0] =	vst.idx.msk $0xffff, v33  }
0x138: {  	[tilespmem:v3+s26+$0x0] =	vst.idx.msk $0xffff, v4  }
0x139: {  	v3 =	vld [tilespmem:$0x620];
	_ =	sdelay $0x4  }
0x13a: {  	v3 =	vsub.s32 v3, v0  }
0x13b: {  	vm10 =	vlt.u32 v3, $0x3000  }
0x13c: {  	v4 =	vld [tilespmem:$0x220];
	v3 =	vnsel vm10, $0x3010, v3;
	_ =	sdelay $0x2  }
0x13d: {  	s31 =	sadd.s32 $0xFFFFFE30, s28  }
0x13e: {  	v34 =	vor.u32 s31, v2  }
0x13f: {  	v4 =	vsub.s32 v4, v1;
	[tilespmem:v3+s14+$0x0] =	vst.idx.msk $0xffff, v34  }
0x140: {  	[tilespmem:v3+s26+$0x0] =	vst.idx.msk $0xffff, v4  }
0x141: {  	v3 =	vld [tilespmem:$0x630];
	_ =	sdelay $0x4  }
0x142: {  	v3 =	vsub.s32 v3, v0  }
0x143: {  	vm11 =	vlt.u32 v3, $0x3000  }
0x144: {  	v4 =	vld [tilespmem:$0x230];
	v3 =	vnsel vm11, $0x3010, v3;
	_ =	sdelay $0x2  }
0x145: {  	s31 =	sadd.s32 $0xFFFFFE40, s28  }
0x146: {  	v35 =	vor.u32 s31, v2  }
0x147: {  	v4 =	vsub.s32 v4, v1;
	[tilespmem:v3+s14+$0x0] =	vst.idx.msk $0xffff, v35  }
0x148: {  	[tilespmem:v3+s26+$0x0] =	vst.idx.msk $0xffff, v4  }
0x149: {  	v3 =	vld [tilespmem:$0x640];
	_ =	sdelay $0x4  }
0x14a: {  	v3 =	vsub.s32 v3, v0  }
0x14b: {  	vm12 =	vlt.u32 v3, $0x3000  }
0x14c: {  	v4 =	vld [tilespmem:$0x240];
	v3 =	vnsel vm12, $0x3010, v3;
	_ =	sdelay $0x2  }
0x14d: {  	s31 =	sadd.s32 $0xFFFFFE50, s28  }
0x14e: {  	v36 =	vor.u32 s31, v2  }
0x14f: {  	v4 =	vsub.s32 v4, v1;
	[tilespmem:v3+s14+$0x0] =	vst.idx.msk $0xffff, v36  }
0x150: {  	[tilespmem:v3+s26+$0x0] =	vst.idx.msk $0xffff, v4  }
0x151: {  	v3 =	vld [tilespmem:$0x650];
	_ =	sdelay $0x4  }
0x152: {  	v3 =	vsub.s32 v3, v0  }
0x153: {  	vm13 =	vlt.u32 v3, $0x3000  }
0x154: {  	v4 =	vld [tilespmem:$0x250];
	v3 =	vnsel vm13, $0x3010, v3;
	_ =	sdelay $0x2  }
0x155: {  	s31 =	sadd.s32 $0xFFFFFE60, s28  }
0x156: {  	v37 =	vor.u32 s31, v2  }
0x157: {  	v4 =	vsub.s32 v4, v1;
	[tilespmem:v3+s14+$0x0] =	vst.idx.msk $0xffff, v37  }
0x158: {  	[tilespmem:v3+s26+$0x0] =	vst.idx.msk $0xffff, v4  }
0x159: {  	v3 =	vld [tilespmem:$0x660];
	_ =	sdelay $0x4  }
0x15a: {  	v3 =	vsub.s32 v3, v0  }
0x15b: {  	vm14 =	vlt.u32 v3, $0x3000  }
0x15c: {  	v4 =	vld [tilespmem:$0x260];
	v3 =	vnsel vm14, $0x3010, v3;
	_ =	sdelay $0x2  }
0x15d: {  	s31 =	sadd.s32 $0xFFFFFE70, s28  }
0x15e: {  	v38 =	vor.u32 s31, v2  }
0x15f: {  	v4 =	vsub.s32 v4, v1;
	[tilespmem:v3+s14+$0x0] =	vst.idx.msk $0xffff, v38  }
0x160: {  	[tilespmem:v3+s26+$0x0] =	vst.idx.msk $0xffff, v4  }
0x161: {  	v3 =	vld [tilespmem:$0x670];
	_ =	sdelay $0x4  }
0x162: {  	v3 =	vsub.s32 v3, v0  }
0x163: {  	vm15 =	vlt.u32 v3, $0x3000  }
0x164: {  	v4 =	vld [tilespmem:$0x270];
	v3 =	vnsel vm15, $0x3010, v3;
	_ =	sdelay $0x2  }
0x165: {  	s31 =	sadd.s32 $0xFFFFFE80, s28  }
0x166: {  	v39 =	vor.u32 s31, v2  }
0x167: {  	v4 =	vsub.s32 v4, v1;
	[tilespmem:v3+s14+$0x0] =	vst.idx.msk $0xffff, v39  }
0x168: {  	[tilespmem:v3+s26+$0x0] =	vst.idx.msk $0xffff, v4  }
0x169: {  	v3 =	vld [tilespmem:$0x680];
	_ =	sdelay $0x4  }
0x16a: {  	v3 =	vsub.s32 v3, v0  }
0x16b: {  	vm4 =	vlt.u32 v3, $0x3000  }
0x16c: {  	v4 =	vld [tilespmem:$0x280];
	v3 =	vnsel vm4, $0x3010, v3;
	_ =	sdelay $0x2  }
0x16d: {  	s31 =	sadd.s32 $0xFFFFFE90, s28  }
0x16e: {  	v40 =	vor.u32 s31, v2  }
0x16f: {  	v4 =	vsub.s32 v4, v1;
	[tilespmem:v3+s14+$0x0] =	vst.idx.msk $0xffff, v40  }
0x170: {  	[tilespmem:v3+s26+$0x0] =	vst.idx.msk $0xffff, v4  }
0x171: {  	v3 =	vld [tilespmem:$0x690];
	_ =	sdelay $0x4  }
0x172: {  	v3 =	vsub.s32 v3, v0  }
0x173: {  	vm5 =	vlt.u32 v3, $0x3000  }
0x174: {  	v4 =	vld [tilespmem:$0x290];
	v3 =	vnsel vm5, $0x3010, v3;
	_ =	sdelay $0x2  }
0x175: {  	s31 =	sadd.s32 $0xFFFFFEA0, s28  }
0x176: {  	v41 =	vor.u32 s31, v2  }
0x177: {  	v4 =	vsub.s32 v4, v1;
	[tilespmem:v3+s14+$0x0] =	vst.idx.msk $0xffff, v41  }
0x178: {  	[tilespmem:v3+s26+$0x0] =	vst.idx.msk $0xffff, v4  }
0x179: {  	v3 =	vld [tilespmem:$0x6A0];
	_ =	sdelay $0x4  }
0x17a: {  	v3 =	vsub.s32 v3, v0  }
0x17b: {  	vm6 =	vlt.u32 v3, $0x3000  }
0x17c: {  	v4 =	vld [tilespmem:$0x2A0];
	v3 =	vnsel vm6, $0x3010, v3;
	_ =	sdelay $0x2  }
0x17d: {  	s31 =	sadd.s32 $0xFFFFFEB0, s28  }
0x17e: {  	v42 =	vor.u32 s31, v2  }
0x17f: {  	v4 =	vsub.s32 v4, v1;
	[tilespmem:v3+s14+$0x0] =	vst.idx.msk $0xffff, v42  }
0x180: {  	[tilespmem:v3+s26+$0x0] =	vst.idx.msk $0xffff, v4  }
0x181: {  	v3 =	vld [tilespmem:$0x6B0];
	_ =	sdelay $0x4  }
0x182: {  	v3 =	vsub.s32 v3, v0  }
0x183: {  	vm7 =	vlt.u32 v3, $0x3000  }
0x184: {  	v4 =	vld [tilespmem:$0x2B0];
	v3 =	vnsel vm7, $0x3010, v3;
	_ =	sdelay $0x2  }
0x185: {  	s31 =	sadd.s32 $0xFFFFFEC0, s28  }
0x186: {  	v43 =	vor.u32 s31, v2  }
0x187: {  	v4 =	vsub.s32 v4, v1;
	[tilespmem:v3+s14+$0x0] =	vst.idx.msk $0xffff, v43  }
0x188: {  	[tilespmem:v3+s26+$0x0] =	vst.idx.msk $0xffff, v4  }
0x189: {  	v3 =	vld [tilespmem:$0x6C0];
	_ =	sdelay $0x4  }
0x18a: {  	v3 =	vsub.s32 v3, v0  }
0x18b: {  	vm8 =	vlt.u32 v3, $0x3000  }
0x18c: {  	v4 =	vld [tilespmem:$0x2C0];
	v3 =	vnsel vm8, $0x3010, v3;
	_ =	sdelay $0x2  }
0x18d: {  	s31 =	sadd.s32 $0xFFFFFED0, s28  }
0x18e: {  	v44 =	vor.u32 s31, v2  }
0x18f: {  	v4 =	vsub.s32 v4, v1;
	[tilespmem:v3+s14+$0x0] =	vst.idx.msk $0xffff, v44  }
0x190: {  	[tilespmem:v3+s26+$0x0] =	vst.idx.msk $0xffff, v4  }
0x191: {  	v3 =	vld [tilespmem:$0x6D0];
	_ =	sdelay $0x4  }
0x192: {  	v3 =	vsub.s32 v3, v0  }
0x193: {  	vm9 =	vlt.u32 v3, $0x3000  }
0x194: {  	v4 =	vld [tilespmem:$0x2D0];
	v3 =	vnsel vm9, $0x3010, v3;
	_ =	sdelay $0x2  }
0x195: {  	s31 =	sadd.s32 $0xFFFFFEE0, s28  }
0x196: {  	v45 =	vor.u32 s31, v2  }
0x197: {  	v4 =	vsub.s32 v4, v1;
	[tilespmem:v3+s14+$0x0] =	vst.idx.msk $0xffff, v45  }
0x198: {  	[tilespmem:v3+s26+$0x0] =	vst.idx.msk $0xffff, v4  }
0x199: {  	v3 =	vld [tilespmem:$0x6E0];
	_ =	sdelay $0x4  }
0x19a: {  	v3 =	vsub.s32 v3, v0  }
0x19b: {  	vm10 =	vlt.u32 v3, $0x3000  }
0x19c: {  	v4 =	vld [tilespmem:$0x2E0];
	v3 =	vnsel vm10, $0x3010, v3;
	_ =	sdelay $0x2  }
0x19d: {  	s31 =	sadd.s32 $0xFFFFFEF0, s28  }
0x19e: {  	v46 =	vor.u32 s31, v2  }
0x19f: {  	v4 =	vsub.s32 v4, v1;
	[tilespmem:v3+s14+$0x0] =	vst.idx.msk $0xffff, v46  }
0x1a0: {  	[tilespmem:v3+s26+$0x0] =	vst.idx.msk $0xffff, v4  }
0x1a1: {  	v3 =	vld [tilespmem:$0x6F0];
	_ =	sdelay $0x4  }
0x1a2: {  	v3 =	vsub.s32 v3, v0  }
0x1a3: {  	vm11 =	vlt.u32 v3, $0x3000  }
0x1a4: {  	v4 =	vld [tilespmem:$0x2F0];
	v3 =	vnsel vm11, $0x3010, v3;
	_ =	sdelay $0x2  }
0x1a5: {  	s31 =	sadd.s32 $0xFFFFFF00, s28  }
0x1a6: {  	v47 =	vor.u32 s31, v2  }
0x1a7: {  	v4 =	vsub.s32 v4, v1;
	[tilespmem:v3+s14+$0x0] =	vst.idx.msk $0xffff, v47  }
0x1a8: {  	[tilespmem:v3+s26+$0x0] =	vst.idx.msk $0xffff, v4  }
0x1a9: {  	v3 =	vld [tilespmem:$0x700];
	_ =	sdelay $0x4  }
0x1aa: {  	v3 =	vsub.s32 v3, v0  }
0x1ab: {  	vm12 =	vlt.u32 v3, $0x3000  }
0x1ac: {  	v4 =	vld [tilespmem:$0x300];
	v3 =	vnsel vm12, $0x3010, v3;
	_ =	sdelay $0x2  }
0x1ad: {  	s31 =	sadd.s32 $0xFFFFFF10, s28  }
0x1ae: {  	v48 =	vor.u32 s31, v2  }
0x1af: {  	v4 =	vsub.s32 v4, v1;
	[tilespmem:v3+s14+$0x0] =	vst.idx.msk $0xffff, v48  }
0x1b0: {  	[tilespmem:v3+s26+$0x0] =	vst.idx.msk $0xffff, v4  }
0x1b1: {  	v3 =	vld [tilespmem:$0x710];
	_ =	sdelay $0x4  }
0x1b2: {  	v3 =	vsub.s32 v3, v0  }
0x1b3: {  	vm13 =	vlt.u32 v3, $0x3000  }
0x1b4: {  	v4 =	vld [tilespmem:$0x310];
	v3 =	vnsel vm13, $0x3010, v3;
	_ =	sdelay $0x2  }
0x1b5: {  	s31 =	sadd.s32 $0xFFFFFF20, s28  }
0x1b6: {  	v49 =	vor.u32 s31, v2  }
0x1b7: {  	v4 =	vsub.s32 v4, v1;
	[tilespmem:v3+s14+$0x0] =	vst.idx.msk $0xffff, v49  }
0x1b8: {  	[tilespmem:v3+s26+$0x0] =	vst.idx.msk $0xffff, v4  }
0x1b9: {  	v3 =	vld [tilespmem:$0x720];
	_ =	sdelay $0x4  }
0x1ba: {  	v3 =	vsub.s32 v3, v0  }
0x1bb: {  	vm14 =	vlt.u32 v3, $0x3000  }
0x1bc: {  	v4 =	vld [tilespmem:$0x320];
	v3 =	vnsel vm14, $0x3010, v3;
	_ =	sdelay $0x2  }
0x1bd: {  	s31 =	sadd.s32 $0xFFFFFF30, s28  }
0x1be: {  	v50 =	vor.u32 s31, v2  }
0x1bf: {  	v4 =	vsub.s32 v4, v1;
	[tilespmem:v3+s14+$0x0] =	vst.idx.msk $0xffff, v50  }
0x1c0: {  	[tilespmem:v3+s26+$0x0] =	vst.idx.msk $0xffff, v4  }
0x1c1: {  	v3 =	vld [tilespmem:$0x730];
	_ =	sdelay $0x4  }
0x1c2: {  	v3 =	vsub.s32 v3, v0  }
0x1c3: {  	vm15 =	vlt.u32 v3, $0x3000  }
0x1c4: {  	v4 =	vld [tilespmem:$0x330];
	v3 =	vnsel vm15, $0x3010, v3;
	_ =	sdelay $0x2  }
0x1c5: {  	s31 =	sadd.s32 $0xFFFFFF40, s28  }
0x1c6: {  	v51 =	vor.u32 s31, v2  }
0x1c7: {  	v4 =	vsub.s32 v4, v1;
	[tilespmem:v3+s14+$0x0] =	vst.idx.msk $0xffff, v51  }
0x1c8: {  	[tilespmem:v3+s26+$0x0] =	vst.idx.msk $0xffff, v4  }
0x1c9: {  	v3 =	vld [tilespmem:$0x740];
	_ =	sdelay $0x4  }
0x1ca: {  	v3 =	vsub.s32 v3, v0  }
0x1cb: {  	vm4 =	vlt.u32 v3, $0x3000  }
0x1cc: {  	v4 =	vld [tilespmem:$0x340];
	v3 =	vnsel vm4, $0x3010, v3;
	_ =	sdelay $0x2  }
0x1cd: {  	s31 =	sadd.s32 $0xFFFFFF50, s28  }
0x1ce: {  	v52 =	vor.u32 s31, v2  }
0x1cf: {  	v4 =	vsub.s32 v4, v1;
	[tilespmem:v3+s14+$0x0] =	vst.idx.msk $0xffff, v52  }
0x1d0: {  	[tilespmem:v3+s26+$0x0] =	vst.idx.msk $0xffff, v4  }
0x1d1: {  	v3 =	vld [tilespmem:$0x750];
	_ =	sdelay $0x4  }
0x1d2: {  	v3 =	vsub.s32 v3, v0  }
0x1d3: {  	vm5 =	vlt.u32 v3, $0x3000  }
0x1d4: {  	v4 =	vld [tilespmem:$0x350];
	v3 =	vnsel vm5, $0x3010, v3;
	_ =	sdelay $0x2  }
0x1d5: {  	s31 =	sadd.s32 $0xFFFFFF60, s28  }
0x1d6: {  	v53 =	vor.u32 s31, v2  }
0x1d7: {  	v4 =	vsub.s32 v4, v1;
	[tilespmem:v3+s14+$0x0] =	vst.idx.msk $0xffff, v53  }
0x1d8: {  	[tilespmem:v3+s26+$0x0] =	vst.idx.msk $0xffff, v4  }
0x1d9: {  	v3 =	vld [tilespmem:$0x760];
	_ =	sdelay $0x4  }
0x1da: {  	v3 =	vsub.s32 v3, v0  }
0x1db: {  	vm6 =	vlt.u32 v3, $0x3000  }
0x1dc: {  	v4 =	vld [tilespmem:$0x360];
	v3 =	vnsel vm6, $0x3010, v3;
	_ =	sdelay $0x2  }
0x1dd: {  	s31 =	sadd.s32 $0xFFFFFF70, s28  }
0x1de: {  	v54 =	vor.u32 s31, v2  }
0x1df: {  	v4 =	vsub.s32 v4, v1;
	[tilespmem:v3+s14+$0x0] =	vst.idx.msk $0xffff, v54  }
0x1e0: {  	[tilespmem:v3+s26+$0x0] =	vst.idx.msk $0xffff, v4  }
0x1e1: {  	v3 =	vld [tilespmem:$0x770];
	_ =	sdelay $0x4  }
0x1e2: {  	v3 =	vsub.s32 v3, v0  }
0x1e3: {  	vm7 =	vlt.u32 v3, $0x3000  }
0x1e4: {  	v4 =	vld [tilespmem:$0x370];
	v3 =	vnsel vm7, $0x3010, v3;
	_ =	sdelay $0x2  }
0x1e5: {  	s31 =	sadd.s32 $0xFFFFFF80, s28  }
0x1e6: {  	v55 =	vor.u32 s31, v2  }
0x1e7: {  	v4 =	vsub.s32 v4, v1;
	[tilespmem:v3+s14+$0x0] =	vst.idx.msk $0xffff, v55  }
0x1e8: {  	[tilespmem:v3+s26+$0x0] =	vst.idx.msk $0xffff, v4  }
0x1e9: {  	v3 =	vld [tilespmem:$0x780];
	_ =	sdelay $0x4  }
0x1ea: {  	v3 =	vsub.s32 v3, v0  }
0x1eb: {  	vm8 =	vlt.u32 v3, $0x3000  }
0x1ec: {  	v4 =	vld [tilespmem:$0x380];
	v3 =	vnsel vm8, $0x3010, v3;
	_ =	sdelay $0x2  }
0x1ed: {  	s31 =	sadd.s32 $0xFFFFFF90, s28  }
0x1ee: {  	v56 =	vor.u32 s31, v2  }
0x1ef: {  	v4 =	vsub.s32 v4, v1;
	[tilespmem:v3+s14+$0x0] =	vst.idx.msk $0xffff, v56  }
0x1f0: {  	[tilespmem:v3+s26+$0x0] =	vst.idx.msk $0xffff, v4  }
0x1f1: {  	v3 =	vld [tilespmem:$0x790];
	_ =	sdelay $0x4  }
0x1f2: {  	v3 =	vsub.s32 v3, v0  }
0x1f3: {  	vm9 =	vlt.u32 v3, $0x3000  }
0x1f4: {  	v4 =	vld [tilespmem:$0x390];
	v3 =	vnsel vm9, $0x3010, v3;
	_ =	sdelay $0x2  }
0x1f5: {  	s31 =	sadd.s32 $0xFFFFFFA0, s28  }
0x1f6: {  	v57 =	vor.u32 s31, v2  }
0x1f7: {  	v4 =	vsub.s32 v4, v1;
	[tilespmem:v3+s14+$0x0] =	vst.idx.msk $0xffff, v57  }
0x1f8: {  	[tilespmem:v3+s26+$0x0] =	vst.idx.msk $0xffff, v4  }
0x1f9: {  	v3 =	vld [tilespmem:$0x7A0];
	_ =	sdelay $0x4  }
0x1fa: {  	v3 =	vsub.s32 v3, v0  }
0x1fb: {  	vm10 =	vlt.u32 v3, $0x3000  }
0x1fc: {  	v4 =	vld [tilespmem:$0x3A0];
	v3 =	vnsel vm10, $0x3010, v3;
	_ =	sdelay $0x2  }
0x1fd: {  	s31 =	sadd.s32 $0xFFFFFFB0, s28  }
0x1fe: {  	v58 =	vor.u32 s31, v2  }
0x1ff: {  	v4 =	vsub.s32 v4, v1;
	[tilespmem:v3+s14+$0x0] =	vst.idx.msk $0xffff, v58  }
0x200: {  	[tilespmem:v3+s26+$0x0] =	vst.idx.msk $0xffff, v4  }
0x201: {  	v3 =	vld [tilespmem:$0x7B0];
	_ =	sdelay $0x4  }
0x202: {  	v3 =	vsub.s32 v3, v0  }
0x203: {  	vm11 =	vlt.u32 v3, $0x3000  }
0x204: {  	v4 =	vld [tilespmem:$0x3B0];
	v3 =	vnsel vm11, $0x3010, v3;
	_ =	sdelay $0x2  }
0x205: {  	s31 =	sadd.s32 $0xFFFFFFC0, s28  }
0x206: {  	v59 =	vor.u32 s31, v2  }
0x207: {  	v4 =	vsub.s32 v4, v1;
	[tilespmem:v3+s14+$0x0] =	vst.idx.msk $0xffff, v59  }
0x208: {  	[tilespmem:v3+s26+$0x0] =	vst.idx.msk $0xffff, v4  }
0x209: {  	v3 =	vld [tilespmem:$0x7C0];
	_ =	sdelay $0x4  }
0x20a: {  	v3 =	vsub.s32 v3, v0  }
0x20b: {  	vm12 =	vlt.u32 v3, $0x3000  }
0x20c: {  	v4 =	vld [tilespmem:$0x3C0];
	v3 =	vnsel vm12, $0x3010, v3;
	_ =	sdelay $0x2  }
0x20d: {  	s31 =	sadd.s32 $0xFFFFFFD0, s28  }
0x20e: {  	v60 =	vor.u32 s31, v2  }
0x20f: {  	v4 =	vsub.s32 v4, v1;
	[tilespmem:v3+s14+$0x0] =	vst.idx.msk $0xffff, v60  }
0x210: {  	[tilespmem:v3+s26+$0x0] =	vst.idx.msk $0xffff, v4  }
0x211: {  	v3 =	vld [tilespmem:$0x7D0];
	_ =	sdelay $0x4  }
0x212: {  	v3 =	vsub.s32 v3, v0  }
0x213: {  	vm13 =	vlt.u32 v3, $0x3000  }
0x214: {  	v4 =	vld [tilespmem:$0x3D0];
	v3 =	vnsel vm13, $0x3010, v3;
	_ =	sdelay $0x2  }
0x215: {  	s31 =	sadd.s32 $0xFFFFFFE0, s28  }
0x216: {  	v61 =	vor.u32 s31, v2  }
0x217: {  	v4 =	vsub.s32 v4, v1;
	[tilespmem:v3+s14+$0x0] =	vst.idx.msk $0xffff, v61  }
0x218: {  	[tilespmem:v3+s26+$0x0] =	vst.idx.msk $0xffff, v4  }
0x219: {  	v3 =	vld [tilespmem:$0x7E0];
	_ =	sdelay $0x4  }
0x21a: {  	v3 =	vsub.s32 v3, v0  }
0x21b: {  	vm14 =	vlt.u32 v3, $0x3000  }
0x21c: {  	v4 =	vld [tilespmem:$0x3E0];
	v3 =	vnsel vm14, $0x3010, v3;
	_ =	sdelay $0x2  }
0x21d: {  	s31 =	sadd.s32 $0xFFFFFFF0, s28  }
0x21e: {  	v62 =	vor.u32 s31, v2  }
0x21f: {  	v4 =	vsub.s32 v4, v1;
	[tilespmem:v3+s14+$0x0] =	vst.idx.msk $0xffff, v62  }
0x220: {  	[tilespmem:v3+s26+$0x0] =	vst.idx.msk $0xffff, v4  }
0x221: {  	v3 =	vld [tilespmem:$0x7F0];
	_ =	sdelay $0x4  }
0x222: {  	v3 =	vsub.s32 v3, v0  }
0x223: {  	vm15 =	vlt.u32 v3, $0x3000  }
0x224: {  	v4 =	vld [tilespmem:$0x3F0];
	v3 =	vnsel vm15, $0x3010, v3  }
0x225: {  	p0 =	sne.s32 s28, $0x4FFF0  }
.Ltmp0:
0x226: {  	_ = 	snop;
	(pc) =	sbr.rel @p0 .LBB2_2-.Ltmp0, $4  }
0x227: {  	_ = 	snop  }
0x228: {  	v63 =	vor.u32 s28, v2  }
0x229: {  	v4 =	vsub.s32 v4, v1;
	[tilespmem:v3+s14+$0x0] =	vst.idx.msk $0xffff, v63  }
0x22a: {  	s30 =	sadd.s32 $0x80, s30;
	s29 =	sadd.s32 $0x80, s29;
	s28 =	sadd.s32 $0x400, s28;
	[tilespmem:v3+s26+$0x0] =	vst.idx.msk $0xffff, v4  }
.LBB2_3:
0x22b: {  	s28 =	sshll.u32 s25, $0x6  }
0x22c: {  	s28 =	sadd.s32 $0x800, s28  }
0x22d: {  	[tilespmem:s20], [sflag:$0x1] =	stream.indirect.gather [hbm4b:s4+s19], $0x80, s28, s19, $0xb8;
	[tilespmem:$0x1F100] =	vst v63  }
0x22e: {  	_ = 	snop  }
0x22f: {  	[tilespmem:s21], [sflag:$0x2] =	stream.indirect.gather [hbm4b:s5+s19], $0x80, s28, s19, $0xb8;
	[tilespmem:$0x1F100] =	vst v63  }
0x230: {  	_ =	swait.ge [sflag:s22], $0x2000  }
0x231: {  	[sflag:s22] =	ssyncset.done $0x0  }
0x232: {  	[sflag:s22] =	ssyncadd.s32 $0xFFFFE000  }
0x233: {  	_ =	swait.ge [sflag:s23], $0x2000  }
0x234: {  	[sflag:s23] =	ssyncset.done $0x0  }
0x235: {  	s29 =	simm.s32 $0x0;
	s28 =	smov.u32 s26;
	[sflag:s23] =	ssyncadd.s32 $0xFFFFE000  }
.LBB2_4:
0x236: {  	v3 =	vmov s29;
	v4 =	vmul.u32 $0x80, v2  }
0x237: {  	v3 =	vshll.u32 v3, $0x7  }
0x238: {  	v5 =	vld [tilespmem:s28+$0x0];
	v3 =	vor.u32 v4, v3;
	_ =	sdelay $0x4  }
0x239: {  	v4 =	vshll.u32 v5, $0x7;
	v6 =	vld.idx.msk [tilespmem:v3+s20+$0x0], $0xffff  }
0x23a: {  	v5 =	vor.u32 $0x1, v3;
	_ =	sdelay $0x3  }
0x23b: {  	[tilespmem:v4+s17+$0x0] =	vst.idx.add.f32.msk $0xffff, v6  }
0x23c: {  	v6 =	vor.u32 $0x1, v4;
	v8 =	vld.idx.msk [tilespmem:v5+s20+$0x0], $0xffff  }
0x23d: {  	v7 =	vor.u32 $0x2, v3;
	_ =	sdelay $0x3  }
0x23e: {  	[tilespmem:v6+s17+$0x0] =	vst.idx.add.f32.msk $0xffff, v8  }
0x23f: {  	v8 =	vor.u32 $0x2, v4;
	v10 =	vld.idx.msk [tilespmem:v7+s20+$0x0], $0xffff  }
0x240: {  	v9 =	vor.u32 $0x3, v3;
	_ =	sdelay $0x3  }
0x241: {  	[tilespmem:v8+s17+$0x0] =	vst.idx.add.f32.msk $0xffff, v10  }
0x242: {  	v10 =	vor.u32 $0x3, v4;
	v12 =	vld.idx.msk [tilespmem:v9+s20+$0x0], $0xffff  }
0x243: {  	v11 =	vor.u32 $0x4, v3;
	_ =	sdelay $0x3  }
0x244: {  	[tilespmem:v10+s17+$0x0] =	vst.idx.add.f32.msk $0xffff, v12  }
0x245: {  	v12 =	vor.u32 $0x4, v4;
	v14 =	vld.idx.msk [tilespmem:v11+s20+$0x0], $0xffff  }
0x246: {  	v13 =	vor.u32 $0x5, v3;
	_ =	sdelay $0x3  }
0x247: {  	[tilespmem:v12+s17+$0x0] =	vst.idx.add.f32.msk $0xffff, v14  }
0x248: {  	v14 =	vor.u32 $0x5, v4;
	v16 =	vld.idx.msk [tilespmem:v13+s20+$0x0], $0xffff  }
0x249: {  	v15 =	vor.u32 $0x6, v3;
	_ =	sdelay $0x3  }
0x24a: {  	[tilespmem:v14+s17+$0x0] =	vst.idx.add.f32.msk $0xffff, v16  }
0x24b: {  	v16 =	vor.u32 $0x6, v4;
	v18 =	vld.idx.msk [tilespmem:v15+s20+$0x0], $0xffff  }
0x24c: {  	v17 =	vor.u32 $0x7, v3;
	_ =	sdelay $0x3  }
0x24d: {  	[tilespmem:v16+s17+$0x0] =	vst.idx.add.f32.msk $0xffff, v18  }
0x24e: {  	v18 =	vor.u32 $0x7, v4;
	v20 =	vld.idx.msk [tilespmem:v17+s20+$0x0], $0xffff  }
0x24f: {  	v19 =	vor.u32 $0x8, v3;
	_ =	sdelay $0x3  }
0x250: {  	[tilespmem:v18+s17+$0x0] =	vst.idx.add.f32.msk $0xffff, v20  }
0x251: {  	v20 =	vor.u32 $0x8, v4;
	v22 =	vld.idx.msk [tilespmem:v19+s20+$0x0], $0xffff  }
0x252: {  	v21 =	vor.u32 $0x9, v3;
	_ =	sdelay $0x3  }
0x253: {  	[tilespmem:v20+s17+$0x0] =	vst.idx.add.f32.msk $0xffff, v22  }
0x254: {  	v22 =	vor.u32 $0x9, v4;
	v24 =	vld.idx.msk [tilespmem:v21+s20+$0x0], $0xffff  }
0x255: {  	v23 =	vor.u32 $0xA, v3;
	_ =	sdelay $0x3  }
0x256: {  	[tilespmem:v22+s17+$0x0] =	vst.idx.add.f32.msk $0xffff, v24  }
0x257: {  	v24 =	vor.u32 $0xA, v4;
	v26 =	vld.idx.msk [tilespmem:v23+s20+$0x0], $0xffff  }
0x258: {  	v25 =	vor.u32 $0xB, v3;
	_ =	sdelay $0x3  }
0x259: {  	[tilespmem:v24+s17+$0x0] =	vst.idx.add.f32.msk $0xffff, v26  }
0x25a: {  	v26 =	vor.u32 $0xB, v4;
	v28 =	vld.idx.msk [tilespmem:v25+s20+$0x0], $0xffff  }
0x25b: {  	v27 =	vor.u32 $0xC, v3;
	_ =	sdelay $0x3  }
0x25c: {  	[tilespmem:v26+s17+$0x0] =	vst.idx.add.f32.msk $0xffff, v28  }
0x25d: {  	v28 =	vor.u32 $0xC, v4;
	v30 =	vld.idx.msk [tilespmem:v27+s20+$0x0], $0xffff  }
0x25e: {  	v29 =	vor.u32 $0xD, v3;
	_ =	sdelay $0x3  }
0x25f: {  	[tilespmem:v28+s17+$0x0] =	vst.idx.add.f32.msk $0xffff, v30  }
0x260: {  	v30 =	vor.u32 $0xD, v4;
	v32 =	vld.idx.msk [tilespmem:v29+s20+$0x0], $0xffff  }
0x261: {  	v31 =	vor.u32 $0xE, v3;
	_ =	sdelay $0x3  }
0x262: {  	[tilespmem:v30+s17+$0x0] =	vst.idx.add.f32.msk $0xffff, v32  }
0x263: {  	v32 =	vor.u32 $0xE, v4;
	v34 =	vld.idx.msk [tilespmem:v31+s20+$0x0], $0xffff  }
0x264: {  	v33 =	vor.u32 $0xF, v3;
	_ =	sdelay $0x3  }
0x265: {  	[tilespmem:v32+s17+$0x0] =	vst.idx.add.f32.msk $0xffff, v34  }
0x266: {  	v34 =	vor.u32 $0xF, v4;
	v35 =	vld.idx.msk [tilespmem:v33+s20+$0x0], $0xffff  }
0x267: {  	v36 =	vor.u32 $0x10, v3;
	_ =	sdelay $0x3  }
0x268: {  	[tilespmem:v34+s17+$0x0] =	vst.idx.add.f32.msk $0xffff, v35  }
0x269: {  	v58 =	vor.u32 $0x10, v4;
	v35 =	vld.idx.msk [tilespmem:v36+s20+$0x0], $0xffff  }
0x26a: {  	v37 =	vor.u32 $0x11, v3;
	_ =	sdelay $0x3  }
0x26b: {  	[tilespmem:v58+s17+$0x0] =	vst.idx.add.f32.msk $0xffff, v35  }
0x26c: {  	v59 =	vor.u32 $0x11, v4;
	v35 =	vld.idx.msk [tilespmem:v37+s20+$0x0], $0xffff  }
0x26d: {  	v60 =	vor.u32 $0x12, v3;
	_ =	sdelay $0x3  }
0x26e: {  	[tilespmem:v59+s17+$0x0] =	vst.idx.add.f32.msk $0xffff, v35  }
0x26f: {  	v61 =	vor.u32 $0x12, v4;
	v35 =	vld.idx.msk [tilespmem:v60+s20+$0x0], $0xffff  }
0x270: {  	v62 =	vor.u32 $0x13, v3;
	_ =	sdelay $0x3  }
0x271: {  	[tilespmem:v61+s17+$0x0] =	vst.idx.add.f32.msk $0xffff, v35  }
0x272: {  	v63 =	vor.u32 $0x13, v4;
	v35 =	vld.idx.msk [tilespmem:v62+s20+$0x0], $0xffff  }
0x273: {  	v40 =	vor.u32 $0x14, v3;
	_ =	sdelay $0x3  }
0x274: {  	[tilespmem:v63+s17+$0x0] =	vst.idx.add.f32.msk $0xffff, v35  }
0x275: {  	v41 =	vor.u32 $0x14, v4;
	v35 =	vld.idx.msk [tilespmem:v40+s20+$0x0], $0xffff  }
0x276: {  	v42 =	vor.u32 $0x15, v3;
	_ =	sdelay $0x3  }
0x277: {  	[tilespmem:v41+s17+$0x0] =	vst.idx.add.f32.msk $0xffff, v35  }
0x278: {  	v43 =	vor.u32 $0x15, v4;
	v35 =	vld.idx.msk [tilespmem:v42+s20+$0x0], $0xffff  }
0x279: {  	v44 =	vor.u32 $0x16, v3;
	_ =	sdelay $0x3  }
0x27a: {  	[tilespmem:v43+s17+$0x0] =	vst.idx.add.f32.msk $0xffff, v35  }
0x27b: {  	v45 =	vor.u32 $0x16, v4;
	v35 =	vld.idx.msk [tilespmem:v44+s20+$0x0], $0xffff  }
0x27c: {  	v46 =	vor.u32 $0x17, v3;
	_ =	sdelay $0x3  }
0x27d: {  	[tilespmem:v45+s17+$0x0] =	vst.idx.add.f32.msk $0xffff, v35  }
0x27e: {  	v47 =	vor.u32 $0x17, v4;
	v35 =	vld.idx.msk [tilespmem:v46+s20+$0x0], $0xffff  }
0x27f: {  	v48 =	vor.u32 $0x18, v3;
	_ =	sdelay $0x3  }
0x280: {  	[tilespmem:v47+s17+$0x0] =	vst.idx.add.f32.msk $0xffff, v35  }
0x281: {  	v49 =	vor.u32 $0x18, v4;
	v35 =	vld.idx.msk [tilespmem:v48+s20+$0x0], $0xffff  }
0x282: {  	v50 =	vor.u32 $0x19, v3;
	_ =	sdelay $0x3  }
0x283: {  	[tilespmem:v49+s17+$0x0] =	vst.idx.add.f32.msk $0xffff, v35  }
0x284: {  	v51 =	vor.u32 $0x19, v4;
	v35 =	vld.idx.msk [tilespmem:v50+s20+$0x0], $0xffff  }
0x285: {  	v52 =	vor.u32 $0x1A, v3;
	_ =	sdelay $0x3  }
0x286: {  	[tilespmem:v51+s17+$0x0] =	vst.idx.add.f32.msk $0xffff, v35  }
0x287: {  	v53 =	vor.u32 $0x1A, v4;
	v35 =	vld.idx.msk [tilespmem:v52+s20+$0x0], $0xffff  }
0x288: {  	v54 =	vor.u32 $0x1B, v3;
	_ =	sdelay $0x3  }
0x289: {  	[tilespmem:v53+s17+$0x0] =	vst.idx.add.f32.msk $0xffff, v35  }
0x28a: {  	v55 =	vor.u32 $0x1B, v4;
	v35 =	vld.idx.msk [tilespmem:v54+s20+$0x0], $0xffff  }
0x28b: {  	v56 =	vor.u32 $0x1C, v3;
	_ =	sdelay $0x3  }
0x28c: {  	[tilespmem:v55+s17+$0x0] =	vst.idx.add.f32.msk $0xffff, v35  }
0x28d: {  	v57 =	vor.u32 $0x1C, v4;
	v35 =	vld.idx.msk [tilespmem:v56+s20+$0x0], $0xffff  }
0x28e: {  	v58 =	vor.u32 $0x1D, v3;
	_ =	sdelay $0x3  }
0x28f: {  	[tilespmem:v57+s17+$0x0] =	vst.idx.add.f32.msk $0xffff, v35  }
0x290: {  	v59 =	vor.u32 $0x1D, v4;
	v35 =	vld.idx.msk [tilespmem:v58+s20+$0x0], $0xffff  }
0x291: {  	v60 =	vor.u32 $0x1E, v3;
	_ =	sdelay $0x3  }
0x292: {  	[tilespmem:v59+s17+$0x0] =	vst.idx.add.f32.msk $0xffff, v35  }
0x293: {  	v61 =	vor.u32 $0x1E, v4;
	v35 =	vld.idx.msk [tilespmem:v60+s20+$0x0], $0xffff  }
0x294: {  	v62 =	vor.u32 $0x1F, v3;
	_ =	sdelay $0x3  }
0x295: {  	[tilespmem:v61+s17+$0x0] =	vst.idx.add.f32.msk $0xffff, v35  }
0x296: {  	v63 =	vor.u32 $0x1F, v4;
	v35 =	vld.idx.msk [tilespmem:v62+s20+$0x0], $0xffff  }
0x297: {  	v40 =	vor.u32 $0x20, v3;
	_ =	sdelay $0x3  }
0x298: {  	[tilespmem:v63+s17+$0x0] =	vst.idx.add.f32.msk $0xffff, v35  }
0x299: {  	v41 =	vor.u32 $0x20, v4;
	v35 =	vld.idx.msk [tilespmem:v40+s20+$0x0], $0xffff  }
0x29a: {  	v42 =	vor.u32 $0x21, v3;
	_ =	sdelay $0x3  }
0x29b: {  	[tilespmem:v41+s17+$0x0] =	vst.idx.add.f32.msk $0xffff, v35  }
0x29c: {  	v43 =	vor.u32 $0x21, v4;
	v35 =	vld.idx.msk [tilespmem:v42+s20+$0x0], $0xffff  }
0x29d: {  	v44 =	vor.u32 $0x22, v3;
	_ =	sdelay $0x3  }
0x29e: {  	[tilespmem:v43+s17+$0x0] =	vst.idx.add.f32.msk $0xffff, v35  }
0x29f: {  	v45 =	vor.u32 $0x22, v4;
	v35 =	vld.idx.msk [tilespmem:v44+s20+$0x0], $0xffff  }
0x2a0: {  	v46 =	vor.u32 $0x23, v3;
	_ =	sdelay $0x3  }
0x2a1: {  	[tilespmem:v45+s17+$0x0] =	vst.idx.add.f32.msk $0xffff, v35  }
0x2a2: {  	v47 =	vor.u32 $0x23, v4;
	v35 =	vld.idx.msk [tilespmem:v46+s20+$0x0], $0xffff  }
0x2a3: {  	v48 =	vor.u32 $0x24, v3;
	_ =	sdelay $0x3  }
0x2a4: {  	[tilespmem:v47+s17+$0x0] =	vst.idx.add.f32.msk $0xffff, v35  }
0x2a5: {  	v49 =	vor.u32 $0x24, v4;
	v35 =	vld.idx.msk [tilespmem:v48+s20+$0x0], $0xffff  }
0x2a6: {  	v50 =	vor.u32 $0x25, v3;
	_ =	sdelay $0x3  }
0x2a7: {  	[tilespmem:v49+s17+$0x0] =	vst.idx.add.f32.msk $0xffff, v35  }
0x2a8: {  	v51 =	vor.u32 $0x25, v4;
	v35 =	vld.idx.msk [tilespmem:v50+s20+$0x0], $0xffff  }
0x2a9: {  	v52 =	vor.u32 $0x26, v3;
	_ =	sdelay $0x3  }
0x2aa: {  	[tilespmem:v51+s17+$0x0] =	vst.idx.add.f32.msk $0xffff, v35  }
0x2ab: {  	v53 =	vor.u32 $0x26, v4;
	v35 =	vld.idx.msk [tilespmem:v52+s20+$0x0], $0xffff  }
0x2ac: {  	v54 =	vor.u32 $0x27, v3;
	_ =	sdelay $0x3  }
0x2ad: {  	[tilespmem:v53+s17+$0x0] =	vst.idx.add.f32.msk $0xffff, v35  }
0x2ae: {  	v55 =	vor.u32 $0x27, v4;
	v35 =	vld.idx.msk [tilespmem:v54+s20+$0x0], $0xffff  }
0x2af: {  	v56 =	vor.u32 $0x28, v3;
	_ =	sdelay $0x3  }
0x2b0: {  	[tilespmem:v55+s17+$0x0] =	vst.idx.add.f32.msk $0xffff, v35  }
0x2b1: {  	v57 =	vor.u32 $0x28, v4;
	v35 =	vld.idx.msk [tilespmem:v56+s20+$0x0], $0xffff  }
0x2b2: {  	v58 =	vor.u32 $0x29, v3;
	_ =	sdelay $0x3  }
0x2b3: {  	[tilespmem:v57+s17+$0x0] =	vst.idx.add.f32.msk $0xffff, v35  }
0x2b4: {  	v59 =	vor.u32 $0x29, v4;
	v35 =	vld.idx.msk [tilespmem:v58+s20+$0x0], $0xffff  }
0x2b5: {  	v60 =	vor.u32 $0x2A, v3;
	_ =	sdelay $0x3  }
0x2b6: {  	[tilespmem:v59+s17+$0x0] =	vst.idx.add.f32.msk $0xffff, v35  }
0x2b7: {  	v61 =	vor.u32 $0x2A, v4;
	v35 =	vld.idx.msk [tilespmem:v60+s20+$0x0], $0xffff  }
0x2b8: {  	v62 =	vor.u32 $0x2B, v3;
	_ =	sdelay $0x3  }
0x2b9: {  	[tilespmem:v61+s17+$0x0] =	vst.idx.add.f32.msk $0xffff, v35  }
0x2ba: {  	v63 =	vor.u32 $0x2B, v4;
	v35 =	vld.idx.msk [tilespmem:v62+s20+$0x0], $0xffff  }
0x2bb: {  	v40 =	vor.u32 $0x2C, v3;
	_ =	sdelay $0x3  }
0x2bc: {  	[tilespmem:v63+s17+$0x0] =	vst.idx.add.f32.msk $0xffff, v35  }
0x2bd: {  	v41 =	vor.u32 $0x2C, v4;
	v35 =	vld.idx.msk [tilespmem:v40+s20+$0x0], $0xffff  }
0x2be: {  	v42 =	vor.u32 $0x2D, v3;
	_ =	sdelay $0x3  }
0x2bf: {  	[tilespmem:v41+s17+$0x0] =	vst.idx.add.f32.msk $0xffff, v35  }
0x2c0: {  	v43 =	vor.u32 $0x2D, v4;
	v35 =	vld.idx.msk [tilespmem:v42+s20+$0x0], $0xffff  }
0x2c1: {  	v44 =	vor.u32 $0x2E, v3;
	_ =	sdelay $0x3  }
0x2c2: {  	[tilespmem:v43+s17+$0x0] =	vst.idx.add.f32.msk $0xffff, v35  }
0x2c3: {  	v45 =	vor.u32 $0x2E, v4;
	v35 =	vld.idx.msk [tilespmem:v44+s20+$0x0], $0xffff  }
0x2c4: {  	v46 =	vor.u32 $0x2F, v3;
	_ =	sdelay $0x3  }
0x2c5: {  	[tilespmem:v45+s17+$0x0] =	vst.idx.add.f32.msk $0xffff, v35  }
0x2c6: {  	v47 =	vor.u32 $0x2F, v4;
	v35 =	vld.idx.msk [tilespmem:v46+s20+$0x0], $0xffff  }
0x2c7: {  	v48 =	vor.u32 $0x30, v3;
	_ =	sdelay $0x3  }
0x2c8: {  	[tilespmem:v47+s17+$0x0] =	vst.idx.add.f32.msk $0xffff, v35  }
0x2c9: {  	v49 =	vor.u32 $0x30, v4;
	v35 =	vld.idx.msk [tilespmem:v48+s20+$0x0], $0xffff  }
0x2ca: {  	v50 =	vor.u32 $0x31, v3;
	_ =	sdelay $0x3  }
0x2cb: {  	[tilespmem:v49+s17+$0x0] =	vst.idx.add.f32.msk $0xffff, v35  }
0x2cc: {  	v51 =	vor.u32 $0x31, v4;
	v35 =	vld.idx.msk [tilespmem:v50+s20+$0x0], $0xffff  }
0x2cd: {  	v52 =	vor.u32 $0x32, v3;
	_ =	sdelay $0x3  }
0x2ce: {  	[tilespmem:v51+s17+$0x0] =	vst.idx.add.f32.msk $0xffff, v35  }
0x2cf: {  	v53 =	vor.u32 $0x32, v4;
	v35 =	vld.idx.msk [tilespmem:v52+s20+$0x0], $0xffff  }
0x2d0: {  	v54 =	vor.u32 $0x33, v3;
	_ =	sdelay $0x3  }
0x2d1: {  	[tilespmem:v53+s17+$0x0] =	vst.idx.add.f32.msk $0xffff, v35  }
0x2d2: {  	v55 =	vor.u32 $0x33, v4;
	v35 =	vld.idx.msk [tilespmem:v54+s20+$0x0], $0xffff  }
0x2d3: {  	v56 =	vor.u32 $0x34, v3;
	_ =	sdelay $0x3  }
0x2d4: {  	[tilespmem:v55+s17+$0x0] =	vst.idx.add.f32.msk $0xffff, v35  }
0x2d5: {  	v57 =	vor.u32 $0x34, v4;
	v35 =	vld.idx.msk [tilespmem:v56+s20+$0x0], $0xffff  }
0x2d6: {  	v58 =	vor.u32 $0x35, v3;
	_ =	sdelay $0x3  }
0x2d7: {  	[tilespmem:v57+s17+$0x0] =	vst.idx.add.f32.msk $0xffff, v35  }
0x2d8: {  	v59 =	vor.u32 $0x35, v4;
	v35 =	vld.idx.msk [tilespmem:v58+s20+$0x0], $0xffff  }
0x2d9: {  	v60 =	vor.u32 $0x36, v3;
	_ =	sdelay $0x3  }
0x2da: {  	[tilespmem:v59+s17+$0x0] =	vst.idx.add.f32.msk $0xffff, v35  }
0x2db: {  	v61 =	vor.u32 $0x36, v4;
	v35 =	vld.idx.msk [tilespmem:v60+s20+$0x0], $0xffff  }
0x2dc: {  	v62 =	vor.u32 $0x37, v3;
	_ =	sdelay $0x3  }
0x2dd: {  	[tilespmem:v61+s17+$0x0] =	vst.idx.add.f32.msk $0xffff, v35  }
0x2de: {  	v63 =	vor.u32 $0x37, v4;
	v35 =	vld.idx.msk [tilespmem:v62+s20+$0x0], $0xffff  }
0x2df: {  	v40 =	vor.u32 $0x38, v3;
	_ =	sdelay $0x3  }
0x2e0: {  	[tilespmem:v63+s17+$0x0] =	vst.idx.add.f32.msk $0xffff, v35  }
0x2e1: {  	v41 =	vor.u32 $0x38, v4;
	v35 =	vld.idx.msk [tilespmem:v40+s20+$0x0], $0xffff  }
0x2e2: {  	v42 =	vor.u32 $0x39, v3;
	_ =	sdelay $0x3  }
0x2e3: {  	[tilespmem:v41+s17+$0x0] =	vst.idx.add.f32.msk $0xffff, v35  }
0x2e4: {  	v43 =	vor.u32 $0x39, v4;
	v35 =	vld.idx.msk [tilespmem:v42+s20+$0x0], $0xffff  }
0x2e5: {  	v44 =	vor.u32 $0x3A, v3;
	_ =	sdelay $0x3  }
0x2e6: {  	[tilespmem:v43+s17+$0x0] =	vst.idx.add.f32.msk $0xffff, v35  }
0x2e7: {  	v45 =	vor.u32 $0x3A, v4;
	v35 =	vld.idx.msk [tilespmem:v44+s20+$0x0], $0xffff  }
0x2e8: {  	v46 =	vor.u32 $0x3B, v3;
	_ =	sdelay $0x3  }
0x2e9: {  	[tilespmem:v45+s17+$0x0] =	vst.idx.add.f32.msk $0xffff, v35  }
0x2ea: {  	v47 =	vor.u32 $0x3B, v4;
	v35 =	vld.idx.msk [tilespmem:v46+s20+$0x0], $0xffff  }
0x2eb: {  	v48 =	vor.u32 $0x3C, v3;
	_ =	sdelay $0x3  }
0x2ec: {  	[tilespmem:v47+s17+$0x0] =	vst.idx.add.f32.msk $0xffff, v35  }
0x2ed: {  	v49 =	vor.u32 $0x3C, v4;
	v35 =	vld.idx.msk [tilespmem:v48+s20+$0x0], $0xffff  }
0x2ee: {  	v50 =	vor.u32 $0x3D, v3;
	_ =	sdelay $0x3  }
0x2ef: {  	[tilespmem:v49+s17+$0x0] =	vst.idx.add.f32.msk $0xffff, v35  }
0x2f0: {  	v51 =	vor.u32 $0x3D, v4;
	v35 =	vld.idx.msk [tilespmem:v50+s20+$0x0], $0xffff  }
0x2f1: {  	v52 =	vor.u32 $0x3E, v3;
	_ =	sdelay $0x3  }
0x2f2: {  	[tilespmem:v51+s17+$0x0] =	vst.idx.add.f32.msk $0xffff, v35  }
0x2f3: {  	v53 =	vor.u32 $0x3E, v4;
	v35 =	vld.idx.msk [tilespmem:v52+s20+$0x0], $0xffff  }
0x2f4: {  	v54 =	vor.u32 $0x3F, v3;
	_ =	sdelay $0x3  }
0x2f5: {  	[tilespmem:v53+s17+$0x0] =	vst.idx.add.f32.msk $0xffff, v35  }
0x2f6: {  	v55 =	vor.u32 $0x3F, v4;
	v35 =	vld.idx.msk [tilespmem:v54+s20+$0x0], $0xffff  }
0x2f7: {  	v56 =	vor.u32 $0x40, v3;
	_ =	sdelay $0x3  }
0x2f8: {  	[tilespmem:v55+s17+$0x0] =	vst.idx.add.f32.msk $0xffff, v35  }
0x2f9: {  	v57 =	vor.u32 $0x40, v4;
	v35 =	vld.idx.msk [tilespmem:v56+s20+$0x0], $0xffff  }
0x2fa: {  	v58 =	vor.u32 $0x41, v3;
	_ =	sdelay $0x3  }
0x2fb: {  	[tilespmem:v57+s17+$0x0] =	vst.idx.add.f32.msk $0xffff, v35  }
0x2fc: {  	v59 =	vor.u32 $0x41, v4;
	v35 =	vld.idx.msk [tilespmem:v58+s20+$0x0], $0xffff  }
0x2fd: {  	v60 =	vor.u32 $0x42, v3;
	_ =	sdelay $0x3  }
0x2fe: {  	[tilespmem:v59+s17+$0x0] =	vst.idx.add.f32.msk $0xffff, v35  }
0x2ff: {  	v61 =	vor.u32 $0x42, v4;
	v35 =	vld.idx.msk [tilespmem:v60+s20+$0x0], $0xffff  }
0x300: {  	v62 =	vor.u32 $0x43, v3;
	_ =	sdelay $0x3  }
0x301: {  	[tilespmem:v61+s17+$0x0] =	vst.idx.add.f32.msk $0xffff, v35  }
0x302: {  	v63 =	vor.u32 $0x43, v4;
	v35 =	vld.idx.msk [tilespmem:v62+s20+$0x0], $0xffff  }
0x303: {  	v40 =	vor.u32 $0x44, v3;
	_ =	sdelay $0x3  }
0x304: {  	[tilespmem:v63+s17+$0x0] =	vst.idx.add.f32.msk $0xffff, v35  }
0x305: {  	v41 =	vor.u32 $0x44, v4;
	v35 =	vld.idx.msk [tilespmem:v40+s20+$0x0], $0xffff  }
0x306: {  	v42 =	vor.u32 $0x45, v3;
	_ =	sdelay $0x3  }
0x307: {  	[tilespmem:v41+s17+$0x0] =	vst.idx.add.f32.msk $0xffff, v35  }
0x308: {  	v43 =	vor.u32 $0x45, v4;
	v35 =	vld.idx.msk [tilespmem:v42+s20+$0x0], $0xffff  }
0x309: {  	v44 =	vor.u32 $0x46, v3;
	_ =	sdelay $0x3  }
0x30a: {  	[tilespmem:v43+s17+$0x0] =	vst.idx.add.f32.msk $0xffff, v35  }
0x30b: {  	v45 =	vor.u32 $0x46, v4;
	v35 =	vld.idx.msk [tilespmem:v44+s20+$0x0], $0xffff  }
0x30c: {  	v46 =	vor.u32 $0x47, v3;
	_ =	sdelay $0x3  }
0x30d: {  	[tilespmem:v45+s17+$0x0] =	vst.idx.add.f32.msk $0xffff, v35  }
0x30e: {  	v47 =	vor.u32 $0x47, v4;
	v35 =	vld.idx.msk [tilespmem:v46+s20+$0x0], $0xffff  }
0x30f: {  	v48 =	vor.u32 $0x48, v3;
	_ =	sdelay $0x3  }
0x310: {  	[tilespmem:v47+s17+$0x0] =	vst.idx.add.f32.msk $0xffff, v35  }
0x311: {  	v49 =	vor.u32 $0x48, v4;
	v35 =	vld.idx.msk [tilespmem:v48+s20+$0x0], $0xffff  }
0x312: {  	v50 =	vor.u32 $0x49, v3;
	_ =	sdelay $0x3  }
0x313: {  	[tilespmem:v49+s17+$0x0] =	vst.idx.add.f32.msk $0xffff, v35  }
0x314: {  	v51 =	vor.u32 $0x49, v4;
	v35 =	vld.idx.msk [tilespmem:v50+s20+$0x0], $0xffff  }
0x315: {  	v52 =	vor.u32 $0x4A, v3;
	_ =	sdelay $0x3  }
0x316: {  	[tilespmem:v51+s17+$0x0] =	vst.idx.add.f32.msk $0xffff, v35  }
0x317: {  	v53 =	vor.u32 $0x4A, v4;
	v35 =	vld.idx.msk [tilespmem:v52+s20+$0x0], $0xffff  }
0x318: {  	v54 =	vor.u32 $0x4B, v3;
	_ =	sdelay $0x3  }
0x319: {  	[tilespmem:v53+s17+$0x0] =	vst.idx.add.f32.msk $0xffff, v35  }
0x31a: {  	v55 =	vor.u32 $0x4B, v4;
	v35 =	vld.idx.msk [tilespmem:v54+s20+$0x0], $0xffff  }
0x31b: {  	v56 =	vor.u32 $0x4C, v3;
	_ =	sdelay $0x3  }
0x31c: {  	[tilespmem:v55+s17+$0x0] =	vst.idx.add.f32.msk $0xffff, v35  }
0x31d: {  	v57 =	vor.u32 $0x4C, v4;
	v35 =	vld.idx.msk [tilespmem:v56+s20+$0x0], $0xffff  }
0x31e: {  	v58 =	vor.u32 $0x4D, v3;
	_ =	sdelay $0x3  }
0x31f: {  	[tilespmem:v57+s17+$0x0] =	vst.idx.add.f32.msk $0xffff, v35  }
0x320: {  	v59 =	vor.u32 $0x4D, v4;
	v35 =	vld.idx.msk [tilespmem:v58+s20+$0x0], $0xffff  }
0x321: {  	v60 =	vor.u32 $0x4E, v3;
	_ =	sdelay $0x3  }
0x322: {  	[tilespmem:v59+s17+$0x0] =	vst.idx.add.f32.msk $0xffff, v35  }
0x323: {  	v61 =	vor.u32 $0x4E, v4;
	v35 =	vld.idx.msk [tilespmem:v60+s20+$0x0], $0xffff  }
0x324: {  	v62 =	vor.u32 $0x4F, v3;
	_ =	sdelay $0x3  }
0x325: {  	[tilespmem:v61+s17+$0x0] =	vst.idx.add.f32.msk $0xffff, v35  }
0x326: {  	v63 =	vor.u32 $0x4F, v4;
	v35 =	vld.idx.msk [tilespmem:v62+s20+$0x0], $0xffff  }
0x327: {  	v40 =	vor.u32 $0x50, v3;
	_ =	sdelay $0x3  }
0x328: {  	[tilespmem:v63+s17+$0x0] =	vst.idx.add.f32.msk $0xffff, v35  }
0x329: {  	v41 =	vor.u32 $0x50, v4;
	v35 =	vld.idx.msk [tilespmem:v40+s20+$0x0], $0xffff  }
0x32a: {  	v42 =	vor.u32 $0x51, v3;
	_ =	sdelay $0x3  }
0x32b: {  	[tilespmem:v41+s17+$0x0] =	vst.idx.add.f32.msk $0xffff, v35  }
0x32c: {  	v43 =	vor.u32 $0x51, v4;
	v35 =	vld.idx.msk [tilespmem:v42+s20+$0x0], $0xffff  }
0x32d: {  	v44 =	vor.u32 $0x52, v3;
	_ =	sdelay $0x3  }
0x32e: {  	[tilespmem:v43+s17+$0x0] =	vst.idx.add.f32.msk $0xffff, v35  }
0x32f: {  	v45 =	vor.u32 $0x52, v4;
	v35 =	vld.idx.msk [tilespmem:v44+s20+$0x0], $0xffff  }
0x330: {  	v46 =	vor.u32 $0x53, v3;
	_ =	sdelay $0x3  }
0x331: {  	[tilespmem:v45+s17+$0x0] =	vst.idx.add.f32.msk $0xffff, v35  }
0x332: {  	v47 =	vor.u32 $0x53, v4;
	v35 =	vld.idx.msk [tilespmem:v46+s20+$0x0], $0xffff  }
0x333: {  	v48 =	vor.u32 $0x54, v3;
	_ =	sdelay $0x3  }
0x334: {  	[tilespmem:v47+s17+$0x0] =	vst.idx.add.f32.msk $0xffff, v35  }
0x335: {  	v49 =	vor.u32 $0x54, v4;
	v35 =	vld.idx.msk [tilespmem:v48+s20+$0x0], $0xffff  }
0x336: {  	v50 =	vor.u32 $0x55, v3;
	_ =	sdelay $0x3  }
0x337: {  	[tilespmem:v49+s17+$0x0] =	vst.idx.add.f32.msk $0xffff, v35  }
0x338: {  	v51 =	vor.u32 $0x55, v4;
	v35 =	vld.idx.msk [tilespmem:v50+s20+$0x0], $0xffff  }
0x339: {  	v52 =	vor.u32 $0x56, v3;
	_ =	sdelay $0x3  }
0x33a: {  	[tilespmem:v51+s17+$0x0] =	vst.idx.add.f32.msk $0xffff, v35  }
0x33b: {  	v53 =	vor.u32 $0x56, v4;
	v35 =	vld.idx.msk [tilespmem:v52+s20+$0x0], $0xffff  }
0x33c: {  	v54 =	vor.u32 $0x57, v3;
	_ =	sdelay $0x3  }
0x33d: {  	[tilespmem:v53+s17+$0x0] =	vst.idx.add.f32.msk $0xffff, v35  }
0x33e: {  	v55 =	vor.u32 $0x57, v4;
	v35 =	vld.idx.msk [tilespmem:v54+s20+$0x0], $0xffff  }
0x33f: {  	v56 =	vor.u32 $0x58, v3;
	_ =	sdelay $0x3  }
0x340: {  	[tilespmem:v55+s17+$0x0] =	vst.idx.add.f32.msk $0xffff, v35  }
0x341: {  	v57 =	vor.u32 $0x58, v4;
	v35 =	vld.idx.msk [tilespmem:v56+s20+$0x0], $0xffff  }
0x342: {  	v58 =	vor.u32 $0x59, v3;
	_ =	sdelay $0x3  }
0x343: {  	[tilespmem:v57+s17+$0x0] =	vst.idx.add.f32.msk $0xffff, v35  }
0x344: {  	v59 =	vor.u32 $0x59, v4;
	v35 =	vld.idx.msk [tilespmem:v58+s20+$0x0], $0xffff  }
0x345: {  	v60 =	vor.u32 $0x5A, v3;
	_ =	sdelay $0x3  }
0x346: {  	[tilespmem:v59+s17+$0x0] =	vst.idx.add.f32.msk $0xffff, v35  }
0x347: {  	v61 =	vor.u32 $0x5A, v4;
	v35 =	vld.idx.msk [tilespmem:v60+s20+$0x0], $0xffff  }
0x348: {  	v62 =	vor.u32 $0x5B, v3;
	_ =	sdelay $0x3  }
0x349: {  	[tilespmem:v61+s17+$0x0] =	vst.idx.add.f32.msk $0xffff, v35  }
0x34a: {  	v63 =	vor.u32 $0x5B, v4;
	v35 =	vld.idx.msk [tilespmem:v62+s20+$0x0], $0xffff  }
0x34b: {  	v40 =	vor.u32 $0x5C, v3;
	_ =	sdelay $0x3  }
0x34c: {  	[tilespmem:v63+s17+$0x0] =	vst.idx.add.f32.msk $0xffff, v35  }
0x34d: {  	v41 =	vor.u32 $0x5C, v4;
	v35 =	vld.idx.msk [tilespmem:v40+s20+$0x0], $0xffff  }
0x34e: {  	v42 =	vor.u32 $0x5D, v3;
	_ =	sdelay $0x3  }
0x34f: {  	[tilespmem:v41+s17+$0x0] =	vst.idx.add.f32.msk $0xffff, v35  }
0x350: {  	v43 =	vor.u32 $0x5D, v4;
	v35 =	vld.idx.msk [tilespmem:v42+s20+$0x0], $0xffff  }
0x351: {  	v44 =	vor.u32 $0x5E, v3;
	_ =	sdelay $0x3  }
0x352: {  	[tilespmem:v43+s17+$0x0] =	vst.idx.add.f32.msk $0xffff, v35  }
0x353: {  	v45 =	vor.u32 $0x5E, v4;
	v35 =	vld.idx.msk [tilespmem:v44+s20+$0x0], $0xffff  }
0x354: {  	v46 =	vor.u32 $0x5F, v3;
	_ =	sdelay $0x3  }
0x355: {  	[tilespmem:v45+s17+$0x0] =	vst.idx.add.f32.msk $0xffff, v35  }
0x356: {  	v47 =	vor.u32 $0x5F, v4;
	v35 =	vld.idx.msk [tilespmem:v46+s20+$0x0], $0xffff  }
0x357: {  	v48 =	vor.u32 $0x60, v3;
	_ =	sdelay $0x3  }
0x358: {  	[tilespmem:v47+s17+$0x0] =	vst.idx.add.f32.msk $0xffff, v35  }
0x359: {  	v49 =	vor.u32 $0x60, v4;
	v35 =	vld.idx.msk [tilespmem:v48+s20+$0x0], $0xffff  }
0x35a: {  	v50 =	vor.u32 $0x61, v3;
	_ =	sdelay $0x3  }
0x35b: {  	[tilespmem:v49+s17+$0x0] =	vst.idx.add.f32.msk $0xffff, v35  }
0x35c: {  	v51 =	vor.u32 $0x61, v4;
	v35 =	vld.idx.msk [tilespmem:v50+s20+$0x0], $0xffff  }
0x35d: {  	v52 =	vor.u32 $0x62, v3;
	_ =	sdelay $0x3  }
0x35e: {  	[tilespmem:v51+s17+$0x0] =	vst.idx.add.f32.msk $0xffff, v35  }
0x35f: {  	v53 =	vor.u32 $0x62, v4;
	v35 =	vld.idx.msk [tilespmem:v52+s20+$0x0], $0xffff  }
0x360: {  	v54 =	vor.u32 $0x63, v3;
	_ =	sdelay $0x3  }
0x361: {  	[tilespmem:v53+s17+$0x0] =	vst.idx.add.f32.msk $0xffff, v35  }
0x362: {  	v55 =	vor.u32 $0x63, v4;
	v35 =	vld.idx.msk [tilespmem:v54+s20+$0x0], $0xffff  }
0x363: {  	v56 =	vor.u32 $0x64, v3;
	_ =	sdelay $0x3  }
0x364: {  	[tilespmem:v55+s17+$0x0] =	vst.idx.add.f32.msk $0xffff, v35  }
0x365: {  	v57 =	vor.u32 $0x64, v4;
	v35 =	vld.idx.msk [tilespmem:v56+s20+$0x0], $0xffff  }
0x366: {  	v58 =	vor.u32 $0x65, v3;
	_ =	sdelay $0x3  }
0x367: {  	[tilespmem:v57+s17+$0x0] =	vst.idx.add.f32.msk $0xffff, v35  }
0x368: {  	v59 =	vor.u32 $0x65, v4;
	v35 =	vld.idx.msk [tilespmem:v58+s20+$0x0], $0xffff  }
0x369: {  	v60 =	vor.u32 $0x66, v3;
	_ =	sdelay $0x3  }
0x36a: {  	[tilespmem:v59+s17+$0x0] =	vst.idx.add.f32.msk $0xffff, v35  }
0x36b: {  	v61 =	vor.u32 $0x66, v4;
	v35 =	vld.idx.msk [tilespmem:v60+s20+$0x0], $0xffff  }
0x36c: {  	v62 =	vor.u32 $0x67, v3;
	_ =	sdelay $0x3  }
0x36d: {  	[tilespmem:v61+s17+$0x0] =	vst.idx.add.f32.msk $0xffff, v35  }
0x36e: {  	v63 =	vor.u32 $0x67, v4;
	v35 =	vld.idx.msk [tilespmem:v62+s20+$0x0], $0xffff  }
0x36f: {  	v40 =	vor.u32 $0x68, v3;
	_ =	sdelay $0x3  }
0x370: {  	[tilespmem:v63+s17+$0x0] =	vst.idx.add.f32.msk $0xffff, v35  }
0x371: {  	v41 =	vor.u32 $0x68, v4;
	v35 =	vld.idx.msk [tilespmem:v40+s20+$0x0], $0xffff  }
0x372: {  	v42 =	vor.u32 $0x69, v3;
	_ =	sdelay $0x3  }
0x373: {  	[tilespmem:v41+s17+$0x0] =	vst.idx.add.f32.msk $0xffff, v35  }
0x374: {  	v43 =	vor.u32 $0x69, v4;
	v35 =	vld.idx.msk [tilespmem:v42+s20+$0x0], $0xffff  }
0x375: {  	v44 =	vor.u32 $0x6A, v3;
	_ =	sdelay $0x3  }
0x376: {  	[tilespmem:v43+s17+$0x0] =	vst.idx.add.f32.msk $0xffff, v35  }
0x377: {  	v45 =	vor.u32 $0x6A, v4;
	v35 =	vld.idx.msk [tilespmem:v44+s20+$0x0], $0xffff  }
0x378: {  	v46 =	vor.u32 $0x6B, v3;
	_ =	sdelay $0x3  }
0x379: {  	[tilespmem:v45+s17+$0x0] =	vst.idx.add.f32.msk $0xffff, v35  }
0x37a: {  	v47 =	vor.u32 $0x6B, v4;
	v35 =	vld.idx.msk [tilespmem:v46+s20+$0x0], $0xffff  }
0x37b: {  	v48 =	vor.u32 $0x6C, v3;
	_ =	sdelay $0x3  }
0x37c: {  	[tilespmem:v47+s17+$0x0] =	vst.idx.add.f32.msk $0xffff, v35  }
0x37d: {  	v49 =	vor.u32 $0x6C, v4;
	v35 =	vld.idx.msk [tilespmem:v48+s20+$0x0], $0xffff  }
0x37e: {  	v50 =	vor.u32 $0x6D, v3;
	_ =	sdelay $0x3  }
0x37f: {  	[tilespmem:v49+s17+$0x0] =	vst.idx.add.f32.msk $0xffff, v35  }
0x380: {  	v51 =	vor.u32 $0x6D, v4;
	v35 =	vld.idx.msk [tilespmem:v50+s20+$0x0], $0xffff  }
0x381: {  	v52 =	vor.u32 $0x6E, v3;
	_ =	sdelay $0x3  }
0x382: {  	[tilespmem:v51+s17+$0x0] =	vst.idx.add.f32.msk $0xffff, v35  }
0x383: {  	v53 =	vor.u32 $0x6E, v4;
	v35 =	vld.idx.msk [tilespmem:v52+s20+$0x0], $0xffff  }
0x384: {  	v54 =	vor.u32 $0x6F, v3;
	_ =	sdelay $0x3  }
0x385: {  	[tilespmem:v53+s17+$0x0] =	vst.idx.add.f32.msk $0xffff, v35  }
0x386: {  	v55 =	vor.u32 $0x6F, v4;
	v35 =	vld.idx.msk [tilespmem:v54+s20+$0x0], $0xffff  }
0x387: {  	v56 =	vor.u32 $0x70, v3;
	_ =	sdelay $0x3  }
0x388: {  	[tilespmem:v55+s17+$0x0] =	vst.idx.add.f32.msk $0xffff, v35  }
0x389: {  	v57 =	vor.u32 $0x70, v4;
	v35 =	vld.idx.msk [tilespmem:v56+s20+$0x0], $0xffff  }
0x38a: {  	v58 =	vor.u32 $0x71, v3;
	_ =	sdelay $0x3  }
0x38b: {  	[tilespmem:v57+s17+$0x0] =	vst.idx.add.f32.msk $0xffff, v35  }
0x38c: {  	v59 =	vor.u32 $0x71, v4;
	v35 =	vld.idx.msk [tilespmem:v58+s20+$0x0], $0xffff  }
0x38d: {  	v60 =	vor.u32 $0x72, v3;
	_ =	sdelay $0x3  }
0x38e: {  	[tilespmem:v59+s17+$0x0] =	vst.idx.add.f32.msk $0xffff, v35  }
0x38f: {  	v61 =	vor.u32 $0x72, v4;
	v35 =	vld.idx.msk [tilespmem:v60+s20+$0x0], $0xffff  }
0x390: {  	v62 =	vor.u32 $0x73, v3;
	_ =	sdelay $0x3  }
0x391: {  	[tilespmem:v61+s17+$0x0] =	vst.idx.add.f32.msk $0xffff, v35  }
0x392: {  	v63 =	vor.u32 $0x73, v4;
	v35 =	vld.idx.msk [tilespmem:v62+s20+$0x0], $0xffff  }
0x393: {  	v40 =	vor.u32 $0x74, v3;
	_ =	sdelay $0x3  }
0x394: {  	[tilespmem:v63+s17+$0x0] =	vst.idx.add.f32.msk $0xffff, v35  }
0x395: {  	v41 =	vor.u32 $0x74, v4;
	v35 =	vld.idx.msk [tilespmem:v40+s20+$0x0], $0xffff  }
0x396: {  	v42 =	vor.u32 $0x75, v3;
	_ =	sdelay $0x3  }
0x397: {  	[tilespmem:v41+s17+$0x0] =	vst.idx.add.f32.msk $0xffff, v35  }
0x398: {  	v43 =	vor.u32 $0x75, v4;
	v35 =	vld.idx.msk [tilespmem:v42+s20+$0x0], $0xffff  }
0x399: {  	v44 =	vor.u32 $0x76, v3;
	_ =	sdelay $0x3  }
0x39a: {  	[tilespmem:v43+s17+$0x0] =	vst.idx.add.f32.msk $0xffff, v35  }
0x39b: {  	v45 =	vor.u32 $0x76, v4;
	v35 =	vld.idx.msk [tilespmem:v44+s20+$0x0], $0xffff  }
0x39c: {  	v46 =	vor.u32 $0x77, v3;
	_ =	sdelay $0x3  }
0x39d: {  	[tilespmem:v45+s17+$0x0] =	vst.idx.add.f32.msk $0xffff, v35  }
0x39e: {  	v47 =	vor.u32 $0x77, v4;
	v35 =	vld.idx.msk [tilespmem:v46+s20+$0x0], $0xffff  }
0x39f: {  	v48 =	vor.u32 $0x78, v3;
	_ =	sdelay $0x3  }
0x3a0: {  	[tilespmem:v47+s17+$0x0] =	vst.idx.add.f32.msk $0xffff, v35  }
0x3a1: {  	v49 =	vor.u32 $0x78, v4;
	v35 =	vld.idx.msk [tilespmem:v48+s20+$0x0], $0xffff  }
0x3a2: {  	v50 =	vor.u32 $0x79, v3;
	_ =	sdelay $0x3  }
0x3a3: {  	[tilespmem:v49+s17+$0x0] =	vst.idx.add.f32.msk $0xffff, v35  }
0x3a4: {  	v51 =	vor.u32 $0x79, v4;
	v35 =	vld.idx.msk [tilespmem:v50+s20+$0x0], $0xffff  }
0x3a5: {  	v52 =	vor.u32 $0x7A, v3;
	_ =	sdelay $0x3  }
0x3a6: {  	[tilespmem:v51+s17+$0x0] =	vst.idx.add.f32.msk $0xffff, v35  }
0x3a7: {  	v53 =	vor.u32 $0x7A, v4;
	v35 =	vld.idx.msk [tilespmem:v52+s20+$0x0], $0xffff  }
0x3a8: {  	v54 =	vor.u32 $0x7B, v3;
	_ =	sdelay $0x3  }
0x3a9: {  	[tilespmem:v53+s17+$0x0] =	vst.idx.add.f32.msk $0xffff, v35  }
0x3aa: {  	v55 =	vor.u32 $0x7B, v4;
	v35 =	vld.idx.msk [tilespmem:v54+s20+$0x0], $0xffff  }
0x3ab: {  	v56 =	vor.u32 $0x7C, v3;
	_ =	sdelay $0x3  }
0x3ac: {  	[tilespmem:v55+s17+$0x0] =	vst.idx.add.f32.msk $0xffff, v35  }
0x3ad: {  	v57 =	vor.u32 $0x7C, v4;
	v35 =	vld.idx.msk [tilespmem:v56+s20+$0x0], $0xffff  }
0x3ae: {  	v58 =	vor.u32 $0x7D, v3;
	_ =	sdelay $0x3  }
0x3af: {  	[tilespmem:v57+s17+$0x0] =	vst.idx.add.f32.msk $0xffff, v35  }
0x3b0: {  	v59 =	vor.u32 $0x7D, v4;
	v35 =	vld.idx.msk [tilespmem:v58+s20+$0x0], $0xffff  }
0x3b1: {  	v60 =	vor.u32 $0x7E, v3;
	_ =	sdelay $0x3  }
0x3b2: {  	[tilespmem:v59+s17+$0x0] =	vst.idx.add.f32.msk $0xffff, v35  }
0x3b3: {  	v61 =	vor.u32 $0x7E, v4;
	v35 =	vld.idx.msk [tilespmem:v60+s20+$0x0], $0xffff  }
0x3b4: {  	v62 =	vor.u32 $0x7F, v3;
	_ =	sdelay $0x3  }
0x3b5: {  	[tilespmem:v61+s17+$0x0] =	vst.idx.add.f32.msk $0xffff, v35  }
0x3b6: {  	v63 =	vor.u32 $0x7F, v4;
	v35 =	vld.idx.msk [tilespmem:v62+s20+$0x0], $0xffff;
	_ =	sdelay $0x4  }
0x3b7: {  	[tilespmem:v63+s17+$0x0] =	vst.idx.add.f32.msk $0xffff, v35  }
0x3b8: {  	v3 =	vld.idx.msk [tilespmem:v3+s21+$0x0], $0xffff;
	_ =	sdelay $0x4  }
0x3b9: {  	[tilespmem:v4+s18+$0x0] =	vst.idx.add.f32.msk $0xffff, v3  }
0x3ba: {  	v3 =	vld.idx.msk [tilespmem:v5+s21+$0x0], $0xffff;
	_ =	sdelay $0x4  }
0x3bb: {  	[tilespmem:v6+s18+$0x0] =	vst.idx.add.f32.msk $0xffff, v3  }
0x3bc: {  	v3 =	vld.idx.msk [tilespmem:v7+s21+$0x0], $0xffff;
	_ =	sdelay $0x4  }
0x3bd: {  	[tilespmem:v8+s18+$0x0] =	vst.idx.add.f32.msk $0xffff, v3  }
0x3be: {  	v3 =	vld.idx.msk [tilespmem:v9+s21+$0x0], $0xffff;
	_ =	sdelay $0x4  }
0x3bf: {  	[tilespmem:v10+s18+$0x0] =	vst.idx.add.f32.msk $0xffff, v3  }
0x3c0: {  	v3 =	vld.idx.msk [tilespmem:v11+s21+$0x0], $0xffff;
	_ =	sdelay $0x4  }
0x3c1: {  	[tilespmem:v12+s18+$0x0] =	vst.idx.add.f32.msk $0xffff, v3  }
0x3c2: {  	v3 =	vld.idx.msk [tilespmem:v13+s21+$0x0], $0xffff;
	_ =	sdelay $0x4  }
0x3c3: {  	[tilespmem:v14+s18+$0x0] =	vst.idx.add.f32.msk $0xffff, v3  }
0x3c4: {  	v3 =	vld.idx.msk [tilespmem:v15+s21+$0x0], $0xffff;
	_ =	sdelay $0x4  }
0x3c5: {  	[tilespmem:v16+s18+$0x0] =	vst.idx.add.f32.msk $0xffff, v3  }
0x3c6: {  	v3 =	vld.idx.msk [tilespmem:v17+s21+$0x0], $0xffff;
	_ =	sdelay $0x4  }
0x3c7: {  	[tilespmem:v18+s18+$0x0] =	vst.idx.add.f32.msk $0xffff, v3  }
0x3c8: {  	v3 =	vld.idx.msk [tilespmem:v19+s21+$0x0], $0xffff;
	_ =	sdelay $0x4  }
0x3c9: {  	[tilespmem:v20+s18+$0x0] =	vst.idx.add.f32.msk $0xffff, v3  }
0x3ca: {  	v3 =	vld.idx.msk [tilespmem:v21+s21+$0x0], $0xffff;
	_ =	sdelay $0x4  }
0x3cb: {  	[tilespmem:v22+s18+$0x0] =	vst.idx.add.f32.msk $0xffff, v3  }
0x3cc: {  	v3 =	vld.idx.msk [tilespmem:v23+s21+$0x0], $0xffff;
	_ =	sdelay $0x4  }
0x3cd: {  	[tilespmem:v24+s18+$0x0] =	vst.idx.add.f32.msk $0xffff, v3  }
0x3ce: {  	v3 =	vld.idx.msk [tilespmem:v25+s21+$0x0], $0xffff;
	_ =	sdelay $0x4  }
0x3cf: {  	[tilespmem:v26+s18+$0x0] =	vst.idx.add.f32.msk $0xffff, v3  }
0x3d0: {  	v3 =	vld.idx.msk [tilespmem:v27+s21+$0x0], $0xffff;
	_ =	sdelay $0x4  }
0x3d1: {  	[tilespmem:v28+s18+$0x0] =	vst.idx.add.f32.msk $0xffff, v3  }
0x3d2: {  	v3 =	vld.idx.msk [tilespmem:v29+s21+$0x0], $0xffff;
	_ =	sdelay $0x4  }
0x3d3: {  	[tilespmem:v30+s18+$0x0] =	vst.idx.add.f32.msk $0xffff, v3  }
0x3d4: {  	v3 =	vld.idx.msk [tilespmem:v31+s21+$0x0], $0xffff;
	_ =	sdelay $0x4  }
0x3d5: {  	[tilespmem:v32+s18+$0x0] =	vst.idx.add.f32.msk $0xffff, v3  }
0x3d6: {  	p0 =	sne.s32 s29, $0x30;
	v3 =	vld.idx.msk [tilespmem:v33+s21+$0x0], $0xffff  }
.Ltmp1:
0x3d7: {  	_ = 	snop;
	(pc) =	sbr.rel @p0 .LBB2_4-.Ltmp1, $2  }
0x3d8: {  	_ =	sdelay $0x2  }
0x3d9: {  	s28 =	sadd.s32 $0x10, s28;
	s29 =	sadd.s32 $0x10, s29;
	[tilespmem:v34+s18+$0x0] =	vst.idx.add.f32.msk $0xffff, v3  }
0x3da: {  	s25 =	sadd.s32 $0x1, s25  }
0x3db: {  	p0 =	sne.s32 s25, $0xC0  }
.Ltmp2:
0x3dc: {  	_ = 	snop;
	(pc) =	sbr.rel @p0 .LBB2_3-.Ltmp2, $2  }
0x3dd: {  	_ =	sdelay $0x2  }
0x3de: {  	s26 =	sadd.s32 $0x40, s26  }
0x3df: {  	[hbm4b:s11+s2] =	stream.linear.scatter [tilespmem:s17], [sflag:$0x3], $0xA000, $0x38;
	[tilespmem:$0x1F100] =	vst v63  }
0x3e0: {  	s24 =	sadd.s32 $0x1, s24;
	_ =	swait.ge [sflag:s15], $0xA000  }
0x3e1: {  	p0 =	sne.s32 s24, s13;
	[sflag:s15] =	ssyncset.done $0x0  }
.Ltmp3:
0x3e2: {  	[sflag:s15] =	ssyncadd.s32 $0xFFFF6000;
	(pc) =	sbr.rel @p0 .LBB2_1-.Ltmp3, $4  }
0x3e3: {  	[hbm4b:s12+s2] =	stream.linear.scatter [tilespmem:s18], [sflag:$0x3], $0xA000, $0x38;
	[tilespmem:$0x1F100] =	vst v63  }
0x3e4: {  	_ =	swait.ge [sflag:s15], $0xA000  }
0x3e5: {  	[sflag:s15] =	ssyncset.done $0x0  }
0x3e6: {  	[sflag:s15] =	ssyncadd.s32 $0xFFFF6000  }
0x3e7: {  	_ =	sfence.sel $0x180000  }
0x3e8: {  	[bflag:$0x0] =	sbarrier.arrive $0xFFFF  }
0x3e9: {  	p0 =	sne.s32 s3, $0x0;
	_ =	strace $0x9000004A  }
0x3ea: {  	s0 =	sadd.s32 @!p0 $0x100000, s0;
	[bflag:$0x2] =	sbarrier.arrive $0xFFFF  }
0x3eb: {  	[sflag:s0] =	ssyncadd.tile.s32 @!p0 $0x1;
	_ =	shalt  }
.Lfunc_end2:
_tile_overlayer_lowered:
.L_overlay_start_2:
0x3ec: {  	(tag) =	ssettag $0x2  }
0x3ed: {  	s0 =	rddreg [dreg:$0x0];
	s2 =	stileid.u32  }
0x3ee: {  	s1 =	rddreg [dreg:$0x1];
	p0 =	sne.s32 s2, $0x0  }
0x3ef: {  	s3 =	rddreg [dreg:$0x2];
	[bflag:$0x3] =	sbarrier.arrive $0xFFFF;
	s2 =	simm.s32 @!p0 $0x1C03  }
0x3f0: {  	[timem:s3], [sflag:s2] =	dma.local @!p0 [hbm:s0], s1  }
0x3f1: {  	s0 =	simm.s32 @!p0 $0x3  }
0x3f2: {  	_ =	swait.ge @!p0 [sflag:s0], s1  }
0x3f3: {  	s1 =	ssub.s32 @!p0 $0x0, s1;
	[sflag:s0] =	ssyncset.done @!p0 $0x0  }
0x3f4: {  	[sflag:s0] =	ssyncadd.s32 @!p0 s1  }
0x3f5: {  	[bflag:$0x3] =	sbarrier.arrive $0xFFFF  }
0x3f6: {  	_ =	shalt  }

// kernel: kernel.8.cloned.1.call-start
scs
__scs_entry_jumppad:
0x0: {  	(pc) =	sbr.rel $0x88, $3  }
0x1: {  	(tag) =	ssettag $0x0;
	lr =	simm.s32 $0x1  }
0x2: {  	[smem:$0x3F84] =	sst lr;
	_ =	strace $0xD0000000  }
0x3: {  	_ = 	snop  }
0x4: {  	_ = 	snop  }
0x5: {  	_ = 	snop  }
0x6: {  	_ = 	snop  }
0x7: {  	_ = 	snop  }
__scs_overlays_trampoline_lowered:
0x8: {  	[smem:$0x3F93] =	sst s0  }
0x9: {  	[smem:$0x3F94] =	sst s1  }
0xa: {  	[smem:$0x3F95] =	sst s2  }
0xb: {  	[smem:$0x3F96] =	sst s3  }
0xc: {  	[smem:$0x3F97] =	sst s4  }
0xd: {  	[smem:$0x3F98] =	sst s5  }
0xe: {  	[smem:$0x3F99] =	sst s6  }
0xf: {  	[smem:$0x3F9A] =	sst s7  }
0x10: {  	[smem:$0x3F9B] =	sst s8  }
0x11: {  	[smem:$0x3F9C] =	sst s9;
	s0 =	simm.s32 @!p0 $0x0  }
0x12: {  	s1 =	sld [smem:$0x3F82];
	s0 =	simm.s32 @p0 $0x1  }
0x13: {  	[smem:$0x3F9D] =	sst s0;
	s0 =	simm.s32 @!p1 $0x0  }
0x14: {  	s2 =	sld [smem:$0x3F81];
	s0 =	simm.s32 @p1 $0x1  }
0x15: {  	[smem:$0x3F9E] =	sst s0;
	s0 =	simm.s32 @!p2 $0x0  }
0x16: {  	s3 =	sld [smem:$0x3FDB];
	s0 =	simm.s32 @p2 $0x1  }
0x17: {  	s4 =	simm.s32 $0x1BF5;
	[smem:$0x3FA0] =	sst s0  }
0x18: {  	s0 =	sld [smem:$0x3F83];
	_ =	swait.ge [sflag:s4], $0x0  }
0x19: {  	s7 =	sld [smem:$0x3F84]  }
0x1a: {  	s8 =	sadd.s32 $0xFFFFE003, lr  }
0x1b: {  	s9 =	sadd.s32 $0xFFFFFEF7, lr;
	s5 =	simm.s32 $0xFFFFFFFF;
	p2 =	slt.u32 s8, $0xFFFFF086  }
0x1c: {  	p1 =	slt.u32 s9, $0xF7A;
	s5 =	simm.s32 @!p2 $0x0  }
0x1d: {  	s5 =	simm.s32 @p1 $0x1;
	p0 =	seq.s32 s7, s2  }
0x1e: {  	s7 =	smul.u32 @!p0 $0xF7A, s2;
	p2 =	seq.s32 @!p0 s5, $0x0  }
0x1f: {  	s9 =	smul.u32 $0xF7A, s1;
	s8 =	simm.s32 @!p0 $0x1BF5;
	p2 =	por !p2, p0  }
0x20: {  	[sflag:s8] =	ssyncset.s32 @!p0 $0xFFFFF086;
	s6 =	sadd.s32 @!p0 s3, s7;
	s7 =	simm.s32 @!p0 $0x108  }
0x21: {  	s3 =	sadd.s32 s3, s9;
	s6 =	sadd.s32 @!p0 $0x88, s6;
	s7 =	simm.s32 @p2 $0x1082  }
0x22: {  	[simem:s7], [sflag:s8] =	dma.local @!p0 [hbm:s6], $0xF7A  }
0x23: {  	s9 =	sor.u32 $0xD0000000, s2;
	s6 =	simm.s32 $0x108;
	_ =	swait.ge @!p0 [sflag:s8], $0x0  }
0x24: {  	s3 =	sadd.s32 $0x88, s3;
	s6 =	simm.s32 @!p1 $0x1082;
	[sflag:s4] =	ssyncset.s32 $0xFFFFF086  }
0x25: {  	[simem:s6], [sflag:s4] =	dma.local [hbm:s3], $0xF7A  }
0x26: {  	[smem:$0x3F84] =	sst s1;
	(tag) =	ssettag s2;
	_ =	strace s9  }
0x27: {  	s1 =	sld [smem:$0x3F94]  }
0x28: {  	s2 =	sld [smem:$0x3F95]  }
0x29: {  	s4 =	sld [smem:$0x3F97]  }
0x2a: {  	p0 =	seq.s32 s5, $0x0;
	s5 =	sld [smem:$0x3F98]  }
0x2b: {  	s6 =	sld [smem:$0x3F99]  }
0x2c: {  	s7 =	sld [smem:$0x3F9A]  }
0x2d: {  	s3 =	simm.s32 $0x108;
	s8 =	sld [smem:$0x3F9B]  }
0x2e: {  	s3 =	simm.s32 @!p0 $0x1082;
	s9 =	sld [smem:$0x3F9C]  }
0x2f: {  	lr =	sadd.s32 s0, s3;
	s0 =	sld [smem:$0x3F93]  }
0x30: {  	s3 =	sld [smem:$0x3F96]  }
0x31: {  	[smem:$0x3F9F] =	sst s10  }
0x32: {  	s10 =	sld [smem:$0x3F9D];
	_ =	sdelay $0x3  }
0x33: {  	p0 =	seq.s32 s10, $0x1;
	s10 =	sld [smem:$0x3F9F];
	_ =	sdelay $0x3  }
0x34: {  	[smem:$0x3F9F] =	sst s10  }
0x35: {  	s10 =	sld [smem:$0x3F9E];
	_ =	sdelay $0x3  }
0x36: {  	p1 =	seq.s32 s10, $0x1;
	s10 =	sld [smem:$0x3F9F];
	_ =	sdelay $0x3  }
0x37: {  	[smem:$0x3F9F] =	sst s10  }
0x38: {  	s10 =	sld [smem:$0x3FA0]  }
0x39: {  	_ = 	snop;
	(pc) =	sbr.ind lr, $3  }
0x3a: {  	_ = 	snop  }
0x3b: {  	_ = 	snop  }
0x3c: {  	p2 =	seq.s32 s10, $0x1;
	s10 =	sld [smem:$0x3F9F]  }
0x3d: {  	_ =	shalt  }
0x3e: {  	_ =	shalt  }
0x3f: {  	_ =	shalt  }
0x40: {  	_ =	shalt  }
0x41: {  	_ =	shalt  }
0x42: {  	_ =	shalt  }
0x43: {  	_ =	shalt  }
0x44: {  	_ =	shalt  }
0x45: {  	_ =	shalt  }
0x46: {  	_ =	shalt  }
0x47: {  	_ =	shalt  }
0x48: {  	_ =	shalt  }
0x49: {  	_ =	shalt  }
0x4a: {  	_ =	shalt  }
0x4b: {  	_ =	shalt  }
0x4c: {  	_ =	shalt  }
0x4d: {  	_ =	shalt  }
0x4e: {  	_ =	shalt  }
0x4f: {  	_ =	shalt  }
0x50: {  	_ =	shalt  }
0x51: {  	_ =	shalt  }
0x52: {  	_ =	shalt  }
0x53: {  	_ =	shalt  }
0x54: {  	_ =	shalt  }
0x55: {  	_ =	shalt  }
0x56: {  	_ =	shalt  }
0x57: {  	_ =	shalt  }
0x58: {  	_ =	shalt  }
0x59: {  	_ =	shalt  }
0x5a: {  	_ =	shalt  }
0x5b: {  	_ =	shalt  }
0x5c: {  	_ =	shalt  }
0x5d: {  	_ =	shalt  }
0x5e: {  	_ =	shalt  }
0x5f: {  	_ =	shalt  }
0x60: {  	_ =	shalt  }
0x61: {  	_ =	shalt  }
0x62: {  	_ =	shalt  }
0x63: {  	_ =	shalt  }
0x64: {  	_ =	shalt  }
0x65: {  	_ =	shalt  }
0x66: {  	_ =	shalt  }
0x67: {  	_ =	shalt  }
0x68: {  	_ =	shalt  }
0x69: {  	_ =	shalt  }
0x6a: {  	_ =	shalt  }
0x6b: {  	_ =	shalt  }
0x6c: {  	_ =	shalt  }
0x6d: {  	_ =	shalt  }
0x6e: {  	_ =	shalt  }
0x6f: {  	_ =	shalt  }
0x70: {  	_ =	shalt  }
0x71: {  	_ =	shalt  }
0x72: {  	_ =	shalt  }
0x73: {  	_ =	shalt  }
0x74: {  	_ =	shalt  }
0x75: {  	_ =	shalt  }
0x76: {  	_ =	shalt  }
0x77: {  	_ =	shalt  }
0x78: {  	_ =	shalt  }
0x79: {  	_ =	shalt  }
0x7a: {  	_ =	shalt  }
0x7b: {  	_ =	shalt  }
0x7c: {  	_ =	shalt  }
0x7d: {  	_ =	shalt  }
0x7e: {  	_ =	shalt  }
0x7f: {  	_ =	shalt  }
0x80: {  	_ =	shalt  }
0x81: {  	_ =	shalt  }
0x82: {  	_ =	shalt  }
0x83: {  	_ =	shalt  }
0x84: {  	_ =	shalt  }
0x85: {  	_ =	shalt  }
0x86: {  	_ =	shalt  }
0x87: {  	_ =	shalt  }
.Lfunc_end0:
.L_simem_size_0:
called_computation_lowered:
.L_overlay_start_0:
0x88: {  	s2 =	sld [smem:$0x3FD9]  }
0x89: {  	s3 =	sld [smem:$0x3FFE];
	_ =	sdelay $0x1  }
0x8a: {  	s1 =	srdreg.scid  }
0x8b: {  	s0 =	sand.u32 $0x1, s1  }
0x8c: {  	s17 =	sshll.u32 s0, $0xA;
	s2 =	sadd.s32 s3, s2  }
0x8d: {  	s2 =	sadd.s32 s2, s17  }
0x8e: {  	[smem:$0x3FAB] =	sst s2  }
0x8f: {  	_ = 	snop  }
0x90: {  	s2 =	sld [smem:$0x3FC9];
	(tm) =	ssettm $0x1  }
0x91: {  	s18 =	sld [smem:$0x3FFB];
	_ =	sdelay $0x3  }
0x92: {  	_ =	strace s18  }
0x93: {  	s3 =	sld [smem:$0x3FFC];
	_ =	sdelay $0x3  }
0x94: {  	_ =	strace s3  }
0x95: {  	s3 =	sld [smem:$0x3FFD];
	_ =	sdelay $0x3  }
0x96: {  	_ =	strace s3  }
0x97: {  	_ =	strace $0x8FFFFFFF  }
0x98: {  	s19 =	sld [smem:$0x3FDB];
	_ =	sdelay $0x1  }
0x99: {  	s4 =	simm.s32 $_scs_section_size  }
0x9a: {  	s5 =	simm.s32 $_size__tile_overlayer_lowered;
	s6 =	simm.s32 $_tile_overlayer_lowered  }
0x9b: {  	s22 =	simm.s32 $0x1BFF;
	s21 =	sshll.u32 s6, $0x1;
	s3 =	sadd.s32 s4, s19  }
0x9c: {  	s7 =	simm.s32 $0x0;
	s20 =	sshll.u32 s5, $0x1;
	s5 =	sadd.s32 s21, s3  }
0x9d: {  	[timem:s7], [sflag:s22] =	dma.local [hbm:s5], s20  }
0x9e: {  	_ =	swait.ge [sflag:s22], s20  }
0x9f: {  	s4 =	ssub.s32 $0x0, s20;
	[sflag:s22] =	ssyncset.done $0x0  }
0xa0: {  	[sflag:s22] =	ssyncadd.s32 s4;
	_ =	sdelay $0x1  }
0xa1: {  	s23 =	simm.s32 $0x1B8B  }
0xa2: {  	_ =	swait.ge [sflag:s23], $0x1  }
0xa3: {  	[sflag:s23] =	ssyncset.done $0x0  }
0xa4: {  	s25 =	simm.s32 $0x1B8E;
	s24 =	sld [smem:$0x3FFE];
	[sflag:s23] =	ssyncadd.s32 $0xFFFFFFFF  }
0xa5: {  	s26 =	simm.s32 $execute0_lowered;
	[smem:$0x3FD2] =	sst s25  }
0xa6: {  	s5 =	sshll.u32 s26, $0x1;
	_ =	strace $0x80000046;
	[dreg:$0x1] =	wrdreg $0xFFFFFFFF  }
0xa7: {  	s28 =	simm.s32 $_size_execute0_lowered;
	s3 =	sadd.s32 s3, s5;
	[dreg:$0x0] =	wrdreg $0x0  }
0xa8: {  	s5 =	sshll.u32 s28, $0x1;
	[dreg:$0x2] =	wrdreg s3  }
0xa9: {  	[dreg:$0x3] =	wrdreg s5  }
0xaa: {  	[dreg:$0x4] =	wrdreg $0xC0  }
0xab: {  	_ =	task [dreg:s7], $0x5FFFF  }
0xac: {  	[dreg:$0x1] =	wrdreg $0xFFFFFFFF  }
0xad: {  	[dreg:$0x0] =	wrdreg $0x60  }
0xae: {  	[dreg:$0x2] =	wrdreg s24  }
0xaf: {  	[dreg:$0x3] =	wrdreg s2  }
0xb0: {  	[dreg:$0x4] =	wrdreg $0x9  }
0xb1: {  	_ =	task.clear_ibuf [dreg:s7], $0x5FFFF;
	_ =	strace $0x90000046  }
0xb2: {  	s29 =	simm.s32 $0x9;
	_ =	strace $0x80000048  }
0xb3: {  	_ =	swait.ge [sflag:s29], $0x1  }
0xb4: {  	[sflag:s29] =	ssyncadd.s32 $0xFFFFFFFF  }
0xb5: {  	_ =	strace $0x90000048  }
0xb6: {  	_ =	sfence  }
0xb7: {  	s30 =	sld [smem:$0x0];
	_ =	sdelay $0x2  }
0xb8: {  	s31 =	sshll.u32 s1, $0xD;
	s1 =	sshrl.u32 s1, $0x2  }
0xb9: {  	s3 =	sand.u32 $0x4000, s31;
	s1 =	sadd.s32 s1, s30  }
0xba: {  	s0 =	sor.u32 s3, s0;
	s1 =	sshll.u32 s1, $0x11  }
0xbb: {  	s0 =	sor.u32 s1, s0  }
0xbc: {  	s0 =	sadd.s32 $0x8F2B, s0  }
0xbd: {  	[sflag:s0] =	ssyncadd.remote.s32 $0x1  }
0xbe: {  	_ =	sfence.sel $0xFFFF  }
0xbf: {  	[dreg:$0x0] =	wrdreg $0xFFFFFFFF;
	(pc) =	sbr.abs _section_cstart, $3  }
0xc0: {  	[dreg:$0x1] =	wrdreg $0xFFFFFFFF  }
0xc1: {  	_ =	task.clear_ibuf [dreg:s7], $0x2FFFF;
	_ =	strace $0x9FFFFFFF  }
0xc2: {  	(tm) =	ssettm $0x7FFFFFFF  }
0xc3: {  	_ =	shalt  }
tec
execute0_lowered:
.L_overlay_start_1:
0x0: {  	(tag) =	ssettag $0x1  }
0x1: {  	s1 =	rddreg [dreg:$0x0]  }
0x2: {  	s2 =	rddreg [dreg:$0x1];
	s10 =	stileid.u32  }
0x3: {  	s0 =	srdreg.scid;
	s3 =	simm.s32 $0x0;
	s22 =	smul.u32 $0xA00, s10  }
0x4: {  	s28 =	simm.s32 $0x80;
	s29 =	simm.s32 $0x8800;
	s7 =	smul.u32 $0x50000, s10  }
0x5: {  	s30 =	simm.s32 $0x1;
	s5 =	sand.u32 $0x1, s0;
	s10 =	smul.u32 $0xA0000, s10  }
0x6: {  	s31 =	simm.s32 $0x2;
	[smem:$0x7FF] =	sst s3;
	s6 =	smul.u32 $0x500, s5  }
0x7: {  	s4 =	sadd.s32 $0x1A600, s1;
	s9 =	sadd.s32 $0xA68800, s1;
	s8 =	smul.u32 $0x28000, s5  }
0x8: {  	_ =	strace $0x80000047;
	s11 =	smul.u32 $0x50000, s5;
	s5 =	ssub.s32 $0x2, s5  }
0x9: {  	s7 =	sadd.s32 s7, s9;
	s19 =	sshrl.u32 s5, $0x1;
	s6 =	sadd.s32 s6, s22  }
0xa: {  	s23 =	sadd.s32 s8, s7;
	s25 =	sadd.s32 s11, s10;
	s5 =	ssub.s32 s5, s19  }
0xb: {  	s0 =	sadd.s32 s6, s1;
	s12 =	sor.u32 $0x60, s6;
	[dreg:$0x3] =	wrdreg s23  }
0xc: {  	s1 =	sadd.s32 $0x68800, s1;
	[dreg:$0x4] =	wrdreg s25;
	s11 =	sor.u32 $0x50, s6  }
0xd: {  	s13 =	sor.u32 $0x40, s6;
	s18 =	sor.u32 $0x30, s6;
	s23 =	sor.u32 $0x20, s6  }
0xe: {  	s5 =	smax.u32 s5, $0x1;
	[dreg:$0x1a] =	wrdreg s1;
	s24 =	sshrl.u32 s12, $0x5  }
0xf: {  	s12 =	sshrl.u32 s11, $0x4;
	s15 =	sshrl.u32 s13, $0x6;
	s20 =	sshrl.u32 s18, $0x4  }
0x10: {  	s25 =	sshrl.u32 s23, $0x5;
	s11 =	sor.u32 $0x10, s6;
	s6 =	sor.u32 $0x70, s6  }
0x11: {  	[dreg:$0x1b] =	wrdreg s5;
	s18 =	sadd.s32 $0x10600, s0;
	s0 =	sadd.s32 $0x6600, s0  }
0x12: {  	s23 =	simm.s32 $0x600;
	s26 =	sshll.u32 s24, $0xC;
	s7 =	sshll.u32 s24, $0xD  }
0x13: {  	s8 =	sshll.u32 s12, $0xB;
	s1 =	sshll.u32 s12, $0xC;
	[dreg:$0x1c] =	wrdreg s18  }
0x14: {  	s16 =	sshll.u32 s15, $0xD;
	s21 =	sshll.u32 s15, $0xE;
	[dreg:$0x1d] =	wrdreg s0  }
0x15: {  	s22 =	sshll.u32 s20, $0xB;
	s12 =	sshrl.u32 s11, $0x4;
	[dreg:$0x16] =	wrdreg s23  }
0x16: {  	s13 =	sshll.u32 s25, $0xD;
	s6 =	sshrl.u32 s6, $0x4;
	[dreg:$0x6] =	wrdreg s7  }
0x17: {  	s11 =	simm.s32 $0x800;
	s18 =	simm.s32 $0x4000;
	[dreg:$0x8] =	wrdreg s1  }
0x18: {  	s23 =	simm.s32 $0x6800;
	s0 =	simm.s32 $0x0;
	[dreg:$0xa] =	wrdreg s21  }
0x19: {  	s10 =	sadd.s32 s26, s9;
	s14 =	sadd.s32 s8, s9;
	[dreg:$0xe] =	wrdreg s13  }
0x1a: {  	s17 =	sadd.s32 s16, s9;
	s24 =	sadd.s32 s22, s9;
	[dreg:$0x5] =	wrdreg s10  }
0x1b: {  	s1 =	sshll.u32 s20, $0xC;
	s26 =	sshll.u32 s25, $0xC;
	[dreg:$0x7] =	wrdreg s14  }
0x1c: {  	s16 =	sshll.u32 s6, $0xB;
	s19 =	sshll.u32 s6, $0xC;
	[dreg:$0x9] =	wrdreg s17  }
0x1d: {  	s13 =	simm.s32 $0x1800;
	s20 =	simm.s32 $0x480;
	[dreg:$0xb] =	wrdreg s24  }
0x1e: {  	s21 =	simm.s32 $0x500;
	s22 =	simm.s32 $0x580;
	[dreg:$0xc] =	wrdreg s1  }
0x1f: {  	s25 =	simm.s32 $0x700;
	s7 =	sadd.s32 s26, s9;
	[dreg:$0x12] =	wrdreg s19  }
0x20: {  	s14 =	sshll.u32 s12, $0xB;
	s1 =	sshll.u32 s12, $0xC;
	[dreg:$0x13] =	wrdreg s20  }
0x21: {  	s17 =	sadd.s32 s16, s9;
	s10 =	simm.s32 $0x400;
	[dreg:$0x14] =	wrdreg s21  }
0x22: {  	s12 =	simm.s32 $0x1000;
	s16 =	simm.s32 $0x3000;
	[dreg:$0x15] =	wrdreg s22  }
0x23: {  	s19 =	simm.s32 $0x4800;
	s20 =	simm.s32 $0x5000;
	[dreg:$0x18] =	wrdreg s25  }
0x24: {  	s21 =	simm.s32 $0x5800;
	s24 =	simm.s32 $0x680;
	[dreg:$0xd] =	wrdreg s7  }
0x25: {  	s22 =	simm.s32 $0x6000;
	s26 =	simm.s32 $0x780;
	[dreg:$0x10] =	wrdreg s1  }
0x26: {  	s25 =	simm.s32 $0x7800;
	s15 =	sadd.s32 s14, s9;
	[dreg:$0x11] =	wrdreg s17  }
0x27: {  	v2 =	vlaneseq.u32;
	s9 =	simm.s32 $0x3;
	s14 =	simm.s32 $0x2000;
	[dreg:$0x17] =	wrdreg s24  }
0x28: {  	vm0 =	vmmov $0xffff;
	v1 =	vshrl.u32 v2, $0x3;
	s17 =	simm.s32 $0x3800;
	s24 =	simm.s32 $0x7000;
	[dreg:$0x19] =	wrdreg s26  }
0x29: {  	v0 =	vand.u32 $0x7, v2;
	v2 =	vor.u32 $0x8, v2;
	v1 =	vmul.u32 $0x8, v1;
	s26 =	simm.s32 $0x8000;
	[dreg:$0xf] =	wrdreg s15;
	s15 =	simm.s32 $0x2800  }
.LBB2_1:
0x2a: {  	s8 =	rddreg [dreg:$0x1d]  }
0x2b: {  	s7 =	rddreg [dreg:$0x1c]  }
0x2c: {  	s6 =	rddreg [dreg:$0x1a];
	s5 =	simm.s32 $0x0  }
.LBB2_2:
0x2d: {  	[tilespmem:s3], [sflag:$0x3] =	stream.linear.gather [hbm4b:s8+s3], $0x400, $0x38;
	[tilespmem:$0xC800] =	vst v63  }
0x2e: {  	_ =	swait.ge [sflag:s9], $0x400  }
0x2f: {  	[sflag:s9] =	ssyncset.done $0x0  }
0x30: {  	[sflag:s9] =	ssyncadd.s32 $0xFFFFFC00  }
0x31: {  	[tilespmem:s10], [sflag:$0x3] =	stream.linear.gather [hbm4b:s7+s3], $0x400, $0x38;
	[tilespmem:$0xC800] =	vst v63  }
0x32: {  	_ =	swait.ge [sflag:s9], $0x400  }
0x33: {  	[sflag:s9] =	ssyncset.done $0x0  }
0x34: {  	[sflag:s9] =	ssyncadd.s32 $0xFFFFFC00  }
0x35: {  	v3 =	vld [tilespmem:$0x0];
	_ =	sdelay $0x4  }
0x36: {  	v4 =	vshll.u32 v3, $0x1  }
0x37: {  	v3 =	vand.u32 $0x7, v3;
	v4 =	vand.u32 $0xFFFFFFF0, v4  }
0x38: {  	v3 =	vor.u32 v3, v4  }
0x39: {  	v4 =	vperm.xlane v3, v0;
	_ =	sdelay $0x1  }
0x3a: {  	v3 =	vperm.xlane v3, v2;
	v4 =	vadd.s32 v1, v4;
	_ =	sdelay $0x1  }
0x3b: {  	v3 =	vadd.s32 v1, v3;
	_ =	sdelay $0x2  }
0x3c: {  	[tilespmem:s11], [sflag:$0x1] =	stream.indirect_vreg.gather [hbm4b:s4+s3], $0x80, v4, vm0, $0xb8;
	[tilespmem:$0xC800] =	vst v63  }
0x3d: {  	_ = 	snop  }
0x3e: {  	[tilespmem:s12], [sflag:$0x1] =	stream.indirect_vreg.gather [hbm4b:s4+s3], $0x80, v3, vm0, $0xb8;
	[tilespmem:$0xC800] =	vst v63  }
0x3f: {  	v3 =	vld [tilespmem:$0x10];
	_ =	sdelay $0x4  }
0x40: {  	v57 =	vshll.u32 v3, $0x1  }
0x41: {  	v3 =	vand.u32 $0x7, v3;
	v4 =	vand.u32 $0xFFFFFFF0, v57  }
0x42: {  	v3 =	vor.u32 v3, v4  }
0x43: {  	v4 =	vperm.xlane v3, v0;
	_ =	sdelay $0x1  }
0x44: {  	v3 =	vperm.xlane v3, v2;
	v4 =	vadd.s32 v1, v4;
	_ =	sdelay $0x1  }
0x45: {  	v3 =	vadd.s32 v1, v3;
	_ =	sdelay $0x2  }
0x46: {  	[tilespmem:s13], [sflag:$0x1] =	stream.indirect_vreg.gather [hbm4b:s4+s3], $0x80, v4, vm0, $0xb8;
	[tilespmem:$0xC800] =	vst v63  }
0x47: {  	_ = 	snop  }
0x48: {  	[tilespmem:s14], [sflag:$0x1] =	stream.indirect_vreg.gather [hbm4b:s4+s3], $0x80, v3, vm0, $0xb8;
	[tilespmem:$0xC800] =	vst v63  }
0x49: {  	v3 =	vld [tilespmem:$0x20];
	_ =	sdelay $0x4  }
0x4a: {  	v58 =	vshll.u32 v3, $0x1  }
0x4b: {  	v3 =	vand.u32 $0x7, v3;
	v4 =	vand.u32 $0xFFFFFFF0, v58  }
0x4c: {  	v3 =	vor.u32 v3, v4  }
0x4d: {  	v4 =	vperm.xlane v3, v0;
	_ =	sdelay $0x1  }
0x4e: {  	v3 =	vperm.xlane v3, v2;
	v4 =	vadd.s32 v1, v4;
	_ =	sdelay $0x1  }
0x4f: {  	v3 =	vadd.s32 v1, v3;
	_ =	sdelay $0x2  }
0x50: {  	[tilespmem:s15], [sflag:$0x1] =	stream.indirect_vreg.gather [hbm4b:s4+s3], $0x80, v4, vm0, $0xb8;
	[tilespmem:$0xC800] =	vst v63  }
0x51: {  	_ = 	snop  }
0x52: {  	[tilespmem:s16], [sflag:$0x1] =	stream.indirect_vreg.gather [hbm4b:s4+s3], $0x80, v3, vm0, $0xb8;
	[tilespmem:$0xC800] =	vst v63  }
0x53: {  	v3 =	vld [tilespmem:$0x30];
	_ =	sdelay $0x4  }
0x54: {  	v59 =	vshll.u32 v3, $0x1  }
0x55: {  	v3 =	vand.u32 $0x7, v3;
	v4 =	vand.u32 $0xFFFFFFF0, v59  }
0x56: {  	v3 =	vor.u32 v3, v4  }
0x57: {  	v4 =	vperm.xlane v3, v0;
	_ =	sdelay $0x1  }
0x58: {  	v3 =	vperm.xlane v3, v2;
	v4 =	vadd.s32 v1, v4;
	_ =	sdelay $0x1  }
0x59: {  	v3 =	vadd.s32 v1, v3;
	_ =	sdelay $0x2  }
0x5a: {  	[tilespmem:s17], [sflag:$0x1] =	stream.indirect_vreg.gather [hbm4b:s4+s3], $0x80, v4, vm0, $0xb8;
	[tilespmem:$0xC800] =	vst v63  }
0x5b: {  	_ = 	snop  }
0x5c: {  	[tilespmem:s18], [sflag:$0x1] =	stream.indirect_vreg.gather [hbm4b:s4+s3], $0x80, v3, vm0, $0xb8;
	[tilespmem:$0xC800] =	vst v63  }
0x5d: {  	v3 =	vld [tilespmem:$0x40];
	_ =	sdelay $0x4  }
0x5e: {  	v60 =	vshll.u32 v3, $0x1  }
0x5f: {  	v3 =	vand.u32 $0x7, v3;
	v4 =	vand.u32 $0xFFFFFFF0, v60  }
0x60: {  	v3 =	vor.u32 v3, v4  }
0x61: {  	v4 =	vperm.xlane v3, v0;
	_ =	sdelay $0x1  }
0x62: {  	v3 =	vperm.xlane v3, v2;
	v4 =	vadd.s32 v1, v4;
	_ =	sdelay $0x1  }
0x63: {  	v3 =	vadd.s32 v1, v3;
	_ =	sdelay $0x2  }
0x64: {  	[tilespmem:s19], [sflag:$0x1] =	stream.indirect_vreg.gather [hbm4b:s4+s3], $0x80, v4, vm0, $0xb8;
	[tilespmem:$0xC800] =	vst v63  }
0x65: {  	_ = 	snop  }
0x66: {  	[tilespmem:s20], [sflag:$0x1] =	stream.indirect_vreg.gather [hbm4b:s4+s3], $0x80, v3, vm0, $0xb8;
	[tilespmem:$0xC800] =	vst v63  }
0x67: {  	v3 =	vld [tilespmem:$0x50];
	_ =	sdelay $0x4  }
0x68: {  	v61 =	vshll.u32 v3, $0x1  }
0x69: {  	v3 =	vand.u32 $0x7, v3;
	v4 =	vand.u32 $0xFFFFFFF0, v61  }
0x6a: {  	v3 =	vor.u32 v3, v4  }
0x6b: {  	v4 =	vperm.xlane v3, v0;
	_ =	sdelay $0x1  }
0x6c: {  	v3 =	vperm.xlane v3, v2;
	v4 =	vadd.s32 v1, v4;
	_ =	sdelay $0x1  }
0x6d: {  	v3 =	vadd.s32 v1, v3;
	_ =	sdelay $0x2  }
0x6e: {  	[tilespmem:s21], [sflag:$0x1] =	stream.indirect_vreg.gather [hbm4b:s4+s3], $0x80, v4, vm0, $0xb8;
	[tilespmem:$0xC800] =	vst v63  }
0x6f: {  	_ = 	snop  }
0x70: {  	[tilespmem:s22], [sflag:$0x1] =	stream.indirect_vreg.gather [hbm4b:s4+s3], $0x80, v3, vm0, $0xb8;
	[tilespmem:$0xC800] =	vst v63  }
0x71: {  	v3 =	vld [tilespmem:$0x60];
	_ =	sdelay $0x4  }
0x72: {  	v62 =	vshll.u32 v3, $0x1  }
0x73: {  	v3 =	vand.u32 $0x7, v3;
	v4 =	vand.u32 $0xFFFFFFF0, v62  }
0x74: {  	v3 =	vor.u32 v3, v4  }
0x75: {  	v4 =	vperm.xlane v3, v0;
	_ =	sdelay $0x1  }
0x76: {  	v3 =	vperm.xlane v3, v2;
	v4 =	vadd.s32 v1, v4;
	_ =	sdelay $0x1  }
0x77: {  	v3 =	vadd.s32 v1, v3;
	_ =	sdelay $0x2  }
0x78: {  	[tilespmem:s23], [sflag:$0x1] =	stream.indirect_vreg.gather [hbm4b:s4+s3], $0x80, v4, vm0, $0xb8;
	[tilespmem:$0xC800] =	vst v63  }
0x79: {  	_ = 	snop  }
0x7a: {  	[tilespmem:s24], [sflag:$0x1] =	stream.indirect_vreg.gather [hbm4b:s4+s3], $0x80, v3, vm0, $0xb8;
	[tilespmem:$0xC800] =	vst v63  }
0x7b: {  	v3 =	vld [tilespmem:$0x70];
	_ =	sdelay $0x4  }
0x7c: {  	v63 =	vshll.u32 v3, $0x1  }
0x7d: {  	v3 =	vand.u32 $0x7, v3;
	v4 =	vand.u32 $0xFFFFFFF0, v63  }
0x7e: {  	v3 =	vor.u32 v3, v4  }
0x7f: {  	v4 =	vperm.xlane v3, v0;
	_ =	sdelay $0x1  }
0x80: {  	v3 =	vperm.xlane v3, v2;
	v4 =	vadd.s32 v1, v4;
	_ =	sdelay $0x1  }
0x81: {  	v3 =	vadd.s32 v1, v3;
	_ =	sdelay $0x2  }
0x82: {  	[tilespmem:s25], [sflag:$0x1] =	stream.indirect_vreg.gather [hbm4b:s4+s3], $0x80, v4, vm0, $0xb8;
	[tilespmem:$0xC800] =	vst v63  }
0x83: {  	_ = 	snop  }
0x84: {  	[tilespmem:s26], [sflag:$0x1] =	stream.indirect_vreg.gather [hbm4b:s4+s3], $0x80, v3, vm0, $0xb8;
	[tilespmem:$0xC800] =	vst v63  }
0x85: {  	_ = 	snop  }
0x86: {  	[tilespmem:s29], [sflag:$0x2] =	stream.indirect.gather [hbm4b:s2+s28], $0x80, s10, s28, $0xb8;
	[tilespmem:$0xC800] =	vst v63  }
0x87: {  	_ =	swait.ge [sflag:s30], $0x8000  }
0x88: {  	s1 =	rddreg [dreg:$0x4];
	[sflag:s30] =	ssyncset.done $0x0  }
0x89: {  	[sflag:s30] =	ssyncadd.s32 $0xFFFF8000;
	s1 =	sadd.s32 s6, s1  }
0x8a: {  	[hbm4b:s1+s3] =	stream.linear.scatter [tilespmem:s11], [sflag:$0x3], $0x8000, $0x38;
	[tilespmem:$0xC800] =	vst v63  }
0x8b: {  	_ =	swait.ge [sflag:s9], $0x8000  }
0x8c: {  	[sflag:s9] =	ssyncset.done $0x0  }
0x8d: {  	[sflag:s9] =	ssyncadd.s32 $0xFFFF8000  }
0x8e: {  	_ =	swait.ge [sflag:s31], $0x4000  }
0x8f: {  	s1 =	rddreg [dreg:$0x3];
	[sflag:s31] =	ssyncset.done $0x0  }
0x90: {  	[sflag:s31] =	ssyncadd.s32 $0xFFFFC000;
	s1 =	sadd.s32 s5, s1  }
0x91: {  	[hbm4b:s1+s3] =	stream.linear.scatter [tilespmem:s29], [sflag:$0x3], $0x4000, $0x38;
	[tilespmem:$0xC800] =	vst v63  }
0x92: {  	_ =	swait.ge [sflag:s9], $0x4000  }
0x93: {  	[sflag:s9] =	ssyncset.done $0x0  }
0x94: {  	[sflag:s9] =	ssyncadd.s32 $0xFFFFC000  }
0x95: {  	v3 =	vld [tilespmem:$0x80];
	_ =	sdelay $0x4  }
0x96: {  	v8 =	vshll.u32 v3, $0x1  }
0x97: {  	v3 =	vand.u32 $0x7, v3;
	v4 =	vand.u32 $0xFFFFFFF0, v8  }
0x98: {  	v3 =	vor.u32 v3, v4  }
0x99: {  	v4 =	vperm.xlane v3, v0;
	_ =	sdelay $0x1  }
0x9a: {  	v3 =	vperm.xlane v3, v2;
	v4 =	vadd.s32 v1, v4;
	_ =	sdelay $0x1  }
0x9b: {  	v3 =	vadd.s32 v1, v3;
	_ =	sdelay $0x2  }
0x9c: {  	[tilespmem:s11], [sflag:$0x1] =	stream.indirect_vreg.gather [hbm4b:s4+s3], $0x80, v4, vm0, $0xb8;
	[tilespmem:$0xC800] =	vst v63  }
0x9d: {  	_ = 	snop  }
0x9e: {  	[tilespmem:s12], [sflag:$0x1] =	stream.indirect_vreg.gather [hbm4b:s4+s3], $0x80, v3, vm0, $0xb8;
	[tilespmem:$0xC800] =	vst v63  }
0x9f: {  	v3 =	vld [tilespmem:$0x90];
	_ =	sdelay $0x4  }
0xa0: {  	v9 =	vshll.u32 v3, $0x1  }
0xa1: {  	v3 =	vand.u32 $0x7, v3;
	v4 =	vand.u32 $0xFFFFFFF0, v9  }
0xa2: {  	v3 =	vor.u32 v3, v4  }
0xa3: {  	v4 =	vperm.xlane v3, v0;
	_ =	sdelay $0x1  }
0xa4: {  	v3 =	vperm.xlane v3, v2;
	v4 =	vadd.s32 v1, v4;
	_ =	sdelay $0x1  }
0xa5: {  	v3 =	vadd.s32 v1, v3;
	_ =	sdelay $0x2  }
0xa6: {  	[tilespmem:s13], [sflag:$0x1] =	stream.indirect_vreg.gather [hbm4b:s4+s3], $0x80, v4, vm0, $0xb8;
	[tilespmem:$0xC800] =	vst v63  }
0xa7: {  	_ = 	snop  }
0xa8: {  	[tilespmem:s14], [sflag:$0x1] =	stream.indirect_vreg.gather [hbm4b:s4+s3], $0x80, v3, vm0, $0xb8;
	[tilespmem:$0xC800] =	vst v63  }
0xa9: {  	v3 =	vld [tilespmem:$0xA0];
	_ =	sdelay $0x4  }
0xaa: {  	v10 =	vshll.u32 v3, $0x1  }
0xab: {  	v3 =	vand.u32 $0x7, v3;
	v4 =	vand.u32 $0xFFFFFFF0, v10  }
0xac: {  	v3 =	vor.u32 v3, v4  }
0xad: {  	v4 =	vperm.xlane v3, v0;
	_ =	sdelay $0x1  }
0xae: {  	v3 =	vperm.xlane v3, v2;
	v4 =	vadd.s32 v1, v4;
	_ =	sdelay $0x1  }
0xaf: {  	v3 =	vadd.s32 v1, v3;
	_ =	sdelay $0x2  }
0xb0: {  	[tilespmem:s15], [sflag:$0x1] =	stream.indirect_vreg.gather [hbm4b:s4+s3], $0x80, v4, vm0, $0xb8;
	[tilespmem:$0xC800] =	vst v63  }
0xb1: {  	_ = 	snop  }
0xb2: {  	[tilespmem:s16], [sflag:$0x1] =	stream.indirect_vreg.gather [hbm4b:s4+s3], $0x80, v3, vm0, $0xb8;
	[tilespmem:$0xC800] =	vst v63  }
0xb3: {  	v3 =	vld [tilespmem:$0xB0];
	_ =	sdelay $0x4  }
0xb4: {  	v11 =	vshll.u32 v3, $0x1  }
0xb5: {  	v3 =	vand.u32 $0x7, v3;
	v4 =	vand.u32 $0xFFFFFFF0, v11  }
0xb6: {  	v3 =	vor.u32 v3, v4  }
0xb7: {  	v4 =	vperm.xlane v3, v0;
	_ =	sdelay $0x1  }
0xb8: {  	v3 =	vperm.xlane v3, v2;
	v4 =	vadd.s32 v1, v4;
	_ =	sdelay $0x1  }
0xb9: {  	v3 =	vadd.s32 v1, v3;
	_ =	sdelay $0x2  }
0xba: {  	[tilespmem:s17], [sflag:$0x1] =	stream.indirect_vreg.gather [hbm4b:s4+s3], $0x80, v4, vm0, $0xb8;
	[tilespmem:$0xC800] =	vst v63  }
0xbb: {  	_ = 	snop  }
0xbc: {  	[tilespmem:s18], [sflag:$0x1] =	stream.indirect_vreg.gather [hbm4b:s4+s3], $0x80, v3, vm0, $0xb8;
	[tilespmem:$0xC800] =	vst v63  }
0xbd: {  	v3 =	vld [tilespmem:$0xC0];
	_ =	sdelay $0x4  }
0xbe: {  	v12 =	vshll.u32 v3, $0x1  }
0xbf: {  	v3 =	vand.u32 $0x7, v3;
	v4 =	vand.u32 $0xFFFFFFF0, v12  }
0xc0: {  	v3 =	vor.u32 v3, v4  }
0xc1: {  	v4 =	vperm.xlane v3, v0;
	_ =	sdelay $0x1  }
0xc2: {  	v3 =	vperm.xlane v3, v2;
	v4 =	vadd.s32 v1, v4;
	_ =	sdelay $0x1  }
0xc3: {  	v3 =	vadd.s32 v1, v3;
	_ =	sdelay $0x2  }
0xc4: {  	[tilespmem:s19], [sflag:$0x1] =	stream.indirect_vreg.gather [hbm4b:s4+s3], $0x80, v4, vm0, $0xb8;
	[tilespmem:$0xC800] =	vst v63  }
0xc5: {  	_ = 	snop  }
0xc6: {  	[tilespmem:s20], [sflag:$0x1] =	stream.indirect_vreg.gather [hbm4b:s4+s3], $0x80, v3, vm0, $0xb8;
	[tilespmem:$0xC800] =	vst v63  }
0xc7: {  	v3 =	vld [tilespmem:$0xD0];
	_ =	sdelay $0x4  }
0xc8: {  	v13 =	vshll.u32 v3, $0x1  }
0xc9: {  	v3 =	vand.u32 $0x7, v3;
	v4 =	vand.u32 $0xFFFFFFF0, v13  }
0xca: {  	v3 =	vor.u32 v3, v4  }
0xcb: {  	v4 =	vperm.xlane v3, v0;
	_ =	sdelay $0x1  }
0xcc: {  	v3 =	vperm.xlane v3, v2;
	v4 =	vadd.s32 v1, v4;
	_ =	sdelay $0x1  }
0xcd: {  	v3 =	vadd.s32 v1, v3;
	_ =	sdelay $0x2  }
0xce: {  	[tilespmem:s21], [sflag:$0x1] =	stream.indirect_vreg.gather [hbm4b:s4+s3], $0x80, v4, vm0, $0xb8;
	[tilespmem:$0xC800] =	vst v63  }
0xcf: {  	_ = 	snop  }
0xd0: {  	[tilespmem:s22], [sflag:$0x1] =	stream.indirect_vreg.gather [hbm4b:s4+s3], $0x80, v3, vm0, $0xb8;
	[tilespmem:$0xC800] =	vst v63  }
0xd1: {  	v3 =	vld [tilespmem:$0xE0];
	_ =	sdelay $0x4  }
0xd2: {  	v14 =	vshll.u32 v3, $0x1  }
0xd3: {  	v3 =	vand.u32 $0x7, v3;
	v4 =	vand.u32 $0xFFFFFFF0, v14  }
0xd4: {  	v3 =	vor.u32 v3, v4  }
0xd5: {  	v4 =	vperm.xlane v3, v0;
	_ =	sdelay $0x1  }
0xd6: {  	v3 =	vperm.xlane v3, v2;
	v4 =	vadd.s32 v1, v4;
	_ =	sdelay $0x1  }
0xd7: {  	v3 =	vadd.s32 v1, v3;
	_ =	sdelay $0x2  }
0xd8: {  	[tilespmem:s23], [sflag:$0x1] =	stream.indirect_vreg.gather [hbm4b:s4+s3], $0x80, v4, vm0, $0xb8;
	[tilespmem:$0xC800] =	vst v63  }
0xd9: {  	_ = 	snop  }
0xda: {  	[tilespmem:s24], [sflag:$0x1] =	stream.indirect_vreg.gather [hbm4b:s4+s3], $0x80, v3, vm0, $0xb8;
	[tilespmem:$0xC800] =	vst v63  }
0xdb: {  	v3 =	vld [tilespmem:$0xF0];
	_ =	sdelay $0x4  }
0xdc: {  	v15 =	vshll.u32 v3, $0x1  }
0xdd: {  	v3 =	vand.u32 $0x7, v3;
	v4 =	vand.u32 $0xFFFFFFF0, v15  }
0xde: {  	v3 =	vor.u32 v3, v4  }
0xdf: {  	v4 =	vperm.xlane v3, v0;
	_ =	sdelay $0x1  }
0xe0: {  	v3 =	vperm.xlane v3, v2;
	v4 =	vadd.s32 v1, v4;
	_ =	sdelay $0x1  }
0xe1: {  	v3 =	vadd.s32 v1, v3;
	_ =	sdelay $0x2  }
0xe2: {  	[tilespmem:s25], [sflag:$0x1] =	stream.indirect_vreg.gather [hbm4b:s4+s3], $0x80, v4, vm0, $0xb8;
	[tilespmem:$0xC800] =	vst v63  }
0xe3: {  	_ = 	snop  }
0xe4: {  	[tilespmem:s26], [sflag:$0x1] =	stream.indirect_vreg.gather [hbm4b:s4+s3], $0x80, v3, vm0, $0xb8;
	[tilespmem:$0xC800] =	vst v63  }
0xe5: {  	s1 =	rddreg [dreg:$0x13]  }
0xe6: {  	[tilespmem:s29], [sflag:$0x2] =	stream.indirect.gather [hbm4b:s2+s28], $0x80, s1, s28, $0xb8;
	[tilespmem:$0xC800] =	vst v63  }
0xe7: {  	_ =	swait.ge [sflag:s30], $0x8000  }
0xe8: {  	s1 =	rddreg [dreg:$0x10];
	[sflag:s30] =	ssyncset.done $0x0  }
0xe9: {  	[sflag:s30] =	ssyncadd.s32 $0xFFFF8000;
	s1 =	sadd.s32 s6, s1  }
0xea: {  	[hbm4b:s1+s3] =	stream.linear.scatter [tilespmem:s11], [sflag:$0x3], $0x8000, $0x38;
	[tilespmem:$0xC800] =	vst v63  }
0xeb: {  	_ =	swait.ge [sflag:s9], $0x8000  }
0xec: {  	[sflag:s9] =	ssyncset.done $0x0  }
0xed: {  	[sflag:s9] =	ssyncadd.s32 $0xFFFF8000  }
0xee: {  	_ =	swait.ge [sflag:s31], $0x4000  }
0xef: {  	s1 =	rddreg [dreg:$0xf];
	[sflag:s31] =	ssyncset.done $0x0  }
0xf0: {  	[sflag:s31] =	ssyncadd.s32 $0xFFFFC000;
	s1 =	sadd.s32 s5, s1  }
0xf1: {  	[hbm4b:s1+s3] =	stream.linear.scatter [tilespmem:s29], [sflag:$0x3], $0x4000, $0x38;
	[tilespmem:$0xC800] =	vst v63  }
0xf2: {  	_ =	swait.ge [sflag:s9], $0x4000  }
0xf3: {  	[sflag:s9] =	ssyncset.done $0x0  }
0xf4: {  	[sflag:s9] =	ssyncadd.s32 $0xFFFFC000  }
0xf5: {  	v3 =	vld [tilespmem:$0x100];
	_ =	sdelay $0x4  }
0xf6: {  	v16 =	vshll.u32 v3, $0x1  }
0xf7: {  	v3 =	vand.u32 $0x7, v3;
	v4 =	vand.u32 $0xFFFFFFF0, v16  }
0xf8: {  	v3 =	vor.u32 v3, v4  }
0xf9: {  	v4 =	vperm.xlane v3, v0;
	_ =	sdelay $0x1  }
0xfa: {  	v3 =	vperm.xlane v3, v2;
	v4 =	vadd.s32 v1, v4;
	_ =	sdelay $0x1  }
0xfb: {  	v3 =	vadd.s32 v1, v3;
	_ =	sdelay $0x2  }
0xfc: {  	[tilespmem:s11], [sflag:$0x1] =	stream.indirect_vreg.gather [hbm4b:s4+s3], $0x80, v4, vm0, $0xb8;
	[tilespmem:$0xC800] =	vst v63  }
0xfd: {  	_ = 	snop  }
0xfe: {  	[tilespmem:s12], [sflag:$0x1] =	stream.indirect_vreg.gather [hbm4b:s4+s3], $0x80, v3, vm0, $0xb8;
	[tilespmem:$0xC800] =	vst v63  }
0xff: {  	v3 =	vld [tilespmem:$0x110];
	_ =	sdelay $0x4  }
0x100: {  	v17 =	vshll.u32 v3, $0x1  }
0x101: {  	v3 =	vand.u32 $0x7, v3;
	v4 =	vand.u32 $0xFFFFFFF0, v17  }
0x102: {  	v3 =	vor.u32 v3, v4  }
0x103: {  	v4 =	vperm.xlane v3, v0;
	_ =	sdelay $0x1  }
0x104: {  	v3 =	vperm.xlane v3, v2;
	v4 =	vadd.s32 v1, v4;
	_ =	sdelay $0x1  }
0x105: {  	v3 =	vadd.s32 v1, v3;
	_ =	sdelay $0x2  }
0x106: {  	[tilespmem:s13], [sflag:$0x1] =	stream.indirect_vreg.gather [hbm4b:s4+s3], $0x80, v4, vm0, $0xb8;
	[tilespmem:$0xC800] =	vst v63  }
0x107: {  	_ = 	snop  }
0x108: {  	[tilespmem:s14], [sflag:$0x1] =	stream.indirect_vreg.gather [hbm4b:s4+s3], $0x80, v3, vm0, $0xb8;
	[tilespmem:$0xC800] =	vst v63  }
0x109: {  	v3 =	vld [tilespmem:$0x120];
	_ =	sdelay $0x4  }
0x10a: {  	v18 =	vshll.u32 v3, $0x1  }
0x10b: {  	v3 =	vand.u32 $0x7, v3;
	v4 =	vand.u32 $0xFFFFFFF0, v18  }
0x10c: {  	v3 =	vor.u32 v3, v4  }
0x10d: {  	v4 =	vperm.xlane v3, v0;
	_ =	sdelay $0x1  }
0x10e: {  	v3 =	vperm.xlane v3, v2;
	v4 =	vadd.s32 v1, v4;
	_ =	sdelay $0x1  }
0x10f: {  	v3 =	vadd.s32 v1, v3;
	_ =	sdelay $0x2  }
0x110: {  	[tilespmem:s15], [sflag:$0x1] =	stream.indirect_vreg.gather [hbm4b:s4+s3], $0x80, v4, vm0, $0xb8;
	[tilespmem:$0xC800] =	vst v63  }
0x111: {  	_ = 	snop  }
0x112: {  	[tilespmem:s16], [sflag:$0x1] =	stream.indirect_vreg.gather [hbm4b:s4+s3], $0x80, v3, vm0, $0xb8;
	[tilespmem:$0xC800] =	vst v63  }
0x113: {  	v3 =	vld [tilespmem:$0x130];
	_ =	sdelay $0x4  }
0x114: {  	v19 =	vshll.u32 v3, $0x1  }
0x115: {  	v3 =	vand.u32 $0x7, v3;
	v4 =	vand.u32 $0xFFFFFFF0, v19  }
0x116: {  	v3 =	vor.u32 v3, v4  }
0x117: {  	v4 =	vperm.xlane v3, v0;
	_ =	sdelay $0x1  }
0x118: {  	v3 =	vperm.xlane v3, v2;
	v4 =	vadd.s32 v1, v4;
	_ =	sdelay $0x1  }
0x119: {  	v3 =	vadd.s32 v1, v3;
	_ =	sdelay $0x2  }
0x11a: {  	[tilespmem:s17], [sflag:$0x1] =	stream.indirect_vreg.gather [hbm4b:s4+s3], $0x80, v4, vm0, $0xb8;
	[tilespmem:$0xC800] =	vst v63  }
0x11b: {  	_ = 	snop  }
0x11c: {  	[tilespmem:s18], [sflag:$0x1] =	stream.indirect_vreg.gather [hbm4b:s4+s3], $0x80, v3, vm0, $0xb8;
	[tilespmem:$0xC800] =	vst v63  }
0x11d: {  	v3 =	vld [tilespmem:$0x140];
	_ =	sdelay $0x4  }
0x11e: {  	v20 =	vshll.u32 v3, $0x1  }
0x11f: {  	v3 =	vand.u32 $0x7, v3;
	v4 =	vand.u32 $0xFFFFFFF0, v20  }
0x120: {  	v3 =	vor.u32 v3, v4  }
0x121: {  	v4 =	vperm.xlane v3, v0;
	_ =	sdelay $0x1  }
0x122: {  	v3 =	vperm.xlane v3, v2;
	v4 =	vadd.s32 v1, v4;
	_ =	sdelay $0x1  }
0x123: {  	v3 =	vadd.s32 v1, v3;
	_ =	sdelay $0x2  }
0x124: {  	[tilespmem:s19], [sflag:$0x1] =	stream.indirect_vreg.gather [hbm4b:s4+s3], $0x80, v4, vm0, $0xb8;
	[tilespmem:$0xC800] =	vst v63  }
0x125: {  	_ = 	snop  }
0x126: {  	[tilespmem:s20], [sflag:$0x1] =	stream.indirect_vreg.gather [hbm4b:s4+s3], $0x80, v3, vm0, $0xb8;
	[tilespmem:$0xC800] =	vst v63  }
0x127: {  	v3 =	vld [tilespmem:$0x150];
	_ =	sdelay $0x4  }
0x128: {  	v21 =	vshll.u32 v3, $0x1  }
0x129: {  	v3 =	vand.u32 $0x7, v3;
	v4 =	vand.u32 $0xFFFFFFF0, v21  }
0x12a: {  	v3 =	vor.u32 v3, v4  }
0x12b: {  	v4 =	vperm.xlane v3, v0;
	_ =	sdelay $0x1  }
0x12c: {  	v3 =	vperm.xlane v3, v2;
	v4 =	vadd.s32 v1, v4;
	_ =	sdelay $0x1  }
0x12d: {  	v3 =	vadd.s32 v1, v3;
	_ =	sdelay $0x2  }
0x12e: {  	[tilespmem:s21], [sflag:$0x1] =	stream.indirect_vreg.gather [hbm4b:s4+s3], $0x80, v4, vm0, $0xb8;
	[tilespmem:$0xC800] =	vst v63  }
0x12f: {  	_ = 	snop  }
0x130: {  	[tilespmem:s22], [sflag:$0x1] =	stream.indirect_vreg.gather [hbm4b:s4+s3], $0x80, v3, vm0, $0xb8;
	[tilespmem:$0xC800] =	vst v63  }
0x131: {  	v3 =	vld [tilespmem:$0x160];
	_ =	sdelay $0x4  }
0x132: {  	v22 =	vshll.u32 v3, $0x1  }
0x133: {  	v3 =	vand.u32 $0x7, v3;
	v4 =	vand.u32 $0xFFFFFFF0, v22  }
0x134: {  	v3 =	vor.u32 v3, v4  }
0x135: {  	v4 =	vperm.xlane v3, v0;
	_ =	sdelay $0x1  }
0x136: {  	v3 =	vperm.xlane v3, v2;
	v4 =	vadd.s32 v1, v4;
	_ =	sdelay $0x1  }
0x137: {  	v3 =	vadd.s32 v1, v3;
	_ =	sdelay $0x2  }
0x138: {  	[tilespmem:s23], [sflag:$0x1] =	stream.indirect_vreg.gather [hbm4b:s4+s3], $0x80, v4, vm0, $0xb8;
	[tilespmem:$0xC800] =	vst v63  }
0x139: {  	_ = 	snop  }
0x13a: {  	[tilespmem:s24], [sflag:$0x1] =	stream.indirect_vreg.gather [hbm4b:s4+s3], $0x80, v3, vm0, $0xb8;
	[tilespmem:$0xC800] =	vst v63  }
0x13b: {  	v3 =	vld [tilespmem:$0x170];
	_ =	sdelay $0x4  }
0x13c: {  	v23 =	vshll.u32 v3, $0x1  }
0x13d: {  	v3 =	vand.u32 $0x7, v3;
	v4 =	vand.u32 $0xFFFFFFF0, v23  }
0x13e: {  	v3 =	vor.u32 v3, v4  }
0x13f: {  	v4 =	vperm.xlane v3, v0;
	_ =	sdelay $0x1  }
0x140: {  	v3 =	vperm.xlane v3, v2;
	v4 =	vadd.s32 v1, v4;
	_ =	sdelay $0x1  }
0x141: {  	v3 =	vadd.s32 v1, v3;
	_ =	sdelay $0x2  }
0x142: {  	[tilespmem:s25], [sflag:$0x1] =	stream.indirect_vreg.gather [hbm4b:s4+s3], $0x80, v4, vm0, $0xb8;
	[tilespmem:$0xC800] =	vst v63  }
0x143: {  	_ = 	snop  }
0x144: {  	[tilespmem:s26], [sflag:$0x1] =	stream.indirect_vreg.gather [hbm4b:s4+s3], $0x80, v3, vm0, $0xb8;
	[tilespmem:$0xC800] =	vst v63  }
0x145: {  	s1 =	rddreg [dreg:$0x14]  }
0x146: {  	[tilespmem:s29], [sflag:$0x2] =	stream.indirect.gather [hbm4b:s2+s28], $0x80, s1, s28, $0xb8;
	[tilespmem:$0xC800] =	vst v63  }
0x147: {  	_ =	swait.ge [sflag:s30], $0x8000  }
0x148: {  	s1 =	rddreg [dreg:$0xe];
	[sflag:s30] =	ssyncset.done $0x0  }
0x149: {  	[sflag:s30] =	ssyncadd.s32 $0xFFFF8000;
	s1 =	sadd.s32 s6, s1  }
0x14a: {  	[hbm4b:s1+s3] =	stream.linear.scatter [tilespmem:s11], [sflag:$0x3], $0x8000, $0x38;
	[tilespmem:$0xC800] =	vst v63  }
0x14b: {  	_ =	swait.ge [sflag:s9], $0x8000  }
0x14c: {  	[sflag:s9] =	ssyncset.done $0x0  }
0x14d: {  	[sflag:s9] =	ssyncadd.s32 $0xFFFF8000  }
0x14e: {  	_ =	swait.ge [sflag:s31], $0x4000  }
0x14f: {  	s1 =	rddreg [dreg:$0xd];
	[sflag:s31] =	ssyncset.done $0x0  }
0x150: {  	[sflag:s31] =	ssyncadd.s32 $0xFFFFC000;
	s1 =	sadd.s32 s5, s1  }
0x151: {  	[hbm4b:s1+s3] =	stream.linear.scatter [tilespmem:s29], [sflag:$0x3], $0x4000, $0x38;
	[tilespmem:$0xC800] =	vst v63  }
0x152: {  	_ =	swait.ge [sflag:s9], $0x4000  }
0x153: {  	[sflag:s9] =	ssyncset.done $0x0  }
0x154: {  	[sflag:s9] =	ssyncadd.s32 $0xFFFFC000  }
0x155: {  	v3 =	vld [tilespmem:$0x180];
	_ =	sdelay $0x4  }
0x156: {  	v24 =	vshll.u32 v3, $0x1  }
0x157: {  	v3 =	vand.u32 $0x7, v3;
	v4 =	vand.u32 $0xFFFFFFF0, v24  }
0x158: {  	v3 =	vor.u32 v3, v4  }
0x159: {  	v4 =	vperm.xlane v3, v0;
	_ =	sdelay $0x1  }
0x15a: {  	v3 =	vperm.xlane v3, v2;
	v4 =	vadd.s32 v1, v4;
	_ =	sdelay $0x1  }
0x15b: {  	v3 =	vadd.s32 v1, v3;
	_ =	sdelay $0x2  }
0x15c: {  	[tilespmem:s11], [sflag:$0x1] =	stream.indirect_vreg.gather [hbm4b:s4+s3], $0x80, v4, vm0, $0xb8;
	[tilespmem:$0xC800] =	vst v63  }
0x15d: {  	_ = 	snop  }
0x15e: {  	[tilespmem:s12], [sflag:$0x1] =	stream.indirect_vreg.gather [hbm4b:s4+s3], $0x80, v3, vm0, $0xb8;
	[tilespmem:$0xC800] =	vst v63  }
0x15f: {  	v3 =	vld [tilespmem:$0x190];
	_ =	sdelay $0x4  }
0x160: {  	v25 =	vshll.u32 v3, $0x1  }
0x161: {  	v3 =	vand.u32 $0x7, v3;
	v4 =	vand.u32 $0xFFFFFFF0, v25  }
0x162: {  	v3 =	vor.u32 v3, v4  }
0x163: {  	v4 =	vperm.xlane v3, v0;
	_ =	sdelay $0x1  }
0x164: {  	v3 =	vperm.xlane v3, v2;
	v4 =	vadd.s32 v1, v4;
	_ =	sdelay $0x1  }
0x165: {  	v3 =	vadd.s32 v1, v3;
	_ =	sdelay $0x2  }
0x166: {  	[tilespmem:s13], [sflag:$0x1] =	stream.indirect_vreg.gather [hbm4b:s4+s3], $0x80, v4, vm0, $0xb8;
	[tilespmem:$0xC800] =	vst v63  }
0x167: {  	_ = 	snop  }
0x168: {  	[tilespmem:s14], [sflag:$0x1] =	stream.indirect_vreg.gather [hbm4b:s4+s3], $0x80, v3, vm0, $0xb8;
	[tilespmem:$0xC800] =	vst v63  }
0x169: {  	v3 =	vld [tilespmem:$0x1A0];
	_ =	sdelay $0x4  }
0x16a: {  	v26 =	vshll.u32 v3, $0x1  }
0x16b: {  	v3 =	vand.u32 $0x7, v3;
	v4 =	vand.u32 $0xFFFFFFF0, v26  }
0x16c: {  	v3 =	vor.u32 v3, v4  }
0x16d: {  	v4 =	vperm.xlane v3, v0;
	_ =	sdelay $0x1  }
0x16e: {  	v3 =	vperm.xlane v3, v2;
	v4 =	vadd.s32 v1, v4;
	_ =	sdelay $0x1  }
0x16f: {  	v3 =	vadd.s32 v1, v3;
	_ =	sdelay $0x2  }
0x170: {  	[tilespmem:s15], [sflag:$0x1] =	stream.indirect_vreg.gather [hbm4b:s4+s3], $0x80, v4, vm0, $0xb8;
	[tilespmem:$0xC800] =	vst v63  }
0x171: {  	_ = 	snop  }
0x172: {  	[tilespmem:s16], [sflag:$0x1] =	stream.indirect_vreg.gather [hbm4b:s4+s3], $0x80, v3, vm0, $0xb8;
	[tilespmem:$0xC800] =	vst v63  }
0x173: {  	v3 =	vld [tilespmem:$0x1B0];
	_ =	sdelay $0x4  }
0x174: {  	v27 =	vshll.u32 v3, $0x1  }
0x175: {  	v3 =	vand.u32 $0x7, v3;
	v4 =	vand.u32 $0xFFFFFFF0, v27  }
0x176: {  	v3 =	vor.u32 v3, v4  }
0x177: {  	v4 =	vperm.xlane v3, v0;
	_ =	sdelay $0x1  }
0x178: {  	v3 =	vperm.xlane v3, v2;
	v4 =	vadd.s32 v1, v4;
	_ =	sdelay $0x1  }
0x179: {  	v3 =	vadd.s32 v1, v3;
	_ =	sdelay $0x2  }
0x17a: {  	[tilespmem:s17], [sflag:$0x1] =	stream.indirect_vreg.gather [hbm4b:s4+s3], $0x80, v4, vm0, $0xb8;
	[tilespmem:$0xC800] =	vst v63  }
0x17b: {  	_ = 	snop  }
0x17c: {  	[tilespmem:s18], [sflag:$0x1] =	stream.indirect_vreg.gather [hbm4b:s4+s3], $0x80, v3, vm0, $0xb8;
	[tilespmem:$0xC800] =	vst v63  }
0x17d: {  	v3 =	vld [tilespmem:$0x1C0];
	_ =	sdelay $0x4  }
0x17e: {  	v28 =	vshll.u32 v3, $0x1  }
0x17f: {  	v3 =	vand.u32 $0x7, v3;
	v4 =	vand.u32 $0xFFFFFFF0, v28  }
0x180: {  	v3 =	vor.u32 v3, v4  }
0x181: {  	v4 =	vperm.xlane v3, v0;
	_ =	sdelay $0x1  }
0x182: {  	v3 =	vperm.xlane v3, v2;
	v4 =	vadd.s32 v1, v4;
	_ =	sdelay $0x1  }
0x183: {  	v3 =	vadd.s32 v1, v3;
	_ =	sdelay $0x2  }
0x184: {  	[tilespmem:s19], [sflag:$0x1] =	stream.indirect_vreg.gather [hbm4b:s4+s3], $0x80, v4, vm0, $0xb8;
	[tilespmem:$0xC800] =	vst v63  }
0x185: {  	_ = 	snop  }
0x186: {  	[tilespmem:s20], [sflag:$0x1] =	stream.indirect_vreg.gather [hbm4b:s4+s3], $0x80, v3, vm0, $0xb8;
	[tilespmem:$0xC800] =	vst v63  }
0x187: {  	v3 =	vld [tilespmem:$0x1D0];
	_ =	sdelay $0x4  }
0x188: {  	v29 =	vshll.u32 v3, $0x1  }
0x189: {  	v3 =	vand.u32 $0x7, v3;
	v4 =	vand.u32 $0xFFFFFFF0, v29  }
0x18a: {  	v3 =	vor.u32 v3, v4  }
0x18b: {  	v4 =	vperm.xlane v3, v0;
	_ =	sdelay $0x1  }
0x18c: {  	v3 =	vperm.xlane v3, v2;
	v4 =	vadd.s32 v1, v4;
	_ =	sdelay $0x1  }
0x18d: {  	v3 =	vadd.s32 v1, v3;
	_ =	sdelay $0x2  }
0x18e: {  	[tilespmem:s21], [sflag:$0x1] =	stream.indirect_vreg.gather [hbm4b:s4+s3], $0x80, v4, vm0, $0xb8;
	[tilespmem:$0xC800] =	vst v63  }
0x18f: {  	_ = 	snop  }
0x190: {  	[tilespmem:s22], [sflag:$0x1] =	stream.indirect_vreg.gather [hbm4b:s4+s3], $0x80, v3, vm0, $0xb8;
	[tilespmem:$0xC800] =	vst v63  }
0x191: {  	v3 =	vld [tilespmem:$0x1E0];
	_ =	sdelay $0x4  }
0x192: {  	v30 =	vshll.u32 v3, $0x1  }
0x193: {  	v3 =	vand.u32 $0x7, v3;
	v4 =	vand.u32 $0xFFFFFFF0, v30  }
0x194: {  	v3 =	vor.u32 v3, v4  }
0x195: {  	v4 =	vperm.xlane v3, v0;
	_ =	sdelay $0x1  }
0x196: {  	v3 =	vperm.xlane v3, v2;
	v4 =	vadd.s32 v1, v4;
	_ =	sdelay $0x1  }
0x197: {  	v3 =	vadd.s32 v1, v3;
	_ =	sdelay $0x2  }
0x198: {  	[tilespmem:s23], [sflag:$0x1] =	stream.indirect_vreg.gather [hbm4b:s4+s3], $0x80, v4, vm0, $0xb8;
	[tilespmem:$0xC800] =	vst v63  }
0x199: {  	_ = 	snop  }
0x19a: {  	[tilespmem:s24], [sflag:$0x1] =	stream.indirect_vreg.gather [hbm4b:s4+s3], $0x80, v3, vm0, $0xb8;
	[tilespmem:$0xC800] =	vst v63  }
0x19b: {  	v3 =	vld [tilespmem:$0x1F0];
	_ =	sdelay $0x4  }
0x19c: {  	v31 =	vshll.u32 v3, $0x1  }
0x19d: {  	v3 =	vand.u32 $0x7, v3;
	v4 =	vand.u32 $0xFFFFFFF0, v31  }
0x19e: {  	v3 =	vor.u32 v3, v4  }
0x19f: {  	v4 =	vperm.xlane v3, v0;
	_ =	sdelay $0x1  }
0x1a0: {  	v3 =	vperm.xlane v3, v2;
	v4 =	vadd.s32 v1, v4;
	_ =	sdelay $0x1  }
0x1a1: {  	v3 =	vadd.s32 v1, v3;
	_ =	sdelay $0x2  }
0x1a2: {  	[tilespmem:s25], [sflag:$0x1] =	stream.indirect_vreg.gather [hbm4b:s4+s3], $0x80, v4, vm0, $0xb8;
	[tilespmem:$0xC800] =	vst v63  }
0x1a3: {  	_ = 	snop  }
0x1a4: {  	[tilespmem:s26], [sflag:$0x1] =	stream.indirect_vreg.gather [hbm4b:s4+s3], $0x80, v3, vm0, $0xb8;
	[tilespmem:$0xC800] =	vst v63  }
0x1a5: {  	s1 =	rddreg [dreg:$0x15]  }
0x1a6: {  	[tilespmem:s29], [sflag:$0x2] =	stream.indirect.gather [hbm4b:s2+s28], $0x80, s1, s28, $0xb8;
	[tilespmem:$0xC800] =	vst v63  }
0x1a7: {  	_ =	swait.ge [sflag:s30], $0x8000  }
0x1a8: {  	s1 =	rddreg [dreg:$0xc];
	[sflag:s30] =	ssyncset.done $0x0  }
0x1a9: {  	[sflag:s30] =	ssyncadd.s32 $0xFFFF8000;
	s1 =	sadd.s32 s6, s1  }
0x1aa: {  	[hbm4b:s1+s3] =	stream.linear.scatter [tilespmem:s11], [sflag:$0x3], $0x8000, $0x38;
	[tilespmem:$0xC800] =	vst v63  }
0x1ab: {  	_ =	swait.ge [sflag:s9], $0x8000  }
0x1ac: {  	[sflag:s9] =	ssyncset.done $0x0  }
0x1ad: {  	[sflag:s9] =	ssyncadd.s32 $0xFFFF8000  }
0x1ae: {  	_ =	swait.ge [sflag:s31], $0x4000  }
0x1af: {  	s1 =	rddreg [dreg:$0xb];
	[sflag:s31] =	ssyncset.done $0x0  }
0x1b0: {  	[sflag:s31] =	ssyncadd.s32 $0xFFFFC000;
	s1 =	sadd.s32 s5, s1  }
0x1b1: {  	[hbm4b:s1+s3] =	stream.linear.scatter [tilespmem:s29], [sflag:$0x3], $0x4000, $0x38;
	[tilespmem:$0xC800] =	vst v63  }
0x1b2: {  	_ =	swait.ge [sflag:s9], $0x4000  }
0x1b3: {  	[sflag:s9] =	ssyncset.done $0x0  }
0x1b4: {  	[sflag:s9] =	ssyncadd.s32 $0xFFFFC000  }
0x1b5: {  	v3 =	vld [tilespmem:$0x200];
	_ =	sdelay $0x4  }
0x1b6: {  	v32 =	vshll.u32 v3, $0x1  }
0x1b7: {  	v3 =	vand.u32 $0x7, v3;
	v4 =	vand.u32 $0xFFFFFFF0, v32  }
0x1b8: {  	v3 =	vor.u32 v3, v4  }
0x1b9: {  	v4 =	vperm.xlane v3, v0;
	_ =	sdelay $0x1  }
0x1ba: {  	v3 =	vperm.xlane v3, v2;
	v4 =	vadd.s32 v1, v4;
	_ =	sdelay $0x1  }
0x1bb: {  	v3 =	vadd.s32 v1, v3;
	_ =	sdelay $0x2  }
0x1bc: {  	[tilespmem:s11], [sflag:$0x1] =	stream.indirect_vreg.gather [hbm4b:s4+s3], $0x80, v4, vm0, $0xb8;
	[tilespmem:$0xC800] =	vst v63  }
0x1bd: {  	_ = 	snop  }
0x1be: {  	[tilespmem:s12], [sflag:$0x1] =	stream.indirect_vreg.gather [hbm4b:s4+s3], $0x80, v3, vm0, $0xb8;
	[tilespmem:$0xC800] =	vst v63  }
0x1bf: {  	v3 =	vld [tilespmem:$0x210];
	_ =	sdelay $0x4  }
0x1c0: {  	v33 =	vshll.u32 v3, $0x1  }
0x1c1: {  	v3 =	vand.u32 $0x7, v3;
	v4 =	vand.u32 $0xFFFFFFF0, v33  }
0x1c2: {  	v3 =	vor.u32 v3, v4  }
0x1c3: {  	v4 =	vperm.xlane v3, v0;
	_ =	sdelay $0x1  }
0x1c4: {  	v3 =	vperm.xlane v3, v2;
	v4 =	vadd.s32 v1, v4;
	_ =	sdelay $0x1  }
0x1c5: {  	v3 =	vadd.s32 v1, v3;
	_ =	sdelay $0x2  }
0x1c6: {  	[tilespmem:s13], [sflag:$0x1] =	stream.indirect_vreg.gather [hbm4b:s4+s3], $0x80, v4, vm0, $0xb8;
	[tilespmem:$0xC800] =	vst v63  }
0x1c7: {  	_ = 	snop  }
0x1c8: {  	[tilespmem:s14], [sflag:$0x1] =	stream.indirect_vreg.gather [hbm4b:s4+s3], $0x80, v3, vm0, $0xb8;
	[tilespmem:$0xC800] =	vst v63  }
0x1c9: {  	v3 =	vld [tilespmem:$0x220];
	_ =	sdelay $0x4  }
0x1ca: {  	v34 =	vshll.u32 v3, $0x1  }
0x1cb: {  	v3 =	vand.u32 $0x7, v3;
	v4 =	vand.u32 $0xFFFFFFF0, v34  }
0x1cc: {  	v3 =	vor.u32 v3, v4  }
0x1cd: {  	v4 =	vperm.xlane v3, v0;
	_ =	sdelay $0x1  }
0x1ce: {  	v3 =	vperm.xlane v3, v2;
	v4 =	vadd.s32 v1, v4;
	_ =	sdelay $0x1  }
0x1cf: {  	v3 =	vadd.s32 v1, v3;
	_ =	sdelay $0x2  }
0x1d0: {  	[tilespmem:s15], [sflag:$0x1] =	stream.indirect_vreg.gather [hbm4b:s4+s3], $0x80, v4, vm0, $0xb8;
	[tilespmem:$0xC800] =	vst v63  }
0x1d1: {  	_ = 	snop  }
0x1d2: {  	[tilespmem:s16], [sflag:$0x1] =	stream.indirect_vreg.gather [hbm4b:s4+s3], $0x80, v3, vm0, $0xb8;
	[tilespmem:$0xC800] =	vst v63  }
0x1d3: {  	v3 =	vld [tilespmem:$0x230];
	_ =	sdelay $0x4  }
0x1d4: {  	v35 =	vshll.u32 v3, $0x1  }
0x1d5: {  	v3 =	vand.u32 $0x7, v3;
	v4 =	vand.u32 $0xFFFFFFF0, v35  }
0x1d6: {  	v3 =	vor.u32 v3, v4  }
0x1d7: {  	v4 =	vperm.xlane v3, v0;
	_ =	sdelay $0x1  }
0x1d8: {  	v3 =	vperm.xlane v3, v2;
	v4 =	vadd.s32 v1, v4;
	_ =	sdelay $0x1  }
0x1d9: {  	v3 =	vadd.s32 v1, v3;
	_ =	sdelay $0x2  }
0x1da: {  	[tilespmem:s17], [sflag:$0x1] =	stream.indirect_vreg.gather [hbm4b:s4+s3], $0x80, v4, vm0, $0xb8;
	[tilespmem:$0xC800] =	vst v63  }
0x1db: {  	_ = 	snop  }
0x1dc: {  	[tilespmem:s18], [sflag:$0x1] =	stream.indirect_vreg.gather [hbm4b:s4+s3], $0x80, v3, vm0, $0xb8;
	[tilespmem:$0xC800] =	vst v63  }
0x1dd: {  	v3 =	vld [tilespmem:$0x240];
	_ =	sdelay $0x4  }
0x1de: {  	v36 =	vshll.u32 v3, $0x1  }
0x1df: {  	v3 =	vand.u32 $0x7, v3;
	v4 =	vand.u32 $0xFFFFFFF0, v36  }
0x1e0: {  	v3 =	vor.u32 v3, v4  }
0x1e1: {  	v4 =	vperm.xlane v3, v0;
	_ =	sdelay $0x1  }
0x1e2: {  	v3 =	vperm.xlane v3, v2;
	v4 =	vadd.s32 v1, v4;
	_ =	sdelay $0x1  }
0x1e3: {  	v3 =	vadd.s32 v1, v3;
	_ =	sdelay $0x2  }
0x1e4: {  	[tilespmem:s19], [sflag:$0x1] =	stream.indirect_vreg.gather [hbm4b:s4+s3], $0x80, v4, vm0, $0xb8;
	[tilespmem:$0xC800] =	vst v63  }
0x1e5: {  	_ = 	snop  }
0x1e6: {  	[tilespmem:s20], [sflag:$0x1] =	stream.indirect_vreg.gather [hbm4b:s4+s3], $0x80, v3, vm0, $0xb8;
	[tilespmem:$0xC800] =	vst v63  }
0x1e7: {  	v3 =	vld [tilespmem:$0x250];
	_ =	sdelay $0x4  }
0x1e8: {  	v37 =	vshll.u32 v3, $0x1  }
0x1e9: {  	v3 =	vand.u32 $0x7, v3;
	v4 =	vand.u32 $0xFFFFFFF0, v37  }
0x1ea: {  	v3 =	vor.u32 v3, v4  }
0x1eb: {  	v4 =	vperm.xlane v3, v0;
	_ =	sdelay $0x1  }
0x1ec: {  	v3 =	vperm.xlane v3, v2;
	v4 =	vadd.s32 v1, v4;
	_ =	sdelay $0x1  }
0x1ed: {  	v3 =	vadd.s32 v1, v3;
	_ =	sdelay $0x2  }
0x1ee: {  	[tilespmem:s21], [sflag:$0x1] =	stream.indirect_vreg.gather [hbm4b:s4+s3], $0x80, v4, vm0, $0xb8;
	[tilespmem:$0xC800] =	vst v63  }
0x1ef: {  	_ = 	snop  }
0x1f0: {  	[tilespmem:s22], [sflag:$0x1] =	stream.indirect_vreg.gather [hbm4b:s4+s3], $0x80, v3, vm0, $0xb8;
	[tilespmem:$0xC800] =	vst v63  }
0x1f1: {  	v3 =	vld [tilespmem:$0x260];
	_ =	sdelay $0x4  }
0x1f2: {  	v38 =	vshll.u32 v3, $0x1  }
0x1f3: {  	v3 =	vand.u32 $0x7, v3;
	v4 =	vand.u32 $0xFFFFFFF0, v38  }
0x1f4: {  	v3 =	vor.u32 v3, v4  }
0x1f5: {  	v4 =	vperm.xlane v3, v0;
	_ =	sdelay $0x1  }
0x1f6: {  	v3 =	vperm.xlane v3, v2;
	v4 =	vadd.s32 v1, v4;
	_ =	sdelay $0x1  }
0x1f7: {  	v3 =	vadd.s32 v1, v3;
	_ =	sdelay $0x2  }
0x1f8: {  	[tilespmem:s23], [sflag:$0x1] =	stream.indirect_vreg.gather [hbm4b:s4+s3], $0x80, v4, vm0, $0xb8;
	[tilespmem:$0xC800] =	vst v63  }
0x1f9: {  	_ = 	snop  }
0x1fa: {  	[tilespmem:s24], [sflag:$0x1] =	stream.indirect_vreg.gather [hbm4b:s4+s3], $0x80, v3, vm0, $0xb8;
	[tilespmem:$0xC800] =	vst v63  }
0x1fb: {  	v3 =	vld [tilespmem:$0x270];
	_ =	sdelay $0x4  }
0x1fc: {  	v39 =	vshll.u32 v3, $0x1  }
0x1fd: {  	v3 =	vand.u32 $0x7, v3;
	v4 =	vand.u32 $0xFFFFFFF0, v39  }
0x1fe: {  	v3 =	vor.u32 v3, v4  }
0x1ff: {  	v4 =	vperm.xlane v3, v0;
	_ =	sdelay $0x1  }
0x200: {  	v3 =	vperm.xlane v3, v2;
	v4 =	vadd.s32 v1, v4;
	_ =	sdelay $0x1  }
0x201: {  	v3 =	vadd.s32 v1, v3;
	_ =	sdelay $0x2  }
0x202: {  	[tilespmem:s25], [sflag:$0x1] =	stream.indirect_vreg.gather [hbm4b:s4+s3], $0x80, v4, vm0, $0xb8;
	[tilespmem:$0xC800] =	vst v63  }
0x203: {  	_ = 	snop  }
0x204: {  	[tilespmem:s26], [sflag:$0x1] =	stream.indirect_vreg.gather [hbm4b:s4+s3], $0x80, v3, vm0, $0xb8;
	[tilespmem:$0xC800] =	vst v63  }
0x205: {  	s1 =	rddreg [dreg:$0x16]  }
0x206: {  	[tilespmem:s29], [sflag:$0x2] =	stream.indirect.gather [hbm4b:s2+s28], $0x80, s1, s28, $0xb8;
	[tilespmem:$0xC800] =	vst v63  }
0x207: {  	_ =	swait.ge [sflag:s30], $0x8000  }
0x208: {  	s1 =	rddreg [dreg:$0xa];
	[sflag:s30] =	ssyncset.done $0x0  }
0x209: {  	[sflag:s30] =	ssyncadd.s32 $0xFFFF8000;
	s1 =	sadd.s32 s6, s1  }
0x20a: {  	[hbm4b:s1+s3] =	stream.linear.scatter [tilespmem:s11], [sflag:$0x3], $0x8000, $0x38;
	[tilespmem:$0xC800] =	vst v63  }
0x20b: {  	_ =	swait.ge [sflag:s9], $0x8000  }
0x20c: {  	[sflag:s9] =	ssyncset.done $0x0  }
0x20d: {  	[sflag:s9] =	ssyncadd.s32 $0xFFFF8000  }
0x20e: {  	_ =	swait.ge [sflag:s31], $0x4000  }
0x20f: {  	s1 =	rddreg [dreg:$0x9];
	[sflag:s31] =	ssyncset.done $0x0  }
0x210: {  	[sflag:s31] =	ssyncadd.s32 $0xFFFFC000;
	s1 =	sadd.s32 s5, s1  }
0x211: {  	[hbm4b:s1+s3] =	stream.linear.scatter [tilespmem:s29], [sflag:$0x3], $0x4000, $0x38;
	[tilespmem:$0xC800] =	vst v63  }
0x212: {  	_ =	swait.ge [sflag:s9], $0x4000  }
0x213: {  	[sflag:s9] =	ssyncset.done $0x0  }
0x214: {  	[sflag:s9] =	ssyncadd.s32 $0xFFFFC000  }
0x215: {  	v3 =	vld [tilespmem:$0x280];
	_ =	sdelay $0x4  }
0x216: {  	v40 =	vshll.u32 v3, $0x1  }
0x217: {  	v3 =	vand.u32 $0x7, v3;
	v4 =	vand.u32 $0xFFFFFFF0, v40  }
0x218: {  	v3 =	vor.u32 v3, v4  }
0x219: {  	v4 =	vperm.xlane v3, v0;
	_ =	sdelay $0x1  }
0x21a: {  	v3 =	vperm.xlane v3, v2;
	v4 =	vadd.s32 v1, v4;
	_ =	sdelay $0x1  }
0x21b: {  	v3 =	vadd.s32 v1, v3;
	_ =	sdelay $0x2  }
0x21c: {  	[tilespmem:s11], [sflag:$0x1] =	stream.indirect_vreg.gather [hbm4b:s4+s3], $0x80, v4, vm0, $0xb8;
	[tilespmem:$0xC800] =	vst v63  }
0x21d: {  	_ = 	snop  }
0x21e: {  	[tilespmem:s12], [sflag:$0x1] =	stream.indirect_vreg.gather [hbm4b:s4+s3], $0x80, v3, vm0, $0xb8;
	[tilespmem:$0xC800] =	vst v63  }
0x21f: {  	v3 =	vld [tilespmem:$0x290];
	_ =	sdelay $0x4  }
0x220: {  	v41 =	vshll.u32 v3, $0x1  }
0x221: {  	v3 =	vand.u32 $0x7, v3;
	v4 =	vand.u32 $0xFFFFFFF0, v41  }
0x222: {  	v3 =	vor.u32 v3, v4  }
0x223: {  	v4 =	vperm.xlane v3, v0;
	_ =	sdelay $0x1  }
0x224: {  	v3 =	vperm.xlane v3, v2;
	v4 =	vadd.s32 v1, v4;
	_ =	sdelay $0x1  }
0x225: {  	v3 =	vadd.s32 v1, v3;
	_ =	sdelay $0x2  }
0x226: {  	[tilespmem:s13], [sflag:$0x1] =	stream.indirect_vreg.gather [hbm4b:s4+s3], $0x80, v4, vm0, $0xb8;
	[tilespmem:$0xC800] =	vst v63  }
0x227: {  	_ = 	snop  }
0x228: {  	[tilespmem:s14], [sflag:$0x1] =	stream.indirect_vreg.gather [hbm4b:s4+s3], $0x80, v3, vm0, $0xb8;
	[tilespmem:$0xC800] =	vst v63  }
0x229: {  	v3 =	vld [tilespmem:$0x2A0];
	_ =	sdelay $0x4  }
0x22a: {  	v42 =	vshll.u32 v3, $0x1  }
0x22b: {  	v3 =	vand.u32 $0x7, v3;
	v4 =	vand.u32 $0xFFFFFFF0, v42  }
0x22c: {  	v3 =	vor.u32 v3, v4  }
0x22d: {  	v4 =	vperm.xlane v3, v0;
	_ =	sdelay $0x1  }
0x22e: {  	v3 =	vperm.xlane v3, v2;
	v4 =	vadd.s32 v1, v4;
	_ =	sdelay $0x1  }
0x22f: {  	v3 =	vadd.s32 v1, v3;
	_ =	sdelay $0x2  }
0x230: {  	[tilespmem:s15], [sflag:$0x1] =	stream.indirect_vreg.gather [hbm4b:s4+s3], $0x80, v4, vm0, $0xb8;
	[tilespmem:$0xC800] =	vst v63  }
0x231: {  	_ = 	snop  }
0x232: {  	[tilespmem:s16], [sflag:$0x1] =	stream.indirect_vreg.gather [hbm4b:s4+s3], $0x80, v3, vm0, $0xb8;
	[tilespmem:$0xC800] =	vst v63  }
0x233: {  	v3 =	vld [tilespmem:$0x2B0];
	_ =	sdelay $0x4  }
0x234: {  	v43 =	vshll.u32 v3, $0x1  }
0x235: {  	v3 =	vand.u32 $0x7, v3;
	v4 =	vand.u32 $0xFFFFFFF0, v43  }
0x236: {  	v3 =	vor.u32 v3, v4  }
0x237: {  	v4 =	vperm.xlane v3, v0;
	_ =	sdelay $0x1  }
0x238: {  	v3 =	vperm.xlane v3, v2;
	v4 =	vadd.s32 v1, v4;
	_ =	sdelay $0x1  }
0x239: {  	v3 =	vadd.s32 v1, v3;
	_ =	sdelay $0x2  }
0x23a: {  	[tilespmem:s17], [sflag:$0x1] =	stream.indirect_vreg.gather [hbm4b:s4+s3], $0x80, v4, vm0, $0xb8;
	[tilespmem:$0xC800] =	vst v63  }
0x23b: {  	_ = 	snop  }
0x23c: {  	[tilespmem:s18], [sflag:$0x1] =	stream.indirect_vreg.gather [hbm4b:s4+s3], $0x80, v3, vm0, $0xb8;
	[tilespmem:$0xC800] =	vst v63  }
0x23d: {  	v3 =	vld [tilespmem:$0x2C0];
	_ =	sdelay $0x4  }
0x23e: {  	v44 =	vshll.u32 v3, $0x1  }
0x23f: {  	v3 =	vand.u32 $0x7, v3;
	v4 =	vand.u32 $0xFFFFFFF0, v44  }
0x240: {  	v3 =	vor.u32 v3, v4  }
0x241: {  	v4 =	vperm.xlane v3, v0;
	_ =	sdelay $0x1  }
0x242: {  	v3 =	vperm.xlane v3, v2;
	v4 =	vadd.s32 v1, v4;
	_ =	sdelay $0x1  }
0x243: {  	v3 =	vadd.s32 v1, v3;
	_ =	sdelay $0x2  }
0x244: {  	[tilespmem:s19], [sflag:$0x1] =	stream.indirect_vreg.gather [hbm4b:s4+s3], $0x80, v4, vm0, $0xb8;
	[tilespmem:$0xC800] =	vst v63  }
0x245: {  	_ = 	snop  }
0x246: {  	[tilespmem:s20], [sflag:$0x1] =	stream.indirect_vreg.gather [hbm4b:s4+s3], $0x80, v3, vm0, $0xb8;
	[tilespmem:$0xC800] =	vst v63  }
0x247: {  	v3 =	vld [tilespmem:$0x2D0];
	_ =	sdelay $0x4  }
0x248: {  	v45 =	vshll.u32 v3, $0x1  }
0x249: {  	v3 =	vand.u32 $0x7, v3;
	v4 =	vand.u32 $0xFFFFFFF0, v45  }
0x24a: {  	v3 =	vor.u32 v3, v4  }
0x24b: {  	v4 =	vperm.xlane v3, v0;
	_ =	sdelay $0x1  }
0x24c: {  	v3 =	vperm.xlane v3, v2;
	v4 =	vadd.s32 v1, v4;
	_ =	sdelay $0x1  }
0x24d: {  	v3 =	vadd.s32 v1, v3;
	_ =	sdelay $0x2  }
0x24e: {  	[tilespmem:s21], [sflag:$0x1] =	stream.indirect_vreg.gather [hbm4b:s4+s3], $0x80, v4, vm0, $0xb8;
	[tilespmem:$0xC800] =	vst v63  }
0x24f: {  	_ = 	snop  }
0x250: {  	[tilespmem:s22], [sflag:$0x1] =	stream.indirect_vreg.gather [hbm4b:s4+s3], $0x80, v3, vm0, $0xb8;
	[tilespmem:$0xC800] =	vst v63  }
0x251: {  	v3 =	vld [tilespmem:$0x2E0];
	_ =	sdelay $0x4  }
0x252: {  	v46 =	vshll.u32 v3, $0x1  }
0x253: {  	v3 =	vand.u32 $0x7, v3;
	v4 =	vand.u32 $0xFFFFFFF0, v46  }
0x254: {  	v3 =	vor.u32 v3, v4  }
0x255: {  	v4 =	vperm.xlane v3, v0;
	_ =	sdelay $0x1  }
0x256: {  	v3 =	vperm.xlane v3, v2;
	v4 =	vadd.s32 v1, v4;
	_ =	sdelay $0x1  }
0x257: {  	v3 =	vadd.s32 v1, v3;
	_ =	sdelay $0x2  }
0x258: {  	[tilespmem:s23], [sflag:$0x1] =	stream.indirect_vreg.gather [hbm4b:s4+s3], $0x80, v4, vm0, $0xb8;
	[tilespmem:$0xC800] =	vst v63  }
0x259: {  	_ = 	snop  }
0x25a: {  	[tilespmem:s24], [sflag:$0x1] =	stream.indirect_vreg.gather [hbm4b:s4+s3], $0x80, v3, vm0, $0xb8;
	[tilespmem:$0xC800] =	vst v63  }
0x25b: {  	v3 =	vld [tilespmem:$0x2F0];
	_ =	sdelay $0x4  }
0x25c: {  	v47 =	vshll.u32 v3, $0x1  }
0x25d: {  	v3 =	vand.u32 $0x7, v3;
	v4 =	vand.u32 $0xFFFFFFF0, v47  }
0x25e: {  	v3 =	vor.u32 v3, v4  }
0x25f: {  	v4 =	vperm.xlane v3, v0;
	_ =	sdelay $0x1  }
0x260: {  	v3 =	vperm.xlane v3, v2;
	v4 =	vadd.s32 v1, v4;
	_ =	sdelay $0x1  }
0x261: {  	v3 =	vadd.s32 v1, v3;
	_ =	sdelay $0x2  }
0x262: {  	[tilespmem:s25], [sflag:$0x1] =	stream.indirect_vreg.gather [hbm4b:s4+s3], $0x80, v4, vm0, $0xb8;
	[tilespmem:$0xC800] =	vst v63  }
0x263: {  	_ = 	snop  }
0x264: {  	[tilespmem:s26], [sflag:$0x1] =	stream.indirect_vreg.gather [hbm4b:s4+s3], $0x80, v3, vm0, $0xb8;
	[tilespmem:$0xC800] =	vst v63  }
0x265: {  	s1 =	rddreg [dreg:$0x17]  }
0x266: {  	[tilespmem:s29], [sflag:$0x2] =	stream.indirect.gather [hbm4b:s2+s28], $0x80, s1, s28, $0xb8;
	[tilespmem:$0xC800] =	vst v63  }
0x267: {  	_ =	swait.ge [sflag:s30], $0x8000  }
0x268: {  	s1 =	rddreg [dreg:$0x8];
	[sflag:s30] =	ssyncset.done $0x0  }
0x269: {  	[sflag:s30] =	ssyncadd.s32 $0xFFFF8000;
	s1 =	sadd.s32 s6, s1  }
0x26a: {  	[hbm4b:s1+s3] =	stream.linear.scatter [tilespmem:s11], [sflag:$0x3], $0x8000, $0x38;
	[tilespmem:$0xC800] =	vst v63  }
0x26b: {  	_ =	swait.ge [sflag:s9], $0x8000  }
0x26c: {  	[sflag:s9] =	ssyncset.done $0x0  }
0x26d: {  	[sflag:s9] =	ssyncadd.s32 $0xFFFF8000  }
0x26e: {  	_ =	swait.ge [sflag:s31], $0x4000  }
0x26f: {  	s1 =	rddreg [dreg:$0x7];
	[sflag:s31] =	ssyncset.done $0x0  }
0x270: {  	[sflag:s31] =	ssyncadd.s32 $0xFFFFC000;
	s1 =	sadd.s32 s5, s1  }
0x271: {  	[hbm4b:s1+s3] =	stream.linear.scatter [tilespmem:s29], [sflag:$0x3], $0x4000, $0x38;
	[tilespmem:$0xC800] =	vst v63  }
0x272: {  	_ =	swait.ge [sflag:s9], $0x4000  }
0x273: {  	[sflag:s9] =	ssyncset.done $0x0  }
0x274: {  	[sflag:s9] =	ssyncadd.s32 $0xFFFFC000  }
0x275: {  	v3 =	vld [tilespmem:$0x300];
	_ =	sdelay $0x4  }
0x276: {  	v48 =	vshll.u32 v3, $0x1  }
0x277: {  	v3 =	vand.u32 $0x7, v3;
	v4 =	vand.u32 $0xFFFFFFF0, v48  }
0x278: {  	v3 =	vor.u32 v3, v4  }
0x279: {  	v4 =	vperm.xlane v3, v0;
	_ =	sdelay $0x1  }
0x27a: {  	v3 =	vperm.xlane v3, v2;
	v4 =	vadd.s32 v1, v4;
	_ =	sdelay $0x1  }
0x27b: {  	v3 =	vadd.s32 v1, v3;
	_ =	sdelay $0x2  }
0x27c: {  	[tilespmem:s11], [sflag:$0x1] =	stream.indirect_vreg.gather [hbm4b:s4+s3], $0x80, v4, vm0, $0xb8;
	[tilespmem:$0xC800] =	vst v63  }
0x27d: {  	_ = 	snop  }
0x27e: {  	[tilespmem:s12], [sflag:$0x1] =	stream.indirect_vreg.gather [hbm4b:s4+s3], $0x80, v3, vm0, $0xb8;
	[tilespmem:$0xC800] =	vst v63  }
0x27f: {  	v3 =	vld [tilespmem:$0x310];
	_ =	sdelay $0x4  }
0x280: {  	v49 =	vshll.u32 v3, $0x1  }
0x281: {  	v3 =	vand.u32 $0x7, v3;
	v4 =	vand.u32 $0xFFFFFFF0, v49  }
0x282: {  	v3 =	vor.u32 v3, v4  }
0x283: {  	v4 =	vperm.xlane v3, v0;
	_ =	sdelay $0x1  }
0x284: {  	v3 =	vperm.xlane v3, v2;
	v4 =	vadd.s32 v1, v4;
	_ =	sdelay $0x1  }
0x285: {  	v3 =	vadd.s32 v1, v3;
	_ =	sdelay $0x2  }
0x286: {  	[tilespmem:s13], [sflag:$0x1] =	stream.indirect_vreg.gather [hbm4b:s4+s3], $0x80, v4, vm0, $0xb8;
	[tilespmem:$0xC800] =	vst v63  }
0x287: {  	_ = 	snop  }
0x288: {  	[tilespmem:s14], [sflag:$0x1] =	stream.indirect_vreg.gather [hbm4b:s4+s3], $0x80, v3, vm0, $0xb8;
	[tilespmem:$0xC800] =	vst v63  }
0x289: {  	v3 =	vld [tilespmem:$0x320];
	_ =	sdelay $0x4  }
0x28a: {  	v50 =	vshll.u32 v3, $0x1  }
0x28b: {  	v3 =	vand.u32 $0x7, v3;
	v4 =	vand.u32 $0xFFFFFFF0, v50  }
0x28c: {  	v3 =	vor.u32 v3, v4  }
0x28d: {  	v4 =	vperm.xlane v3, v0;
	_ =	sdelay $0x1  }
0x28e: {  	v3 =	vperm.xlane v3, v2;
	v4 =	vadd.s32 v1, v4;
	_ =	sdelay $0x1  }
0x28f: {  	v3 =	vadd.s32 v1, v3;
	_ =	sdelay $0x2  }
0x290: {  	[tilespmem:s15], [sflag:$0x1] =	stream.indirect_vreg.gather [hbm4b:s4+s3], $0x80, v4, vm0, $0xb8;
	[tilespmem:$0xC800] =	vst v63  }
0x291: {  	_ = 	snop  }
0x292: {  	[tilespmem:s16], [sflag:$0x1] =	stream.indirect_vreg.gather [hbm4b:s4+s3], $0x80, v3, vm0, $0xb8;
	[tilespmem:$0xC800] =	vst v63  }
0x293: {  	v3 =	vld [tilespmem:$0x330];
	_ =	sdelay $0x4  }
0x294: {  	v51 =	vshll.u32 v3, $0x1  }
0x295: {  	v3 =	vand.u32 $0x7, v3;
	v4 =	vand.u32 $0xFFFFFFF0, v51  }
0x296: {  	v3 =	vor.u32 v3, v4  }
0x297: {  	v4 =	vperm.xlane v3, v0;
	_ =	sdelay $0x1  }
0x298: {  	v3 =	vperm.xlane v3, v2;
	v4 =	vadd.s32 v1, v4;
	_ =	sdelay $0x1  }
0x299: {  	v3 =	vadd.s32 v1, v3;
	_ =	sdelay $0x2  }
0x29a: {  	[tilespmem:s17], [sflag:$0x1] =	stream.indirect_vreg.gather [hbm4b:s4+s3], $0x80, v4, vm0, $0xb8;
	[tilespmem:$0xC800] =	vst v63  }
0x29b: {  	_ = 	snop  }
0x29c: {  	[tilespmem:s18], [sflag:$0x1] =	stream.indirect_vreg.gather [hbm4b:s4+s3], $0x80, v3, vm0, $0xb8;
	[tilespmem:$0xC800] =	vst v63  }
0x29d: {  	v3 =	vld [tilespmem:$0x340];
	_ =	sdelay $0x4  }
0x29e: {  	v52 =	vshll.u32 v3, $0x1  }
0x29f: {  	v3 =	vand.u32 $0x7, v3;
	v4 =	vand.u32 $0xFFFFFFF0, v52  }
0x2a0: {  	v3 =	vor.u32 v3, v4  }
0x2a1: {  	v4 =	vperm.xlane v3, v0;
	_ =	sdelay $0x1  }
0x2a2: {  	v3 =	vperm.xlane v3, v2;
	v4 =	vadd.s32 v1, v4;
	_ =	sdelay $0x1  }
0x2a3: {  	v3 =	vadd.s32 v1, v3;
	_ =	sdelay $0x2  }
0x2a4: {  	[tilespmem:s19], [sflag:$0x1] =	stream.indirect_vreg.gather [hbm4b:s4+s3], $0x80, v4, vm0, $0xb8;
	[tilespmem:$0xC800] =	vst v63  }
0x2a5: {  	_ = 	snop  }
0x2a6: {  	[tilespmem:s20], [sflag:$0x1] =	stream.indirect_vreg.gather [hbm4b:s4+s3], $0x80, v3, vm0, $0xb8;
	[tilespmem:$0xC800] =	vst v63  }
0x2a7: {  	v3 =	vld [tilespmem:$0x350];
	_ =	sdelay $0x4  }
0x2a8: {  	v53 =	vshll.u32 v3, $0x1  }
0x2a9: {  	v3 =	vand.u32 $0x7, v3;
	v4 =	vand.u32 $0xFFFFFFF0, v53  }
0x2aa: {  	v3 =	vor.u32 v3, v4  }
0x2ab: {  	v4 =	vperm.xlane v3, v0;
	_ =	sdelay $0x1  }
0x2ac: {  	v3 =	vperm.xlane v3, v2;
	v4 =	vadd.s32 v1, v4;
	_ =	sdelay $0x1  }
0x2ad: {  	v3 =	vadd.s32 v1, v3;
	_ =	sdelay $0x2  }
0x2ae: {  	[tilespmem:s21], [sflag:$0x1] =	stream.indirect_vreg.gather [hbm4b:s4+s3], $0x80, v4, vm0, $0xb8;
	[tilespmem:$0xC800] =	vst v63  }
0x2af: {  	_ = 	snop  }
0x2b0: {  	[tilespmem:s22], [sflag:$0x1] =	stream.indirect_vreg.gather [hbm4b:s4+s3], $0x80, v3, vm0, $0xb8;
	[tilespmem:$0xC800] =	vst v63  }
0x2b1: {  	v3 =	vld [tilespmem:$0x360];
	_ =	sdelay $0x4  }
0x2b2: {  	v54 =	vshll.u32 v3, $0x1  }
0x2b3: {  	v3 =	vand.u32 $0x7, v3;
	v4 =	vand.u32 $0xFFFFFFF0, v54  }
0x2b4: {  	v3 =	vor.u32 v3, v4  }
0x2b5: {  	v4 =	vperm.xlane v3, v0;
	_ =	sdelay $0x1  }
0x2b6: {  	v3 =	vperm.xlane v3, v2;
	v4 =	vadd.s32 v1, v4;
	_ =	sdelay $0x1  }
0x2b7: {  	v3 =	vadd.s32 v1, v3;
	_ =	sdelay $0x2  }
0x2b8: {  	[tilespmem:s23], [sflag:$0x1] =	stream.indirect_vreg.gather [hbm4b:s4+s3], $0x80, v4, vm0, $0xb8;
	[tilespmem:$0xC800] =	vst v63  }
0x2b9: {  	_ = 	snop  }
0x2ba: {  	[tilespmem:s24], [sflag:$0x1] =	stream.indirect_vreg.gather [hbm4b:s4+s3], $0x80, v3, vm0, $0xb8;
	[tilespmem:$0xC800] =	vst v63  }
0x2bb: {  	v3 =	vld [tilespmem:$0x370];
	_ =	sdelay $0x4  }
0x2bc: {  	v55 =	vshll.u32 v3, $0x1  }
0x2bd: {  	v3 =	vand.u32 $0x7, v3;
	v4 =	vand.u32 $0xFFFFFFF0, v55  }
0x2be: {  	v3 =	vor.u32 v3, v4  }
0x2bf: {  	v4 =	vperm.xlane v3, v0;
	_ =	sdelay $0x1  }
0x2c0: {  	v3 =	vperm.xlane v3, v2;
	v4 =	vadd.s32 v1, v4;
	_ =	sdelay $0x1  }
0x2c1: {  	v3 =	vadd.s32 v1, v3;
	_ =	sdelay $0x2  }
0x2c2: {  	[tilespmem:s25], [sflag:$0x1] =	stream.indirect_vreg.gather [hbm4b:s4+s3], $0x80, v4, vm0, $0xb8;
	[tilespmem:$0xC800] =	vst v63  }
0x2c3: {  	_ = 	snop  }
0x2c4: {  	[tilespmem:s26], [sflag:$0x1] =	stream.indirect_vreg.gather [hbm4b:s4+s3], $0x80, v3, vm0, $0xb8;
	[tilespmem:$0xC800] =	vst v63  }
0x2c5: {  	s1 =	rddreg [dreg:$0x18]  }
0x2c6: {  	[tilespmem:s29], [sflag:$0x2] =	stream.indirect.gather [hbm4b:s2+s28], $0x80, s1, s28, $0xb8;
	[tilespmem:$0xC800] =	vst v63  }
0x2c7: {  	_ =	swait.ge [sflag:s30], $0x8000  }
0x2c8: {  	s1 =	rddreg [dreg:$0x6];
	[sflag:s30] =	ssyncset.done $0x0  }
0x2c9: {  	[sflag:s30] =	ssyncadd.s32 $0xFFFF8000;
	s1 =	sadd.s32 s6, s1  }
0x2ca: {  	[hbm4b:s1+s3] =	stream.linear.scatter [tilespmem:s11], [sflag:$0x3], $0x8000, $0x38;
	[tilespmem:$0xC800] =	vst v63  }
0x2cb: {  	_ =	swait.ge [sflag:s9], $0x8000  }
0x2cc: {  	[sflag:s9] =	ssyncset.done $0x0  }
0x2cd: {  	[sflag:s9] =	ssyncadd.s32 $0xFFFF8000  }
0x2ce: {  	_ =	swait.ge [sflag:s31], $0x4000  }
0x2cf: {  	s1 =	rddreg [dreg:$0x5];
	[sflag:s31] =	ssyncset.done $0x0  }
0x2d0: {  	[sflag:s31] =	ssyncadd.s32 $0xFFFFC000;
	s1 =	sadd.s32 s5, s1  }
0x2d1: {  	[hbm4b:s1+s3] =	stream.linear.scatter [tilespmem:s29], [sflag:$0x3], $0x4000, $0x38;
	[tilespmem:$0xC800] =	vst v63  }
0x2d2: {  	_ =	swait.ge [sflag:s9], $0x4000  }
0x2d3: {  	[sflag:s9] =	ssyncset.done $0x0  }
0x2d4: {  	[sflag:s9] =	ssyncadd.s32 $0xFFFFC000  }
0x2d5: {  	v3 =	vld [tilespmem:$0x380];
	_ =	sdelay $0x4  }
0x2d6: {  	v56 =	vshll.u32 v3, $0x1  }
0x2d7: {  	v3 =	vand.u32 $0x7, v3;
	v4 =	vand.u32 $0xFFFFFFF0, v56  }
0x2d8: {  	v3 =	vor.u32 v3, v4  }
0x2d9: {  	v4 =	vperm.xlane v3, v0;
	_ =	sdelay $0x1  }
0x2da: {  	v3 =	vperm.xlane v3, v2;
	v4 =	vadd.s32 v1, v4;
	_ =	sdelay $0x1  }
0x2db: {  	v3 =	vadd.s32 v1, v3;
	_ =	sdelay $0x2  }
0x2dc: {  	[tilespmem:s11], [sflag:$0x1] =	stream.indirect_vreg.gather [hbm4b:s4+s3], $0x80, v4, vm0, $0xb8;
	[tilespmem:$0xC800] =	vst v63  }
0x2dd: {  	_ = 	snop  }
0x2de: {  	[tilespmem:s12], [sflag:$0x1] =	stream.indirect_vreg.gather [hbm4b:s4+s3], $0x80, v3, vm0, $0xb8;
	[tilespmem:$0xC800] =	vst v63  }
0x2df: {  	v3 =	vld [tilespmem:$0x390];
	_ =	sdelay $0x4  }
0x2e0: {  	v57 =	vshll.u32 v3, $0x1  }
0x2e1: {  	v3 =	vand.u32 $0x7, v3;
	v4 =	vand.u32 $0xFFFFFFF0, v57  }
0x2e2: {  	v3 =	vor.u32 v3, v4  }
0x2e3: {  	v4 =	vperm.xlane v3, v0;
	_ =	sdelay $0x1  }
0x2e4: {  	v3 =	vperm.xlane v3, v2;
	v4 =	vadd.s32 v1, v4;
	_ =	sdelay $0x1  }
0x2e5: {  	v3 =	vadd.s32 v1, v3;
	_ =	sdelay $0x2  }
0x2e6: {  	[tilespmem:s13], [sflag:$0x1] =	stream.indirect_vreg.gather [hbm4b:s4+s3], $0x80, v4, vm0, $0xb8;
	[tilespmem:$0xC800] =	vst v63  }
0x2e7: {  	_ = 	snop  }
0x2e8: {  	[tilespmem:s14], [sflag:$0x1] =	stream.indirect_vreg.gather [hbm4b:s4+s3], $0x80, v3, vm0, $0xb8;
	[tilespmem:$0xC800] =	vst v63  }
0x2e9: {  	v3 =	vld [tilespmem:$0x3A0];
	_ =	sdelay $0x4  }
0x2ea: {  	v58 =	vshll.u32 v3, $0x1  }
0x2eb: {  	v3 =	vand.u32 $0x7, v3;
	v4 =	vand.u32 $0xFFFFFFF0, v58  }
0x2ec: {  	v3 =	vor.u32 v3, v4  }
0x2ed: {  	v4 =	vperm.xlane v3, v0;
	_ =	sdelay $0x1  }
0x2ee: {  	v3 =	vperm.xlane v3, v2;
	v4 =	vadd.s32 v1, v4;
	_ =	sdelay $0x1  }
0x2ef: {  	v3 =	vadd.s32 v1, v3;
	_ =	sdelay $0x2  }
0x2f0: {  	[tilespmem:s15], [sflag:$0x1] =	stream.indirect_vreg.gather [hbm4b:s4+s3], $0x80, v4, vm0, $0xb8;
	[tilespmem:$0xC800] =	vst v63  }
0x2f1: {  	_ = 	snop  }
0x2f2: {  	[tilespmem:s16], [sflag:$0x1] =	stream.indirect_vreg.gather [hbm4b:s4+s3], $0x80, v3, vm0, $0xb8;
	[tilespmem:$0xC800] =	vst v63  }
0x2f3: {  	v3 =	vld [tilespmem:$0x3B0];
	_ =	sdelay $0x4  }
0x2f4: {  	v59 =	vshll.u32 v3, $0x1  }
0x2f5: {  	v3 =	vand.u32 $0x7, v3;
	v4 =	vand.u32 $0xFFFFFFF0, v59  }
0x2f6: {  	v3 =	vor.u32 v3, v4  }
0x2f7: {  	v4 =	vperm.xlane v3, v0;
	_ =	sdelay $0x1  }
0x2f8: {  	v3 =	vperm.xlane v3, v2;
	v4 =	vadd.s32 v1, v4;
	_ =	sdelay $0x1  }
0x2f9: {  	v3 =	vadd.s32 v1, v3;
	_ =	sdelay $0x2  }
0x2fa: {  	[tilespmem:s17], [sflag:$0x1] =	stream.indirect_vreg.gather [hbm4b:s4+s3], $0x80, v4, vm0, $0xb8;
	[tilespmem:$0xC800] =	vst v63  }
0x2fb: {  	_ = 	snop  }
0x2fc: {  	[tilespmem:s18], [sflag:$0x1] =	stream.indirect_vreg.gather [hbm4b:s4+s3], $0x80, v3, vm0, $0xb8;
	[tilespmem:$0xC800] =	vst v63  }
0x2fd: {  	v3 =	vld [tilespmem:$0x3C0];
	_ =	sdelay $0x4  }
0x2fe: {  	v60 =	vshll.u32 v3, $0x1  }
0x2ff: {  	v3 =	vand.u32 $0x7, v3;
	v4 =	vand.u32 $0xFFFFFFF0, v60  }
0x300: {  	v3 =	vor.u32 v3, v4  }
0x301: {  	v4 =	vperm.xlane v3, v0;
	_ =	sdelay $0x1  }
0x302: {  	v3 =	vperm.xlane v3, v2;
	v4 =	vadd.s32 v1, v4;
	_ =	sdelay $0x1  }
0x303: {  	v3 =	vadd.s32 v1, v3;
	_ =	sdelay $0x2  }
0x304: {  	[tilespmem:s19], [sflag:$0x1] =	stream.indirect_vreg.gather [hbm4b:s4+s3], $0x80, v4, vm0, $0xb8;
	[tilespmem:$0xC800] =	vst v63  }
0x305: {  	_ = 	snop  }
0x306: {  	[tilespmem:s20], [sflag:$0x1] =	stream.indirect_vreg.gather [hbm4b:s4+s3], $0x80, v3, vm0, $0xb8;
	[tilespmem:$0xC800] =	vst v63  }
0x307: {  	v3 =	vld [tilespmem:$0x3D0];
	_ =	sdelay $0x4  }
0x308: {  	v61 =	vshll.u32 v3, $0x1  }
0x309: {  	v3 =	vand.u32 $0x7, v3;
	v4 =	vand.u32 $0xFFFFFFF0, v61  }
0x30a: {  	v3 =	vor.u32 v3, v4  }
0x30b: {  	v4 =	vperm.xlane v3, v0;
	_ =	sdelay $0x1  }
0x30c: {  	v3 =	vperm.xlane v3, v2;
	v4 =	vadd.s32 v1, v4;
	_ =	sdelay $0x1  }
0x30d: {  	v3 =	vadd.s32 v1, v3;
	_ =	sdelay $0x2  }
0x30e: {  	[tilespmem:s21], [sflag:$0x1] =	stream.indirect_vreg.gather [hbm4b:s4+s3], $0x80, v4, vm0, $0xb8;
	[tilespmem:$0xC800] =	vst v63  }
0x30f: {  	_ = 	snop  }
0x310: {  	[tilespmem:s22], [sflag:$0x1] =	stream.indirect_vreg.gather [hbm4b:s4+s3], $0x80, v3, vm0, $0xb8;
	[tilespmem:$0xC800] =	vst v63  }
0x311: {  	v3 =	vld [tilespmem:$0x3E0];
	_ =	sdelay $0x4  }
0x312: {  	v62 =	vshll.u32 v3, $0x1  }
0x313: {  	v3 =	vand.u32 $0x7, v3;
	v4 =	vand.u32 $0xFFFFFFF0, v62  }
0x314: {  	v3 =	vor.u32 v3, v4  }
0x315: {  	v4 =	vperm.xlane v3, v0;
	_ =	sdelay $0x1  }
0x316: {  	v3 =	vperm.xlane v3, v2;
	v4 =	vadd.s32 v1, v4;
	_ =	sdelay $0x1  }
0x317: {  	v3 =	vadd.s32 v1, v3;
	_ =	sdelay $0x2  }
0x318: {  	[tilespmem:s23], [sflag:$0x1] =	stream.indirect_vreg.gather [hbm4b:s4+s3], $0x80, v4, vm0, $0xb8;
	[tilespmem:$0xC800] =	vst v63  }
0x319: {  	_ = 	snop  }
0x31a: {  	[tilespmem:s24], [sflag:$0x1] =	stream.indirect_vreg.gather [hbm4b:s4+s3], $0x80, v3, vm0, $0xb8;
	[tilespmem:$0xC800] =	vst v63  }
0x31b: {  	v3 =	vld [tilespmem:$0x3F0];
	_ =	sdelay $0x4  }
0x31c: {  	v63 =	vshll.u32 v3, $0x1  }
0x31d: {  	v3 =	vand.u32 $0x7, v3;
	v4 =	vand.u32 $0xFFFFFFF0, v63  }
0x31e: {  	v3 =	vor.u32 v3, v4  }
0x31f: {  	v4 =	vperm.xlane v3, v0;
	_ =	sdelay $0x1  }
0x320: {  	v3 =	vperm.xlane v3, v2;
	v4 =	vadd.s32 v1, v4;
	_ =	sdelay $0x1  }
0x321: {  	v3 =	vadd.s32 v1, v3;
	_ =	sdelay $0x2  }
0x322: {  	[tilespmem:s25], [sflag:$0x1] =	stream.indirect_vreg.gather [hbm4b:s4+s3], $0x80, v4, vm0, $0xb8;
	[tilespmem:$0xC800] =	vst v63  }
0x323: {  	_ = 	snop  }
0x324: {  	[tilespmem:s26], [sflag:$0x1] =	stream.indirect_vreg.gather [hbm4b:s4+s3], $0x80, v3, vm0, $0xb8;
	[tilespmem:$0xC800] =	vst v63  }
0x325: {  	s1 =	rddreg [dreg:$0x19]  }
0x326: {  	[tilespmem:s29], [sflag:$0x2] =	stream.indirect.gather [hbm4b:s2+s28], $0x80, s1, s28, $0xb8;
	[tilespmem:$0xC800] =	vst v63  }
0x327: {  	_ =	swait.ge [sflag:s30], $0x8000  }
0x328: {  	s1 =	rddreg [dreg:$0x12];
	[sflag:s30] =	ssyncset.done $0x0  }
0x329: {  	[sflag:s30] =	ssyncadd.s32 $0xFFFF8000;
	s1 =	sadd.s32 s6, s1  }
0x32a: {  	[hbm4b:s1+s3] =	stream.linear.scatter [tilespmem:s11], [sflag:$0x3], $0x8000, $0x38;
	[tilespmem:$0xC800] =	vst v63  }
0x32b: {  	_ =	swait.ge [sflag:s9], $0x8000  }
0x32c: {  	[sflag:s9] =	ssyncset.done $0x0  }
0x32d: {  	[sflag:s9] =	ssyncadd.s32 $0xFFFF8000  }
0x32e: {  	_ =	swait.ge [sflag:s31], $0x4000  }
0x32f: {  	p0 =	sne.s32 s5, $0x24000;
	s1 =	rddreg [dreg:$0x11];
	[sflag:s31] =	ssyncset.done $0x0  }
.Ltmp0:
0x330: {  	[sflag:s31] =	ssyncadd.s32 $0xFFFFC000;
	s1 =	sadd.s32 s5, s1;
	(pc) =	sbr.rel @p0 .LBB2_2-.Ltmp0, $4  }
0x331: {  	[hbm4b:s1+s3] =	stream.linear.scatter [tilespmem:s29], [sflag:$0x3], $0x4000, $0x38;
	[tilespmem:$0xC800] =	vst v63  }
0x332: {  	_ =	swait.ge [sflag:s9], $0x4000  }
0x333: {  	s8 =	sadd.s32 $0x80, s8;
	s7 =	sadd.s32 $0x80, s7;
	[sflag:s9] =	ssyncset.done $0x0  }
0x334: {  	s6 =	sadd.s32 $0x8000, s6;
	s5 =	sadd.s32 $0x4000, s5;
	[sflag:s9] =	ssyncadd.s32 $0xFFFFC000  }
0x335: {  	s0 =	sadd.s32 $0x1, s0;
	s1 =	rddreg [dreg:$0x1b]  }
0x336: {  	p0 =	sne.s32 s0, s1  }
.Ltmp1:
0x337: {  	_ = 	snop;
	(pc) =	sbr.rel @p0 .LBB2_1-.Ltmp1, $1  }
0x338: {  	_ =	sdelay $0x3  }
0x339: {  	_ =	sfence.sel $0x180000  }
0x33a: {  	[bflag:$0x0] =	sbarrier.arrive $0xFFFF  }
0x33b: {  	_ =	strace $0x90000047  }
0x33c: {  	s0 =	stileid.u32;
	[bflag:$0x2] =	sbarrier.arrive $0xFFFF  }
0x33d: {  	p0 =	sne.s32 s0, $0x0;
	s0 =	rddreg [dreg:$0x2]  }
0x33e: {  	s0 =	sadd.s32 @!p0 $0x100000, s0  }
0x33f: {  	[sflag:s0] =	ssyncadd.tile.s32 @!p0 $0x1;
	_ =	shalt  }
.Lfunc_end2:
_tile_overlayer_lowered:
.L_overlay_start_2:
0x340: {  	(tag) =	ssettag $0x2  }
0x341: {  	s0 =	rddreg [dreg:$0x0];
	s2 =	stileid.u32  }
0x342: {  	s1 =	rddreg [dreg:$0x1];
	p0 =	sne.s32 s2, $0x0  }
0x343: {  	s3 =	rddreg [dreg:$0x2];
	[bflag:$0x3] =	sbarrier.arrive $0xFFFF;
	s2 =	simm.s32 @!p0 $0x1C03  }
0x344: {  	[timem:s3], [sflag:s2] =	dma.local @!p0 [hbm:s0], s1  }
0x345: {  	s0 =	simm.s32 @!p0 $0x3  }
0x346: {  	_ =	swait.ge @!p0 [sflag:s0], s1  }
0x347: {  	s1 =	ssub.s32 @!p0 $0x0, s1;
	[sflag:s0] =	ssyncset.done @!p0 $0x0  }
0x348: {  	[sflag:s0] =	ssyncadd.s32 @!p0 s1  }
0x349: {  	[bflag:$0x3] =	sbarrier.arrive $0xFFFF  }
0x34a: {  	_ =	shalt  }

</sc_bundles>
